<compile_context>
chip_gen: v7x
topology: tpu7x:2x2x1
jax: 0.10.2.dev20260603
libtpu: 0.0.44.dev20260713+nightly
codegen_flags: <defaults>
</compile_context>

<pallas_src>
import functools

import jax
import jax.numpy as jnp
from jax import lax
from jax.experimental import pallas as pl
from jax.experimental.pallas import tpu as pltpu
from jax.experimental.pallas import tpu_sc as plsc

_NC, _NS = 2, 16
_NW = _NC * _NS


def _sc_body(etop_hbm, ebot_hbm, out_hbm, top_v, bot_v, buf, sem):
    f2 = out_hbm.shape[1]
    bsz = out_hbm.shape[0]
    nch = f2 // _NW
    wid = lax.axis_index("s") * _NC + lax.axis_index("c")
    c0 = wid * nch

    @pl.when(c0 < f2 // 2)
    def _():
        pltpu.sync_copy(etop_hbm.at[pl.ds(c0, nch)], top_v)
        for cl in range(nch):
            vs = [top_v[cl, pl.ds(16 * j, 16)] for j in range(8)]

            def qq_body(qq, carry, cl=cl, vs=vs):
                for j in range(8):
                    buf[cl, qq, pl.ds(16 * j, 16)] = vs[j]
                return carry

            lax.fori_loop(0, 32, qq_body, 0)

    @pl.when(c0 >= f2 // 2)
    def _():
        pltpu.sync_copy(ebot_hbm.at[pl.ds(c0 - f2 // 2, nch)], bot_v)
        for cl in range(nch):

            def qq_body(qq, carry, cl=cl):
                for j in range(2):
                    v = bot_v[cl, pl.ds((2 * qq + j) * 16, 16)]
                    for k in range(4):
                        buf[cl, qq, pl.ds(j * 64 + k * 16, 16)] = v
                return carry

            lax.fori_loop(0, 32, qq_body, 0)

    copies = [
        pltpu.async_copy(buf, out_hbm.at[b, pl.ds(c0, nch)], sem)
        for b in range(bsz)
    ]
    for cp in copies:
        cp.wait()


def kernel(x, row_embed, col_embed):
    bsz, _, h, w = x.shape
    f = row_embed.shape[1]
    nch = 2 * f // _NW
    ct = col_embed[:w, :].T
    rt = row_embed[:h, :].T
    etop = jnp.concatenate([ct, ct], axis=1)
    ebot = jnp.broadcast_to(rt[:, :, None], (f, h, 16)).reshape(f, h * 16)

    mesh = plsc.VectorSubcoreMesh(
        core_axis_name="c", subcore_axis_name="s",
        num_cores=_NC, num_subcores=_NS,
    )
    run = functools.partial(
        pl.kernel,
        out_type=jax.ShapeDtypeStruct((bsz, 2 * f, h * w // 128, 128), jnp.float32),
        mesh=mesh,
        scratch_types=[
            pltpu.VMEM((nch, 128), jnp.float32),
            pltpu.VMEM((nch, h * 16), jnp.float32),
            pltpu.VMEM((nch, h * w // 128, 128), jnp.float32),
            pltpu.SemaphoreType.DMA,
        ],
    )(_sc_body)
    out = run(etop, ebot)
    return out.reshape(bsz, 2 * f, h, w)

# --- scband reference (transcript-rebuilt; emitter-appended) ---
"""Pipeline reference for scband-position-embedding-learned-25099788878150 (READ-ONLY COPY).

The authoritative reference and input builder live on the scoring server;
editing this copy changes nothing except your own understanding.
"""

import jax, jax.numpy as jnp
import numpy as np

NUM_POS_FEATS = 256

def setup_inputs(seed: int = 0) -> dict:
    key = jax.random.key(seed)
    k1, k2, k3 = jax.random.split(key, 3)
    x = jax.random.normal(k1, (16, 256, 64, 64), dtype=jnp.float32)
    row_embed = jax.random.uniform(k2, (256, NUM_POS_FEATS), dtype=jnp.float32)
    col_embed = jax.random.uniform(k3, (256, NUM_POS_FEATS), dtype=jnp.float32)
    return {"x": x, "row_embed": row_embed, "col_embed": col_embed}

def reference(x, row_embed, col_embed):
    b, _, h, w = x.shape
    i = jnp.arange(w)
    j = jnp.arange(h)
    x_emb = jnp.take(col_embed, i, axis=0)  # [w, f]
    y_emb = jnp.take(row_embed, j, axis=0)  # [h, f]
    xe = jnp.broadcast_to(x_emb[None, :, :], (h, w, x_emb.shape[-1]))
    ye = jnp.broadcast_to(y_emb[:, None, :], (h, w, y_emb.shape[-1]))
    pos = jnp.concatenate([xe, ye], axis=-1)  # [h, w, 2f]
    pos = jnp.transpose(pos, (2, 0, 1))[None, ...]  # [1, 2f, h, w]
    pos = jnp.broadcast_to(pos, (b,) + pos.shape[1:])  # [b, 2f, h, w]
    return pos

if __name__ == "__main__":
    import jax
    _d = setup_inputs()
    print(jax.jit(kernel)(*tuple(_d.values())))

</pallas_src>

<mosaic_0001>
#map = affine_map<(d0, d1) -> (0, 0)>
#map1 = affine_map<(d0, d1) -> (0, 0, 0, 0)>
module attributes {stable_mosaic.version = 14 : i64} {
  func.func @_sc_body(%arg0: i32, %arg1: i32, %arg2: memref<256x128xf32, #tpu.memory_space<hbm>>, %arg3: memref<256x1024xf32, #tpu.memory_space<hbm>>, %arg4: memref<16x512x32x128xf32, #tpu.memory_space<hbm>>, %arg5: memref<16x128xf32, #tpu.memory_space<vmem>>, %arg6: memref<16x1024xf32, #tpu.memory_space<vmem>>, %arg7: memref<16x32x128xf32, #tpu.memory_space<vmem>>, %arg8: memref<!tpu.dma_semaphore, #tpu.memory_space<semaphore_mem>>) attributes {dimension_semantics = [#tpu.dimension_semantics<core_parallel>, #tpu.dimension_semantics<subcore_parallel>], iteration_bounds = array<i64: 2, 16>, scalar_prefetch = 0 : i64, scratch_operands = 4 : i64, tpu.core_type = #tpu.core_type<sc_vector_subcore>, window_params = [{transform_indices = #map}, {transform_indices = #map}, {transform_indices = #map1}]} {
    %mul3A = arith.constant 2 : i32
    %mul3A_0 = arith.muli %arg1, %mul3A : i32
    %add3A = arith.addi %mul3A_0, %arg0 : i32
    %mul3A_1 = arith.constant 16 : i32
    %mul3A_2 = arith.muli %add3A, %mul3A_1 : i32
    %lt3A = arith.constant 256 : i32
    %lt3A_3 = arith.cmpi slt, %mul3A_2, %lt3A : i32
    %convert_element_type3A = arith.extui %lt3A_3 : i1 to i32
    %cond3A = arith.constant 0 : i32
    %cond3A_4 = arith.cmpi ne, %convert_element_type3A, %cond3A : i32
    scf.if %cond3A_4 {
      "tpu.region"() ({
        %run_scoped3A = tpu.sem_alloc : memref<!tpu.dma_semaphore, #tpu.memory_space<semaphore_mem>>
        %dma_start3A_1029 = arith.constant 0 : i32
        %dma_start3A_1030 = tpu.memref_slice %arg2[%mul3A_2, %dma_start3A_1029] : memref<256x128xf32, #tpu.memory_space<hbm>> -> memref<16x128xf32, #tpu.memory_space<hbm>>
        %dma_start3A_1031 = arith.constant 0 : i32
        %dma_start3A_1032 = tpu.memref_slice %arg2[%mul3A_2, %dma_start3A_1031] : memref<256x128xf32, #tpu.memory_space<hbm>> -> memref<16x128xf32, #tpu.memory_space<hbm>>
        tpu.enqueue_dma source(%dma_start3A_1032 : memref<16x128xf32, #tpu.memory_space<hbm>>) target(%arg5 : memref<16x128xf32, #tpu.memory_space<vmem>>) target_semaphore(%run_scoped3A : memref<!tpu.dma_semaphore, #tpu.memory_space<semaphore_mem>>)
        %dma_wait3A_1033 = arith.constant 0 : i32
        %dma_wait3A_1034 = tpu.memref_slice %arg2[%mul3A_2, %dma_wait3A_1033] : memref<256x128xf32, #tpu.memory_space<hbm>> -> memref<16x128xf32, #tpu.memory_space<hbm>>
        %dma_wait3A_1035 = arith.constant 0 : i32
        %dma_wait3A_1036 = tpu.memref_slice %arg2[%mul3A_2, %dma_wait3A_1035] : memref<256x128xf32, #tpu.memory_space<hbm>> -> memref<16x128xf32, #tpu.memory_space<hbm>>
        tpu.wait_dma2 semaphore(%run_scoped3A : memref<!tpu.dma_semaphore, #tpu.memory_space<semaphore_mem>>) src(%dma_wait3A_1036 : memref<16x128xf32, #tpu.memory_space<hbm>>) dst(%arg5 : memref<16x128xf32, #tpu.memory_space<vmem>>)
        tpu.yield
      }) : () -> ()
      %get3A = arith.constant 0 : i32
      %get3A_295 = arith.index_cast %get3A : i32 to index
      %get3A_296 = arith.constant 0 : index
      %get3A_297 = tpu.vector_load %arg5[%get3A_295, %get3A_296] {strides = array<i32>} : memref<16x128xf32, #tpu.memory_space<vmem>>, vector<1x16xf32>,
      %get3A_298 = vector.shape_cast %get3A_297 : vector<1x16xf32> to vector<16xf32>
      %get3A_299 = arith.constant 0 : i32
      %get3A_300 = arith.index_cast %get3A_299 : i32 to index
      %get3A_301 = arith.constant 16 : index
      %get3A_302 = tpu.vector_load %arg5[%get3A_300, %get3A_301] {strides = array<i32>} : memref<16x128xf32, #tpu.memory_space<vmem>>, vector<1x16xf32>,
      %get3A_303 = vector.shape_cast %get3A_302 : vector<1x16xf32> to vector<16xf32>
      %get3A_304 = arith.constant 0 : i32
      %get3A_305 = arith.index_cast %get3A_304 : i32 to index
      %get3A_306 = arith.constant 32 : index
      %get3A_307 = tpu.vector_load %arg5[%get3A_305, %get3A_306] {strides = array<i32>} : memref<16x128xf32, #tpu.memory_space<vmem>>, vector<1x16xf32>,
      %get3A_308 = vector.shape_cast %get3A_307 : vector<1x16xf32> to vector<16xf32>
      %get3A_309 = arith.constant 0 : i32
      %get3A_310 = arith.index_cast %get3A_309 : i32 to index
      %get3A_311 = arith.constant 48 : index
      %get3A_312 = tpu.vector_load %arg5[%get3A_310, %get3A_311] {strides = array<i32>} : memref<16x128xf32, #tpu.memory_space<vmem>>, vector<1x16xf32>,
      %get3A_313 = vector.shape_cast %get3A_312 : vector<1x16xf32> to vector<16xf32>
      %get3A_314 = arith.constant 0 : i32
      %get3A_315 = arith.index_cast %get3A_314 : i32 to index
      %get3A_316 = arith.constant 64 : index
      %get3A_317 = tpu.vector_load %arg5[%get3A_315, %get3A_316] {strides = array<i32>} : memref<16x128xf32, #tpu.memory_space<vmem>>, vector<1x16xf32>,
      %get3A_318 = vector.shape_cast %get3A_317 : vector<1x16xf32> to vector<16xf32>
      %get3A_319 = arith.constant 0 : i32
      %get3A_320 = arith.index_cast %get3A_319 : i32 to index
      %get3A_321 = arith.constant 80 : index
      %get3A_322 = tpu.vector_load %arg5[%get3A_320, %get3A_321] {strides = array<i32>} : memref<16x128xf32, #tpu.memory_space<vmem>>, vector<1x16xf32>,
      %get3A_323 = vector.shape_cast %get3A_322 : vector<1x16xf32> to vector<16xf32>
      %get3A_324 = arith.constant 0 : i32
      %get3A_325 = arith.index_cast %get3A_324 : i32 to index
      %get3A_326 = arith.constant 96 : index
      %get3A_327 = tpu.vector_load %arg5[%get3A_325, %get3A_326] {strides = array<i32>} : memref<16x128xf32, #tpu.memory_space<vmem>>, vector<1x16xf32>,
      %get3A_328 = vector.shape_cast %get3A_327 : vector<1x16xf32> to vector<16xf32>
      %get3A_329 = arith.constant 0 : i32
      %get3A_330 = arith.index_cast %get3A_329 : i32 to index
      %get3A_331 = arith.constant 112 : index
      %get3A_332 = tpu.vector_load %arg5[%get3A_330, %get3A_331] {strides = array<i32>} : memref<16x128xf32, #tpu.memory_space<vmem>>, vector<1x16xf32>,
      %get3A_333 = vector.shape_cast %get3A_332 : vector<1x16xf32> to vector<16xf32>
      %scan3A = arith.constant 0 : i32
      %scan3A_334 = arith.constant 0 : i32
      %scan3A_335 = arith.constant 32 : i32
      %scan3A_336 = arith.addi %scan3A_334, %scan3A_335 : i32
      %scan3A_337 = arith.constant 1 : i32
      scf.for %scan3A_1029 = %scan3A_334 to %scan3A_336 step %scan3A_337  : i32 {
        %swap3A = arith.constant 0 : i32
        %swap3A_1030 = arith.index_cast %swap3A : i32 to index
        %swap3A_1031 = arith.index_cast %scan3A_1029 : i32 to index
        %swap3A_1032 = arith.constant 0 : index
        %swap3A_1033 = tpu.vector_load %arg7[%swap3A_1030, %swap3A_1031, %swap3A_1032] {strides = array<i32>} : memref<16x32x128xf32, #tpu.memory_space<vmem>>, vector<1x1x16xf32>,
        %swap3A_1034 = vector.shape_cast %swap3A_1033 : vector<1x1x16xf32> to vector<16xf32>
        %swap3A_1035 = vector.shape_cast %get3A_298 : vector<16xf32> to vector<1x1x16xf32>
        tpu.vector_store %arg7[%swap3A_1030, %swap3A_1031, %swap3A_1032], %swap3A_1035 {strides = array<i32>} : memref<16x32x128xf32, #tpu.memory_space<vmem>>, vector<1x1x16xf32>,
        %swap3A_1036 = arith.constant 0 : i32
        %swap3A_1037 = arith.index_cast %swap3A_1036 : i32 to index
        %swap3A_1038 = arith.index_cast %scan3A_1029 : i32 to index
        %swap3A_1039 = arith.constant 16 : index
        %swap3A_1040 = tpu.vector_load %arg7[%swap3A_1037, %swap3A_1038, %swap3A_1039] {strides = array<i32>} : memref<16x32x128xf32, #tpu.memory_space<vmem>>, vector<1x1x16xf32>,
        %swap3A_1041 = vector.shape_cast %swap3A_1040 : vector<1x1x16xf32> to vector<16xf32>
        %swap3A_1042 = vector.shape_cast %get3A_303 : vector<16xf32> to vector<1x1x16xf32>
        tpu.vector_store %arg7[%swap3A_1037, %swap3A_1038, %swap3A_1039], %swap3A_1042 {strides = array<i32>} : memref<16x32x128xf32, #tpu.memory_space<vmem>>, vector<1x1x16xf32>,
        %swap3A_1043 = arith.constant 0 : i32
        %swap3A_1044 = arith.index_cast %swap3A_1043 : i32 to index
        %swap3A_1045 = arith.index_cast %scan3A_1029 : i32 to index
        %swap3A_1046 = arith.constant 32 : index
        %swap3A_1047 = tpu.vector_load %arg7[%swap3A_1044, %swap3A_1045, %swap3A_1046] {strides = array<i32>} : memref<16x32x128xf32, #tpu.memory_space<vmem>>, vector<1x1x16xf32>,
        %swap3A_1048 = vector.shape_cast %swap3A_1047 : vector<1x1x16xf32> to vector<16xf32>
        %swap3A_1049 = vector.shape_cast %get3A_308 : vector<16xf32> to vector<1x1x16xf32>
        tpu.vector_store %arg7[%swap3A_1044, %swap3A_1045, %swap3A_1046], %swap3A_1049 {strides = array<i32>} : memref<16x32x128xf32, #tpu.memory_space<vmem>>, vector<1x1x16xf32>,
        %swap3A_1050 = arith.constant 0 : i32
        %swap3A_1051 = arith.index_cast %swap3A_1050 : i32 to index
        %swap3A_1052 = arith.index_cast %scan3A_1029 : i32 to index
        %swap3A_1053 = arith.constant 48 : index
        %swap3A_1054 = tpu.vector_load %arg7[%swap3A_1051, %swap3A_1052, %swap3A_1053] {strides = array<i32>} : memref<16x32x128xf32, #tpu.memory_space<vmem>>, vector<1x1x16xf32>,
        %swap3A_1055 = vector.shape_cast %swap3A_1054 : vector<1x1x16xf32> to vector<16xf32>
        %swap3A_1056 = vector.shape_cast %get3A_313 : vector<16xf32> to vector<1x1x16xf32>
        tpu.vector_store %arg7[%swap3A_1051, %swap3A_1052, %swap3A_1053], %swap3A_1056 {strides = array<i32>} : memref<16x32x128xf32, #tpu.memory_space<vmem>>, vector<1x1x16xf32>,
        %swap3A_1057 = arith.constant 0 : i32
        %swap3A_1058 = arith.index_cast %swap3A_1057 : i32 to index
        %swap3A_1059 = arith.index_cast %scan3A_1029 : i32 to index
        %swap3A_1060 = arith.constant 64 : index
        %swap3A_1061 = tpu.vector_load %arg7[%swap3A_1058, %swap3A_1059, %swap3A_1060] {strides = array<i32>} : memref<16x32x128xf32, #tpu.memory_space<vmem>>, vector<1x1x16xf32>,
        %swap3A_1062 = vector.shape_cast %swap3A_1061 : vector<1x1x16xf32> to vector<16xf32>
        %swap3A_1063 = vector.shape_cast %get3A_318 : vector<16xf32> to vector<1x1x16xf32>
        tpu.vector_store %arg7[%swap3A_1058, %swap3A_1059, %swap3A_1060], %swap3A_1063 {strides = array<i32>} : memref<16x32x128xf32, #tpu.memory_space<vmem>>, vector<1x1x16xf32>,
        %swap3A_1064 = arith.constant 0 : i32
        %swap3A_1065 = arith.index_cast %swap3A_1064 : i32 to index
        %swap3A_1066 = arith.index_cast %scan3A_1029 : i32 to index
        %swap3A_1067 = arith.constant 80 : index
        %swap3A_1068 = tpu.vector_load %arg7[%swap3A_1065, %swap3A_1066, %swap3A_1067] {strides = array<i32>} : memref<16x32x128xf32, #tpu.memory_space<vmem>>, vector<1x1x16xf32>,
        %swap3A_1069 = vector.shape_cast %swap3A_1068 : vector<1x1x16xf32> to vector<16xf32>
        %swap3A_1070 = vector.shape_cast %get3A_323 : vector<16xf32> to vector<1x1x16xf32>
        tpu.vector_store %arg7[%swap3A_1065, %swap3A_1066, %swap3A_1067], %swap3A_1070 {strides = array<i32>} : memref<16x32x128xf32, #tpu.memory_space<vmem>>, vector<1x1x16xf32>,
        %swap3A_1071 = arith.constant 0 : i32
        %swap3A_1072 = arith.index_cast %swap3A_1071 : i32 to index
        %swap3A_1073 = arith.index_cast %scan3A_1029 : i32 to index
        %swap3A_1074 = arith.constant 96 : index
        %swap3A_1075 = tpu.vector_load %arg7[%swap3A_1072, %swap3A_1073, %swap3A_1074] {strides = array<i32>} : memref<16x32x128xf32, #tpu.memory_space<vmem>>, vector<1x1x16xf32>,
        %swap3A_1076 = vector.shape_cast %swap3A_1075 : vector<1x1x16xf32> to vector<16xf32>
        %swap3A_1077 = vector.shape_cast %get3A_328 : vector<16xf32> to vector<1x1x16xf32>
        tpu.vector_store %arg7[%swap3A_1072, %swap3A_1073, %swap3A_1074], %swap3A_1077 {strides = array<i32>} : memref<16x32x128xf32, #tpu.memory_space<vmem>>, vector<1x1x16xf32>,
        %swap3A_1078 = arith.constant 0 : i32
        %swap3A_1079 = arith.index_cast %swap3A_1078 : i32 to index
        %swap3A_1080 = arith.index_cast %scan3A_1029 : i32 to index
        %swap3A_1081 = arith.constant 112 : index
        %swap3A_1082 = tpu.vector_load %arg7[%swap3A_1079, %swap3A_1080, %swap3A_1081] {strides = array<i32>} : memref<16x32x128xf32, #tpu.memory_space<vmem>>, vector<1x1x16xf32>,
        %swap3A_1083 = vector.shape_cast %swap3A_1082 : vector<1x1x16xf32> to vector<16xf32>
        %swap3A_1084 = vector.shape_cast %get3A_333 : vector<16xf32> to vector<1x1x16xf32>
        tpu.vector_store %arg7[%swap3A_1079, %swap3A_1080, %swap3A_1081], %swap3A_1084 {strides = array<i32>} : memref<16x32x128xf32, #tpu.memory_space<vmem>>, vector<1x1x16xf32>,
      }
      %scan3A_338 = arith.constant 32 : i32
      %get3A_339 = arith.constant 1 : i32
      %get3A_340 = arith.index_cast %get3A_339 : i32 to index
      %get3A_341 = arith.constant 0 : index
      %get3A_342 = tpu.vector_load %arg5[%get3A_340, %get3A_341] {strides = array<i32>} : memref<16x128xf32, #tpu.memory_space<vmem>>, vector<1x16xf32>,
      %get3A_343 = vector.shape_cast %get3A_342 : vector<1x16xf32> to vector<16xf32>
      %get3A_344 = arith.constant 1 : i32
      %get3A_345 = arith.index_cast %get3A_344 : i32 to index
      %get3A_346 = arith.constant 16 : index
      %get3A_347 = tpu.vector_load %arg5[%get3A_345, %get3A_346] {strides = array<i32>} : memref<16x128xf32, #tpu.memory_space<vmem>>, vector<1x16xf32>,
      %get3A_348 = vector.shape_cast %get3A_347 : vector<1x16xf32> to vector<16xf32>
      %get3A_349 = arith.constant 1 : i32
      %get3A_350 = arith.index_cast %get3A_349 : i32 to index
      %get3A_351 = arith.constant 32 : index
      %get3A_352 = tpu.vector_load %arg5[%get3A_350, %get3A_351] {strides = array<i32>} : memref<16x128xf32, #tpu.memory_space<vmem>>, vector<1x16xf32>,
      %get3A_353 = vector.shape_cast %get3A_352 : vector<1x16xf32> to vector<16xf32>
      %get3A_354 = arith.constant 1 : i32
      %get3A_355 = arith.index_cast %get3A_354 : i32 to index
      %get3A_356 = arith.constant 48 : index
      %get3A_357 = tpu.vector_load %arg5[%get3A_355, %get3A_356] {strides = array<i32>} : memref<16x128xf32, #tpu.memory_space<vmem>>, vector<1x16xf32>,
      %get3A_358 = vector.shape_cast %get3A_357 : vector<1x16xf32> to vector<16xf32>
      %get3A_359 = arith.constant 1 : i32
      %get3A_360 = arith.index_cast %get3A_359 : i32 to index
      %get3A_361 = arith.constant 64 : index
      %get3A_362 = tpu.vector_load %arg5[%get3A_360, %get3A_361] {strides = array<i32>} : memref<16x128xf32, #tpu.memory_space<vmem>>, vector<1x16xf32>,
      %get3A_363 = vector.shape_cast %get3A_362 : vector<1x16xf32> to vector<16xf32>
      %get3A_364 = arith.constant 1 : i32
      %get3A_365 = arith.index_cast %get3A_364 : i32 to index
      %get3A_366 = arith.constant 80 : index
      %get3A_367 = tpu.vector_load %arg5[%get3A_365, %get3A_366] {strides = array<i32>} : memref<16x128xf32, #tpu.memory_space<vmem>>, vector<1x16xf32>,
      %get3A_368 = vector.shape_cast %get3A_367 : vector<1x16xf32> to vector<16xf32>
      %get3A_369 = arith.constant 1 : i32
      %get3A_370 = arith.index_cast %get3A_369 : i32 to index
      %get3A_371 = arith.constant 96 : index
      %get3A_372 = tpu.vector_load %arg5[%get3A_370, %get3A_371] {strides = array<i32>} : memref<16x128xf32, #tpu.memory_space<vmem>>, vector<1x16xf32>,
      %get3A_373 = vector.shape_cast %get3A_372 : vector<1x16xf32> to vector<16xf32>
      %get3A_374 = arith.constant 1 : i32
      %get3A_375 = arith.index_cast %get3A_374 : i32 to index
      %get3A_376 = arith.constant 112 : index
      %get3A_377 = tpu.vector_load %arg5[%get3A_375, %get3A_376] {strides = array<i32>} : memref<16x128xf32, #tpu.memory_space<vmem>>, vector<1x16xf32>,
      %get3A_378 = vector.shape_cast %get3A_377 : vector<1x16xf32> to vector<16xf32>
      %scan3A_379 = arith.constant 0 : i32
      %scan3A_380 = arith.constant 0 : i32
      %scan3A_381 = arith.constant 32 : i32
      %scan3A_382 = arith.addi %scan3A_380, %scan3A_381 : i32
      %scan3A_383 = arith.constant 1 : i32
      scf.for %scan3A_1029 = %scan3A_380 to %scan3A_382 step %scan3A_383  : i32 {
        %swap3A = arith.constant 1 : i32
        %swap3A_1030 = arith.index_cast %swap3A : i32 to index
        %swap3A_1031 = arith.index_cast %scan3A_1029 : i32 to index
        %swap3A_1032 = arith.constant 0 : index
        %swap3A_1033 = tpu.vector_load %arg7[%swap3A_1030, %swap3A_1031, %swap3A_1032] {strides = array<i32>} : memref<16x32x128xf32, #tpu.memory_space<vmem>>, vector<1x1x16xf32>,
        %swap3A_1034 = vector.shape_cast %swap3A_1033 : vector<1x1x16xf32> to vector<16xf32>
        %swap3A_1035 = vector.shape_cast %get3A_343 : vector<16xf32> to vector<1x1x16xf32>
        tpu.vector_store %arg7[%swap3A_1030, %swap3A_1031, %swap3A_1032], %swap3A_1035 {strides = array<i32>} : memref<16x32x128xf32, #tpu.memory_space<vmem>>, vector<1x1x16xf32>,
        %swap3A_1036 = arith.constant 1 : i32
        %swap3A_1037 = arith.index_cast %swap3A_1036 : i32 to index
        %swap3A_1038 = arith.index_cast %scan3A_1029 : i32 to index
        %swap3A_1039 = arith.constant 16 : index
        %swap3A_1040 = tpu.vector_load %arg7[%swap3A_1037, %swap3A_1038, %swap3A_1039] {strides = array<i32>} : memref<16x32x128xf32, #tpu.memory_space<vmem>>, vector<1x1x16xf32>,
        %swap3A_1041 = vector.shape_cast %swap3A_1040 : vector<1x1x16xf32> to vector<16xf32>
        %swap3A_1042 = vector.shape_cast %get3A_348 : vector<16xf32> to vector<1x1x16xf32>
        tpu.vector_store %arg7[%swap3A_1037, %swap3A_1038, %swap3A_1039], %swap3A_1042 {strides = array<i32>} : memref<16x32x128xf32, #tpu.memory_space<vmem>>, vector<1x1x16xf32>,
        %swap3A_1043 = arith.constant 1 : i32
        %swap3A_1044 = arith.index_cast %swap3A_1043 : i32 to index
        %swap3A_1045 = arith.index_cast %scan3A_1029 : i32 to index
        %swap3A_1046 = arith.constant 32 : index
        %swap3A_1047 = tpu.vector_load %arg7[%swap3A_1044, %swap3A_1045, %swap3A_1046] {strides = array<i32>} : memref<16x32x128xf32, #tpu.memory_space<vmem>>, vector<1x1x16xf32>,
        %swap3A_1048 = vector.shape_cast %swap3A_1047 : vector<1x1x16xf32> to vector<16xf32>
        %swap3A_1049 = vector.shape_cast %get3A_353 : vector<16xf32> to vector<1x1x16xf32>
        tpu.vector_store %arg7[%swap3A_1044, %swap3A_1045, %swap3A_1046], %swap3A_1049 {strides = array<i32>} : memref<16x32x128xf32, #tpu.memory_space<vmem>>, vector<1x1x16xf32>,
        %swap3A_1050 = arith.constant 1 : i32
        %swap3A_1051 = arith.index_cast %swap3A_1050 : i32 to index
        %swap3A_1052 = arith.index_cast %scan3A_1029 : i32 to index
        %swap3A_1053 = arith.constant 48 : index
        %swap3A_1054 = tpu.vector_load %arg7[%swap3A_1051, %swap3A_1052, %swap3A_1053] {strides = array<i32>} : memref<16x32x128xf32, #tpu.memory_space<vmem>>, vector<1x1x16xf32>,
        %swap3A_1055 = vector.shape_cast %swap3A_1054 : vector<1x1x16xf32> to vector<16xf32>
        %swap3A_1056 = vector.shape_cast %get3A_358 : vector<16xf32> to vector<1x1x16xf32>
        tpu.vector_store %arg7[%swap3A_1051, %swap3A_1052, %swap3A_1053], %swap3A_1056 {strides = array<i32>} : memref<16x32x128xf32, #tpu.memory_space<vmem>>, vector<1x1x16xf32>,
        %swap3A_1057 = arith.constant 1 : i32
        %swap3A_1058 = arith.index_cast %swap3A_1057 : i32 to index
        %swap3A_1059 = arith.index_cast %scan3A_1029 : i32 to index
        %swap3A_1060 = arith.constant 64 : index
        %swap3A_1061 = tpu.vector_load %arg7[%swap3A_1058, %swap3A_1059, %swap3A_1060] {strides = array<i32>} : memref<16x32x128xf32, #tpu.memory_space<vmem>>, vector<1x1x16xf32>,
        %swap3A_1062 = vector.shape_cast %swap3A_1061 : vector<1x1x16xf32> to vector<16xf32>
        %swap3A_1063 = vector.shape_cast %get3A_363 : vector<16xf32> to vector<1x1x16xf32>
        tpu.vector_store %arg7[%swap3A_1058, %swap3A_1059, %swap3A_1060], %swap3A_1063 {strides = array<i32>} : memref<16x32x128xf32, #tpu.memory_space<vmem>>, vector<1x1x16xf32>,
        %swap3A_1064 = arith.constant 1 : i32
        %swap3A_1065 = arith.index_cast %swap3A_1064 : i32 to index
        %swap3A_1066 = arith.index_cast %scan3A_1029 : i32 to index
        %swap3A_1067 = arith.constant 80 : index
        %swap3A_1068 = tpu.vector_load %arg7[%swap3A_1065, %swap3A_1066, %swap3A_1067] {strides = array<i32>} : memref<16x32x128xf32, #tpu.memory_space<vmem>>, vector<1x1x16xf32>,
        %swap3A_1069 = vector.shape_cast %swap3A_1068 : vector<1x1x16xf32> to vector<16xf32>
        %swap3A_1070 = vector.shape_cast %get3A_368 : vector<16xf32> to vector<1x1x16xf32>
        tpu.vector_store %arg7[%swap3A_1065, %swap3A_1066, %swap3A_1067], %swap3A_1070 {strides = array<i32>} : memref<16x32x128xf32, #tpu.memory_space<vmem>>, vector<1x1x16xf32>,
        %swap3A_1071 = arith.constant 1 : i32
        %swap3A_1072 = arith.index_cast %swap3A_1071 : i32 to index
        %swap3A_1073 = arith.index_cast %scan3A_1029 : i32 to index
        %swap3A_1074 = arith.constant 96 : index
        %swap3A_1075 = tpu.vector_load %arg7[%swap3A_1072, %swap3A_1073, %swap3A_1074] {strides = array<i32>} : memref<16x32x128xf32, #tpu.memory_space<vmem>>, vector<1x1x16xf32>,
        %swap3A_1076 = vector.shape_cast %swap3A_1075 : vector<1x1x16xf32> to vector<16xf32>
        %swap3A_1077 = vector.shape_cast %get3A_373 : vector<16xf32> to vector<1x1x16xf32>
        tpu.vector_store %arg7[%swap3A_1072, %swap3A_1073, %swap3A_1074], %swap3A_1077 {strides = array<i32>} : memref<16x32x128xf32, #tpu.memory_space<vmem>>, vector<1x1x16xf32>,
        %swap3A_1078 = arith.constant 1 : i32
        %swap3A_1079 = arith.index_cast %swap3A_1078 : i32 to index
        %swap3A_1080 = arith.index_cast %scan3A_1029 : i32 to index
        %swap3A_1081 = arith.constant 112 : index
        %swap3A_1082 = tpu.vector_load %arg7[%swap3A_1079, %swap3A_1080, %swap3A_1081] {strides = array<i32>} : memref<16x32x128xf32, #tpu.memory_space<vmem>>, vector<1x1x16xf32>,
        %swap3A_1083 = vector.shape_cast %swap3A_1082 : vector<1x1x16xf32> to vector<16xf32>
        %swap3A_1084 = vector.shape_cast %get3A_378 : vector<16xf32> to vector<1x1x16xf32>
        tpu.vector_store %arg7[%swap3A_1079, %swap3A_1080, %swap3A_1081], %swap3A_1084 {strides = array<i32>} : memref<16x32x128xf32, #tpu.memory_space<vmem>>, vector<1x1x16xf32>,
      }
      %scan3A_384 = arith.constant 32 : i32
      %get3A_385 = arith.constant 2 : i32
      %get3A_386 = arith.index_cast %get3A_385 : i32 to index
      %get3A_387 = arith.constant 0 : index
      %get3A_388 = tpu.vector_load %arg5[%get3A_386, %get3A_387] {strides = array<i32>} : memref<16x128xf32, #tpu.memory_space<vmem>>, vector<1x16xf32>,
      %get3A_389 = vector.shape_cast %get3A_388 : vector<1x16xf32> to vector<16xf32>
      %get3A_390 = arith.constant 2 : i32
      %get3A_391 = arith.index_cast %get3A_390 : i32 to index
      %get3A_392 = arith.constant 16 : index
      %get3A_393 = tpu.vector_load %arg5[%get3A_391, %get3A_392] {strides = array<i32>} : memref<16x128xf32, #tpu.memory_space<vmem>>, vector<1x16xf32>,
      %get3A_394 = vector.shape_cast %get3A_393 : vector<1x16xf32> to vector<16xf32>
      %get3A_395 = arith.constant 2 : i32
      %get3A_396 = arith.index_cast %get3A_395 : i32 to index
      %get3A_397 = arith.constant 32 : index
      %get3A_398 = tpu.vector_load %arg5[%get3A_396, %get3A_397] {strides = array<i32>} : memref<16x128xf32, #tpu.memory_space<vmem>>, vector<1x16xf32>,
      %get3A_399 = vector.shape_cast %get3A_398 : vector<1x16xf32> to vector<16xf32>
      %get3A_400 = arith.constant 2 : i32
      %get3A_401 = arith.index_cast %get3A_400 : i32 to index
      %get3A_402 = arith.constant 48 : index
      %get3A_403 = tpu.vector_load %arg5[%get3A_401, %get3A_402] {strides = array<i32>} : memref<16x128xf32, #tpu.memory_space<vmem>>, vector<1x16xf32>,
      %get3A_404 = vector.shape_cast %get3A_403 : vector<1x16xf32> to vector<16xf32>
      %get3A_405 = arith.constant 2 : i32
      %get3A_406 = arith.index_cast %get3A_405 : i32 to index
      %get3A_407 = arith.constant 64 : index
      %get3A_408 = tpu.vector_load %arg5[%get3A_406, %get3A_407] {strides = array<i32>} : memref<16x128xf32, #tpu.memory_space<vmem>>, vector<1x16xf32>,
      %get3A_409 = vector.shape_cast %get3A_408 : vector<1x16xf32> to vector<16xf32>
      %get3A_410 = arith.constant 2 : i32
      %get3A_411 = arith.index_cast %get3A_410 : i32 to index
      %get3A_412 = arith.constant 80 : index
      %get3A_413 = tpu.vector_load %arg5[%get3A_411, %get3A_412] {strides = array<i32>} : memref<16x128xf32, #tpu.memory_space<vmem>>, vector<1x16xf32>,
      %get3A_414 = vector.shape_cast %get3A_413 : vector<1x16xf32> to vector<16xf32>
      %get3A_415 = arith.constant 2 : i32
      %get3A_416 = arith.index_cast %get3A_415 : i32 to index
      %get3A_417 = arith.constant 96 : index
      %get3A_418 = tpu.vector_load %arg5[%get3A_416, %get3A_417] {strides = array<i32>} : memref<16x128xf32, #tpu.memory_space<vmem>>, vector<1x16xf32>,
      %get3A_419 = vector.shape_cast %get3A_418 : vector<1x16xf32> to vector<16xf32>
      %get3A_420 = arith.constant 2 : i32
      %get3A_421 = arith.index_cast %get3A_420 : i32 to index
      %get3A_422 = arith.constant 112 : index
      %get3A_423 = tpu.vector_load %arg5[%get3A_421, %get3A_422] {strides = array<i32>} : memref<16x128xf32, #tpu.memory_space<vmem>>, vector<1x16xf32>,
      %get3A_424 = vector.shape_cast %get3A_423 : vector<1x16xf32> to vector<16xf32>
      %scan3A_425 = arith.constant 0 : i32
      %scan3A_426 = arith.constant 0 : i32
      %scan3A_427 = arith.constant 32 : i32
      %scan3A_428 = arith.addi %scan3A_426, %scan3A_427 : i32
      %scan3A_429 = arith.constant 1 : i32
      scf.for %scan3A_1029 = %scan3A_426 to %scan3A_428 step %scan3A_429  : i32 {
        %swap3A = arith.constant 2 : i32
        %swap3A_1030 = arith.index_cast %swap3A : i32 to index
        %swap3A_1031 = arith.index_cast %scan3A_1029 : i32 to index
        %swap3A_1032 = arith.constant 0 : index
        %swap3A_1033 = tpu.vector_load %arg7[%swap3A_1030, %swap3A_1031, %swap3A_1032] {strides = array<i32>} : memref<16x32x128xf32, #tpu.memory_space<vmem>>, vector<1x1x16xf32>,
        %swap3A_1034 = vector.shape_cast %swap3A_1033 : vector<1x1x16xf32> to vector<16xf32>
        %swap3A_1035 = vector.shape_cast %get3A_389 : vector<16xf32> to vector<1x1x16xf32>
        tpu.vector_store %arg7[%swap3A_1030, %swap3A_1031, %swap3A_1032], %swap3A_1035 {strides = array<i32>} : memref<16x32x128xf32, #tpu.memory_space<vmem>>, vector<1x1x16xf32>,
        %swap3A_1036 = arith.constant 2 : i32
        %swap3A_1037 = arith.index_cast %swap3A_1036 : i32 to index
        %swap3A_1038 = arith.index_cast %scan3A_1029 : i32 to index
        %swap3A_1039 = arith.constant 16 : index
        %swap3A_1040 = tpu.vector_load %arg7[%swap3A_1037, %swap3A_1038, %swap3A_1039] {strides = array<i32>} : memref<16x32x128xf32, #tpu.memory_space<vmem>>, vector<1x1x16xf32>,
        %swap3A_1041 = vector.shape_cast %swap3A_1040 : vector<1x1x16xf32> to vector<16xf32>
        %swap3A_1042 = vector.shape_cast %get3A_394 : vector<16xf32> to vector<1x1x16xf32>
        tpu.vector_store %arg7[%swap3A_1037, %swap3A_1038, %swap3A_1039], %swap3A_1042 {strides = array<i32>} : memref<16x32x128xf32, #tpu.memory_space<vmem>>, vector<1x1x16xf32>,
        %swap3A_1043 = arith.constant 2 : i32
        %swap3A_1044 = arith.index_cast %swap3A_1043 : i32 to index
        %swap3A_1045 = arith.index_cast %scan3A_1029 : i32 to index
        %swap3A_1046 = arith.constant 32 : index
        %swap3A_1047 = tpu.vector_load %arg7[%swap3A_1044, %swap3A_1045, %swap3A_1046] {strides = array<i32>} : memref<16x32x128xf32, #tpu.memory_space<vmem>>, vector<1x1x16xf32>,
        %swap3A_1048 = vector.shape_cast %swap3A_1047 : vector<1x1x16xf32> to vector<16xf32>
        %swap3A_1049 = vector.shape_cast %get3A_399 : vector<16xf32> to vector<1x1x16xf32>
        tpu.vector_store %arg7[%swap3A_1044, %swap3A_1045, %swap3A_1046], %swap3A_1049 {strides = array<i32>} : memref<16x32x128xf32, #tpu.memory_space<vmem>>, vector<1x1x16xf32>,
        %swap3A_1050 = arith.constant 2 : i32
        %swap3A_1051 = arith.index_cast %swap3A_1050 : i32 to index
        %swap3A_1052 = arith.index_cast %scan3A_1029 : i32 to index
        %swap3A_1053 = arith.constant 48 : index
        %swap3A_1054 = tpu.vector_load %arg7[%swap3A_1051, %swap3A_1052, %swap3A_1053] {strides = array<i32>} : memref<16x32x128xf32, #tpu.memory_space<vmem>>, vector<1x1x16xf32>,
        %swap3A_1055 = vector.shape_cast %swap3A_1054 : vector<1x1x16xf32> to vector<16xf32>
        %swap3A_1056 = vector.shape_cast %get3A_404 : vector<16xf32> to vector<1x1x16xf32>
        tpu.vector_store %arg7[%swap3A_1051, %swap3A_1052, %swap3A_1053], %swap3A_1056 {strides = array<i32>} : memref<16x32x128xf32, #tpu.memory_space<vmem>>, vector<1x1x16xf32>,
        %swap3A_1057 = arith.constant 2 : i32
        %swap3A_1058 = arith.index_cast %swap3A_1057 : i32 to index
        %swap3A_1059 = arith.index_cast %scan3A_1029 : i32 to index
        %swap3A_1060 = arith.constant 64 : index
        %swap3A_1061 = tpu.vector_load %arg7[%swap3A_1058, %swap3A_1059, %swap3A_1060] {strides = array<i32>} : memref<16x32x128xf32, #tpu.memory_space<vmem>>, vector<1x1x16xf32>,
        %swap3A_1062 = vector.shape_cast %swap3A_1061 : vector<1x1x16xf32> to vector<16xf32>
        %swap3A_1063 = vector.shape_cast %get3A_409 : vector<16xf32> to vector<1x1x16xf32>
        tpu.vector_store %arg7[%swap3A_1058, %swap3A_1059, %swap3A_1060], %swap3A_1063 {strides = array<i32>} : memref<16x32x128xf32, #tpu.memory_space<vmem>>, vector<1x1x16xf32>,
        %swap3A_1064 = arith.constant 2 : i32
        %swap3A_1065 = arith.index_cast %swap3A_1064 : i32 to index
        %swap3A_1066 = arith.index_cast %scan3A_1029 : i32 to index
        %swap3A_1067 = arith.constant 80 : index
        %swap3A_1068 = tpu.vector_load %arg7[%swap3A_1065, %swap3A_1066, %swap3A_1067] {strides = array<i32>} : memref<16x32x128xf32, #tpu.memory_space<vmem>>, vector<1x1x16xf32>,
        %swap3A_1069 = vector.shape_cast %swap3A_1068 : vector<1x1x16xf32> to vector<16xf32>
        %swap3A_1070 = vector.shape_cast %get3A_414 : vector<16xf32> to vector<1x1x16xf32>
        tpu.vector_store %arg7[%swap3A_1065, %swap3A_1066, %swap3A_1067], %swap3A_1070 {strides = array<i32>} : memref<16x32x128xf32, #tpu.memory_space<vmem>>, vector<1x1x16xf32>,
        %swap3A_1071 = arith.constant 2 : i32
        %swap3A_1072 = arith.index_cast %swap3A_1071 : i32 to index
        %swap3A_1073 = arith.index_cast %scan3A_1029 : i32 to index
        %swap3A_1074 = arith.constant 96 : index
        %swap3A_1075 = tpu.vector_load %arg7[%swap3A_1072, %swap3A_1073, %swap3A_1074] {strides = array<i32>} : memref<16x32x128xf32, #tpu.memory_space<vmem>>, vector<1x1x16xf32>,
        %swap3A_1076 = vector.shape_cast %swap3A_1075 : vector<1x1x16xf32> to vector<16xf32>
        %swap3A_1077 = vector.shape_cast %get3A_419 : vector<16xf32> to vector<1x1x16xf32>
        tpu.vector_store %arg7[%swap3A_1072, %swap3A_1073, %swap3A_1074], %swap3A_1077 {strides = array<i32>} : memref<16x32x128xf32, #tpu.memory_space<vmem>>, vector<1x1x16xf32>,
        %swap3A_1078 = arith.constant 2 : i32
        %swap3A_1079 = arith.index_cast %swap3A_1078 : i32 to index
        %swap3A_1080 = arith.index_cast %scan3A_1029 : i32 to index
        %swap3A_1081 = arith.constant 112 : index
        %swap3A_1082 = tpu.vector_load %arg7[%swap3A_1079, %swap3A_1080, %swap3A_1081] {strides = array<i32>} : memref<16x32x128xf32, #tpu.memory_space<vmem>>, vector<1x1x16xf32>,
        %swap3A_1083 = vector.shape_cast %swap3A_1082 : vector<1x1x16xf32> to vector<16xf32>
        %swap3A_1084 = vector.shape_cast %get3A_424 : vector<16xf32> to vector<1x1x16xf32>
        tpu.vector_store %arg7[%swap3A_1079, %swap3A_1080, %swap3A_1081], %swap3A_1084 {strides = array<i32>} : memref<16x32x128xf32, #tpu.memory_space<vmem>>, vector<1x1x16xf32>,
      }
      %scan3A_430 = arith.constant 32 : i32
      %get3A_431 = arith.constant 3 : i32
      %get3A_432 = arith.index_cast %get3A_431 : i32 to index
      %get3A_433 = arith.constant 0 : index
      %get3A_434 = tpu.vector_load %arg5[%get3A_432, %get3A_433] {strides = array<i32>} : memref<16x128xf32, #tpu.memory_space<vmem>>, vector<1x16xf32>,
      %get3A_435 = vector.shape_cast %get3A_434 : vector<1x16xf32> to vector<16xf32>
      %get3A_436 = arith.constant 3 : i32
      %get3A_437 = arith.index_cast %get3A_436 : i32 to index
      %get3A_438 = arith.constant 16 : index
      %get3A_439 = tpu.vector_load %arg5[%get3A_437, %get3A_438] {strides = array<i32>} : memref<16x128xf32, #tpu.memory_space<vmem>>, vector<1x16xf32>,
      %get3A_440 = vector.shape_cast %get3A_439 : vector<1x16xf32> to vector<16xf32>
      %get3A_441 = arith.constant 3 : i32
      %get3A_442 = arith.index_cast %get3A_441 : i32 to index
      %get3A_443 = arith.constant 32 : index
      %get3A_444 = tpu.vector_load %arg5[%get3A_442, %get3A_443] {strides = array<i32>} : memref<16x128xf32, #tpu.memory_space<vmem>>, vector<1x16xf32>,
      %get3A_445 = vector.shape_cast %get3A_444 : vector<1x16xf32> to vector<16xf32>
      %get3A_446 = arith.constant 3 : i32
      %get3A_447 = arith.index_cast %get3A_446 : i32 to index
      %get3A_448 = arith.constant 48 : index
      %get3A_449 = tpu.vector_load %arg5[%get3A_447, %get3A_448] {strides = array<i32>} : memref<16x128xf32, #tpu.memory_space<vmem>>, vector<1x16xf32>,
      %get3A_450 = vector.shape_cast %get3A_449 : vector<1x16xf32> to vector<16xf32>
      %get3A_451 = arith.constant 3 : i32
      %get3A_452 = arith.index_cast %get3A_451 : i32 to index
      %get3A_453 = arith.constant 64 : index
      %get3A_454 = tpu.vector_load %arg5[%get3A_452, %get3A_453] {strides = array<i32>} : memref<16x128xf32, #tpu.memory_space<vmem>>, vector<1x16xf32>,
      %get3A_455 = vector.shape_cast %get3A_454 : vector<1x16xf32> to vector<16xf32>
      %get3A_456 = arith.constant 3 : i32
      %get3A_457 = arith.index_cast %get3A_456 : i32 to index
      %get3A_458 = arith.constant 80 : index
      %get3A_459 = tpu.vector_load %arg5[%get3A_457, %get3A_458] {strides = array<i32>} : memref<16x128xf32, #tpu.memory_space<vmem>>, vector<1x16xf32>,
      %get3A_460 = vector.shape_cast %get3A_459 : vector<1x16xf32> to vector<16xf32>
      %get3A_461 = arith.constant 3 : i32
      %get3A_462 = arith.index_cast %get3A_461 : i32 to index
      %get3A_463 = arith.constant 96 : index
      %get3A_464 = tpu.vector_load %arg5[%get3A_462, %get3A_463] {strides = array<i32>} : memref<16x128xf32, #tpu.memory_space<vmem>>, vector<1x16xf32>,
      %get3A_465 = vector.shape_cast %get3A_464 : vector<1x16xf32> to vector<16xf32>
      %get3A_466 = arith.constant 3 : i32
      %get3A_467 = arith.index_cast %get3A_466 : i32 to index
      %get3A_468 = arith.constant 112 : index
      %get3A_469 = tpu.vector_load %arg5[%get3A_467, %get3A_468] {strides = array<i32>} : memref<16x128xf32, #tpu.memory_space<vmem>>, vector<1x16xf32>,
      %get3A_470 = vector.shape_cast %get3A_469 : vector<1x16xf32> to vector<16xf32>
      %scan3A_471 = arith.constant 0 : i32
      %scan3A_472 = arith.constant 0 : i32
      %scan3A_473 = arith.constant 32 : i32
      %scan3A_474 = arith.addi %scan3A_472, %scan3A_473 : i32
      %scan3A_475 = arith.constant 1 : i32
      scf.for %scan3A_1029 = %scan3A_472 to %scan3A_474 step %scan3A_475  : i32 {
        %swap3A = arith.constant 3 : i32
        %swap3A_1030 = arith.index_cast %swap3A : i32 to index
        %swap3A_1031 = arith.index_cast %scan3A_1029 : i32 to index
        %swap3A_1032 = arith.constant 0 : index
        %swap3A_1033 = tpu.vector_load %arg7[%swap3A_1030, %swap3A_1031, %swap3A_1032] {strides = array<i32>} : memref<16x32x128xf32, #tpu.memory_space<vmem>>, vector<1x1x16xf32>,
        %swap3A_1034 = vector.shape_cast %swap3A_1033 : vector<1x1x16xf32> to vector<16xf32>
        %swap3A_1035 = vector.shape_cast %get3A_435 : vector<16xf32> to vector<1x1x16xf32>
        tpu.vector_store %arg7[%swap3A_1030, %swap3A_1031, %swap3A_1032], %swap3A_1035 {strides = array<i32>} : memref<16x32x128xf32, #tpu.memory_space<vmem>>, vector<1x1x16xf32>,
        %swap3A_1036 = arith.constant 3 : i32
        %swap3A_1037 = arith.index_cast %swap3A_1036 : i32 to index
        %swap3A_1038 = arith.index_cast %scan3A_1029 : i32 to index
        %swap3A_1039 = arith.constant 16 : index
        %swap3A_1040 = tpu.vector_load %arg7[%swap3A_1037, %swap3A_1038, %swap3A_1039] {strides = array<i32>} : memref<16x32x128xf32, #tpu.memory_space<vmem>>, vector<1x1x16xf32>,
        %swap3A_1041 = vector.shape_cast %swap3A_1040 : vector<1x1x16xf32> to vector<16xf32>
        %swap3A_1042 = vector.shape_cast %get3A_440 : vector<16xf32> to vector<1x1x16xf32>
        tpu.vector_store %arg7[%swap3A_1037, %swap3A_1038, %swap3A_1039], %swap3A_1042 {strides = array<i32>} : memref<16x32x128xf32, #tpu.memory_space<vmem>>, vector<1x1x16xf32>,
        %swap3A_1043 = arith.constant 3 : i32
        %swap3A_1044 = arith.index_cast %swap3A_1043 : i32 to index
        %swap3A_1045 = arith.index_cast %scan3A_1029 : i32 to index
        %swap3A_1046 = arith.constant 32 : index
        %swap3A_1047 = tpu.vector_load %arg7[%swap3A_1044, %swap3A_1045, %swap3A_1046] {strides = array<i32>} : memref<16x32x128xf32, #tpu.memory_space<vmem>>, vector<1x1x16xf32>,
        %swap3A_1048 = vector.shape_cast %swap3A_1047 : vector<1x1x16xf32> to vector<16xf32>
        %swap3A_1049 = vector.shape_cast %get3A_445 : vector<16xf32> to vector<1x1x16xf32>
        tpu.vector_store %arg7[%swap3A_1044, %swap3A_1045, %swap3A_1046], %swap3A_1049 {strides = array<i32>} : memref<16x32x128xf32, #tpu.memory_space<vmem>>, vector<1x1x16xf32>,
        %swap3A_1050 = arith.constant 3 : i32
        %swap3A_1051 = arith.index_cast %swap3A_1050 : i32 to index
        %swap3A_1052 = arith.index_cast %scan3A_1029 : i32 to index
        %swap3A_1053 = arith.constant 48 : index
        %swap3A_1054 = tpu.vector_load %arg7[%swap3A_1051, %swap3A_1052, %swap3A_1053] {strides = array<i32>} : memref<16x32x128xf32, #tpu.memory_space<vmem>>, vector<1x1x16xf32>,
        %swap3A_1055 = vector.shape_cast %swap3A_1054 : vector<1x1x16xf32> to vector<16xf32>
        %swap3A_1056 = vector.shape_cast %get3A_450 : vector<16xf32> to vector<1x1x16xf32>
        tpu.vector_store %arg7[%swap3A_1051, %swap3A_1052, %swap3A_1053], %swap3A_1056 {strides = array<i32>} : memref<16x32x128xf32, #tpu.memory_space<vmem>>, vector<1x1x16xf32>,
        %swap3A_1057 = arith.constant 3 : i32
        %swap3A_1058 = arith.index_cast %swap3A_1057 : i32 to index
        %swap3A_1059 = arith.index_cast %scan3A_1029 : i32 to index
        %swap3A_1060 = arith.constant 64 : index
        %swap3A_1061 = tpu.vector_load %arg7[%swap3A_1058, %swap3A_1059, %swap3A_1060] {strides = array<i32>} : memref<16x32x128xf32, #tpu.memory_space<vmem>>, vector<1x1x16xf32>,
        %swap3A_1062 = vector.shape_cast %swap3A_1061 : vector<1x1x16xf32> to vector<16xf32>
        %swap3A_1063 = vector.shape_cast %get3A_455 : vector<16xf32> to vector<1x1x16xf32>
        tpu.vector_store %arg7[%swap3A_1058, %swap3A_1059, %swap3A_1060], %swap3A_1063 {strides = array<i32>} : memref<16x32x128xf32, #tpu.memory_space<vmem>>, vector<1x1x16xf32>,
        %swap3A_1064 = arith.constant 3 : i32
        %swap3A_1065 = arith.index_cast %swap3A_1064 : i32 to index
        %swap3A_1066 = arith.index_cast %scan3A_1029 : i32 to index
        %swap3A_1067 = arith.constant 80 : index
        %swap3A_1068 = tpu.vector_load %arg7[%swap3A_1065, %swap3A_1066, %swap3A_1067] {strides = array<i32>} : memref<16x32x128xf32, #tpu.memory_space<vmem>>, vector<1x1x16xf32>,
        %swap3A_1069 = vector.shape_cast %swap3A_1068 : vector<1x1x16xf32> to vector<16xf32>
        %swap3A_1070 = vector.shape_cast %get3A_460 : vector<16xf32> to vector<1x1x16xf32>
        tpu.vector_store %arg7[%swap3A_1065, %swap3A_1066, %swap3A_1067], %swap3A_1070 {strides = array<i32>} : memref<16x32x128xf32, #tpu.memory_space<vmem>>, vector<1x1x16xf32>,
        %swap3A_1071 = arith.constant 3 : i32
        %swap3A_1072 = arith.index_cast %swap3A_1071 : i32 to index
        %swap3A_1073 = arith.index_cast %scan3A_1029 : i32 to index
        %swap3A_1074 = arith.constant 96 : index
        %swap3A_1075 = tpu.vector_load %arg7[%swap3A_1072, %swap3A_1073, %swap3A_1074] {strides = array<i32>} : memref<16x32x128xf32, #tpu.memory_space<vmem>>, vector<1x1x16xf32>,
        %swap3A_1076 = vector.shape_cast %swap3A_1075 : vector<1x1x16xf32> to vector<16xf32>
        %swap3A_1077 = vector.shape_cast %get3A_465 : vector<16xf32> to vector<1x1x16xf32>
        tpu.vector_store %arg7[%swap3A_1072, %swap3A_1073, %swap3A_1074], %swap3A_1077 {strides = array<i32>} : memref<16x32x128xf32, #tpu.memory_space<vmem>>, vector<1x1x16xf32>,
        %swap3A_1078 = arith.constant 3 : i32
        %swap3A_1079 = arith.index_cast %swap3A_1078 : i32 to index
        %swap3A_1080 = arith.index_cast %scan3A_1029 : i32 to index
        %swap3A_1081 = arith.constant 112 : index
        %swap3A_1082 = tpu.vector_load %arg7[%swap3A_1079, %swap3A_1080, %swap3A_1081] {strides = array<i32>} : memref<16x32x128xf32, #tpu.memory_space<vmem>>, vector<1x1x16xf32>,
        %swap3A_1083 = vector.shape_cast %swap3A_1082 : vector<1x1x16xf32> to vector<16xf32>
        %swap3A_1084 = vector.shape_cast %get3A_470 : vector<16xf32> to vector<1x1x16xf32>
        tpu.vector_store %arg7[%swap3A_1079, %swap3A_1080, %swap3A_1081], %swap3A_1084 {strides = array<i32>} : memref<16x32x128xf32, #tpu.memory_space<vmem>>, vector<1x1x16xf32>,
      }
      %scan3A_476 = arith.constant 32 : i32
      %get3A_477 = arith.constant 4 : i32
      %get3A_478 = arith.index_cast %get3A_477 : i32 to index
      %get3A_479 = arith.constant 0 : index
      %get3A_480 = tpu.vector_load %arg5[%get3A_478, %get3A_479] {strides = array<i32>} : memref<16x128xf32, #tpu.memory_space<vmem>>, vector<1x16xf32>,
      %get3A_481 = vector.shape_cast %get3A_480 : vector<1x16xf32> to vector<16xf32>
      %get3A_482 = arith.constant 4 : i32
      %get3A_483 = arith.index_cast %get3A_482 : i32 to index
      %get3A_484 = arith.constant 16 : index
      %get3A_485 = tpu.vector_load %arg5[%get3A_483, %get3A_484] {strides = array<i32>} : memref<16x128xf32, #tpu.memory_space<vmem>>, vector<1x16xf32>,
      %get3A_486 = vector.shape_cast %get3A_485 : vector<1x16xf32> to vector<16xf32>
      %get3A_487 = arith.constant 4 : i32
      %get3A_488 = arith.index_cast %get3A_487 : i32 to index
      %get3A_489 = arith.constant 32 : index
      %get3A_490 = tpu.vector_load %arg5[%get3A_488, %get3A_489] {strides = array<i32>} : memref<16x128xf32, #tpu.memory_space<vmem>>, vector<1x16xf32>,
      %get3A_491 = vector.shape_cast %get3A_490 : vector<1x16xf32> to vector<16xf32>
      %get3A_492 = arith.constant 4 : i32
      %get3A_493 = arith.index_cast %get3A_492 : i32 to index
      %get3A_494 = arith.constant 48 : index
      %get3A_495 = tpu.vector_load %arg5[%get3A_493, %get3A_494] {strides = array<i32>} : memref<16x128xf32, #tpu.memory_space<vmem>>, vector<1x16xf32>,
      %get3A_496 = vector.shape_cast %get3A_495 : vector<1x16xf32> to vector<16xf32>
      %get3A_497 = arith.constant 4 : i32
      %get3A_498 = arith.index_cast %get3A_497 : i32 to index
      %get3A_499 = arith.constant 64 : index
      %get3A_500 = tpu.vector_load %arg5[%get3A_498, %get3A_499] {strides = array<i32>} : memref<16x128xf32, #tpu.memory_space<vmem>>, vector<1x16xf32>,
      %get3A_501 = vector.shape_cast %get3A_500 : vector<1x16xf32> to vector<16xf32>
      %get3A_502 = arith.constant 4 : i32
      %get3A_503 = arith.index_cast %get3A_502 : i32 to index
      %get3A_504 = arith.constant 80 : index
      %get3A_505 = tpu.vector_load %arg5[%get3A_503, %get3A_504] {strides = array<i32>} : memref<16x128xf32, #tpu.memory_space<vmem>>, vector<1x16xf32>,
      %get3A_506 = vector.shape_cast %get3A_505 : vector<1x16xf32> to vector<16xf32>
      %get3A_507 = arith.constant 4 : i32
      %get3A_508 = arith.index_cast %get3A_507 : i32 to index
      %get3A_509 = arith.constant 96 : index
      %get3A_510 = tpu.vector_load %arg5[%get3A_508, %get3A_509] {strides = array<i32>} : memref<16x128xf32, #tpu.memory_space<vmem>>, vector<1x16xf32>,
      %get3A_511 = vector.shape_cast %get3A_510 : vector<1x16xf32> to vector<16xf32>
      %get3A_512 = arith.constant 4 : i32
      %get3A_513 = arith.index_cast %get3A_512 : i32 to index
      %get3A_514 = arith.constant 112 : index
      %get3A_515 = tpu.vector_load %arg5[%get3A_513, %get3A_514] {strides = array<i32>} : memref<16x128xf32, #tpu.memory_space<vmem>>, vector<1x16xf32>,
      %get3A_516 = vector.shape_cast %get3A_515 : vector<1x16xf32> to vector<16xf32>
      %scan3A_517 = arith.constant 0 : i32
      %scan3A_518 = arith.constant 0 : i32
      %scan3A_519 = arith.constant 32 : i32
      %scan3A_520 = arith.addi %scan3A_518, %scan3A_519 : i32
      %scan3A_521 = arith.constant 1 : i32
      scf.for %scan3A_1029 = %scan3A_518 to %scan3A_520 step %scan3A_521  : i32 {
        %swap3A = arith.constant 4 : i32
        %swap3A_1030 = arith.index_cast %swap3A : i32 to index
        %swap3A_1031 = arith.index_cast %scan3A_1029 : i32 to index
        %swap3A_1032 = arith.constant 0 : index
        %swap3A_1033 = tpu.vector_load %arg7[%swap3A_1030, %swap3A_1031, %swap3A_1032] {strides = array<i32>} : memref<16x32x128xf32, #tpu.memory_space<vmem>>, vector<1x1x16xf32>,
        %swap3A_1034 = vector.shape_cast %swap3A_1033 : vector<1x1x16xf32> to vector<16xf32>
        %swap3A_1035 = vector.shape_cast %get3A_481 : vector<16xf32> to vector<1x1x16xf32>
        tpu.vector_store %arg7[%swap3A_1030, %swap3A_1031, %swap3A_1032], %swap3A_1035 {strides = array<i32>} : memref<16x32x128xf32, #tpu.memory_space<vmem>>, vector<1x1x16xf32>,
        %swap3A_1036 = arith.constant 4 : i32
        %swap3A_1037 = arith.index_cast %swap3A_1036 : i32 to index
        %swap3A_1038 = arith.index_cast %scan3A_1029 : i32 to index
        %swap3A_1039 = arith.constant 16 : index
        %swap3A_1040 = tpu.vector_load %arg7[%swap3A_1037, %swap3A_1038, %swap3A_1039] {strides = array<i32>} : memref<16x32x128xf32, #tpu.memory_space<vmem>>, vector<1x1x16xf32>,
        %swap3A_1041 = vector.shape_cast %swap3A_1040 : vector<1x1x16xf32> to vector<16xf32>
        %swap3A_1042 = vector.shape_cast %get3A_486 : vector<16xf32> to vector<1x1x16xf32>
        tpu.vector_store %arg7[%swap3A_1037, %swap3A_1038, %swap3A_1039], %swap3A_1042 {strides = array<i32>} : memref<16x32x128xf32, #tpu.memory_space<vmem>>, vector<1x1x16xf32>,
        %swap3A_1043 = arith.constant 4 : i32
        %swap3A_1044 = arith.index_cast %swap3A_1043 : i32 to index
        %swap3A_1045 = arith.index_cast %scan3A_1029 : i32 to index
        %swap3A_1046 = arith.constant 32 : index
        %swap3A_1047 = tpu.vector_load %arg7[%swap3A_1044, %swap3A_1045, %swap3A_1046] {strides = array<i32>} : memref<16x32x128xf32, #tpu.memory_space<vmem>>, vector<1x1x16xf32>,
        %swap3A_1048 = vector.shape_cast %swap3A_1047 : vector<1x1x16xf32> to vector<16xf32>
        %swap3A_1049 = vector.shape_cast %get3A_491 : vector<16xf32> to vector<1x1x16xf32>
        tpu.vector_store %arg7[%swap3A_1044, %swap3A_1045, %swap3A_1046], %swap3A_1049 {strides = array<i32>} : memref<16x32x128xf32, #tpu.memory_space<vmem>>, vector<1x1x16xf32>,
        %swap3A_1050 = arith.constant 4 : i32
        %swap3A_1051 = arith.index_cast %swap3A_1050 : i32 to index
        %swap3A_1052 = arith.index_cast %scan3A_1029 : i32 to index
        %swap3A_1053 = arith.constant 48 : index
        %swap3A_1054 = tpu.vector_load %arg7[%swap3A_1051, %swap3A_1052, %swap3A_1053] {strides = array<i32>} : memref<16x32x128xf32, #tpu.memory_space<vmem>>, vector<1x1x16xf32>,
        %swap3A_1055 = vector.shape_cast %swap3A_1054 : vector<1x1x16xf32> to vector<16xf32>
        %swap3A_1056 = vector.shape_cast %get3A_496 : vector<16xf32> to vector<1x1x16xf32>
        tpu.vector_store %arg7[%swap3A_1051, %swap3A_1052, %swap3A_1053], %swap3A_1056 {strides = array<i32>} : memref<16x32x128xf32, #tpu.memory_space<vmem>>, vector<1x1x16xf32>,
        %swap3A_1057 = arith.constant 4 : i32
        %swap3A_1058 = arith.index_cast %swap3A_1057 : i32 to index
        %swap3A_1059 = arith.index_cast %scan3A_1029 : i32 to index
        %swap3A_1060 = arith.constant 64 : index
        %swap3A_1061 = tpu.vector_load %arg7[%swap3A_1058, %swap3A_1059, %swap3A_1060] {strides = array<i32>} : memref<16x32x128xf32, #tpu.memory_space<vmem>>, vector<1x1x16xf32>,
        %swap3A_1062 = vector.shape_cast %swap3A_1061 : vector<1x1x16xf32> to vector<16xf32>
        %swap3A_1063 = vector.shape_cast %get3A_501 : vector<16xf32> to vector<1x1x16xf32>
        tpu.vector_store %arg7[%swap3A_1058, %swap3A_1059, %swap3A_1060], %swap3A_1063 {strides = array<i32>} : memref<16x32x128xf32, #tpu.memory_space<vmem>>, vector<1x1x16xf32>,
        %swap3A_1064 = arith.constant 4 : i32
        %swap3A_1065 = arith.index_cast %swap3A_1064 : i32 to index
        %swap3A_1066 = arith.index_cast %scan3A_1029 : i32 to index
        %swap3A_1067 = arith.constant 80 : index
        %swap3A_1068 = tpu.vector_load %arg7[%swap3A_1065, %swap3A_1066, %swap3A_1067] {strides = array<i32>} : memref<16x32x128xf32, #tpu.memory_space<vmem>>, vector<1x1x16xf32>,
        %swap3A_1069 = vector.shape_cast %swap3A_1068 : vector<1x1x16xf32> to vector<16xf32>
        %swap3A_1070 = vector.shape_cast %get3A_506 : vector<16xf32> to vector<1x1x16xf32>
        tpu.vector_store %arg7[%swap3A_1065, %swap3A_1066, %swap3A_1067], %swap3A_1070 {strides = array<i32>} : memref<16x32x128xf32, #tpu.memory_space<vmem>>, vector<1x1x16xf32>,
        %swap3A_1071 = arith.constant 4 : i32
        %swap3A_1072 = arith.index_cast %swap3A_1071 : i32 to index
        %swap3A_1073 = arith.index_cast %scan3A_1029 : i32 to index
        %swap3A_1074 = arith.constant 96 : index
        %swap3A_1075 = tpu.vector_load %arg7[%swap3A_1072, %swap3A_1073, %swap3A_1074] {strides = array<i32>} : memref<16x32x128xf32, #tpu.memory_space<vmem>>, vector<1x1x16xf32>,
        %swap3A_1076 = vector.shape_cast %swap3A_1075 : vector<1x1x16xf32> to vector<16xf32>
        %swap3A_1077 = vector.shape_cast %get3A_511 : vector<16xf32> to vector<1x1x16xf32>
        tpu.vector_store %arg7[%swap3A_1072, %swap3A_1073, %swap3A_1074], %swap3A_1077 {strides = array<i32>} : memref<16x32x128xf32, #tpu.memory_space<vmem>>, vector<1x1x16xf32>,
        %swap3A_1078 = arith.constant 4 : i32
        %swap3A_1079 = arith.index_cast %swap3A_1078 : i32 to index
        %swap3A_1080 = arith.index_cast %scan3A_1029 : i32 to index
        %swap3A_1081 = arith.constant 112 : index
        %swap3A_1082 = tpu.vector_load %arg7[%swap3A_1079, %swap3A_1080, %swap3A_1081] {strides = array<i32>} : memref<16x32x128xf32, #tpu.memory_space<vmem>>, vector<1x1x16xf32>,
        %swap3A_1083 = vector.shape_cast %swap3A_1082 : vector<1x1x16xf32> to vector<16xf32>
        %swap3A_1084 = vector.shape_cast %get3A_516 : vector<16xf32> to vector<1x1x16xf32>
        tpu.vector_store %arg7[%swap3A_1079, %swap3A_1080, %swap3A_1081], %swap3A_1084 {strides = array<i32>} : memref<16x32x128xf32, #tpu.memory_space<vmem>>, vector<1x1x16xf32>,
      }
      %scan3A_522 = arith.constant 32 : i32
      %get3A_523 = arith.constant 5 : i32
      %get3A_524 = arith.index_cast %get3A_523 : i32 to index
      %get3A_525 = arith.constant 0 : index
      %get3A_526 = tpu.vector_load %arg5[%get3A_524, %get3A_525] {strides = array<i32>} : memref<16x128xf32, #tpu.memory_space<vmem>>, vector<1x16xf32>,
      %get3A_527 = vector.shape_cast %get3A_526 : vector<1x16xf32> to vector<16xf32>
      %get3A_528 = arith.constant 5 : i32
      %get3A_529 = arith.index_cast %get3A_528 : i32 to index
      %get3A_530 = arith.constant 16 : index
      %get3A_531 = tpu.vector_load %arg5[%get3A_529, %get3A_530] {strides = array<i32>} : memref<16x128xf32, #tpu.memory_space<vmem>>, vector<1x16xf32>,
      %get3A_532 = vector.shape_cast %get3A_531 : vector<1x16xf32> to vector<16xf32>
      %get3A_533 = arith.constant 5 : i32
      %get3A_534 = arith.index_cast %get3A_533 : i32 to index
      %get3A_535 = arith.constant 32 : index
      %get3A_536 = tpu.vector_load %arg5[%get3A_534, %get3A_535] {strides = array<i32>} : memref<16x128xf32, #tpu.memory_space<vmem>>, vector<1x16xf32>,
      %get3A_537 = vector.shape_cast %get3A_536 : vector<1x16xf32> to vector<16xf32>
      %get3A_538 = arith.constant 5 : i32
      %get3A_539 = arith.index_cast %get3A_538 : i32 to index
      %get3A_540 = arith.constant 48 : index
      %get3A_541 = tpu.vector_load %arg5[%get3A_539, %get3A_540] {strides = array<i32>} : memref<16x128xf32, #tpu.memory_space<vmem>>, vector<1x16xf32>,
      %get3A_542 = vector.shape_cast %get3A_541 : vector<1x16xf32> to vector<16xf32>
      %get3A_543 = arith.constant 5 : i32
      %get3A_544 = arith.index_cast %get3A_543 : i32 to index
      %get3A_545 = arith.constant 64 : index
      %get3A_546 = tpu.vector_load %arg5[%get3A_544, %get3A_545] {strides = array<i32>} : memref<16x128xf32, #tpu.memory_space<vmem>>, vector<1x16xf32>,
      %get3A_547 = vector.shape_cast %get3A_546 : vector<1x16xf32> to vector<16xf32>
      %get3A_548 = arith.constant 5 : i32
      %get3A_549 = arith.index_cast %get3A_548 : i32 to index
      %get3A_550 = arith.constant 80 : index
      %get3A_551 = tpu.vector_load %arg5[%get3A_549, %get3A_550] {strides = array<i32>} : memref<16x128xf32, #tpu.memory_space<vmem>>, vector<1x16xf32>,
      %get3A_552 = vector.shape_cast %get3A_551 : vector<1x16xf32> to vector<16xf32>
      %get3A_553 = arith.constant 5 : i32
      %get3A_554 = arith.index_cast %get3A_553 : i32 to index
      %get3A_555 = arith.constant 96 : index
      %get3A_556 = tpu.vector_load %arg5[%get3A_554, %get3A_555] {strides = array<i32>} : memref<16x128xf32, #tpu.memory_space<vmem>>, vector<1x16xf32>,
      %get3A_557 = vector.shape_cast %get3A_556 : vector<1x16xf32> to vector<16xf32>
      %get3A_558 = arith.constant 5 : i32
      %get3A_559 = arith.index_cast %get3A_558 : i32 to index
      %get3A_560 = arith.constant 112 : index
      %get3A_561 = tpu.vector_load %arg5[%get3A_559, %get3A_560] {strides = array<i32>} : memref<16x128xf32, #tpu.memory_space<vmem>>, vector<1x16xf32>,
      %get3A_562 = vector.shape_cast %get3A_561 : vector<1x16xf32> to vector<16xf32>
      %scan3A_563 = arith.constant 0 : i32
      %scan3A_564 = arith.constant 0 : i32
      %scan3A_565 = arith.constant 32 : i32
      %scan3A_566 = arith.addi %scan3A_564, %scan3A_565 : i32
      %scan3A_567 = arith.constant 1 : i32
      scf.for %scan3A_1029 = %scan3A_564 to %scan3A_566 step %scan3A_567  : i32 {
        %swap3A = arith.constant 5 : i32
        %swap3A_1030 = arith.index_cast %swap3A : i32 to index
        %swap3A_1031 = arith.index_cast %scan3A_1029 : i32 to index
        %swap3A_1032 = arith.constant 0 : index
        %swap3A_1033 = tpu.vector_load %arg7[%swap3A_1030, %swap3A_1031, %swap3A_1032] {strides = array<i32>} : memref<16x32x128xf32, #tpu.memory_space<vmem>>, vector<1x1x16xf32>,
        %swap3A_1034 = vector.shape_cast %swap3A_1033 : vector<1x1x16xf32> to vector<16xf32>
        %swap3A_1035 = vector.shape_cast %get3A_527 : vector<16xf32> to vector<1x1x16xf32>
        tpu.vector_store %arg7[%swap3A_1030, %swap3A_1031, %swap3A_1032], %swap3A_1035 {strides = array<i32>} : memref<16x32x128xf32, #tpu.memory_space<vmem>>, vector<1x1x16xf32>,
        %swap3A_1036 = arith.constant 5 : i32
        %swap3A_1037 = arith.index_cast %swap3A_1036 : i32 to index
        %swap3A_1038 = arith.index_cast %scan3A_1029 : i32 to index
        %swap3A_1039 = arith.constant 16 : index
        %swap3A_1040 = tpu.vector_load %arg7[%swap3A_1037, %swap3A_1038, %swap3A_1039] {strides = array<i32>} : memref<16x32x128xf32, #tpu.memory_space<vmem>>, vector<1x1x16xf32>,
        %swap3A_1041 = vector.shape_cast %swap3A_1040 : vector<1x1x16xf32> to vector<16xf32>
        %swap3A_1042 = vector.shape_cast %get3A_532 : vector<16xf32> to vector<1x1x16xf32>
        tpu.vector_store %arg7[%swap3A_1037, %swap3A_1038, %swap3A_1039], %swap3A_1042 {strides = array<i32>} : memref<16x32x128xf32, #tpu.memory_space<vmem>>, vector<1x1x16xf32>,
        %swap3A_1043 = arith.constant 5 : i32
        %swap3A_1044 = arith.index_cast %swap3A_1043 : i32 to index
        %swap3A_1045 = arith.index_cast %scan3A_1029 : i32 to index
        %swap3A_1046 = arith.constant 32 : index
        %swap3A_1047 = tpu.vector_load %arg7[%swap3A_1044, %swap3A_1045, %swap3A_1046] {strides = array<i32>} : memref<16x32x128xf32, #tpu.memory_space<vmem>>, vector<1x1x16xf32>,
        %swap3A_1048 = vector.shape_cast %swap3A_1047 : vector<1x1x16xf32> to vector<16xf32>
        %swap3A_1049 = vector.shape_cast %get3A_537 : vector<16xf32> to vector<1x1x16xf32>
        tpu.vector_store %arg7[%swap3A_1044, %swap3A_1045, %swap3A_1046], %swap3A_1049 {strides = array<i32>} : memref<16x32x128xf32, #tpu.memory_space<vmem>>, vector<1x1x16xf32>,
        %swap3A_1050 = arith.constant 5 : i32
        %swap3A_1051 = arith.index_cast %swap3A_1050 : i32 to index
        %swap3A_1052 = arith.index_cast %scan3A_1029 : i32 to index
        %swap3A_1053 = arith.constant 48 : index
        %swap3A_1054 = tpu.vector_load %arg7[%swap3A_1051, %swap3A_1052, %swap3A_1053] {strides = array<i32>} : memref<16x32x128xf32, #tpu.memory_space<vmem>>, vector<1x1x16xf32>,
        %swap3A_1055 = vector.shape_cast %swap3A_1054 : vector<1x1x16xf32> to vector<16xf32>
        %swap3A_1056 = vector.shape_cast %get3A_542 : vector<16xf32> to vector<1x1x16xf32>
        tpu.vector_store %arg7[%swap3A_1051, %swap3A_1052, %swap3A_1053], %swap3A_1056 {strides = array<i32>} : memref<16x32x128xf32, #tpu.memory_space<vmem>>, vector<1x1x16xf32>,
        %swap3A_1057 = arith.constant 5 : i32
        %swap3A_1058 = arith.index_cast %swap3A_1057 : i32 to index
        %swap3A_1059 = arith.index_cast %scan3A_1029 : i32 to index
        %swap3A_1060 = arith.constant 64 : index
        %swap3A_1061 = tpu.vector_load %arg7[%swap3A_1058, %swap3A_1059, %swap3A_1060] {strides = array<i32>} : memref<16x32x128xf32, #tpu.memory_space<vmem>>, vector<1x1x16xf32>,
        %swap3A_1062 = vector.shape_cast %swap3A_1061 : vector<1x1x16xf32> to vector<16xf32>
        %swap3A_1063 = vector.shape_cast %get3A_547 : vector<16xf32> to vector<1x1x16xf32>
        tpu.vector_store %arg7[%swap3A_1058, %swap3A_1059, %swap3A_1060], %swap3A_1063 {strides = array<i32>} : memref<16x32x128xf32, #tpu.memory_space<vmem>>, vector<1x1x16xf32>,
        %swap3A_1064 = arith.constant 5 : i32
        %swap3A_1065 = arith.index_cast %swap3A_1064 : i32 to index
        %swap3A_1066 = arith.index_cast %scan3A_1029 : i32 to index
        %swap3A_1067 = arith.constant 80 : index
        %swap3A_1068 = tpu.vector_load %arg7[%swap3A_1065, %swap3A_1066, %swap3A_1067] {strides = array<i32>} : memref<16x32x128xf32, #tpu.memory_space<vmem>>, vector<1x1x16xf32>,
        %swap3A_1069 = vector.shape_cast %swap3A_1068 : vector<1x1x16xf32> to vector<16xf32>
        %swap3A_1070 = vector.shape_cast %get3A_552 : vector<16xf32> to vector<1x1x16xf32>
        tpu.vector_store %arg7[%swap3A_1065, %swap3A_1066, %swap3A_1067], %swap3A_1070 {strides = array<i32>} : memref<16x32x128xf32, #tpu.memory_space<vmem>>, vector<1x1x16xf32>,
        %swap3A_1071 = arith.constant 5 : i32
        %swap3A_1072 = arith.index_cast %swap3A_1071 : i32 to index
        %swap3A_1073 = arith.index_cast %scan3A_1029 : i32 to index
        %swap3A_1074 = arith.constant 96 : index
        %swap3A_1075 = tpu.vector_load %arg7[%swap3A_1072, %swap3A_1073, %swap3A_1074] {strides = array<i32>} : memref<16x32x128xf32, #tpu.memory_space<vmem>>, vector<1x1x16xf32>,
        %swap3A_1076 = vector.shape_cast %swap3A_1075 : vector<1x1x16xf32> to vector<16xf32>
        %swap3A_1077 = vector.shape_cast %get3A_557 : vector<16xf32> to vector<1x1x16xf32>
        tpu.vector_store %arg7[%swap3A_1072, %swap3A_1073, %swap3A_1074], %swap3A_1077 {strides = array<i32>} : memref<16x32x128xf32, #tpu.memory_space<vmem>>, vector<1x1x16xf32>,
        %swap3A_1078 = arith.constant 5 : i32
        %swap3A_1079 = arith.index_cast %swap3A_1078 : i32 to index
        %swap3A_1080 = arith.index_cast %scan3A_1029 : i32 to index
        %swap3A_1081 = arith.constant 112 : index
        %swap3A_1082 = tpu.vector_load %arg7[%swap3A_1079, %swap3A_1080, %swap3A_1081] {strides = array<i32>} : memref<16x32x128xf32, #tpu.memory_space<vmem>>, vector<1x1x16xf32>,
        %swap3A_1083 = vector.shape_cast %swap3A_1082 : vector<1x1x16xf32> to vector<16xf32>
        %swap3A_1084 = vector.shape_cast %get3A_562 : vector<16xf32> to vector<1x1x16xf32>
        tpu.vector_store %arg7[%swap3A_1079, %swap3A_1080, %swap3A_1081], %swap3A_1084 {strides = array<i32>} : memref<16x32x128xf32, #tpu.memory_space<vmem>>, vector<1x1x16xf32>,
      }
      %scan3A_568 = arith.constant 32 : i32
      %get3A_569 = arith.constant 6 : i32
      %get3A_570 = arith.index_cast %get3A_569 : i32 to index
      %get3A_571 = arith.constant 0 : index
      %get3A_572 = tpu.vector_load %arg5[%get3A_570, %get3A_571] {strides = array<i32>} : memref<16x128xf32, #tpu.memory_space<vmem>>, vector<1x16xf32>,
      %get3A_573 = vector.shape_cast %get3A_572 : vector<1x16xf32> to vector<16xf32>
      %get3A_574 = arith.constant 6 : i32
      %get3A_575 = arith.index_cast %get3A_574 : i32 to index
      %get3A_576 = arith.constant 16 : index
      %get3A_577 = tpu.vector_load %arg5[%get3A_575, %get3A_576] {strides = array<i32>} : memref<16x128xf32, #tpu.memory_space<vmem>>, vector<1x16xf32>,
      %get3A_578 = vector.shape_cast %get3A_577 : vector<1x16xf32> to vector<16xf32>
      %get3A_579 = arith.constant 6 : i32
      %get3A_580 = arith.index_cast %get3A_579 : i32 to index
      %get3A_581 = arith.constant 32 : index
      %get3A_582 = tpu.vector_load %arg5[%get3A_580, %get3A_581] {strides = array<i32>} : memref<16x128xf32, #tpu.memory_space<vmem>>, vector<1x16xf32>,
      %get3A_583 = vector.shape_cast %get3A_582 : vector<1x16xf32> to vector<16xf32>
      %get3A_584 = arith.constant 6 : i32
      %get3A_585 = arith.index_cast %get3A_584 : i32 to index
      %get3A_586 = arith.constant 48 : index
      %get3A_587 = tpu.vector_load %arg5[%get3A_585, %get3A_586] {strides = array<i32>} : memref<16x128xf32, #tpu.memory_space<vmem>>, vector<1x16xf32>,
      %get3A_588 = vector.shape_cast %get3A_587 : vector<1x16xf32> to vector<16xf32>
      %get3A_589 = arith.constant 6 : i32
      %get3A_590 = arith.index_cast %get3A_589 : i32 to index
      %get3A_591 = arith.constant 64 : index
      %get3A_592 = tpu.vector_load %arg5[%get3A_590, %get3A_591] {strides = array<i32>} : memref<16x128xf32, #tpu.memory_space<vmem>>, vector<1x16xf32>,
      %get3A_593 = vector.shape_cast %get3A_592 : vector<1x16xf32> to vector<16xf32>
      %get3A_594 = arith.constant 6 : i32
      %get3A_595 = arith.index_cast %get3A_594 : i32 to index
      %get3A_596 = arith.constant 80 : index
      %get3A_597 = tpu.vector_load %arg5[%get3A_595, %get3A_596] {strides = array<i32>} : memref<16x128xf32, #tpu.memory_space<vmem>>, vector<1x16xf32>,
      %get3A_598 = vector.shape_cast %get3A_597 : vector<1x16xf32> to vector<16xf32>
      %get3A_599 = arith.constant 6 : i32
      %get3A_600 = arith.index_cast %get3A_599 : i32 to index
      %get3A_601 = arith.constant 96 : index
      %get3A_602 = tpu.vector_load %arg5[%get3A_600, %get3A_601] {strides = array<i32>} : memref<16x128xf32, #tpu.memory_space<vmem>>, vector<1x16xf32>,
      %get3A_603 = vector.shape_cast %get3A_602 : vector<1x16xf32> to vector<16xf32>
      %get3A_604 = arith.constant 6 : i32
      %get3A_605 = arith.index_cast %get3A_604 : i32 to index
      %get3A_606 = arith.constant 112 : index
      %get3A_607 = tpu.vector_load %arg5[%get3A_605, %get3A_606] {strides = array<i32>} : memref<16x128xf32, #tpu.memory_space<vmem>>, vector<1x16xf32>,
      %get3A_608 = vector.shape_cast %get3A_607 : vector<1x16xf32> to vector<16xf32>
      %scan3A_609 = arith.constant 0 : i32
      %scan3A_610 = arith.constant 0 : i32
      %scan3A_611 = arith.constant 32 : i32
      %scan3A_612 = arith.addi %scan3A_610, %scan3A_611 : i32
      %scan3A_613 = arith.constant 1 : i32
      scf.for %scan3A_1029 = %scan3A_610 to %scan3A_612 step %scan3A_613  : i32 {
        %swap3A = arith.constant 6 : i32
        %swap3A_1030 = arith.index_cast %swap3A : i32 to index
        %swap3A_1031 = arith.index_cast %scan3A_1029 : i32 to index
        %swap3A_1032 = arith.constant 0 : index
        %swap3A_1033 = tpu.vector_load %arg7[%swap3A_1030, %swap3A_1031, %swap3A_1032] {strides = array<i32>} : memref<16x32x128xf32, #tpu.memory_space<vmem>>, vector<1x1x16xf32>,
        %swap3A_1034 = vector.shape_cast %swap3A_1033 : vector<1x1x16xf32> to vector<16xf32>
        %swap3A_1035 = vector.shape_cast %get3A_573 : vector<16xf32> to vector<1x1x16xf32>
        tpu.vector_store %arg7[%swap3A_1030, %swap3A_1031, %swap3A_1032], %swap3A_1035 {strides = array<i32>} : memref<16x32x128xf32, #tpu.memory_space<vmem>>, vector<1x1x16xf32>,
        %swap3A_1036 = arith.constant 6 : i32
        %swap3A_1037 = arith.index_cast %swap3A_1036 : i32 to index
        %swap3A_1038 = arith.index_cast %scan3A_1029 : i32 to index
        %swap3A_1039 = arith.constant 16 : index
        %swap3A_1040 = tpu.vector_load %arg7[%swap3A_1037, %swap3A_1038, %swap3A_1039] {strides = array<i32>} : memref<16x32x128xf32, #tpu.memory_space<vmem>>, vector<1x1x16xf32>,
        %swap3A_1041 = vector.shape_cast %swap3A_1040 : vector<1x1x16xf32> to vector<16xf32>
        %swap3A_1042 = vector.shape_cast %get3A_578 : vector<16xf32> to vector<1x1x16xf32>
        tpu.vector_store %arg7[%swap3A_1037, %swap3A_1038, %swap3A_1039], %swap3A_1042 {strides = array<i32>} : memref<16x32x128xf32, #tpu.memory_space<vmem>>, vector<1x1x16xf32>,
        %swap3A_1043 = arith.constant 6 : i32
        %swap3A_1044 = arith.index_cast %swap3A_1043 : i32 to index
        %swap3A_1045 = arith.index_cast %scan3A_1029 : i32 to index
        %swap3A_1046 = arith.constant 32 : index
        %swap3A_1047 = tpu.vector_load %arg7[%swap3A_1044, %swap3A_1045, %swap3A_1046] {strides = array<i32>} : memref<16x32x128xf32, #tpu.memory_space<vmem>>, vector<1x1x16xf32>,
        %swap3A_1048 = vector.shape_cast %swap3A_1047 : vector<1x1x16xf32> to vector<16xf32>
        %swap3A_1049 = vector.shape_cast %get3A_583 : vector<16xf32> to vector<1x1x16xf32>
        tpu.vector_store %arg7[%swap3A_1044, %swap3A_1045, %swap3A_1046], %swap3A_1049 {strides = array<i32>} : memref<16x32x128xf32, #tpu.memory_space<vmem>>, vector<1x1x16xf32>,
        %swap3A_1050 = arith.constant 6 : i32
        %swap3A_1051 = arith.index_cast %swap3A_1050 : i32 to index
        %swap3A_1052 = arith.index_cast %scan3A_1029 : i32 to index
        %swap3A_1053 = arith.constant 48 : index
        %swap3A_1054 = tpu.vector_load %arg7[%swap3A_1051, %swap3A_1052, %swap3A_1053] {strides = array<i32>} : memref<16x32x128xf32, #tpu.memory_space<vmem>>, vector<1x1x16xf32>,
        %swap3A_1055 = vector.shape_cast %swap3A_1054 : vector<1x1x16xf32> to vector<16xf32>
        %swap3A_1056 = vector.shape_cast %get3A_588 : vector<16xf32> to vector<1x1x16xf32>
        tpu.vector_store %arg7[%swap3A_1051, %swap3A_1052, %swap3A_1053], %swap3A_1056 {strides = array<i32>} : memref<16x32x128xf32, #tpu.memory_space<vmem>>, vector<1x1x16xf32>,
        %swap3A_1057 = arith.constant 6 : i32
        %swap3A_1058 = arith.index_cast %swap3A_1057 : i32 to index
        %swap3A_1059 = arith.index_cast %scan3A_1029 : i32 to index
        %swap3A_1060 = arith.constant 64 : index
        %swap3A_1061 = tpu.vector_load %arg7[%swap3A_1058, %swap3A_1059, %swap3A_1060] {strides = array<i32>} : memref<16x32x128xf32, #tpu.memory_space<vmem>>, vector<1x1x16xf32>,
        %swap3A_1062 = vector.shape_cast %swap3A_1061 : vector<1x1x16xf32> to vector<16xf32>
        %swap3A_1063 = vector.shape_cast %get3A_593 : vector<16xf32> to vector<1x1x16xf32>
        tpu.vector_store %arg7[%swap3A_1058, %swap3A_1059, %swap3A_1060], %swap3A_1063 {strides = array<i32>} : memref<16x32x128xf32, #tpu.memory_space<vmem>>, vector<1x1x16xf32>,
        %swap3A_1064 = arith.constant 6 : i32
        %swap3A_1065 = arith.index_cast %swap3A_1064 : i32 to index
        %swap3A_1066 = arith.index_cast %scan3A_1029 : i32 to index
        %swap3A_1067 = arith.constant 80 : index
        %swap3A_1068 = tpu.vector_load %arg7[%swap3A_1065, %swap3A_1066, %swap3A_1067] {strides = array<i32>} : memref<16x32x128xf32, #tpu.memory_space<vmem>>, vector<1x1x16xf32>,
        %swap3A_1069 = vector.shape_cast %swap3A_1068 : vector<1x1x16xf32> to vector<16xf32>
        %swap3A_1070 = vector.shape_cast %get3A_598 : vector<16xf32> to vector<1x1x16xf32>
        tpu.vector_store %arg7[%swap3A_1065, %swap3A_1066, %swap3A_1067], %swap3A_1070 {strides = array<i32>} : memref<16x32x128xf32, #tpu.memory_space<vmem>>, vector<1x1x16xf32>,
        %swap3A_1071 = arith.constant 6 : i32
        %swap3A_1072 = arith.index_cast %swap3A_1071 : i32 to index
        %swap3A_1073 = arith.index_cast %scan3A_1029 : i32 to index
        %swap3A_1074 = arith.constant 96 : index
        %swap3A_1075 = tpu.vector_load %arg7[%swap3A_1072, %swap3A_1073, %swap3A_1074] {strides = array<i32>} : memref<16x32x128xf32, #tpu.memory_space<vmem>>, vector<1x1x16xf32>,
        %swap3A_1076 = vector.shape_cast %swap3A_1075 : vector<1x1x16xf32> to vector<16xf32>
        %swap3A_1077 = vector.shape_cast %get3A_603 : vector<16xf32> to vector<1x1x16xf32>
        tpu.vector_store %arg7[%swap3A_1072, %swap3A_1073, %swap3A_1074], %swap3A_1077 {strides = array<i32>} : memref<16x32x128xf32, #tpu.memory_space<vmem>>, vector<1x1x16xf32>,
        %swap3A_1078 = arith.constant 6 : i32
        %swap3A_1079 = arith.index_cast %swap3A_1078 : i32 to index
        %swap3A_1080 = arith.index_cast %scan3A_1029 : i32 to index
        %swap3A_1081 = arith.constant 112 : index
        %swap3A_1082 = tpu.vector_load %arg7[%swap3A_1079, %swap3A_1080, %swap3A_1081] {strides = array<i32>} : memref<16x32x128xf32, #tpu.memory_space<vmem>>, vector<1x1x16xf32>,
        %swap3A_1083 = vector.shape_cast %swap3A_1082 : vector<1x1x16xf32> to vector<16xf32>
        %swap3A_1084 = vector.shape_cast %get3A_608 : vector<16xf32> to vector<1x1x16xf32>
        tpu.vector_store %arg7[%swap3A_1079, %swap3A_1080, %swap3A_1081], %swap3A_1084 {strides = array<i32>} : memref<16x32x128xf32, #tpu.memory_space<vmem>>, vector<1x1x16xf32>,
      }
      %scan3A_614 = arith.constant 32 : i32
      %get3A_615 = arith.constant 7 : i32
      %get3A_616 = arith.index_cast %get3A_615 : i32 to index
      %get3A_617 = arith.constant 0 : index
      %get3A_618 = tpu.vector_load %arg5[%get3A_616, %get3A_617] {strides = array<i32>} : memref<16x128xf32, #tpu.memory_space<vmem>>, vector<1x16xf32>,
      %get3A_619 = vector.shape_cast %get3A_618 : vector<1x16xf32> to vector<16xf32>
      %get3A_620 = arith.constant 7 : i32
      %get3A_621 = arith.index_cast %get3A_620 : i32 to index
      %get3A_622 = arith.constant 16 : index
      %get3A_623 = tpu.vector_load %arg5[%get3A_621, %get3A_622] {strides = array<i32>} : memref<16x128xf32, #tpu.memory_space<vmem>>, vector<1x16xf32>,
      %get3A_624 = vector.shape_cast %get3A_623 : vector<1x16xf32> to vector<16xf32>
      %get3A_625 = arith.constant 7 : i32
      %get3A_626 = arith.index_cast %get3A_625 : i32 to index
      %get3A_627 = arith.constant 32 : index
      %get3A_628 = tpu.vector_load %arg5[%get3A_626, %get3A_627] {strides = array<i32>} : memref<16x128xf32, #tpu.memory_space<vmem>>, vector<1x16xf32>,
      %get3A_629 = vector.shape_cast %get3A_628 : vector<1x16xf32> to vector<16xf32>
      %get3A_630 = arith.constant 7 : i32
      %get3A_631 = arith.index_cast %get3A_630 : i32 to index
      %get3A_632 = arith.constant 48 : index
      %get3A_633 = tpu.vector_load %arg5[%get3A_631, %get3A_632] {strides = array<i32>} : memref<16x128xf32, #tpu.memory_space<vmem>>, vector<1x16xf32>,
      %get3A_634 = vector.shape_cast %get3A_633 : vector<1x16xf32> to vector<16xf32>
      %get3A_635 = arith.constant 7 : i32
      %get3A_636 = arith.index_cast %get3A_635 : i32 to index
      %get3A_637 = arith.constant 64 : index
      %get3A_638 = tpu.vector_load %arg5[%get3A_636, %get3A_637] {strides = array<i32>} : memref<16x128xf32, #tpu.memory_space<vmem>>, vector<1x16xf32>,
      %get3A_639 = vector.shape_cast %get3A_638 : vector<1x16xf32> to vector<16xf32>
      %get3A_640 = arith.constant 7 : i32
      %get3A_641 = arith.index_cast %get3A_640 : i32 to index
      %get3A_642 = arith.constant 80 : index
      %get3A_643 = tpu.vector_load %arg5[%get3A_641, %get3A_642] {strides = array<i32>} : memref<16x128xf32, #tpu.memory_space<vmem>>, vector<1x16xf32>,
      %get3A_644 = vector.shape_cast %get3A_643 : vector<1x16xf32> to vector<16xf32>
      %get3A_645 = arith.constant 7 : i32
      %get3A_646 = arith.index_cast %get3A_645 : i32 to index
      %get3A_647 = arith.constant 96 : index
      %get3A_648 = tpu.vector_load %arg5[%get3A_646, %get3A_647] {strides = array<i32>} : memref<16x128xf32, #tpu.memory_space<vmem>>, vector<1x16xf32>,
      %get3A_649 = vector.shape_cast %get3A_648 : vector<1x16xf32> to vector<16xf32>
      %get3A_650 = arith.constant 7 : i32
      %get3A_651 = arith.index_cast %get3A_650 : i32 to index
      %get3A_652 = arith.constant 112 : index
      %get3A_653 = tpu.vector_load %arg5[%get3A_651, %get3A_652] {strides = array<i32>} : memref<16x128xf32, #tpu.memory_space<vmem>>, vector<1x16xf32>,
      %get3A_654 = vector.shape_cast %get3A_653 : vector<1x16xf32> to vector<16xf32>
      %scan3A_655 = arith.constant 0 : i32
      %scan3A_656 = arith.constant 0 : i32
      %scan3A_657 = arith.constant 32 : i32
      %scan3A_658 = arith.addi %scan3A_656, %scan3A_657 : i32
      %scan3A_659 = arith.constant 1 : i32
      scf.for %scan3A_1029 = %scan3A_656 to %scan3A_658 step %scan3A_659  : i32 {
        %swap3A = arith.constant 7 : i32
        %swap3A_1030 = arith.index_cast %swap3A : i32 to index
        %swap3A_1031 = arith.index_cast %scan3A_1029 : i32 to index
        %swap3A_1032 = arith.constant 0 : index
        %swap3A_1033 = tpu.vector_load %arg7[%swap3A_1030, %swap3A_1031, %swap3A_1032] {strides = array<i32>} : memref<16x32x128xf32, #tpu.memory_space<vmem>>, vector<1x1x16xf32>,
        %swap3A_1034 = vector.shape_cast %swap3A_1033 : vector<1x1x16xf32> to vector<16xf32>
        %swap3A_1035 = vector.shape_cast %get3A_619 : vector<16xf32> to vector<1x1x16xf32>
        tpu.vector_store %arg7[%swap3A_1030, %swap3A_1031, %swap3A_1032], %swap3A_1035 {strides = array<i32>} : memref<16x32x128xf32, #tpu.memory_space<vmem>>, vector<1x1x16xf32>,
        %swap3A_1036 = arith.constant 7 : i32
        %swap3A_1037 = arith.index_cast %swap3A_1036 : i32 to index
        %swap3A_1038 = arith.index_cast %scan3A_1029 : i32 to index
        %swap3A_1039 = arith.constant 16 : index
        %swap3A_1040 = tpu.vector_load %arg7[%swap3A_1037, %swap3A_1038, %swap3A_1039] {strides = array<i32>} : memref<16x32x128xf32, #tpu.memory_space<vmem>>, vector<1x1x16xf32>,
        %swap3A_1041 = vector.shape_cast %swap3A_1040 : vector<1x1x16xf32> to vector<16xf32>
        %swap3A_1042 = vector.shape_cast %get3A_624 : vector<16xf32> to vector<1x1x16xf32>
        tpu.vector_store %arg7[%swap3A_1037, %swap3A_1038, %swap3A_1039], %swap3A_1042 {strides = array<i32>} : memref<16x32x128xf32, #tpu.memory_space<vmem>>, vector<1x1x16xf32>,
        %swap3A_1043 = arith.constant 7 : i32
        %swap3A_1044 = arith.index_cast %swap3A_1043 : i32 to index
        %swap3A_1045 = arith.index_cast %scan3A_1029 : i32 to index
        %swap3A_1046 = arith.constant 32 : index
        %swap3A_1047 = tpu.vector_load %arg7[%swap3A_1044, %swap3A_1045, %swap3A_1046] {strides = array<i32>} : memref<16x32x128xf32, #tpu.memory_space<vmem>>, vector<1x1x16xf32>,
        %swap3A_1048 = vector.shape_cast %swap3A_1047 : vector<1x1x16xf32> to vector<16xf32>
        %swap3A_1049 = vector.shape_cast %get3A_629 : vector<16xf32> to vector<1x1x16xf32>
        tpu.vector_store %arg7[%swap3A_1044, %swap3A_1045, %swap3A_1046], %swap3A_1049 {strides = array<i32>} : memref<16x32x128xf32, #tpu.memory_space<vmem>>, vector<1x1x16xf32>,
        %swap3A_1050 = arith.constant 7 : i32
        %swap3A_1051 = arith.index_cast %swap3A_1050 : i32 to index
        %swap3A_1052 = arith.index_cast %scan3A_1029 : i32 to index
        %swap3A_1053 = arith.constant 48 : index
        %swap3A_1054 = tpu.vector_load %arg7[%swap3A_1051, %swap3A_1052, %swap3A_1053] {strides = array<i32>} : memref<16x32x128xf32, #tpu.memory_space<vmem>>, vector<1x1x16xf32>,
        %swap3A_1055 = vector.shape_cast %swap3A_1054 : vector<1x1x16xf32> to vector<16xf32>
        %swap3A_1056 = vector.shape_cast %get3A_634 : vector<16xf32> to vector<1x1x16xf32>
        tpu.vector_store %arg7[%swap3A_1051, %swap3A_1052, %swap3A_1053], %swap3A_1056 {strides = array<i32>} : memref<16x32x128xf32, #tpu.memory_space<vmem>>, vector<1x1x16xf32>,
        %swap3A_1057 = arith.constant 7 : i32
        %swap3A_1058 = arith.index_cast %swap3A_1057 : i32 to index
        %swap3A_1059 = arith.index_cast %scan3A_1029 : i32 to index
        %swap3A_1060 = arith.constant 64 : index
        %swap3A_1061 = tpu.vector_load %arg7[%swap3A_1058, %swap3A_1059, %swap3A_1060] {strides = array<i32>} : memref<16x32x128xf32, #tpu.memory_space<vmem>>, vector<1x1x16xf32>,
        %swap3A_1062 = vector.shape_cast %swap3A_1061 : vector<1x1x16xf32> to vector<16xf32>
        %swap3A_1063 = vector.shape_cast %get3A_639 : vector<16xf32> to vector<1x1x16xf32>
        tpu.vector_store %arg7[%swap3A_1058, %swap3A_1059, %swap3A_1060], %swap3A_1063 {strides = array<i32>} : memref<16x32x128xf32, #tpu.memory_space<vmem>>, vector<1x1x16xf32>,
        %swap3A_1064 = arith.constant 7 : i32
        %swap3A_1065 = arith.index_cast %swap3A_1064 : i32 to index
        %swap3A_1066 = arith.index_cast %scan3A_1029 : i32 to index
        %swap3A_1067 = arith.constant 80 : index
        %swap3A_1068 = tpu.vector_load %arg7[%swap3A_1065, %swap3A_1066, %swap3A_1067] {strides = array<i32>} : memref<16x32x128xf32, #tpu.memory_space<vmem>>, vector<1x1x16xf32>,
        %swap3A_1069 = vector.shape_cast %swap3A_1068 : vector<1x1x16xf32> to vector<16xf32>
        %swap3A_1070 = vector.shape_cast %get3A_644 : vector<16xf32> to vector<1x1x16xf32>
        tpu.vector_store %arg7[%swap3A_1065, %swap3A_1066, %swap3A_1067], %swap3A_1070 {strides = array<i32>} : memref<16x32x128xf32, #tpu.memory_space<vmem>>, vector<1x1x16xf32>,
        %swap3A_1071 = arith.constant 7 : i32
        %swap3A_1072 = arith.index_cast %swap3A_1071 : i32 to index
        %swap3A_1073 = arith.index_cast %scan3A_1029 : i32 to index
        %swap3A_1074 = arith.constant 96 : index
        %swap3A_1075 = tpu.vector_load %arg7[%swap3A_1072, %swap3A_1073, %swap3A_1074] {strides = array<i32>} : memref<16x32x128xf32, #tpu.memory_space<vmem>>, vector<1x1x16xf32>,
        %swap3A_1076 = vector.shape_cast %swap3A_1075 : vector<1x1x16xf32> to vector<16xf32>
        %swap3A_1077 = vector.shape_cast %get3A_649 : vector<16xf32> to vector<1x1x16xf32>
        tpu.vector_store %arg7[%swap3A_1072, %swap3A_1073, %swap3A_1074], %swap3A_1077 {strides = array<i32>} : memref<16x32x128xf32, #tpu.memory_space<vmem>>, vector<1x1x16xf32>,
        %swap3A_1078 = arith.constant 7 : i32
        %swap3A_1079 = arith.index_cast %swap3A_1078 : i32 to index
        %swap3A_1080 = arith.index_cast %scan3A_1029 : i32 to index
        %swap3A_1081 = arith.constant 112 : index
        %swap3A_1082 = tpu.vector_load %arg7[%swap3A_1079, %swap3A_1080, %swap3A_1081] {strides = array<i32>} : memref<16x32x128xf32, #tpu.memory_space<vmem>>, vector<1x1x16xf32>,
        %swap3A_1083 = vector.shape_cast %swap3A_1082 : vector<1x1x16xf32> to vector<16xf32>
        %swap3A_1084 = vector.shape_cast %get3A_654 : vector<16xf32> to vector<1x1x16xf32>
        tpu.vector_store %arg7[%swap3A_1079, %swap3A_1080, %swap3A_1081], %swap3A_1084 {strides = array<i32>} : memref<16x32x128xf32, #tpu.memory_space<vmem>>, vector<1x1x16xf32>,
      }
      %scan3A_660 = arith.constant 32 : i32
      %get3A_661 = arith.constant 8 : i32
      %get3A_662 = arith.index_cast %get3A_661 : i32 to index
      %get3A_663 = arith.constant 0 : index
      %get3A_664 = tpu.vector_load %arg5[%get3A_662, %get3A_663] {strides = array<i32>} : memref<16x128xf32, #tpu.memory_space<vmem>>, vector<1x16xf32>,
      %get3A_665 = vector.shape_cast %get3A_664 : vector<1x16xf32> to vector<16xf32>
      %get3A_666 = arith.constant 8 : i32
      %get3A_667 = arith.index_cast %get3A_666 : i32 to index
      %get3A_668 = arith.constant 16 : index
      %get3A_669 = tpu.vector_load %arg5[%get3A_667, %get3A_668] {strides = array<i32>} : memref<16x128xf32, #tpu.memory_space<vmem>>, vector<1x16xf32>,
      %get3A_670 = vector.shape_cast %get3A_669 : vector<1x16xf32> to vector<16xf32>
      %get3A_671 = arith.constant 8 : i32
      %get3A_672 = arith.index_cast %get3A_671 : i32 to index
      %get3A_673 = arith.constant 32 : index
      %get3A_674 = tpu.vector_load %arg5[%get3A_672, %get3A_673] {strides = array<i32>} : memref<16x128xf32, #tpu.memory_space<vmem>>, vector<1x16xf32>,
      %get3A_675 = vector.shape_cast %get3A_674 : vector<1x16xf32> to vector<16xf32>
      %get3A_676 = arith.constant 8 : i32
      %get3A_677 = arith.index_cast %get3A_676 : i32 to index
      %get3A_678 = arith.constant 48 : index
      %get3A_679 = tpu.vector_load %arg5[%get3A_677, %get3A_678] {strides = array<i32>} : memref<16x128xf32, #tpu.memory_space<vmem>>, vector<1x16xf32>,
      %get3A_680 = vector.shape_cast %get3A_679 : vector<1x16xf32> to vector<16xf32>
      %get3A_681 = arith.constant 8 : i32
      %get3A_682 = arith.index_cast %get3A_681 : i32 to index
      %get3A_683 = arith.constant 64 : index
      %get3A_684 = tpu.vector_load %arg5[%get3A_682, %get3A_683] {strides = array<i32>} : memref<16x128xf32, #tpu.memory_space<vmem>>, vector<1x16xf32>,
      %get3A_685 = vector.shape_cast %get3A_684 : vector<1x16xf32> to vector<16xf32>
      %get3A_686 = arith.constant 8 : i32
      %get3A_687 = arith.index_cast %get3A_686 : i32 to index
      %get3A_688 = arith.constant 80 : index
      %get3A_689 = tpu.vector_load %arg5[%get3A_687, %get3A_688] {strides = array<i32>} : memref<16x128xf32, #tpu.memory_space<vmem>>, vector<1x16xf32>,
      %get3A_690 = vector.shape_cast %get3A_689 : vector<1x16xf32> to vector<16xf32>
      %get3A_691 = arith.constant 8 : i32
      %get3A_692 = arith.index_cast %get3A_691 : i32 to index
      %get3A_693 = arith.constant 96 : index
      %get3A_694 = tpu.vector_load %arg5[%get3A_692, %get3A_693] {strides = array<i32>} : memref<16x128xf32, #tpu.memory_space<vmem>>, vector<1x16xf32>,
      %get3A_695 = vector.shape_cast %get3A_694 : vector<1x16xf32> to vector<16xf32>
      %get3A_696 = arith.constant 8 : i32
      %get3A_697 = arith.index_cast %get3A_696 : i32 to index
      %get3A_698 = arith.constant 112 : index
      %get3A_699 = tpu.vector_load %arg5[%get3A_697, %get3A_698] {strides = array<i32>} : memref<16x128xf32, #tpu.memory_space<vmem>>, vector<1x16xf32>,
      %get3A_700 = vector.shape_cast %get3A_699 : vector<1x16xf32> to vector<16xf32>
      %scan3A_701 = arith.constant 0 : i32
      %scan3A_702 = arith.constant 0 : i32
      %scan3A_703 = arith.constant 32 : i32
      %scan3A_704 = arith.addi %scan3A_702, %scan3A_703 : i32
      %scan3A_705 = arith.constant 1 : i32
      scf.for %scan3A_1029 = %scan3A_702 to %scan3A_704 step %scan3A_705  : i32 {
        %swap3A = arith.constant 8 : i32
        %swap3A_1030 = arith.index_cast %swap3A : i32 to index
        %swap3A_1031 = arith.index_cast %scan3A_1029 : i32 to index
        %swap3A_1032 = arith.constant 0 : index
        %swap3A_1033 = tpu.vector_load %arg7[%swap3A_1030, %swap3A_1031, %swap3A_1032] {strides = array<i32>} : memref<16x32x128xf32, #tpu.memory_space<vmem>>, vector<1x1x16xf32>,
        %swap3A_1034 = vector.shape_cast %swap3A_1033 : vector<1x1x16xf32> to vector<16xf32>
        %swap3A_1035 = vector.shape_cast %get3A_665 : vector<16xf32> to vector<1x1x16xf32>
        tpu.vector_store %arg7[%swap3A_1030, %swap3A_1031, %swap3A_1032], %swap3A_1035 {strides = array<i32>} : memref<16x32x128xf32, #tpu.memory_space<vmem>>, vector<1x1x16xf32>,
        %swap3A_1036 = arith.constant 8 : i32
        %swap3A_1037 = arith.index_cast %swap3A_1036 : i32 to index
        %swap3A_1038 = arith.index_cast %scan3A_1029 : i32 to index
        %swap3A_1039 = arith.constant 16 : index
        %swap3A_1040 = tpu.vector_load %arg7[%swap3A_1037, %swap3A_1038, %swap3A_1039] {strides = array<i32>} : memref<16x32x128xf32, #tpu.memory_space<vmem>>, vector<1x1x16xf32>,
        %swap3A_1041 = vector.shape_cast %swap3A_1040 : vector<1x1x16xf32> to vector<16xf32>
        %swap3A_1042 = vector.shape_cast %get3A_670 : vector<16xf32> to vector<1x1x16xf32>
        tpu.vector_store %arg7[%swap3A_1037, %swap3A_1038, %swap3A_1039], %swap3A_1042 {strides = array<i32>} : memref<16x32x128xf32, #tpu.memory_space<vmem>>, vector<1x1x16xf32>,
        %swap3A_1043 = arith.constant 8 : i32
        %swap3A_1044 = arith.index_cast %swap3A_1043 : i32 to index
        %swap3A_1045 = arith.index_cast %scan3A_1029 : i32 to index
        %swap3A_1046 = arith.constant 32 : index
        %swap3A_1047 = tpu.vector_load %arg7[%swap3A_1044, %swap3A_1045, %swap3A_1046] {strides = array<i32>} : memref<16x32x128xf32, #tpu.memory_space<vmem>>, vector<1x1x16xf32>,
        %swap3A_1048 = vector.shape_cast %swap3A_1047 : vector<1x1x16xf32> to vector<16xf32>
        %swap3A_1049 = vector.shape_cast %get3A_675 : vector<16xf32> to vector<1x1x16xf32>
        tpu.vector_store %arg7[%swap3A_1044, %swap3A_1045, %swap3A_1046], %swap3A_1049 {strides = array<i32>} : memref<16x32x128xf32, #tpu.memory_space<vmem>>, vector<1x1x16xf32>,
        %swap3A_1050 = arith.constant 8 : i32
        %swap3A_1051 = arith.index_cast %swap3A_1050 : i32 to index
        %swap3A_1052 = arith.index_cast %scan3A_1029 : i32 to index
        %swap3A_1053 = arith.constant 48 : index
        %swap3A_1054 = tpu.vector_load %arg7[%swap3A_1051, %swap3A_1052, %swap3A_1053] {strides = array<i32>} : memref<16x32x128xf32, #tpu.memory_space<vmem>>, vector<1x1x16xf32>,
        %swap3A_1055 = vector.shape_cast %swap3A_1054 : vector<1x1x16xf32> to vector<16xf32>
        %swap3A_1056 = vector.shape_cast %get3A_680 : vector<16xf32> to vector<1x1x16xf32>
        tpu.vector_store %arg7[%swap3A_1051, %swap3A_1052, %swap3A_1053], %swap3A_1056 {strides = array<i32>} : memref<16x32x128xf32, #tpu.memory_space<vmem>>, vector<1x1x16xf32>,
        %swap3A_1057 = arith.constant 8 : i32
        %swap3A_1058 = arith.index_cast %swap3A_1057 : i32 to index
        %swap3A_1059 = arith.index_cast %scan3A_1029 : i32 to index
        %swap3A_1060 = arith.constant 64 : index
        %swap3A_1061 = tpu.vector_load %arg7[%swap3A_1058, %swap3A_1059, %swap3A_1060] {strides = array<i32>} : memref<16x32x128xf32, #tpu.memory_space<vmem>>, vector<1x1x16xf32>,
        %swap3A_1062 = vector.shape_cast %swap3A_1061 : vector<1x1x16xf32> to vector<16xf32>
        %swap3A_1063 = vector.shape_cast %get3A_685 : vector<16xf32> to vector<1x1x16xf32>
        tpu.vector_store %arg7[%swap3A_1058, %swap3A_1059, %swap3A_1060], %swap3A_1063 {strides = array<i32>} : memref<16x32x128xf32, #tpu.memory_space<vmem>>, vector<1x1x16xf32>,
        %swap3A_1064 = arith.constant 8 : i32
        %swap3A_1065 = arith.index_cast %swap3A_1064 : i32 to index
        %swap3A_1066 = arith.index_cast %scan3A_1029 : i32 to index
        %swap3A_1067 = arith.constant 80 : index
        %swap3A_1068 = tpu.vector_load %arg7[%swap3A_1065, %swap3A_1066, %swap3A_1067] {strides = array<i32>} : memref<16x32x128xf32, #tpu.memory_space<vmem>>, vector<1x1x16xf32>,
        %swap3A_1069 = vector.shape_cast %swap3A_1068 : vector<1x1x16xf32> to vector<16xf32>
        %swap3A_1070 = vector.shape_cast %get3A_690 : vector<16xf32> to vector<1x1x16xf32>
        tpu.vector_store %arg7[%swap3A_1065, %swap3A_1066, %swap3A_1067], %swap3A_1070 {strides = array<i32>} : memref<16x32x128xf32, #tpu.memory_space<vmem>>, vector<1x1x16xf32>,
        %swap3A_1071 = arith.constant 8 : i32
        %swap3A_1072 = arith.index_cast %swap3A_1071 : i32 to index
        %swap3A_1073 = arith.index_cast %scan3A_1029 : i32 to index
        %swap3A_1074 = arith.constant 96 : index
        %swap3A_1075 = tpu.vector_load %arg7[%swap3A_1072, %swap3A_1073, %swap3A_1074] {strides = array<i32>} : memref<16x32x128xf32, #tpu.memory_space<vmem>>, vector<1x1x16xf32>,
        %swap3A_1076 = vector.shape_cast %swap3A_1075 : vector<1x1x16xf32> to vector<16xf32>
        %swap3A_1077 = vector.shape_cast %get3A_695 : vector<16xf32> to vector<1x1x16xf32>
        tpu.vector_store %arg7[%swap3A_1072, %swap3A_1073, %swap3A_1074], %swap3A_1077 {strides = array<i32>} : memref<16x32x128xf32, #tpu.memory_space<vmem>>, vector<1x1x16xf32>,
        %swap3A_1078 = arith.constant 8 : i32
        %swap3A_1079 = arith.index_cast %swap3A_1078 : i32 to index
        %swap3A_1080 = arith.index_cast %scan3A_1029 : i32 to index
        %swap3A_1081 = arith.constant 112 : index
        %swap3A_1082 = tpu.vector_load %arg7[%swap3A_1079, %swap3A_1080, %swap3A_1081] {strides = array<i32>} : memref<16x32x128xf32, #tpu.memory_space<vmem>>, vector<1x1x16xf32>,
        %swap3A_1083 = vector.shape_cast %swap3A_1082 : vector<1x1x16xf32> to vector<16xf32>
        %swap3A_1084 = vector.shape_cast %get3A_700 : vector<16xf32> to vector<1x1x16xf32>
        tpu.vector_store %arg7[%swap3A_1079, %swap3A_1080, %swap3A_1081], %swap3A_1084 {strides = array<i32>} : memref<16x32x128xf32, #tpu.memory_space<vmem>>, vector<1x1x16xf32>,
      }
      %scan3A_706 = arith.constant 32 : i32
      %get3A_707 = arith.constant 9 : i32
      %get3A_708 = arith.index_cast %get3A_707 : i32 to index
      %get3A_709 = arith.constant 0 : index
      %get3A_710 = tpu.vector_load %arg5[%get3A_708, %get3A_709] {strides = array<i32>} : memref<16x128xf32, #tpu.memory_space<vmem>>, vector<1x16xf32>,
      %get3A_711 = vector.shape_cast %get3A_710 : vector<1x16xf32> to vector<16xf32>
      %get3A_712 = arith.constant 9 : i32
      %get3A_713 = arith.index_cast %get3A_712 : i32 to index
      %get3A_714 = arith.constant 16 : index
      %get3A_715 = tpu.vector_load %arg5[%get3A_713, %get3A_714] {strides = array<i32>} : memref<16x128xf32, #tpu.memory_space<vmem>>, vector<1x16xf32>,
      %get3A_716 = vector.shape_cast %get3A_715 : vector<1x16xf32> to vector<16xf32>
      %get3A_717 = arith.constant 9 : i32
      %get3A_718 = arith.index_cast %get3A_717 : i32 to index
      %get3A_719 = arith.constant 32 : index
      %get3A_720 = tpu.vector_load %arg5[%get3A_718, %get3A_719] {strides = array<i32>} : memref<16x128xf32, #tpu.memory_space<vmem>>, vector<1x16xf32>,
      %get3A_721 = vector.shape_cast %get3A_720 : vector<1x16xf32> to vector<16xf32>
      %get3A_722 = arith.constant 9 : i32
      %get3A_723 = arith.index_cast %get3A_722 : i32 to index
      %get3A_724 = arith.constant 48 : index
      %get3A_725 = tpu.vector_load %arg5[%get3A_723, %get3A_724] {strides = array<i32>} : memref<16x128xf32, #tpu.memory_space<vmem>>, vector<1x16xf32>,
      %get3A_726 = vector.shape_cast %get3A_725 : vector<1x16xf32> to vector<16xf32>
      %get3A_727 = arith.constant 9 : i32
      %get3A_728 = arith.index_cast %get3A_727 : i32 to index
      %get3A_729 = arith.constant 64 : index
      %get3A_730 = tpu.vector_load %arg5[%get3A_728, %get3A_729] {strides = array<i32>} : memref<16x128xf32, #tpu.memory_space<vmem>>, vector<1x16xf32>,
      %get3A_731 = vector.shape_cast %get3A_730 : vector<1x16xf32> to vector<16xf32>
      %get3A_732 = arith.constant 9 : i32
      %get3A_733 = arith.index_cast %get3A_732 : i32 to index
      %get3A_734 = arith.constant 80 : index
      %get3A_735 = tpu.vector_load %arg5[%get3A_733, %get3A_734] {strides = array<i32>} : memref<16x128xf32, #tpu.memory_space<vmem>>, vector<1x16xf32>,
      %get3A_736 = vector.shape_cast %get3A_735 : vector<1x16xf32> to vector<16xf32>
      %get3A_737 = arith.constant 9 : i32
      %get3A_738 = arith.index_cast %get3A_737 : i32 to index
      %get3A_739 = arith.constant 96 : index
      %get3A_740 = tpu.vector_load %arg5[%get3A_738, %get3A_739] {strides = array<i32>} : memref<16x128xf32, #tpu.memory_space<vmem>>, vector<1x16xf32>,
      %get3A_741 = vector.shape_cast %get3A_740 : vector<1x16xf32> to vector<16xf32>
      %get3A_742 = arith.constant 9 : i32
      %get3A_743 = arith.index_cast %get3A_742 : i32 to index
      %get3A_744 = arith.constant 112 : index
      %get3A_745 = tpu.vector_load %arg5[%get3A_743, %get3A_744] {strides = array<i32>} : memref<16x128xf32, #tpu.memory_space<vmem>>, vector<1x16xf32>,
      %get3A_746 = vector.shape_cast %get3A_745 : vector<1x16xf32> to vector<16xf32>
      %scan3A_747 = arith.constant 0 : i32
      %scan3A_748 = arith.constant 0 : i32
      %scan3A_749 = arith.constant 32 : i32
      %scan3A_750 = arith.addi %scan3A_748, %scan3A_749 : i32
      %scan3A_751 = arith.constant 1 : i32
      scf.for %scan3A_1029 = %scan3A_748 to %scan3A_750 step %scan3A_751  : i32 {
        %swap3A = arith.constant 9 : i32
        %swap3A_1030 = arith.index_cast %swap3A : i32 to index
        %swap3A_1031 = arith.index_cast %scan3A_1029 : i32 to index
        %swap3A_1032 = arith.constant 0 : index
        %swap3A_1033 = tpu.vector_load %arg7[%swap3A_1030, %swap3A_1031, %swap3A_1032] {strides = array<i32>} : memref<16x32x128xf32, #tpu.memory_space<vmem>>, vector<1x1x16xf32>,
        %swap3A_1034 = vector.shape_cast %swap3A_1033 : vector<1x1x16xf32> to vector<16xf32>
        %swap3A_1035 = vector.shape_cast %get3A_711 : vector<16xf32> to vector<1x1x16xf32>
        tpu.vector_store %arg7[%swap3A_1030, %swap3A_1031, %swap3A_1032], %swap3A_1035 {strides = array<i32>} : memref<16x32x128xf32, #tpu.memory_space<vmem>>, vector<1x1x16xf32>,
        %swap3A_1036 = arith.constant 9 : i32
        %swap3A_1037 = arith.index_cast %swap3A_1036 : i32 to index
        %swap3A_1038 = arith.index_cast %scan3A_1029 : i32 to index
        %swap3A_1039 = arith.constant 16 : index
        %swap3A_1040 = tpu.vector_load %arg7[%swap3A_1037, %swap3A_1038, %swap3A_1039] {strides = array<i32>} : memref<16x32x128xf32, #tpu.memory_space<vmem>>, vector<1x1x16xf32>,
        %swap3A_1041 = vector.shape_cast %swap3A_1040 : vector<1x1x16xf32> to vector<16xf32>
        %swap3A_1042 = vector.shape_cast %get3A_716 : vector<16xf32> to vector<1x1x16xf32>
        tpu.vector_store %arg7[%swap3A_1037, %swap3A_1038, %swap3A_1039], %swap3A_1042 {strides = array<i32>} : memref<16x32x128xf32, #tpu.memory_space<vmem>>, vector<1x1x16xf32>,
        %swap3A_1043 = arith.constant 9 : i32
        %swap3A_1044 = arith.index_cast %swap3A_1043 : i32 to index
        %swap3A_1045 = arith.index_cast %scan3A_1029 : i32 to index
        %swap3A_1046 = arith.constant 32 : index
        %swap3A_1047 = tpu.vector_load %arg7[%swap3A_1044, %swap3A_1045, %swap3A_1046] {strides = array<i32>} : memref<16x32x128xf32, #tpu.memory_space<vmem>>, vector<1x1x16xf32>,
        %swap3A_1048 = vector.shape_cast %swap3A_1047 : vector<1x1x16xf32> to vector<16xf32>
        %swap3A_1049 = vector.shape_cast %get3A_721 : vector<16xf32> to vector<1x1x16xf32>
        tpu.vector_store %arg7[%swap3A_1044, %swap3A_1045, %swap3A_1046], %swap3A_1049 {strides = array<i32>} : memref<16x32x128xf32, #tpu.memory_space<vmem>>, vector<1x1x16xf32>,
        %swap3A_1050 = arith.constant 9 : i32
        %swap3A_1051 = arith.index_cast %swap3A_1050 : i32 to index
        %swap3A_1052 = arith.index_cast %scan3A_1029 : i32 to index
        %swap3A_1053 = arith.constant 48 : index
        %swap3A_1054 = tpu.vector_load %arg7[%swap3A_1051, %swap3A_1052, %swap3A_1053] {strides = array<i32>} : memref<16x32x128xf32, #tpu.memory_space<vmem>>, vector<1x1x16xf32>,
        %swap3A_1055 = vector.shape_cast %swap3A_1054 : vector<1x1x16xf32> to vector<16xf32>
        %swap3A_1056 = vector.shape_cast %get3A_726 : vector<16xf32> to vector<1x1x16xf32>
        tpu.vector_store %arg7[%swap3A_1051, %swap3A_1052, %swap3A_1053], %swap3A_1056 {strides = array<i32>} : memref<16x32x128xf32, #tpu.memory_space<vmem>>, vector<1x1x16xf32>,
        %swap3A_1057 = arith.constant 9 : i32
        %swap3A_1058 = arith.index_cast %swap3A_1057 : i32 to index
        %swap3A_1059 = arith.index_cast %scan3A_1029 : i32 to index
        %swap3A_1060 = arith.constant 64 : index
        %swap3A_1061 = tpu.vector_load %arg7[%swap3A_1058, %swap3A_1059, %swap3A_1060] {strides = array<i32>} : memref<16x32x128xf32, #tpu.memory_space<vmem>>, vector<1x1x16xf32>,
        %swap3A_1062 = vector.shape_cast %swap3A_1061 : vector<1x1x16xf32> to vector<16xf32>
        %swap3A_1063 = vector.shape_cast %get3A_731 : vector<16xf32> to vector<1x1x16xf32>
        tpu.vector_store %arg7[%swap3A_1058, %swap3A_1059, %swap3A_1060], %swap3A_1063 {strides = array<i32>} : memref<16x32x128xf32, #tpu.memory_space<vmem>>, vector<1x1x16xf32>,
        %swap3A_1064 = arith.constant 9 : i32
        %swap3A_1065 = arith.index_cast %swap3A_1064 : i32 to index
        %swap3A_1066 = arith.index_cast %scan3A_1029 : i32 to index
        %swap3A_1067 = arith.constant 80 : index
        %swap3A_1068 = tpu.vector_load %arg7[%swap3A_1065, %swap3A_1066, %swap3A_1067] {strides = array<i32>} : memref<16x32x128xf32, #tpu.memory_space<vmem>>, vector<1x1x16xf32>,
        %swap3A_1069 = vector.shape_cast %swap3A_1068 : vector<1x1x16xf32> to vector<16xf32>
        %swap3A_1070 = vector.shape_cast %get3A_736 : vector<16xf32> to vector<1x1x16xf32>
        tpu.vector_store %arg7[%swap3A_1065, %swap3A_1066, %swap3A_1067], %swap3A_1070 {strides = array<i32>} : memref<16x32x128xf32, #tpu.memory_space<vmem>>, vector<1x1x16xf32>,
        %swap3A_1071 = arith.constant 9 : i32
        %swap3A_1072 = arith.index_cast %swap3A_1071 : i32 to index
        %swap3A_1073 = arith.index_cast %scan3A_1029 : i32 to index
        %swap3A_1074 = arith.constant 96 : index
        %swap3A_1075 = tpu.vector_load %arg7[%swap3A_1072, %swap3A_1073, %swap3A_1074] {strides = array<i32>} : memref<16x32x128xf32, #tpu.memory_space<vmem>>, vector<1x1x16xf32>,
        %swap3A_1076 = vector.shape_cast %swap3A_1075 : vector<1x1x16xf32> to vector<16xf32>
        %swap3A_1077 = vector.shape_cast %get3A_741 : vector<16xf32> to vector<1x1x16xf32>
        tpu.vector_store %arg7[%swap3A_1072, %swap3A_1073, %swap3A_1074], %swap3A_1077 {strides = array<i32>} : memref<16x32x128xf32, #tpu.memory_space<vmem>>, vector<1x1x16xf32>,
        %swap3A_1078 = arith.constant 9 : i32
        %swap3A_1079 = arith.index_cast %swap3A_1078 : i32 to index
        %swap3A_1080 = arith.index_cast %scan3A_1029 : i32 to index
        %swap3A_1081 = arith.constant 112 : index
        %swap3A_1082 = tpu.vector_load %arg7[%swap3A_1079, %swap3A_1080, %swap3A_1081] {strides = array<i32>} : memref<16x32x128xf32, #tpu.memory_space<vmem>>, vector<1x1x16xf32>,
        %swap3A_1083 = vector.shape_cast %swap3A_1082 : vector<1x1x16xf32> to vector<16xf32>
        %swap3A_1084 = vector.shape_cast %get3A_746 : vector<16xf32> to vector<1x1x16xf32>
        tpu.vector_store %arg7[%swap3A_1079, %swap3A_1080, %swap3A_1081], %swap3A_1084 {strides = array<i32>} : memref<16x32x128xf32, #tpu.memory_space<vmem>>, vector<1x1x16xf32>,
      }
      %scan3A_752 = arith.constant 32 : i32
      %get3A_753 = arith.constant 10 : i32
      %get3A_754 = arith.index_cast %get3A_753 : i32 to index
      %get3A_755 = arith.constant 0 : index
      %get3A_756 = tpu.vector_load %arg5[%get3A_754, %get3A_755] {strides = array<i32>} : memref<16x128xf32, #tpu.memory_space<vmem>>, vector<1x16xf32>,
      %get3A_757 = vector.shape_cast %get3A_756 : vector<1x16xf32> to vector<16xf32>
      %get3A_758 = arith.constant 10 : i32
      %get3A_759 = arith.index_cast %get3A_758 : i32 to index
      %get3A_760 = arith.constant 16 : index
      %get3A_761 = tpu.vector_load %arg5[%get3A_759, %get3A_760] {strides = array<i32>} : memref<16x128xf32, #tpu.memory_space<vmem>>, vector<1x16xf32>,
      %get3A_762 = vector.shape_cast %get3A_761 : vector<1x16xf32> to vector<16xf32>
      %get3A_763 = arith.constant 10 : i32
      %get3A_764 = arith.index_cast %get3A_763 : i32 to index
      %get3A_765 = arith.constant 32 : index
      %get3A_766 = tpu.vector_load %arg5[%get3A_764, %get3A_765] {strides = array<i32>} : memref<16x128xf32, #tpu.memory_space<vmem>>, vector<1x16xf32>,
      %get3A_767 = vector.shape_cast %get3A_766 : vector<1x16xf32> to vector<16xf32>
      %get3A_768 = arith.constant 10 : i32
      %get3A_769 = arith.index_cast %get3A_768 : i32 to index
      %get3A_770 = arith.constant 48 : index
      %get3A_771 = tpu.vector_load %arg5[%get3A_769, %get3A_770] {strides = array<i32>} : memref<16x128xf32, #tpu.memory_space<vmem>>, vector<1x16xf32>,
      %get3A_772 = vector.shape_cast %get3A_771 : vector<1x16xf32> to vector<16xf32>
      %get3A_773 = arith.constant 10 : i32
      %get3A_774 = arith.index_cast %get3A_773 : i32 to index
      %get3A_775 = arith.constant 64 : index
      %get3A_776 = tpu.vector_load %arg5[%get3A_774, %get3A_775] {strides = array<i32>} : memref<16x128xf32, #tpu.memory_space<vmem>>, vector<1x16xf32>,
      %get3A_777 = vector.shape_cast %get3A_776 : vector<1x16xf32> to vector<16xf32>
      %get3A_778 = arith.constant 10 : i32
      %get3A_779 = arith.index_cast %get3A_778 : i32 to index
      %get3A_780 = arith.constant 80 : index
      %get3A_781 = tpu.vector_load %arg5[%get3A_779, %get3A_780] {strides = array<i32>} : memref<16x128xf32, #tpu.memory_space<vmem>>, vector<1x16xf32>,
      %get3A_782 = vector.shape_cast %get3A_781 : vector<1x16xf32> to vector<16xf32>
      %get3A_783 = arith.constant 10 : i32
      %get3A_784 = arith.index_cast %get3A_783 : i32 to index
      %get3A_785 = arith.constant 96 : index
      %get3A_786 = tpu.vector_load %arg5[%get3A_784, %get3A_785] {strides = array<i32>} : memref<16x128xf32, #tpu.memory_space<vmem>>, vector<1x16xf32>,
      %get3A_787 = vector.shape_cast %get3A_786 : vector<1x16xf32> to vector<16xf32>
      %get3A_788 = arith.constant 10 : i32
      %get3A_789 = arith.index_cast %get3A_788 : i32 to index
      %get3A_790 = arith.constant 112 : index
      %get3A_791 = tpu.vector_load %arg5[%get3A_789, %get3A_790] {strides = array<i32>} : memref<16x128xf32, #tpu.memory_space<vmem>>, vector<1x16xf32>,
      %get3A_792 = vector.shape_cast %get3A_791 : vector<1x16xf32> to vector<16xf32>
      %scan3A_793 = arith.constant 0 : i32
      %scan3A_794 = arith.constant 0 : i32
      %scan3A_795 = arith.constant 32 : i32
      %scan3A_796 = arith.addi %scan3A_794, %scan3A_795 : i32
      %scan3A_797 = arith.constant 1 : i32
      scf.for %scan3A_1029 = %scan3A_794 to %scan3A_796 step %scan3A_797  : i32 {
        %swap3A = arith.constant 10 : i32
        %swap3A_1030 = arith.index_cast %swap3A : i32 to index
        %swap3A_1031 = arith.index_cast %scan3A_1029 : i32 to index
        %swap3A_1032 = arith.constant 0 : index
        %swap3A_1033 = tpu.vector_load %arg7[%swap3A_1030, %swap3A_1031, %swap3A_1032] {strides = array<i32>} : memref<16x32x128xf32, #tpu.memory_space<vmem>>, vector<1x1x16xf32>,
        %swap3A_1034 = vector.shape_cast %swap3A_1033 : vector<1x1x16xf32> to vector<16xf32>
        %swap3A_1035 = vector.shape_cast %get3A_757 : vector<16xf32> to vector<1x1x16xf32>
        tpu.vector_store %arg7[%swap3A_1030, %swap3A_1031, %swap3A_1032], %swap3A_1035 {strides = array<i32>} : memref<16x32x128xf32, #tpu.memory_space<vmem>>, vector<1x1x16xf32>,
        %swap3A_1036 = arith.constant 10 : i32
        %swap3A_1037 = arith.index_cast %swap3A_1036 : i32 to index
        %swap3A_1038 = arith.index_cast %scan3A_1029 : i32 to index
        %swap3A_1039 = arith.constant 16 : index
        %swap3A_1040 = tpu.vector_load %arg7[%swap3A_1037, %swap3A_1038, %swap3A_1039] {strides = array<i32>} : memref<16x32x128xf32, #tpu.memory_space<vmem>>, vector<1x1x16xf32>,
        %swap3A_1041 = vector.shape_cast %swap3A_1040 : vector<1x1x16xf32> to vector<16xf32>
        %swap3A_1042 = vector.shape_cast %get3A_762 : vector<16xf32> to vector<1x1x16xf32>
        tpu.vector_store %arg7[%swap3A_1037, %swap3A_1038, %swap3A_1039], %swap3A_1042 {strides = array<i32>} : memref<16x32x128xf32, #tpu.memory_space<vmem>>, vector<1x1x16xf32>,
        %swap3A_1043 = arith.constant 10 : i32
        %swap3A_1044 = arith.index_cast %swap3A_1043 : i32 to index
        %swap3A_1045 = arith.index_cast %scan3A_1029 : i32 to index
        %swap3A_1046 = arith.constant 32 : index
        %swap3A_1047 = tpu.vector_load %arg7[%swap3A_1044, %swap3A_1045, %swap3A_1046] {strides = array<i32>} : memref<16x32x128xf32, #tpu.memory_space<vmem>>, vector<1x1x16xf32>,
        %swap3A_1048 = vector.shape_cast %swap3A_1047 : vector<1x1x16xf32> to vector<16xf32>
        %swap3A_1049 = vector.shape_cast %get3A_767 : vector<16xf32> to vector<1x1x16xf32>
        tpu.vector_store %arg7[%swap3A_1044, %swap3A_1045, %swap3A_1046], %swap3A_1049 {strides = array<i32>} : memref<16x32x128xf32, #tpu.memory_space<vmem>>, vector<1x1x16xf32>,
        %swap3A_1050 = arith.constant 10 : i32
        %swap3A_1051 = arith.index_cast %swap3A_1050 : i32 to index
        %swap3A_1052 = arith.index_cast %scan3A_1029 : i32 to index
        %swap3A_1053 = arith.constant 48 : index
        %swap3A_1054 = tpu.vector_load %arg7[%swap3A_1051, %swap3A_1052, %swap3A_1053] {strides = array<i32>} : memref<16x32x128xf32, #tpu.memory_space<vmem>>, vector<1x1x16xf32>,
        %swap3A_1055 = vector.shape_cast %swap3A_1054 : vector<1x1x16xf32> to vector<16xf32>
        %swap3A_1056 = vector.shape_cast %get3A_772 : vector<16xf32> to vector<1x1x16xf32>
        tpu.vector_store %arg7[%swap3A_1051, %swap3A_1052, %swap3A_1053], %swap3A_1056 {strides = array<i32>} : memref<16x32x128xf32, #tpu.memory_space<vmem>>, vector<1x1x16xf32>,
        %swap3A_1057 = arith.constant 10 : i32
        %swap3A_1058 = arith.index_cast %swap3A_1057 : i32 to index
        %swap3A_1059 = arith.index_cast %scan3A_1029 : i32 to index
        %swap3A_1060 = arith.constant 64 : index
        %swap3A_1061 = tpu.vector_load %arg7[%swap3A_1058, %swap3A_1059, %swap3A_1060] {strides = array<i32>} : memref<16x32x128xf32, #tpu.memory_space<vmem>>, vector<1x1x16xf32>,
        %swap3A_1062 = vector.shape_cast %swap3A_1061 : vector<1x1x16xf32> to vector<16xf32>
        %swap3A_1063 = vector.shape_cast %get3A_777 : vector<16xf32> to vector<1x1x16xf32>
        tpu.vector_store %arg7[%swap3A_1058, %swap3A_1059, %swap3A_1060], %swap3A_1063 {strides = array<i32>} : memref<16x32x128xf32, #tpu.memory_space<vmem>>, vector<1x1x16xf32>,
        %swap3A_1064 = arith.constant 10 : i32
        %swap3A_1065 = arith.index_cast %swap3A_1064 : i32 to index
        %swap3A_1066 = arith.index_cast %scan3A_1029 : i32 to index
        %swap3A_1067 = arith.constant 80 : index
        %swap3A_1068 = tpu.vector_load %arg7[%swap3A_1065, %swap3A_1066, %swap3A_1067] {strides = array<i32>} : memref<16x32x128xf32, #tpu.memory_space<vmem>>, vector<1x1x16xf32>,
        %swap3A_1069 = vector.shape_cast %swap3A_1068 : vector<1x1x16xf32> to vector<16xf32>
        %swap3A_1070 = vector.shape_cast %get3A_782 : vector<16xf32> to vector<1x1x16xf32>
        tpu.vector_store %arg7[%swap3A_1065, %swap3A_1066, %swap3A_1067], %swap3A_1070 {strides = array<i32>} : memref<16x32x128xf32, #tpu.memory_space<vmem>>, vector<1x1x16xf32>,
        %swap3A_1071 = arith.constant 10 : i32
        %swap3A_1072 = arith.index_cast %swap3A_1071 : i32 to index
        %swap3A_1073 = arith.index_cast %scan3A_1029 : i32 to index
        %swap3A_1074 = arith.constant 96 : index
        %swap3A_1075 = tpu.vector_load %arg7[%swap3A_1072, %swap3A_1073, %swap3A_1074] {strides = array<i32>} : memref<16x32x128xf32, #tpu.memory_space<vmem>>, vector<1x1x16xf32>,
        %swap3A_1076 = vector.shape_cast %swap3A_1075 : vector<1x1x16xf32> to vector<16xf32>
        %swap3A_1077 = vector.shape_cast %get3A_787 : vector<16xf32> to vector<1x1x16xf32>
        tpu.vector_store %arg7[%swap3A_1072, %swap3A_1073, %swap3A_1074], %swap3A_1077 {strides = array<i32>} : memref<16x32x128xf32, #tpu.memory_space<vmem>>, vector<1x1x16xf32>,
        %swap3A_1078 = arith.constant 10 : i32
        %swap3A_1079 = arith.index_cast %swap3A_1078 : i32 to index
        %swap3A_1080 = arith.index_cast %scan3A_1029 : i32 to index
        %swap3A_1081 = arith.constant 112 : index
        %swap3A_1082 = tpu.vector_load %arg7[%swap3A_1079, %swap3A_1080, %swap3A_1081] {strides = array<i32>} : memref<16x32x128xf32, #tpu.memory_space<vmem>>, vector<1x1x16xf32>,
        %swap3A_1083 = vector.shape_cast %swap3A_1082 : vector<1x1x16xf32> to vector<16xf32>
        %swap3A_1084 = vector.shape_cast %get3A_792 : vector<16xf32> to vector<1x1x16xf32>
        tpu.vector_store %arg7[%swap3A_1079, %swap3A_1080, %swap3A_1081], %swap3A_1084 {strides = array<i32>} : memref<16x32x128xf32, #tpu.memory_space<vmem>>, vector<1x1x16xf32>,
      }
      %scan3A_798 = arith.constant 32 : i32
      %get3A_799 = arith.constant 11 : i32
      %get3A_800 = arith.index_cast %get3A_799 : i32 to index
      %get3A_801 = arith.constant 0 : index
      %get3A_802 = tpu.vector_load %arg5[%get3A_800, %get3A_801] {strides = array<i32>} : memref<16x128xf32, #tpu.memory_space<vmem>>, vector<1x16xf32>,
      %get3A_803 = vector.shape_cast %get3A_802 : vector<1x16xf32> to vector<16xf32>
      %get3A_804 = arith.constant 11 : i32
      %get3A_805 = arith.index_cast %get3A_804 : i32 to index
      %get3A_806 = arith.constant 16 : index
      %get3A_807 = tpu.vector_load %arg5[%get3A_805, %get3A_806] {strides = array<i32>} : memref<16x128xf32, #tpu.memory_space<vmem>>, vector<1x16xf32>,
      %get3A_808 = vector.shape_cast %get3A_807 : vector<1x16xf32> to vector<16xf32>
      %get3A_809 = arith.constant 11 : i32
      %get3A_810 = arith.index_cast %get3A_809 : i32 to index
      %get3A_811 = arith.constant 32 : index
      %get3A_812 = tpu.vector_load %arg5[%get3A_810, %get3A_811] {strides = array<i32>} : memref<16x128xf32, #tpu.memory_space<vmem>>, vector<1x16xf32>,
      %get3A_813 = vector.shape_cast %get3A_812 : vector<1x16xf32> to vector<16xf32>
      %get3A_814 = arith.constant 11 : i32
      %get3A_815 = arith.index_cast %get3A_814 : i32 to index
      %get3A_816 = arith.constant 48 : index
      %get3A_817 = tpu.vector_load %arg5[%get3A_815, %get3A_816] {strides = array<i32>} : memref<16x128xf32, #tpu.memory_space<vmem>>, vector<1x16xf32>,
      %get3A_818 = vector.shape_cast %get3A_817 : vector<1x16xf32> to vector<16xf32>
      %get3A_819 = arith.constant 11 : i32
      %get3A_820 = arith.index_cast %get3A_819 : i32 to index
      %get3A_821 = arith.constant 64 : index
      %get3A_822 = tpu.vector_load %arg5[%get3A_820, %get3A_821] {strides = array<i32>} : memref<16x128xf32, #tpu.memory_space<vmem>>, vector<1x16xf32>,
      %get3A_823 = vector.shape_cast %get3A_822 : vector<1x16xf32> to vector<16xf32>
      %get3A_824 = arith.constant 11 : i32
      %get3A_825 = arith.index_cast %get3A_824 : i32 to index
      %get3A_826 = arith.constant 80 : index
      %get3A_827 = tpu.vector_load %arg5[%get3A_825, %get3A_826] {strides = array<i32>} : memref<16x128xf32, #tpu.memory_space<vmem>>, vector<1x16xf32>,
      %get3A_828 = vector.shape_cast %get3A_827 : vector<1x16xf32> to vector<16xf32>
      %get3A_829 = arith.constant 11 : i32
      %get3A_830 = arith.index_cast %get3A_829 : i32 to index
      %get3A_831 = arith.constant 96 : index
      %get3A_832 = tpu.vector_load %arg5[%get3A_830, %get3A_831] {strides = array<i32>} : memref<16x128xf32, #tpu.memory_space<vmem>>, vector<1x16xf32>,
      %get3A_833 = vector.shape_cast %get3A_832 : vector<1x16xf32> to vector<16xf32>
      %get3A_834 = arith.constant 11 : i32
      %get3A_835 = arith.index_cast %get3A_834 : i32 to index
      %get3A_836 = arith.constant 112 : index
      %get3A_837 = tpu.vector_load %arg5[%get3A_835, %get3A_836] {strides = array<i32>} : memref<16x128xf32, #tpu.memory_space<vmem>>, vector<1x16xf32>,
      %get3A_838 = vector.shape_cast %get3A_837 : vector<1x16xf32> to vector<16xf32>
      %scan3A_839 = arith.constant 0 : i32
      %scan3A_840 = arith.constant 0 : i32
      %scan3A_841 = arith.constant 32 : i32
      %scan3A_842 = arith.addi %scan3A_840, %scan3A_841 : i32
      %scan3A_843 = arith.constant 1 : i32
      scf.for %scan3A_1029 = %scan3A_840 to %scan3A_842 step %scan3A_843  : i32 {
        %swap3A = arith.constant 11 : i32
        %swap3A_1030 = arith.index_cast %swap3A : i32 to index
        %swap3A_1031 = arith.index_cast %scan3A_1029 : i32 to index
        %swap3A_1032 = arith.constant 0 : index
        %swap3A_1033 = tpu.vector_load %arg7[%swap3A_1030, %swap3A_1031, %swap3A_1032] {strides = array<i32>} : memref<16x32x128xf32, #tpu.memory_space<vmem>>, vector<1x1x16xf32>,
        %swap3A_1034 = vector.shape_cast %swap3A_1033 : vector<1x1x16xf32> to vector<16xf32>
        %swap3A_1035 = vector.shape_cast %get3A_803 : vector<16xf32> to vector<1x1x16xf32>
        tpu.vector_store %arg7[%swap3A_1030, %swap3A_1031, %swap3A_1032], %swap3A_1035 {strides = array<i32>} : memref<16x32x128xf32, #tpu.memory_space<vmem>>, vector<1x1x16xf32>,
        %swap3A_1036 = arith.constant 11 : i32
        %swap3A_1037 = arith.index_cast %swap3A_1036 : i32 to index
        %swap3A_1038 = arith.index_cast %scan3A_1029 : i32 to index
        %swap3A_1039 = arith.constant 16 : index
        %swap3A_1040 = tpu.vector_load %arg7[%swap3A_1037, %swap3A_1038, %swap3A_1039] {strides = array<i32>} : memref<16x32x128xf32, #tpu.memory_space<vmem>>, vector<1x1x16xf32>,
        %swap3A_1041 = vector.shape_cast %swap3A_1040 : vector<1x1x16xf32> to vector<16xf32>
        %swap3A_1042 = vector.shape_cast %get3A_808 : vector<16xf32> to vector<1x1x16xf32>
        tpu.vector_store %arg7[%swap3A_1037, %swap3A_1038, %swap3A_1039], %swap3A_1042 {strides = array<i32>} : memref<16x32x128xf32, #tpu.memory_space<vmem>>, vector<1x1x16xf32>,
        %swap3A_1043 = arith.constant 11 : i32
        %swap3A_1044 = arith.index_cast %swap3A_1043 : i32 to index
        %swap3A_1045 = arith.index_cast %scan3A_1029 : i32 to index
        %swap3A_1046 = arith.constant 32 : index
        %swap3A_1047 = tpu.vector_load %arg7[%swap3A_1044, %swap3A_1045, %swap3A_1046] {strides = array<i32>} : memref<16x32x128xf32, #tpu.memory_space<vmem>>, vector<1x1x16xf32>,
        %swap3A_1048 = vector.shape_cast %swap3A_1047 : vector<1x1x16xf32> to vector<16xf32>
        %swap3A_1049 = vector.shape_cast %get3A_813 : vector<16xf32> to vector<1x1x16xf32>
        tpu.vector_store %arg7[%swap3A_1044, %swap3A_1045, %swap3A_1046], %swap3A_1049 {strides = array<i32>} : memref<16x32x128xf32, #tpu.memory_space<vmem>>, vector<1x1x16xf32>,
        %swap3A_1050 = arith.constant 11 : i32
        %swap3A_1051 = arith.index_cast %swap3A_1050 : i32 to index
        %swap3A_1052 = arith.index_cast %scan3A_1029 : i32 to index
        %swap3A_1053 = arith.constant 48 : index
        %swap3A_1054 = tpu.vector_load %arg7[%swap3A_1051, %swap3A_1052, %swap3A_1053] {strides = array<i32>} : memref<16x32x128xf32, #tpu.memory_space<vmem>>, vector<1x1x16xf32>,
        %swap3A_1055 = vector.shape_cast %swap3A_1054 : vector<1x1x16xf32> to vector<16xf32>
        %swap3A_1056 = vector.shape_cast %get3A_818 : vector<16xf32> to vector<1x1x16xf32>
        tpu.vector_store %arg7[%swap3A_1051, %swap3A_1052, %swap3A_1053], %swap3A_1056 {strides = array<i32>} : memref<16x32x128xf32, #tpu.memory_space<vmem>>, vector<1x1x16xf32>,
        %swap3A_1057 = arith.constant 11 : i32
        %swap3A_1058 = arith.index_cast %swap3A_1057 : i32 to index
        %swap3A_1059 = arith.index_cast %scan3A_1029 : i32 to index
        %swap3A_1060 = arith.constant 64 : index
        %swap3A_1061 = tpu.vector_load %arg7[%swap3A_1058, %swap3A_1059, %swap3A_1060] {strides = array<i32>} : memref<16x32x128xf32, #tpu.memory_space<vmem>>, vector<1x1x16xf32>,
        %swap3A_1062 = vector.shape_cast %swap3A_1061 : vector<1x1x16xf32> to vector<16xf32>
        %swap3A_1063 = vector.shape_cast %get3A_823 : vector<16xf32> to vector<1x1x16xf32>
        tpu.vector_store %arg7[%swap3A_1058, %swap3A_1059, %swap3A_1060], %swap3A_1063 {strides = array<i32>} : memref<16x32x128xf32, #tpu.memory_space<vmem>>, vector<1x1x16xf32>,
        %swap3A_1064 = arith.constant 11 : i32
        %swap3A_1065 = arith.index_cast %swap3A_1064 : i32 to index
        %swap3A_1066 = arith.index_cast %scan3A_1029 : i32 to index
        %swap3A_1067 = arith.constant 80 : index
        %swap3A_1068 = tpu.vector_load %arg7[%swap3A_1065, %swap3A_1066, %swap3A_1067] {strides = array<i32>} : memref<16x32x128xf32, #tpu.memory_space<vmem>>, vector<1x1x16xf32>,
        %swap3A_1069 = vector.shape_cast %swap3A_1068 : vector<1x1x16xf32> to vector<16xf32>
        %swap3A_1070 = vector.shape_cast %get3A_828 : vector<16xf32> to vector<1x1x16xf32>
        tpu.vector_store %arg7[%swap3A_1065, %swap3A_1066, %swap3A_1067], %swap3A_1070 {strides = array<i32>} : memref<16x32x128xf32, #tpu.memory_space<vmem>>, vector<1x1x16xf32>,
        %swap3A_1071 = arith.constant 11 : i32
        %swap3A_1072 = arith.index_cast %swap3A_1071 : i32 to index
        %swap3A_1073 = arith.index_cast %scan3A_1029 : i32 to index
        %swap3A_1074 = arith.constant 96 : index
        %swap3A_1075 = tpu.vector_load %arg7[%swap3A_1072, %swap3A_1073, %swap3A_1074] {strides = array<i32>} : memref<16x32x128xf32, #tpu.memory_space<vmem>>, vector<1x1x16xf32>,
        %swap3A_1076 = vector.shape_cast %swap3A_1075 : vector<1x1x16xf32> to vector<16xf32>
        %swap3A_1077 = vector.shape_cast %get3A_833 : vector<16xf32> to vector<1x1x16xf32>
        tpu.vector_store %arg7[%swap3A_1072, %swap3A_1073, %swap3A_1074], %swap3A_1077 {strides = array<i32>} : memref<16x32x128xf32, #tpu.memory_space<vmem>>, vector<1x1x16xf32>,
        %swap3A_1078 = arith.constant 11 : i32
        %swap3A_1079 = arith.index_cast %swap3A_1078 : i32 to index
        %swap3A_1080 = arith.index_cast %scan3A_1029 : i32 to index
        %swap3A_1081 = arith.constant 112 : index
        %swap3A_1082 = tpu.vector_load %arg7[%swap3A_1079, %swap3A_1080, %swap3A_1081] {strides = array<i32>} : memref<16x32x128xf32, #tpu.memory_space<vmem>>, vector<1x1x16xf32>,
        %swap3A_1083 = vector.shape_cast %swap3A_1082 : vector<1x1x16xf32> to vector<16xf32>
        %swap3A_1084 = vector.shape_cast %get3A_838 : vector<16xf32> to vector<1x1x16xf32>
        tpu.vector_store %arg7[%swap3A_1079, %swap3A_1080, %swap3A_1081], %swap3A_1084 {strides = array<i32>} : memref<16x32x128xf32, #tpu.memory_space<vmem>>, vector<1x1x16xf32>,
      }
      %scan3A_844 = arith.constant 32 : i32
      %get3A_845 = arith.constant 12 : i32
      %get3A_846 = arith.index_cast %get3A_845 : i32 to index
      %get3A_847 = arith.constant 0 : index
      %get3A_848 = tpu.vector_load %arg5[%get3A_846, %get3A_847] {strides = array<i32>} : memref<16x128xf32, #tpu.memory_space<vmem>>, vector<1x16xf32>,
      %get3A_849 = vector.shape_cast %get3A_848 : vector<1x16xf32> to vector<16xf32>
      %get3A_850 = arith.constant 12 : i32
      %get3A_851 = arith.index_cast %get3A_850 : i32 to index
      %get3A_852 = arith.constant 16 : index
      %get3A_853 = tpu.vector_load %arg5[%get3A_851, %get3A_852] {strides = array<i32>} : memref<16x128xf32, #tpu.memory_space<vmem>>, vector<1x16xf32>,
      %get3A_854 = vector.shape_cast %get3A_853 : vector<1x16xf32> to vector<16xf32>
      %get3A_855 = arith.constant 12 : i32
      %get3A_856 = arith.index_cast %get3A_855 : i32 to index
      %get3A_857 = arith.constant 32 : index
      %get3A_858 = tpu.vector_load %arg5[%get3A_856, %get3A_857] {strides = array<i32>} : memref<16x128xf32, #tpu.memory_space<vmem>>, vector<1x16xf32>,
      %get3A_859 = vector.shape_cast %get3A_858 : vector<1x16xf32> to vector<16xf32>
      %get3A_860 = arith.constant 12 : i32
      %get3A_861 = arith.index_cast %get3A_860 : i32 to index
      %get3A_862 = arith.constant 48 : index
      %get3A_863 = tpu.vector_load %arg5[%get3A_861, %get3A_862] {strides = array<i32>} : memref<16x128xf32, #tpu.memory_space<vmem>>, vector<1x16xf32>,
      %get3A_864 = vector.shape_cast %get3A_863 : vector<1x16xf32> to vector<16xf32>
      %get3A_865 = arith.constant 12 : i32
      %get3A_866 = arith.index_cast %get3A_865 : i32 to index
      %get3A_867 = arith.constant 64 : index
      %get3A_868 = tpu.vector_load %arg5[%get3A_866, %get3A_867] {strides = array<i32>} : memref<16x128xf32, #tpu.memory_space<vmem>>, vector<1x16xf32>,
      %get3A_869 = vector.shape_cast %get3A_868 : vector<1x16xf32> to vector<16xf32>
      %get3A_870 = arith.constant 12 : i32
      %get3A_871 = arith.index_cast %get3A_870 : i32 to index
      %get3A_872 = arith.constant 80 : index
      %get3A_873 = tpu.vector_load %arg5[%get3A_871, %get3A_872] {strides = array<i32>} : memref<16x128xf32, #tpu.memory_space<vmem>>, vector<1x16xf32>,
      %get3A_874 = vector.shape_cast %get3A_873 : vector<1x16xf32> to vector<16xf32>
      %get3A_875 = arith.constant 12 : i32
      %get3A_876 = arith.index_cast %get3A_875 : i32 to index
      %get3A_877 = arith.constant 96 : index
      %get3A_878 = tpu.vector_load %arg5[%get3A_876, %get3A_877] {strides = array<i32>} : memref<16x128xf32, #tpu.memory_space<vmem>>, vector<1x16xf32>,
      %get3A_879 = vector.shape_cast %get3A_878 : vector<1x16xf32> to vector<16xf32>
      %get3A_880 = arith.constant 12 : i32
      %get3A_881 = arith.index_cast %get3A_880 : i32 to index
      %get3A_882 = arith.constant 112 : index
      %get3A_883 = tpu.vector_load %arg5[%get3A_881, %get3A_882] {strides = array<i32>} : memref<16x128xf32, #tpu.memory_space<vmem>>, vector<1x16xf32>,
      %get3A_884 = vector.shape_cast %get3A_883 : vector<1x16xf32> to vector<16xf32>
      %scan3A_885 = arith.constant 0 : i32
      %scan3A_886 = arith.constant 0 : i32
      %scan3A_887 = arith.constant 32 : i32
      %scan3A_888 = arith.addi %scan3A_886, %scan3A_887 : i32
      %scan3A_889 = arith.constant 1 : i32
      scf.for %scan3A_1029 = %scan3A_886 to %scan3A_888 step %scan3A_889  : i32 {
        %swap3A = arith.constant 12 : i32
        %swap3A_1030 = arith.index_cast %swap3A : i32 to index
        %swap3A_1031 = arith.index_cast %scan3A_1029 : i32 to index
        %swap3A_1032 = arith.constant 0 : index
        %swap3A_1033 = tpu.vector_load %arg7[%swap3A_1030, %swap3A_1031, %swap3A_1032] {strides = array<i32>} : memref<16x32x128xf32, #tpu.memory_space<vmem>>, vector<1x1x16xf32>,
        %swap3A_1034 = vector.shape_cast %swap3A_1033 : vector<1x1x16xf32> to vector<16xf32>
        %swap3A_1035 = vector.shape_cast %get3A_849 : vector<16xf32> to vector<1x1x16xf32>
        tpu.vector_store %arg7[%swap3A_1030, %swap3A_1031, %swap3A_1032], %swap3A_1035 {strides = array<i32>} : memref<16x32x128xf32, #tpu.memory_space<vmem>>, vector<1x1x16xf32>,
        %swap3A_1036 = arith.constant 12 : i32
        %swap3A_1037 = arith.index_cast %swap3A_1036 : i32 to index
        %swap3A_1038 = arith.index_cast %scan3A_1029 : i32 to index
        %swap3A_1039 = arith.constant 16 : index
        %swap3A_1040 = tpu.vector_load %arg7[%swap3A_1037, %swap3A_1038, %swap3A_1039] {strides = array<i32>} : memref<16x32x128xf32, #tpu.memory_space<vmem>>, vector<1x1x16xf32>,
        %swap3A_1041 = vector.shape_cast %swap3A_1040 : vector<1x1x16xf32> to vector<16xf32>
        %swap3A_1042 = vector.shape_cast %get3A_854 : vector<16xf32> to vector<1x1x16xf32>
        tpu.vector_store %arg7[%swap3A_1037, %swap3A_1038, %swap3A_1039], %swap3A_1042 {strides = array<i32>} : memref<16x32x128xf32, #tpu.memory_space<vmem>>, vector<1x1x16xf32>,
        %swap3A_1043 = arith.constant 12 : i32
        %swap3A_1044 = arith.index_cast %swap3A_1043 : i32 to index
        %swap3A_1045 = arith.index_cast %scan3A_1029 : i32 to index
        %swap3A_1046 = arith.constant 32 : index
        %swap3A_1047 = tpu.vector_load %arg7[%swap3A_1044, %swap3A_1045, %swap3A_1046] {strides = array<i32>} : memref<16x32x128xf32, #tpu.memory_space<vmem>>, vector<1x1x16xf32>,
        %swap3A_1048 = vector.shape_cast %swap3A_1047 : vector<1x1x16xf32> to vector<16xf32>
        %swap3A_1049 = vector.shape_cast %get3A_859 : vector<16xf32> to vector<1x1x16xf32>
        tpu.vector_store %arg7[%swap3A_1044, %swap3A_1045, %swap3A_1046], %swap3A_1049 {strides = array<i32>} : memref<16x32x128xf32, #tpu.memory_space<vmem>>, vector<1x1x16xf32>,
        %swap3A_1050 = arith.constant 12 : i32
        %swap3A_1051 = arith.index_cast %swap3A_1050 : i32 to index
        %swap3A_1052 = arith.index_cast %scan3A_1029 : i32 to index
        %swap3A_1053 = arith.constant 48 : index
        %swap3A_1054 = tpu.vector_load %arg7[%swap3A_1051, %swap3A_1052, %swap3A_1053] {strides = array<i32>} : memref<16x32x128xf32, #tpu.memory_space<vmem>>, vector<1x1x16xf32>,
        %swap3A_1055 = vector.shape_cast %swap3A_1054 : vector<1x1x16xf32> to vector<16xf32>
        %swap3A_1056 = vector.shape_cast %get3A_864 : vector<16xf32> to vector<1x1x16xf32>
        tpu.vector_store %arg7[%swap3A_1051, %swap3A_1052, %swap3A_1053], %swap3A_1056 {strides = array<i32>} : memref<16x32x128xf32, #tpu.memory_space<vmem>>, vector<1x1x16xf32>,
        %swap3A_1057 = arith.constant 12 : i32
        %swap3A_1058 = arith.index_cast %swap3A_1057 : i32 to index
        %swap3A_1059 = arith.index_cast %scan3A_1029 : i32 to index
        %swap3A_1060 = arith.constant 64 : index
        %swap3A_1061 = tpu.vector_load %arg7[%swap3A_1058, %swap3A_1059, %swap3A_1060] {strides = array<i32>} : memref<16x32x128xf32, #tpu.memory_space<vmem>>, vector<1x1x16xf32>,
        %swap3A_1062 = vector.shape_cast %swap3A_1061 : vector<1x1x16xf32> to vector<16xf32>
        %swap3A_1063 = vector.shape_cast %get3A_869 : vector<16xf32> to vector<1x1x16xf32>
        tpu.vector_store %arg7[%swap3A_1058, %swap3A_1059, %swap3A_1060], %swap3A_1063 {strides = array<i32>} : memref<16x32x128xf32, #tpu.memory_space<vmem>>, vector<1x1x16xf32>,
        %swap3A_1064 = arith.constant 12 : i32
        %swap3A_1065 = arith.index_cast %swap3A_1064 : i32 to index
        %swap3A_1066 = arith.index_cast %scan3A_1029 : i32 to index
        %swap3A_1067 = arith.constant 80 : index
        %swap3A_1068 = tpu.vector_load %arg7[%swap3A_1065, %swap3A_1066, %swap3A_1067] {strides = array<i32>} : memref<16x32x128xf32, #tpu.memory_space<vmem>>, vector<1x1x16xf32>,
        %swap3A_1069 = vector.shape_cast %swap3A_1068 : vector<1x1x16xf32> to vector<16xf32>
        %swap3A_1070 = vector.shape_cast %get3A_874 : vector<16xf32> to vector<1x1x16xf32>
        tpu.vector_store %arg7[%swap3A_1065, %swap3A_1066, %swap3A_1067], %swap3A_1070 {strides = array<i32>} : memref<16x32x128xf32, #tpu.memory_space<vmem>>, vector<1x1x16xf32>,
        %swap3A_1071 = arith.constant 12 : i32
        %swap3A_1072 = arith.index_cast %swap3A_1071 : i32 to index
        %swap3A_1073 = arith.index_cast %scan3A_1029 : i32 to index
        %swap3A_1074 = arith.constant 96 : index
        %swap3A_1075 = tpu.vector_load %arg7[%swap3A_1072, %swap3A_1073, %swap3A_1074] {strides = array<i32>} : memref<16x32x128xf32, #tpu.memory_space<vmem>>, vector<1x1x16xf32>,
        %swap3A_1076 = vector.shape_cast %swap3A_1075 : vector<1x1x16xf32> to vector<16xf32>
        %swap3A_1077 = vector.shape_cast %get3A_879 : vector<16xf32> to vector<1x1x16xf32>
        tpu.vector_store %arg7[%swap3A_1072, %swap3A_1073, %swap3A_1074], %swap3A_1077 {strides = array<i32>} : memref<16x32x128xf32, #tpu.memory_space<vmem>>, vector<1x1x16xf32>,
        %swap3A_1078 = arith.constant 12 : i32
        %swap3A_1079 = arith.index_cast %swap3A_1078 : i32 to index
        %swap3A_1080 = arith.index_cast %scan3A_1029 : i32 to index
        %swap3A_1081 = arith.constant 112 : index
        %swap3A_1082 = tpu.vector_load %arg7[%swap3A_1079, %swap3A_1080, %swap3A_1081] {strides = array<i32>} : memref<16x32x128xf32, #tpu.memory_space<vmem>>, vector<1x1x16xf32>,
        %swap3A_1083 = vector.shape_cast %swap3A_1082 : vector<1x1x16xf32> to vector<16xf32>
        %swap3A_1084 = vector.shape_cast %get3A_884 : vector<16xf32> to vector<1x1x16xf32>
        tpu.vector_store %arg7[%swap3A_1079, %swap3A_1080, %swap3A_1081], %swap3A_1084 {strides = array<i32>} : memref<16x32x128xf32, #tpu.memory_space<vmem>>, vector<1x1x16xf32>,
      }
      %scan3A_890 = arith.constant 32 : i32
      %get3A_891 = arith.constant 13 : i32
      %get3A_892 = arith.index_cast %get3A_891 : i32 to index
      %get3A_893 = arith.constant 0 : index
      %get3A_894 = tpu.vector_load %arg5[%get3A_892, %get3A_893] {strides = array<i32>} : memref<16x128xf32, #tpu.memory_space<vmem>>, vector<1x16xf32>,
      %get3A_895 = vector.shape_cast %get3A_894 : vector<1x16xf32> to vector<16xf32>
      %get3A_896 = arith.constant 13 : i32
      %get3A_897 = arith.index_cast %get3A_896 : i32 to index
      %get3A_898 = arith.constant 16 : index
      %get3A_899 = tpu.vector_load %arg5[%get3A_897, %get3A_898] {strides = array<i32>} : memref<16x128xf32, #tpu.memory_space<vmem>>, vector<1x16xf32>,
      %get3A_900 = vector.shape_cast %get3A_899 : vector<1x16xf32> to vector<16xf32>
      %get3A_901 = arith.constant 13 : i32
      %get3A_902 = arith.index_cast %get3A_901 : i32 to index
      %get3A_903 = arith.constant 32 : index
      %get3A_904 = tpu.vector_load %arg5[%get3A_902, %get3A_903] {strides = array<i32>} : memref<16x128xf32, #tpu.memory_space<vmem>>, vector<1x16xf32>,
      %get3A_905 = vector.shape_cast %get3A_904 : vector<1x16xf32> to vector<16xf32>
      %get3A_906 = arith.constant 13 : i32
      %get3A_907 = arith.index_cast %get3A_906 : i32 to index
      %get3A_908 = arith.constant 48 : index
      %get3A_909 = tpu.vector_load %arg5[%get3A_907, %get3A_908] {strides = array<i32>} : memref<16x128xf32, #tpu.memory_space<vmem>>, vector<1x16xf32>,
      %get3A_910 = vector.shape_cast %get3A_909 : vector<1x16xf32> to vector<16xf32>
      %get3A_911 = arith.constant 13 : i32
      %get3A_912 = arith.index_cast %get3A_911 : i32 to index
      %get3A_913 = arith.constant 64 : index
      %get3A_914 = tpu.vector_load %arg5[%get3A_912, %get3A_913] {strides = array<i32>} : memref<16x128xf32, #tpu.memory_space<vmem>>, vector<1x16xf32>,
      %get3A_915 = vector.shape_cast %get3A_914 : vector<1x16xf32> to vector<16xf32>
      %get3A_916 = arith.constant 13 : i32
      %get3A_917 = arith.index_cast %get3A_916 : i32 to index
      %get3A_918 = arith.constant 80 : index
      %get3A_919 = tpu.vector_load %arg5[%get3A_917, %get3A_918] {strides = array<i32>} : memref<16x128xf32, #tpu.memory_space<vmem>>, vector<1x16xf32>,
      %get3A_920 = vector.shape_cast %get3A_919 : vector<1x16xf32> to vector<16xf32>
      %get3A_921 = arith.constant 13 : i32
      %get3A_922 = arith.index_cast %get3A_921 : i32 to index
      %get3A_923 = arith.constant 96 : index
      %get3A_924 = tpu.vector_load %arg5[%get3A_922, %get3A_923] {strides = array<i32>} : memref<16x128xf32, #tpu.memory_space<vmem>>, vector<1x16xf32>,
      %get3A_925 = vector.shape_cast %get3A_924 : vector<1x16xf32> to vector<16xf32>
      %get3A_926 = arith.constant 13 : i32
      %get3A_927 = arith.index_cast %get3A_926 : i32 to index
      %get3A_928 = arith.constant 112 : index
      %get3A_929 = tpu.vector_load %arg5[%get3A_927, %get3A_928] {strides = array<i32>} : memref<16x128xf32, #tpu.memory_space<vmem>>, vector<1x16xf32>,
      %get3A_930 = vector.shape_cast %get3A_929 : vector<1x16xf32> to vector<16xf32>
      %scan3A_931 = arith.constant 0 : i32
      %scan3A_932 = arith.constant 0 : i32
      %scan3A_933 = arith.constant 32 : i32
      %scan3A_934 = arith.addi %scan3A_932, %scan3A_933 : i32
      %scan3A_935 = arith.constant 1 : i32
      scf.for %scan3A_1029 = %scan3A_932 to %scan3A_934 step %scan3A_935  : i32 {
        %swap3A = arith.constant 13 : i32
        %swap3A_1030 = arith.index_cast %swap3A : i32 to index
        %swap3A_1031 = arith.index_cast %scan3A_1029 : i32 to index
        %swap3A_1032 = arith.constant 0 : index
        %swap3A_1033 = tpu.vector_load %arg7[%swap3A_1030, %swap3A_1031, %swap3A_1032] {strides = array<i32>} : memref<16x32x128xf32, #tpu.memory_space<vmem>>, vector<1x1x16xf32>,
        %swap3A_1034 = vector.shape_cast %swap3A_1033 : vector<1x1x16xf32> to vector<16xf32>
        %swap3A_1035 = vector.shape_cast %get3A_895 : vector<16xf32> to vector<1x1x16xf32>
        tpu.vector_store %arg7[%swap3A_1030, %swap3A_1031, %swap3A_1032], %swap3A_1035 {strides = array<i32>} : memref<16x32x128xf32, #tpu.memory_space<vmem>>, vector<1x1x16xf32>,
        %swap3A_1036 = arith.constant 13 : i32
        %swap3A_1037 = arith.index_cast %swap3A_1036 : i32 to index
        %swap3A_1038 = arith.index_cast %scan3A_1029 : i32 to index
        %swap3A_1039 = arith.constant 16 : index
        %swap3A_1040 = tpu.vector_load %arg7[%swap3A_1037, %swap3A_1038, %swap3A_1039] {strides = array<i32>} : memref<16x32x128xf32, #tpu.memory_space<vmem>>, vector<1x1x16xf32>,
        %swap3A_1041 = vector.shape_cast %swap3A_1040 : vector<1x1x16xf32> to vector<16xf32>
        %swap3A_1042 = vector.shape_cast %get3A_900 : vector<16xf32> to vector<1x1x16xf32>
        tpu.vector_store %arg7[%swap3A_1037, %swap3A_1038, %swap3A_1039], %swap3A_1042 {strides = array<i32>} : memref<16x32x128xf32, #tpu.memory_space<vmem>>, vector<1x1x16xf32>,
        %swap3A_1043 = arith.constant 13 : i32
        %swap3A_1044 = arith.index_cast %swap3A_1043 : i32 to index
        %swap3A_1045 = arith.index_cast %scan3A_1029 : i32 to index
        %swap3A_1046 = arith.constant 32 : index
        %swap3A_1047 = tpu.vector_load %arg7[%swap3A_1044, %swap3A_1045, %swap3A_1046] {strides = array<i32>} : memref<16x32x128xf32, #tpu.memory_space<vmem>>, vector<1x1x16xf32>,
        %swap3A_1048 = vector.shape_cast %swap3A_1047 : vector<1x1x16xf32> to vector<16xf32>
        %swap3A_1049 = vector.shape_cast %get3A_905 : vector<16xf32> to vector<1x1x16xf32>
        tpu.vector_store %arg7[%swap3A_1044, %swap3A_1045, %swap3A_1046], %swap3A_1049 {strides = array<i32>} : memref<16x32x128xf32, #tpu.memory_space<vmem>>, vector<1x1x16xf32>,
        %swap3A_1050 = arith.constant 13 : i32
        %swap3A_1051 = arith.index_cast %swap3A_1050 : i32 to index
        %swap3A_1052 = arith.index_cast %scan3A_1029 : i32 to index
        %swap3A_1053 = arith.constant 48 : index
        %swap3A_1054 = tpu.vector_load %arg7[%swap3A_1051, %swap3A_1052, %swap3A_1053] {strides = array<i32>} : memref<16x32x128xf32, #tpu.memory_space<vmem>>, vector<1x1x16xf32>,
        %swap3A_1055 = vector.shape_cast %swap3A_1054 : vector<1x1x16xf32> to vector<16xf32>
        %swap3A_1056 = vector.shape_cast %get3A_910 : vector<16xf32> to vector<1x1x16xf32>
        tpu.vector_store %arg7[%swap3A_1051, %swap3A_1052, %swap3A_1053], %swap3A_1056 {strides = array<i32>} : memref<16x32x128xf32, #tpu.memory_space<vmem>>, vector<1x1x16xf32>,
        %swap3A_1057 = arith.constant 13 : i32
        %swap3A_1058 = arith.index_cast %swap3A_1057 : i32 to index
        %swap3A_1059 = arith.index_cast %scan3A_1029 : i32 to index
        %swap3A_1060 = arith.constant 64 : index
        %swap3A_1061 = tpu.vector_load %arg7[%swap3A_1058, %swap3A_1059, %swap3A_1060] {strides = array<i32>} : memref<16x32x128xf32, #tpu.memory_space<vmem>>, vector<1x1x16xf32>,
        %swap3A_1062 = vector.shape_cast %swap3A_1061 : vector<1x1x16xf32> to vector<16xf32>
        %swap3A_1063 = vector.shape_cast %get3A_915 : vector<16xf32> to vector<1x1x16xf32>
        tpu.vector_store %arg7[%swap3A_1058, %swap3A_1059, %swap3A_1060], %swap3A_1063 {strides = array<i32>} : memref<16x32x128xf32, #tpu.memory_space<vmem>>, vector<1x1x16xf32>,
        %swap3A_1064 = arith.constant 13 : i32
        %swap3A_1065 = arith.index_cast %swap3A_1064 : i32 to index
        %swap3A_1066 = arith.index_cast %scan3A_1029 : i32 to index
        %swap3A_1067 = arith.constant 80 : index
        %swap3A_1068 = tpu.vector_load %arg7[%swap3A_1065, %swap3A_1066, %swap3A_1067] {strides = array<i32>} : memref<16x32x128xf32, #tpu.memory_space<vmem>>, vector<1x1x16xf32>,
        %swap3A_1069 = vector.shape_cast %swap3A_1068 : vector<1x1x16xf32> to vector<16xf32>
        %swap3A_1070 = vector.shape_cast %get3A_920 : vector<16xf32> to vector<1x1x16xf32>
        tpu.vector_store %arg7[%swap3A_1065, %swap3A_1066, %swap3A_1067], %swap3A_1070 {strides = array<i32>} : memref<16x32x128xf32, #tpu.memory_space<vmem>>, vector<1x1x16xf32>,
        %swap3A_1071 = arith.constant 13 : i32
        %swap3A_1072 = arith.index_cast %swap3A_1071 : i32 to index
        %swap3A_1073 = arith.index_cast %scan3A_1029 : i32 to index
        %swap3A_1074 = arith.constant 96 : index
        %swap3A_1075 = tpu.vector_load %arg7[%swap3A_1072, %swap3A_1073, %swap3A_1074] {strides = array<i32>} : memref<16x32x128xf32, #tpu.memory_space<vmem>>, vector<1x1x16xf32>,
        %swap3A_1076 = vector.shape_cast %swap3A_1075 : vector<1x1x16xf32> to vector<16xf32>
        %swap3A_1077 = vector.shape_cast %get3A_925 : vector<16xf32> to vector<1x1x16xf32>
        tpu.vector_store %arg7[%swap3A_1072, %swap3A_1073, %swap3A_1074], %swap3A_1077 {strides = array<i32>} : memref<16x32x128xf32, #tpu.memory_space<vmem>>, vector<1x1x16xf32>,
        %swap3A_1078 = arith.constant 13 : i32
        %swap3A_1079 = arith.index_cast %swap3A_1078 : i32 to index
        %swap3A_1080 = arith.index_cast %scan3A_1029 : i32 to index
        %swap3A_1081 = arith.constant 112 : index
        %swap3A_1082 = tpu.vector_load %arg7[%swap3A_1079, %swap3A_1080, %swap3A_1081] {strides = array<i32>} : memref<16x32x128xf32, #tpu.memory_space<vmem>>, vector<1x1x16xf32>,
        %swap3A_1083 = vector.shape_cast %swap3A_1082 : vector<1x1x16xf32> to vector<16xf32>
        %swap3A_1084 = vector.shape_cast %get3A_930 : vector<16xf32> to vector<1x1x16xf32>
        tpu.vector_store %arg7[%swap3A_1079, %swap3A_1080, %swap3A_1081], %swap3A_1084 {strides = array<i32>} : memref<16x32x128xf32, #tpu.memory_space<vmem>>, vector<1x1x16xf32>,
      }
      %scan3A_936 = arith.constant 32 : i32
      %get3A_937 = arith.constant 14 : i32
      %get3A_938 = arith.index_cast %get3A_937 : i32 to index
      %get3A_939 = arith.constant 0 : index
      %get3A_940 = tpu.vector_load %arg5[%get3A_938, %get3A_939] {strides = array<i32>} : memref<16x128xf32, #tpu.memory_space<vmem>>, vector<1x16xf32>,
      %get3A_941 = vector.shape_cast %get3A_940 : vector<1x16xf32> to vector<16xf32>
      %get3A_942 = arith.constant 14 : i32
      %get3A_943 = arith.index_cast %get3A_942 : i32 to index
      %get3A_944 = arith.constant 16 : index
      %get3A_945 = tpu.vector_load %arg5[%get3A_943, %get3A_944] {strides = array<i32>} : memref<16x128xf32, #tpu.memory_space<vmem>>, vector<1x16xf32>,
      %get3A_946 = vector.shape_cast %get3A_945 : vector<1x16xf32> to vector<16xf32>
      %get3A_947 = arith.constant 14 : i32
      %get3A_948 = arith.index_cast %get3A_947 : i32 to index
      %get3A_949 = arith.constant 32 : index
      %get3A_950 = tpu.vector_load %arg5[%get3A_948, %get3A_949] {strides = array<i32>} : memref<16x128xf32, #tpu.memory_space<vmem>>, vector<1x16xf32>,
      %get3A_951 = vector.shape_cast %get3A_950 : vector<1x16xf32> to vector<16xf32>
      %get3A_952 = arith.constant 14 : i32
      %get3A_953 = arith.index_cast %get3A_952 : i32 to index
      %get3A_954 = arith.constant 48 : index
      %get3A_955 = tpu.vector_load %arg5[%get3A_953, %get3A_954] {strides = array<i32>} : memref<16x128xf32, #tpu.memory_space<vmem>>, vector<1x16xf32>,
      %get3A_956 = vector.shape_cast %get3A_955 : vector<1x16xf32> to vector<16xf32>
      %get3A_957 = arith.constant 14 : i32
      %get3A_958 = arith.index_cast %get3A_957 : i32 to index
      %get3A_959 = arith.constant 64 : index
      %get3A_960 = tpu.vector_load %arg5[%get3A_958, %get3A_959] {strides = array<i32>} : memref<16x128xf32, #tpu.memory_space<vmem>>, vector<1x16xf32>,
      %get3A_961 = vector.shape_cast %get3A_960 : vector<1x16xf32> to vector<16xf32>
      %get3A_962 = arith.constant 14 : i32
      %get3A_963 = arith.index_cast %get3A_962 : i32 to index
      %get3A_964 = arith.constant 80 : index
      %get3A_965 = tpu.vector_load %arg5[%get3A_963, %get3A_964] {strides = array<i32>} : memref<16x128xf32, #tpu.memory_space<vmem>>, vector<1x16xf32>,
      %get3A_966 = vector.shape_cast %get3A_965 : vector<1x16xf32> to vector<16xf32>
      %get3A_967 = arith.constant 14 : i32
      %get3A_968 = arith.index_cast %get3A_967 : i32 to index
      %get3A_969 = arith.constant 96 : index
      %get3A_970 = tpu.vector_load %arg5[%get3A_968, %get3A_969] {strides = array<i32>} : memref<16x128xf32, #tpu.memory_space<vmem>>, vector<1x16xf32>,
      %get3A_971 = vector.shape_cast %get3A_970 : vector<1x16xf32> to vector<16xf32>
      %get3A_972 = arith.constant 14 : i32
      %get3A_973 = arith.index_cast %get3A_972 : i32 to index
      %get3A_974 = arith.constant 112 : index
      %get3A_975 = tpu.vector_load %arg5[%get3A_973, %get3A_974] {strides = array<i32>} : memref<16x128xf32, #tpu.memory_space<vmem>>, vector<1x16xf32>,
      %get3A_976 = vector.shape_cast %get3A_975 : vector<1x16xf32> to vector<16xf32>
      %scan3A_977 = arith.constant 0 : i32
      %scan3A_978 = arith.constant 0 : i32
      %scan3A_979 = arith.constant 32 : i32
      %scan3A_980 = arith.addi %scan3A_978, %scan3A_979 : i32
      %scan3A_981 = arith.constant 1 : i32
      scf.for %scan3A_1029 = %scan3A_978 to %scan3A_980 step %scan3A_981  : i32 {
        %swap3A = arith.constant 14 : i32
        %swap3A_1030 = arith.index_cast %swap3A : i32 to index
        %swap3A_1031 = arith.index_cast %scan3A_1029 : i32 to index
        %swap3A_1032 = arith.constant 0 : index
        %swap3A_1033 = tpu.vector_load %arg7[%swap3A_1030, %swap3A_1031, %swap3A_1032] {strides = array<i32>} : memref<16x32x128xf32, #tpu.memory_space<vmem>>, vector<1x1x16xf32>,
        %swap3A_1034 = vector.shape_cast %swap3A_1033 : vector<1x1x16xf32> to vector<16xf32>
        %swap3A_1035 = vector.shape_cast %get3A_941 : vector<16xf32> to vector<1x1x16xf32>
        tpu.vector_store %arg7[%swap3A_1030, %swap3A_1031, %swap3A_1032], %swap3A_1035 {strides = array<i32>} : memref<16x32x128xf32, #tpu.memory_space<vmem>>, vector<1x1x16xf32>,
        %swap3A_1036 = arith.constant 14 : i32
        %swap3A_1037 = arith.index_cast %swap3A_1036 : i32 to index
        %swap3A_1038 = arith.index_cast %scan3A_1029 : i32 to index
        %swap3A_1039 = arith.constant 16 : index
        %swap3A_1040 = tpu.vector_load %arg7[%swap3A_1037, %swap3A_1038, %swap3A_1039] {strides = array<i32>} : memref<16x32x128xf32, #tpu.memory_space<vmem>>, vector<1x1x16xf32>,
        %swap3A_1041 = vector.shape_cast %swap3A_1040 : vector<1x1x16xf32> to vector<16xf32>
        %swap3A_1042 = vector.shape_cast %get3A_946 : vector<16xf32> to vector<1x1x16xf32>
        tpu.vector_store %arg7[%swap3A_1037, %swap3A_1038, %swap3A_1039], %swap3A_1042 {strides = array<i32>} : memref<16x32x128xf32, #tpu.memory_space<vmem>>, vector<1x1x16xf32>,
        %swap3A_1043 = arith.constant 14 : i32
        %swap3A_1044 = arith.index_cast %swap3A_1043 : i32 to index
        %swap3A_1045 = arith.index_cast %scan3A_1029 : i32 to index
        %swap3A_1046 = arith.constant 32 : index
        %swap3A_1047 = tpu.vector_load %arg7[%swap3A_1044, %swap3A_1045, %swap3A_1046] {strides = array<i32>} : memref<16x32x128xf32, #tpu.memory_space<vmem>>, vector<1x1x16xf32>,
        %swap3A_1048 = vector.shape_cast %swap3A_1047 : vector<1x1x16xf32> to vector<16xf32>
        %swap3A_1049 = vector.shape_cast %get3A_951 : vector<16xf32> to vector<1x1x16xf32>
        tpu.vector_store %arg7[%swap3A_1044, %swap3A_1045, %swap3A_1046], %swap3A_1049 {strides = array<i32>} : memref<16x32x128xf32, #tpu.memory_space<vmem>>, vector<1x1x16xf32>,
        %swap3A_1050 = arith.constant 14 : i32
        %swap3A_1051 = arith.index_cast %swap3A_1050 : i32 to index
        %swap3A_1052 = arith.index_cast %scan3A_1029 : i32 to index
        %swap3A_1053 = arith.constant 48 : index
        %swap3A_1054 = tpu.vector_load %arg7[%swap3A_1051, %swap3A_1052, %swap3A_1053] {strides = array<i32>} : memref<16x32x128xf32, #tpu.memory_space<vmem>>, vector<1x1x16xf32>,
        %swap3A_1055 = vector.shape_cast %swap3A_1054 : vector<1x1x16xf32> to vector<16xf32>
        %swap3A_1056 = vector.shape_cast %get3A_956 : vector<16xf32> to vector<1x1x16xf32>
        tpu.vector_store %arg7[%swap3A_1051, %swap3A_1052, %swap3A_1053], %swap3A_1056 {strides = array<i32>} : memref<16x32x128xf32, #tpu.memory_space<vmem>>, vector<1x1x16xf32>,
        %swap3A_1057 = arith.constant 14 : i32
        %swap3A_1058 = arith.index_cast %swap3A_1057 : i32 to index
        %swap3A_1059 = arith.index_cast %scan3A_1029 : i32 to index
        %swap3A_1060 = arith.constant 64 : index
        %swap3A_1061 = tpu.vector_load %arg7[%swap3A_1058, %swap3A_1059, %swap3A_1060] {strides = array<i32>} : memref<16x32x128xf32, #tpu.memory_space<vmem>>, vector<1x1x16xf32>,
        %swap3A_1062 = vector.shape_cast %swap3A_1061 : vector<1x1x16xf32> to vector<16xf32>
        %swap3A_1063 = vector.shape_cast %get3A_961 : vector<16xf32> to vector<1x1x16xf32>
        tpu.vector_store %arg7[%swap3A_1058, %swap3A_1059, %swap3A_1060], %swap3A_1063 {strides = array<i32>} : memref<16x32x128xf32, #tpu.memory_space<vmem>>, vector<1x1x16xf32>,
        %swap3A_1064 = arith.constant 14 : i32
        %swap3A_1065 = arith.index_cast %swap3A_1064 : i32 to index
        %swap3A_1066 = arith.index_cast %scan3A_1029 : i32 to index
        %swap3A_1067 = arith.constant 80 : index
        %swap3A_1068 = tpu.vector_load %arg7[%swap3A_1065, %swap3A_1066, %swap3A_1067] {strides = array<i32>} : memref<16x32x128xf32, #tpu.memory_space<vmem>>, vector<1x1x16xf32>,
        %swap3A_1069 = vector.shape_cast %swap3A_1068 : vector<1x1x16xf32> to vector<16xf32>
        %swap3A_1070 = vector.shape_cast %get3A_966 : vector<16xf32> to vector<1x1x16xf32>
        tpu.vector_store %arg7[%swap3A_1065, %swap3A_1066, %swap3A_1067], %swap3A_1070 {strides = array<i32>} : memref<16x32x128xf32, #tpu.memory_space<vmem>>, vector<1x1x16xf32>,
        %swap3A_1071 = arith.constant 14 : i32
        %swap3A_1072 = arith.index_cast %swap3A_1071 : i32 to index
        %swap3A_1073 = arith.index_cast %scan3A_1029 : i32 to index
        %swap3A_1074 = arith.constant 96 : index
        %swap3A_1075 = tpu.vector_load %arg7[%swap3A_1072, %swap3A_1073, %swap3A_1074] {strides = array<i32>} : memref<16x32x128xf32, #tpu.memory_space<vmem>>, vector<1x1x16xf32>,
        %swap3A_1076 = vector.shape_cast %swap3A_1075 : vector<1x1x16xf32> to vector<16xf32>
        %swap3A_1077 = vector.shape_cast %get3A_971 : vector<16xf32> to vector<1x1x16xf32>
        tpu.vector_store %arg7[%swap3A_1072, %swap3A_1073, %swap3A_1074], %swap3A_1077 {strides = array<i32>} : memref<16x32x128xf32, #tpu.memory_space<vmem>>, vector<1x1x16xf32>,
        %swap3A_1078 = arith.constant 14 : i32
        %swap3A_1079 = arith.index_cast %swap3A_1078 : i32 to index
        %swap3A_1080 = arith.index_cast %scan3A_1029 : i32 to index
        %swap3A_1081 = arith.constant 112 : index
        %swap3A_1082 = tpu.vector_load %arg7[%swap3A_1079, %swap3A_1080, %swap3A_1081] {strides = array<i32>} : memref<16x32x128xf32, #tpu.memory_space<vmem>>, vector<1x1x16xf32>,
        %swap3A_1083 = vector.shape_cast %swap3A_1082 : vector<1x1x16xf32> to vector<16xf32>
        %swap3A_1084 = vector.shape_cast %get3A_976 : vector<16xf32> to vector<1x1x16xf32>
        tpu.vector_store %arg7[%swap3A_1079, %swap3A_1080, %swap3A_1081], %swap3A_1084 {strides = array<i32>} : memref<16x32x128xf32, #tpu.memory_space<vmem>>, vector<1x1x16xf32>,
      }
      %scan3A_982 = arith.constant 32 : i32
      %get3A_983 = arith.constant 15 : i32
      %get3A_984 = arith.index_cast %get3A_983 : i32 to index
      %get3A_985 = arith.constant 0 : index
      %get3A_986 = tpu.vector_load %arg5[%get3A_984, %get3A_985] {strides = array<i32>} : memref<16x128xf32, #tpu.memory_space<vmem>>, vector<1x16xf32>,
      %get3A_987 = vector.shape_cast %get3A_986 : vector<1x16xf32> to vector<16xf32>
      %get3A_988 = arith.constant 15 : i32
      %get3A_989 = arith.index_cast %get3A_988 : i32 to index
      %get3A_990 = arith.constant 16 : index
      %get3A_991 = tpu.vector_load %arg5[%get3A_989, %get3A_990] {strides = array<i32>} : memref<16x128xf32, #tpu.memory_space<vmem>>, vector<1x16xf32>,
      %get3A_992 = vector.shape_cast %get3A_991 : vector<1x16xf32> to vector<16xf32>
      %get3A_993 = arith.constant 15 : i32
      %get3A_994 = arith.index_cast %get3A_993 : i32 to index
      %get3A_995 = arith.constant 32 : index
      %get3A_996 = tpu.vector_load %arg5[%get3A_994, %get3A_995] {strides = array<i32>} : memref<16x128xf32, #tpu.memory_space<vmem>>, vector<1x16xf32>,
      %get3A_997 = vector.shape_cast %get3A_996 : vector<1x16xf32> to vector<16xf32>
      %get3A_998 = arith.constant 15 : i32
      %get3A_999 = arith.index_cast %get3A_998 : i32 to index
      %get3A_1000 = arith.constant 48 : index
      %get3A_1001 = tpu.vector_load %arg5[%get3A_999, %get3A_1000] {strides = array<i32>} : memref<16x128xf32, #tpu.memory_space<vmem>>, vector<1x16xf32>,
      %get3A_1002 = vector.shape_cast %get3A_1001 : vector<1x16xf32> to vector<16xf32>
      %get3A_1003 = arith.constant 15 : i32
      %get3A_1004 = arith.index_cast %get3A_1003 : i32 to index
      %get3A_1005 = arith.constant 64 : index
      %get3A_1006 = tpu.vector_load %arg5[%get3A_1004, %get3A_1005] {strides = array<i32>} : memref<16x128xf32, #tpu.memory_space<vmem>>, vector<1x16xf32>,
      %get3A_1007 = vector.shape_cast %get3A_1006 : vector<1x16xf32> to vector<16xf32>
      %get3A_1008 = arith.constant 15 : i32
      %get3A_1009 = arith.index_cast %get3A_1008 : i32 to index
      %get3A_1010 = arith.constant 80 : index
      %get3A_1011 = tpu.vector_load %arg5[%get3A_1009, %get3A_1010] {strides = array<i32>} : memref<16x128xf32, #tpu.memory_space<vmem>>, vector<1x16xf32>,
      %get3A_1012 = vector.shape_cast %get3A_1011 : vector<1x16xf32> to vector<16xf32>
      %get3A_1013 = arith.constant 15 : i32
      %get3A_1014 = arith.index_cast %get3A_1013 : i32 to index
      %get3A_1015 = arith.constant 96 : index
      %get3A_1016 = tpu.vector_load %arg5[%get3A_1014, %get3A_1015] {strides = array<i32>} : memref<16x128xf32, #tpu.memory_space<vmem>>, vector<1x16xf32>,
      %get3A_1017 = vector.shape_cast %get3A_1016 : vector<1x16xf32> to vector<16xf32>
      %get3A_1018 = arith.constant 15 : i32
      %get3A_1019 = arith.index_cast %get3A_1018 : i32 to index
      %get3A_1020 = arith.constant 112 : index
      %get3A_1021 = tpu.vector_load %arg5[%get3A_1019, %get3A_1020] {strides = array<i32>} : memref<16x128xf32, #tpu.memory_space<vmem>>, vector<1x16xf32>,
      %get3A_1022 = vector.shape_cast %get3A_1021 : vector<1x16xf32> to vector<16xf32>
      %scan3A_1023 = arith.constant 0 : i32
      %scan3A_1024 = arith.constant 0 : i32
      %scan3A_1025 = arith.constant 32 : i32
      %scan3A_1026 = arith.addi %scan3A_1024, %scan3A_1025 : i32
      %scan3A_1027 = arith.constant 1 : i32
      scf.for %scan3A_1029 = %scan3A_1024 to %scan3A_1026 step %scan3A_1027  : i32 {
        %swap3A = arith.constant 15 : i32
        %swap3A_1030 = arith.index_cast %swap3A : i32 to index
        %swap3A_1031 = arith.index_cast %scan3A_1029 : i32 to index
        %swap3A_1032 = arith.constant 0 : index
        %swap3A_1033 = tpu.vector_load %arg7[%swap3A_1030, %swap3A_1031, %swap3A_1032] {strides = array<i32>} : memref<16x32x128xf32, #tpu.memory_space<vmem>>, vector<1x1x16xf32>,
        %swap3A_1034 = vector.shape_cast %swap3A_1033 : vector<1x1x16xf32> to vector<16xf32>
        %swap3A_1035 = vector.shape_cast %get3A_987 : vector<16xf32> to vector<1x1x16xf32>
        tpu.vector_store %arg7[%swap3A_1030, %swap3A_1031, %swap3A_1032], %swap3A_1035 {strides = array<i32>} : memref<16x32x128xf32, #tpu.memory_space<vmem>>, vector<1x1x16xf32>,
        %swap3A_1036 = arith.constant 15 : i32
        %swap3A_1037 = arith.index_cast %swap3A_1036 : i32 to index
        %swap3A_1038 = arith.index_cast %scan3A_1029 : i32 to index
        %swap3A_1039 = arith.constant 16 : index
        %swap3A_1040 = tpu.vector_load %arg7[%swap3A_1037, %swap3A_1038, %swap3A_1039] {strides = array<i32>} : memref<16x32x128xf32, #tpu.memory_space<vmem>>, vector<1x1x16xf32>,
        %swap3A_1041 = vector.shape_cast %swap3A_1040 : vector<1x1x16xf32> to vector<16xf32>
        %swap3A_1042 = vector.shape_cast %get3A_992 : vector<16xf32> to vector<1x1x16xf32>
        tpu.vector_store %arg7[%swap3A_1037, %swap3A_1038, %swap3A_1039], %swap3A_1042 {strides = array<i32>} : memref<16x32x128xf32, #tpu.memory_space<vmem>>, vector<1x1x16xf32>,
        %swap3A_1043 = arith.constant 15 : i32
        %swap3A_1044 = arith.index_cast %swap3A_1043 : i32 to index
        %swap3A_1045 = arith.index_cast %scan3A_1029 : i32 to index
        %swap3A_1046 = arith.constant 32 : index
        %swap3A_1047 = tpu.vector_load %arg7[%swap3A_1044, %swap3A_1045, %swap3A_1046] {strides = array<i32>} : memref<16x32x128xf32, #tpu.memory_space<vmem>>, vector<1x1x16xf32>,
        %swap3A_1048 = vector.shape_cast %swap3A_1047 : vector<1x1x16xf32> to vector<16xf32>
        %swap3A_1049 = vector.shape_cast %get3A_997 : vector<16xf32> to vector<1x1x16xf32>
        tpu.vector_store %arg7[%swap3A_1044, %swap3A_1045, %swap3A_1046], %swap3A_1049 {strides = array<i32>} : memref<16x32x128xf32, #tpu.memory_space<vmem>>, vector<1x1x16xf32>,
        %swap3A_1050 = arith.constant 15 : i32
        %swap3A_1051 = arith.index_cast %swap3A_1050 : i32 to index
        %swap3A_1052 = arith.index_cast %scan3A_1029 : i32 to index
        %swap3A_1053 = arith.constant 48 : index
        %swap3A_1054 = tpu.vector_load %arg7[%swap3A_1051, %swap3A_1052, %swap3A_1053] {strides = array<i32>} : memref<16x32x128xf32, #tpu.memory_space<vmem>>, vector<1x1x16xf32>,
        %swap3A_1055 = vector.shape_cast %swap3A_1054 : vector<1x1x16xf32> to vector<16xf32>
        %swap3A_1056 = vector.shape_cast %get3A_1002 : vector<16xf32> to vector<1x1x16xf32>
        tpu.vector_store %arg7[%swap3A_1051, %swap3A_1052, %swap3A_1053], %swap3A_1056 {strides = array<i32>} : memref<16x32x128xf32, #tpu.memory_space<vmem>>, vector<1x1x16xf32>,
        %swap3A_1057 = arith.constant 15 : i32
        %swap3A_1058 = arith.index_cast %swap3A_1057 : i32 to index
        %swap3A_1059 = arith.index_cast %scan3A_1029 : i32 to index
        %swap3A_1060 = arith.constant 64 : index
        %swap3A_1061 = tpu.vector_load %arg7[%swap3A_1058, %swap3A_1059, %swap3A_1060] {strides = array<i32>} : memref<16x32x128xf32, #tpu.memory_space<vmem>>, vector<1x1x16xf32>,
        %swap3A_1062 = vector.shape_cast %swap3A_1061 : vector<1x1x16xf32> to vector<16xf32>
        %swap3A_1063 = vector.shape_cast %get3A_1007 : vector<16xf32> to vector<1x1x16xf32>
        tpu.vector_store %arg7[%swap3A_1058, %swap3A_1059, %swap3A_1060], %swap3A_1063 {strides = array<i32>} : memref<16x32x128xf32, #tpu.memory_space<vmem>>, vector<1x1x16xf32>,
        %swap3A_1064 = arith.constant 15 : i32
        %swap3A_1065 = arith.index_cast %swap3A_1064 : i32 to index
        %swap3A_1066 = arith.index_cast %scan3A_1029 : i32 to index
        %swap3A_1067 = arith.constant 80 : index
        %swap3A_1068 = tpu.vector_load %arg7[%swap3A_1065, %swap3A_1066, %swap3A_1067] {strides = array<i32>} : memref<16x32x128xf32, #tpu.memory_space<vmem>>, vector<1x1x16xf32>,
        %swap3A_1069 = vector.shape_cast %swap3A_1068 : vector<1x1x16xf32> to vector<16xf32>
        %swap3A_1070 = vector.shape_cast %get3A_1012 : vector<16xf32> to vector<1x1x16xf32>
        tpu.vector_store %arg7[%swap3A_1065, %swap3A_1066, %swap3A_1067], %swap3A_1070 {strides = array<i32>} : memref<16x32x128xf32, #tpu.memory_space<vmem>>, vector<1x1x16xf32>,
        %swap3A_1071 = arith.constant 15 : i32
        %swap3A_1072 = arith.index_cast %swap3A_1071 : i32 to index
        %swap3A_1073 = arith.index_cast %scan3A_1029 : i32 to index
        %swap3A_1074 = arith.constant 96 : index
        %swap3A_1075 = tpu.vector_load %arg7[%swap3A_1072, %swap3A_1073, %swap3A_1074] {strides = array<i32>} : memref<16x32x128xf32, #tpu.memory_space<vmem>>, vector<1x1x16xf32>,
        %swap3A_1076 = vector.shape_cast %swap3A_1075 : vector<1x1x16xf32> to vector<16xf32>
        %swap3A_1077 = vector.shape_cast %get3A_1017 : vector<16xf32> to vector<1x1x16xf32>
        tpu.vector_store %arg7[%swap3A_1072, %swap3A_1073, %swap3A_1074], %swap3A_1077 {strides = array<i32>} : memref<16x32x128xf32, #tpu.memory_space<vmem>>, vector<1x1x16xf32>,
        %swap3A_1078 = arith.constant 15 : i32
        %swap3A_1079 = arith.index_cast %swap3A_1078 : i32 to index
        %swap3A_1080 = arith.index_cast %scan3A_1029 : i32 to index
        %swap3A_1081 = arith.constant 112 : index
        %swap3A_1082 = tpu.vector_load %arg7[%swap3A_1079, %swap3A_1080, %swap3A_1081] {strides = array<i32>} : memref<16x32x128xf32, #tpu.memory_space<vmem>>, vector<1x1x16xf32>,
        %swap3A_1083 = vector.shape_cast %swap3A_1082 : vector<1x1x16xf32> to vector<16xf32>
        %swap3A_1084 = vector.shape_cast %get3A_1022 : vector<16xf32> to vector<1x1x16xf32>
        tpu.vector_store %arg7[%swap3A_1079, %swap3A_1080, %swap3A_1081], %swap3A_1084 {strides = array<i32>} : memref<16x32x128xf32, #tpu.memory_space<vmem>>, vector<1x1x16xf32>,
      }
      %scan3A_1028 = arith.constant 32 : i32
    } else {
    }
    %ge3A = arith.constant 256 : i32
    %ge3A_5 = arith.cmpi sge, %mul3A_2, %ge3A : i32
    %convert_element_type3A_6 = arith.extui %ge3A_5 : i1 to i32
    %cond3A_7 = arith.constant 0 : i32
    %cond3A_8 = arith.cmpi ne, %convert_element_type3A_6, %cond3A_7 : i32
    scf.if %cond3A_8 {
      %sub3A = arith.constant 256 : i32
      %sub3A_295 = arith.subi %mul3A_2, %sub3A : i32
      "tpu.region"() ({
        %run_scoped3A = tpu.sem_alloc : memref<!tpu.dma_semaphore, #tpu.memory_space<semaphore_mem>>
        %dma_start3A_391 = arith.constant 0 : i32
        %dma_start3A_392 = tpu.memref_slice %arg3[%sub3A_295, %dma_start3A_391] : memref<256x1024xf32, #tpu.memory_space<hbm>> -> memref<16x1024xf32, #tpu.memory_space<hbm>>
        %dma_start3A_393 = arith.constant 0 : i32
        %dma_start3A_394 = tpu.memref_slice %arg3[%sub3A_295, %dma_start3A_393] : memref<256x1024xf32, #tpu.memory_space<hbm>> -> memref<16x1024xf32, #tpu.memory_space<hbm>>
        tpu.enqueue_dma source(%dma_start3A_394 : memref<16x1024xf32, #tpu.memory_space<hbm>>) target(%arg6 : memref<16x1024xf32, #tpu.memory_space<vmem>>) target_semaphore(%run_scoped3A : memref<!tpu.dma_semaphore, #tpu.memory_space<semaphore_mem>>)
        %dma_wait3A_395 = arith.constant 0 : i32
        %dma_wait3A_396 = tpu.memref_slice %arg3[%sub3A_295, %dma_wait3A_395] : memref<256x1024xf32, #tpu.memory_space<hbm>> -> memref<16x1024xf32, #tpu.memory_space<hbm>>
        %dma_wait3A_397 = arith.constant 0 : i32
        %dma_wait3A_398 = tpu.memref_slice %arg3[%sub3A_295, %dma_wait3A_397] : memref<256x1024xf32, #tpu.memory_space<hbm>> -> memref<16x1024xf32, #tpu.memory_space<hbm>>
        tpu.wait_dma2 semaphore(%run_scoped3A : memref<!tpu.dma_semaphore, #tpu.memory_space<semaphore_mem>>) src(%dma_wait3A_398 : memref<16x1024xf32, #tpu.memory_space<hbm>>) dst(%arg6 : memref<16x1024xf32, #tpu.memory_space<vmem>>)
        tpu.yield
      }) : () -> ()
      %scan3A = arith.constant 0 : i32
      %scan3A_296 = arith.constant 0 : i32
      %scan3A_297 = arith.constant 32 : i32
      %scan3A_298 = arith.addi %scan3A_296, %scan3A_297 : i32
      %scan3A_299 = arith.constant 1 : i32
      scf.for %scan3A_391 = %scan3A_296 to %scan3A_298 step %scan3A_299  : i32 {
        %mul3A_392 = arith.constant 2 : i32
        %mul3A_393 = arith.muli %mul3A_392, %scan3A_391 : i32
        %add3A_394 = arith.constant 0 : i32
        %add3A_395 = arith.addi %mul3A_393, %add3A_394 : i32
        %mul3A_396 = arith.constant 16 : i32
        %mul3A_397 = arith.muli %add3A_395, %mul3A_396 : i32
        %get3A = arith.constant 0 : i32
        %get3A_398 = arith.index_cast %get3A : i32 to index
        %get3A_399 = arith.index_cast %mul3A_397 : i32 to index
        %get3A_400 = tpu.vector_load %arg6[%get3A_398, %get3A_399] {strides = array<i32>} : memref<16x1024xf32, #tpu.memory_space<vmem>>, vector<1x16xf32>,
        %get3A_401 = vector.shape_cast %get3A_400 : vector<1x16xf32> to vector<16xf32>
        %swap3A = arith.constant 0 : i32
        %swap3A_402 = arith.index_cast %swap3A : i32 to index
        %swap3A_403 = arith.index_cast %scan3A_391 : i32 to index
        %swap3A_404 = arith.constant 0 : index
        %swap3A_405 = tpu.vector_load %arg7[%swap3A_402, %swap3A_403, %swap3A_404] {strides = array<i32>} : memref<16x32x128xf32, #tpu.memory_space<vmem>>, vector<1x1x16xf32>,
        %swap3A_406 = vector.shape_cast %swap3A_405 : vector<1x1x16xf32> to vector<16xf32>
        %swap3A_407 = vector.shape_cast %get3A_401 : vector<16xf32> to vector<1x1x16xf32>
        tpu.vector_store %arg7[%swap3A_402, %swap3A_403, %swap3A_404], %swap3A_407 {strides = array<i32>} : memref<16x32x128xf32, #tpu.memory_space<vmem>>, vector<1x1x16xf32>,
        %swap3A_408 = arith.constant 0 : i32
        %swap3A_409 = arith.index_cast %swap3A_408 : i32 to index
        %swap3A_410 = arith.index_cast %scan3A_391 : i32 to index
        %swap3A_411 = arith.constant 16 : index
        %swap3A_412 = tpu.vector_load %arg7[%swap3A_409, %swap3A_410, %swap3A_411] {strides = array<i32>} : memref<16x32x128xf32, #tpu.memory_space<vmem>>, vector<1x1x16xf32>,
        %swap3A_413 = vector.shape_cast %swap3A_412 : vector<1x1x16xf32> to vector<16xf32>
        %swap3A_414 = vector.shape_cast %get3A_401 : vector<16xf32> to vector<1x1x16xf32>
        tpu.vector_store %arg7[%swap3A_409, %swap3A_410, %swap3A_411], %swap3A_414 {strides = array<i32>} : memref<16x32x128xf32, #tpu.memory_space<vmem>>, vector<1x1x16xf32>,
        %swap3A_415 = arith.constant 0 : i32
        %swap3A_416 = arith.index_cast %swap3A_415 : i32 to index
        %swap3A_417 = arith.index_cast %scan3A_391 : i32 to index
        %swap3A_418 = arith.constant 32 : index
        %swap3A_419 = tpu.vector_load %arg7[%swap3A_416, %swap3A_417, %swap3A_418] {strides = array<i32>} : memref<16x32x128xf32, #tpu.memory_space<vmem>>, vector<1x1x16xf32>,
        %swap3A_420 = vector.shape_cast %swap3A_419 : vector<1x1x16xf32> to vector<16xf32>
        %swap3A_421 = vector.shape_cast %get3A_401 : vector<16xf32> to vector<1x1x16xf32>
        tpu.vector_store %arg7[%swap3A_416, %swap3A_417, %swap3A_418], %swap3A_421 {strides = array<i32>} : memref<16x32x128xf32, #tpu.memory_space<vmem>>, vector<1x1x16xf32>,
        %swap3A_422 = arith.constant 0 : i32
        %swap3A_423 = arith.index_cast %swap3A_422 : i32 to index
        %swap3A_424 = arith.index_cast %scan3A_391 : i32 to index
        %swap3A_425 = arith.constant 48 : index
        %swap3A_426 = tpu.vector_load %arg7[%swap3A_423, %swap3A_424, %swap3A_425] {strides = array<i32>} : memref<16x32x128xf32, #tpu.memory_space<vmem>>, vector<1x1x16xf32>,
        %swap3A_427 = vector.shape_cast %swap3A_426 : vector<1x1x16xf32> to vector<16xf32>
        %swap3A_428 = vector.shape_cast %get3A_401 : vector<16xf32> to vector<1x1x16xf32>
        tpu.vector_store %arg7[%swap3A_423, %swap3A_424, %swap3A_425], %swap3A_428 {strides = array<i32>} : memref<16x32x128xf32, #tpu.memory_space<vmem>>, vector<1x1x16xf32>,
        %mul3A_429 = arith.constant 2 : i32
        %mul3A_430 = arith.muli %mul3A_429, %scan3A_391 : i32
        %add3A_431 = arith.constant 1 : i32
        %add3A_432 = arith.addi %mul3A_430, %add3A_431 : i32
        %mul3A_433 = arith.constant 16 : i32
        %mul3A_434 = arith.muli %add3A_432, %mul3A_433 : i32
        %get3A_435 = arith.constant 0 : i32
        %get3A_436 = arith.index_cast %get3A_435 : i32 to index
        %get3A_437 = arith.index_cast %mul3A_434 : i32 to index
        %get3A_438 = tpu.vector_load %arg6[%get3A_436, %get3A_437] {strides = array<i32>} : memref<16x1024xf32, #tpu.memory_space<vmem>>, vector<1x16xf32>,
        %get3A_439 = vector.shape_cast %get3A_438 : vector<1x16xf32> to vector<16xf32>
        %swap3A_440 = arith.constant 0 : i32
        %swap3A_441 = arith.index_cast %swap3A_440 : i32 to index
        %swap3A_442 = arith.index_cast %scan3A_391 : i32 to index
        %swap3A_443 = arith.constant 64 : index
        %swap3A_444 = tpu.vector_load %arg7[%swap3A_441, %swap3A_442, %swap3A_443] {strides = array<i32>} : memref<16x32x128xf32, #tpu.memory_space<vmem>>, vector<1x1x16xf32>,
        %swap3A_445 = vector.shape_cast %swap3A_444 : vector<1x1x16xf32> to vector<16xf32>
        %swap3A_446 = vector.shape_cast %get3A_439 : vector<16xf32> to vector<1x1x16xf32>
        tpu.vector_store %arg7[%swap3A_441, %swap3A_442, %swap3A_443], %swap3A_446 {strides = array<i32>} : memref<16x32x128xf32, #tpu.memory_space<vmem>>, vector<1x1x16xf32>,
        %swap3A_447 = arith.constant 0 : i32
        %swap3A_448 = arith.index_cast %swap3A_447 : i32 to index
        %swap3A_449 = arith.index_cast %scan3A_391 : i32 to index
        %swap3A_450 = arith.constant 80 : index
        %swap3A_451 = tpu.vector_load %arg7[%swap3A_448, %swap3A_449, %swap3A_450] {strides = array<i32>} : memref<16x32x128xf32, #tpu.memory_space<vmem>>, vector<1x1x16xf32>,
        %swap3A_452 = vector.shape_cast %swap3A_451 : vector<1x1x16xf32> to vector<16xf32>
        %swap3A_453 = vector.shape_cast %get3A_439 : vector<16xf32> to vector<1x1x16xf32>
        tpu.vector_store %arg7[%swap3A_448, %swap3A_449, %swap3A_450], %swap3A_453 {strides = array<i32>} : memref<16x32x128xf32, #tpu.memory_space<vmem>>, vector<1x1x16xf32>,
        %swap3A_454 = arith.constant 0 : i32
        %swap3A_455 = arith.index_cast %swap3A_454 : i32 to index
        %swap3A_456 = arith.index_cast %scan3A_391 : i32 to index
        %swap3A_457 = arith.constant 96 : index
        %swap3A_458 = tpu.vector_load %arg7[%swap3A_455, %swap3A_456, %swap3A_457] {strides = array<i32>} : memref<16x32x128xf32, #tpu.memory_space<vmem>>, vector<1x1x16xf32>,
        %swap3A_459 = vector.shape_cast %swap3A_458 : vector<1x1x16xf32> to vector<16xf32>
        %swap3A_460 = vector.shape_cast %get3A_439 : vector<16xf32> to vector<1x1x16xf32>
        tpu.vector_store %arg7[%swap3A_455, %swap3A_456, %swap3A_457], %swap3A_460 {strides = array<i32>} : memref<16x32x128xf32, #tpu.memory_space<vmem>>, vector<1x1x16xf32>,
        %swap3A_461 = arith.constant 0 : i32
        %swap3A_462 = arith.index_cast %swap3A_461 : i32 to index
        %swap3A_463 = arith.index_cast %scan3A_391 : i32 to index
        %swap3A_464 = arith.constant 112 : index
        %swap3A_465 = tpu.vector_load %arg7[%swap3A_462, %swap3A_463, %swap3A_464] {strides = array<i32>} : memref<16x32x128xf32, #tpu.memory_space<vmem>>, vector<1x1x16xf32>,
        %swap3A_466 = vector.shape_cast %swap3A_465 : vector<1x1x16xf32> to vector<16xf32>
        %swap3A_467 = vector.shape_cast %get3A_439 : vector<16xf32> to vector<1x1x16xf32>
        tpu.vector_store %arg7[%swap3A_462, %swap3A_463, %swap3A_464], %swap3A_467 {strides = array<i32>} : memref<16x32x128xf32, #tpu.memory_space<vmem>>, vector<1x1x16xf32>,
      }
      %scan3A_300 = arith.constant 32 : i32
      %scan3A_301 = arith.constant 0 : i32
      %scan3A_302 = arith.constant 0 : i32
      %scan3A_303 = arith.constant 32 : i32
      %scan3A_304 = arith.addi %scan3A_302, %scan3A_303 : i32
      %scan3A_305 = arith.constant 1 : i32
      scf.for %scan3A_391 = %scan3A_302 to %scan3A_304 step %scan3A_305  : i32 {
        %mul3A_392 = arith.constant 2 : i32
        %mul3A_393 = arith.muli %mul3A_392, %scan3A_391 : i32
        %add3A_394 = arith.constant 0 : i32
        %add3A_395 = arith.addi %mul3A_393, %add3A_394 : i32
        %mul3A_396 = arith.constant 16 : i32
        %mul3A_397 = arith.muli %add3A_395, %mul3A_396 : i32
        %get3A = arith.constant 1 : i32
        %get3A_398 = arith.index_cast %get3A : i32 to index
        %get3A_399 = arith.index_cast %mul3A_397 : i32 to index
        %get3A_400 = tpu.vector_load %arg6[%get3A_398, %get3A_399] {strides = array<i32>} : memref<16x1024xf32, #tpu.memory_space<vmem>>, vector<1x16xf32>,
        %get3A_401 = vector.shape_cast %get3A_400 : vector<1x16xf32> to vector<16xf32>
        %swap3A = arith.constant 1 : i32
        %swap3A_402 = arith.index_cast %swap3A : i32 to index
        %swap3A_403 = arith.index_cast %scan3A_391 : i32 to index
        %swap3A_404 = arith.constant 0 : index
        %swap3A_405 = tpu.vector_load %arg7[%swap3A_402, %swap3A_403, %swap3A_404] {strides = array<i32>} : memref<16x32x128xf32, #tpu.memory_space<vmem>>, vector<1x1x16xf32>,
        %swap3A_406 = vector.shape_cast %swap3A_405 : vector<1x1x16xf32> to vector<16xf32>
        %swap3A_407 = vector.shape_cast %get3A_401 : vector<16xf32> to vector<1x1x16xf32>
        tpu.vector_store %arg7[%swap3A_402, %swap3A_403, %swap3A_404], %swap3A_407 {strides = array<i32>} : memref<16x32x128xf32, #tpu.memory_space<vmem>>, vector<1x1x16xf32>,
        %swap3A_408 = arith.constant 1 : i32
        %swap3A_409 = arith.index_cast %swap3A_408 : i32 to index
        %swap3A_410 = arith.index_cast %scan3A_391 : i32 to index
        %swap3A_411 = arith.constant 16 : index
        %swap3A_412 = tpu.vector_load %arg7[%swap3A_409, %swap3A_410, %swap3A_411] {strides = array<i32>} : memref<16x32x128xf32, #tpu.memory_space<vmem>>, vector<1x1x16xf32>,
        %swap3A_413 = vector.shape_cast %swap3A_412 : vector<1x1x16xf32> to vector<16xf32>
        %swap3A_414 = vector.shape_cast %get3A_401 : vector<16xf32> to vector<1x1x16xf32>
        tpu.vector_store %arg7[%swap3A_409, %swap3A_410, %swap3A_411], %swap3A_414 {strides = array<i32>} : memref<16x32x128xf32, #tpu.memory_space<vmem>>, vector<1x1x16xf32>,
        %swap3A_415 = arith.constant 1 : i32
        %swap3A_416 = arith.index_cast %swap3A_415 : i32 to index
        %swap3A_417 = arith.index_cast %scan3A_391 : i32 to index
        %swap3A_418 = arith.constant 32 : index
        %swap3A_419 = tpu.vector_load %arg7[%swap3A_416, %swap3A_417, %swap3A_418] {strides = array<i32>} : memref<16x32x128xf32, #tpu.memory_space<vmem>>, vector<1x1x16xf32>,
        %swap3A_420 = vector.shape_cast %swap3A_419 : vector<1x1x16xf32> to vector<16xf32>
        %swap3A_421 = vector.shape_cast %get3A_401 : vector<16xf32> to vector<1x1x16xf32>
        tpu.vector_store %arg7[%swap3A_416, %swap3A_417, %swap3A_418], %swap3A_421 {strides = array<i32>} : memref<16x32x128xf32, #tpu.memory_space<vmem>>, vector<1x1x16xf32>,
        %swap3A_422 = arith.constant 1 : i32
        %swap3A_423 = arith.index_cast %swap3A_422 : i32 to index
        %swap3A_424 = arith.index_cast %scan3A_391 : i32 to index
        %swap3A_425 = arith.constant 48 : index
        %swap3A_426 = tpu.vector_load %arg7[%swap3A_423, %swap3A_424, %swap3A_425] {strides = array<i32>} : memref<16x32x128xf32, #tpu.memory_space<vmem>>, vector<1x1x16xf32>,
        %swap3A_427 = vector.shape_cast %swap3A_426 : vector<1x1x16xf32> to vector<16xf32>
        %swap3A_428 = vector.shape_cast %get3A_401 : vector<16xf32> to vector<1x1x16xf32>
        tpu.vector_store %arg7[%swap3A_423, %swap3A_424, %swap3A_425], %swap3A_428 {strides = array<i32>} : memref<16x32x128xf32, #tpu.memory_space<vmem>>, vector<1x1x16xf32>,
        %mul3A_429 = arith.constant 2 : i32
        %mul3A_430 = arith.muli %mul3A_429, %scan3A_391 : i32
        %add3A_431 = arith.constant 1 : i32
        %add3A_432 = arith.addi %mul3A_430, %add3A_431 : i32
        %mul3A_433 = arith.constant 16 : i32
        %mul3A_434 = arith.muli %add3A_432, %mul3A_433 : i32
        %get3A_435 = arith.constant 1 : i32
        %get3A_436 = arith.index_cast %get3A_435 : i32 to index
        %get3A_437 = arith.index_cast %mul3A_434 : i32 to index
        %get3A_438 = tpu.vector_load %arg6[%get3A_436, %get3A_437] {strides = array<i32>} : memref<16x1024xf32, #tpu.memory_space<vmem>>, vector<1x16xf32>,
        %get3A_439 = vector.shape_cast %get3A_438 : vector<1x16xf32> to vector<16xf32>
        %swap3A_440 = arith.constant 1 : i32
        %swap3A_441 = arith.index_cast %swap3A_440 : i32 to index
        %swap3A_442 = arith.index_cast %scan3A_391 : i32 to index
        %swap3A_443 = arith.constant 64 : index
        %swap3A_444 = tpu.vector_load %arg7[%swap3A_441, %swap3A_442, %swap3A_443] {strides = array<i32>} : memref<16x32x128xf32, #tpu.memory_space<vmem>>, vector<1x1x16xf32>,
        %swap3A_445 = vector.shape_cast %swap3A_444 : vector<1x1x16xf32> to vector<16xf32>
        %swap3A_446 = vector.shape_cast %get3A_439 : vector<16xf32> to vector<1x1x16xf32>
        tpu.vector_store %arg7[%swap3A_441, %swap3A_442, %swap3A_443], %swap3A_446 {strides = array<i32>} : memref<16x32x128xf32, #tpu.memory_space<vmem>>, vector<1x1x16xf32>,
        %swap3A_447 = arith.constant 1 : i32
        %swap3A_448 = arith.index_cast %swap3A_447 : i32 to index
        %swap3A_449 = arith.index_cast %scan3A_391 : i32 to index
        %swap3A_450 = arith.constant 80 : index
        %swap3A_451 = tpu.vector_load %arg7[%swap3A_448, %swap3A_449, %swap3A_450] {strides = array<i32>} : memref<16x32x128xf32, #tpu.memory_space<vmem>>, vector<1x1x16xf32>,
        %swap3A_452 = vector.shape_cast %swap3A_451 : vector<1x1x16xf32> to vector<16xf32>
        %swap3A_453 = vector.shape_cast %get3A_439 : vector<16xf32> to vector<1x1x16xf32>
        tpu.vector_store %arg7[%swap3A_448, %swap3A_449, %swap3A_450], %swap3A_453 {strides = array<i32>} : memref<16x32x128xf32, #tpu.memory_space<vmem>>, vector<1x1x16xf32>,
        %swap3A_454 = arith.constant 1 : i32
        %swap3A_455 = arith.index_cast %swap3A_454 : i32 to index
        %swap3A_456 = arith.index_cast %scan3A_391 : i32 to index
        %swap3A_457 = arith.constant 96 : index
        %swap3A_458 = tpu.vector_load %arg7[%swap3A_455, %swap3A_456, %swap3A_457] {strides = array<i32>} : memref<16x32x128xf32, #tpu.memory_space<vmem>>, vector<1x1x16xf32>,
        %swap3A_459 = vector.shape_cast %swap3A_458 : vector<1x1x16xf32> to vector<16xf32>
        %swap3A_460 = vector.shape_cast %get3A_439 : vector<16xf32> to vector<1x1x16xf32>
        tpu.vector_store %arg7[%swap3A_455, %swap3A_456, %swap3A_457], %swap3A_460 {strides = array<i32>} : memref<16x32x128xf32, #tpu.memory_space<vmem>>, vector<1x1x16xf32>,
        %swap3A_461 = arith.constant 1 : i32
        %swap3A_462 = arith.index_cast %swap3A_461 : i32 to index
        %swap3A_463 = arith.index_cast %scan3A_391 : i32 to index
        %swap3A_464 = arith.constant 112 : index
        %swap3A_465 = tpu.vector_load %arg7[%swap3A_462, %swap3A_463, %swap3A_464] {strides = array<i32>} : memref<16x32x128xf32, #tpu.memory_space<vmem>>, vector<1x1x16xf32>,
        %swap3A_466 = vector.shape_cast %swap3A_465 : vector<1x1x16xf32> to vector<16xf32>
        %swap3A_467 = vector.shape_cast %get3A_439 : vector<16xf32> to vector<1x1x16xf32>
        tpu.vector_store %arg7[%swap3A_462, %swap3A_463, %swap3A_464], %swap3A_467 {strides = array<i32>} : memref<16x32x128xf32, #tpu.memory_space<vmem>>, vector<1x1x16xf32>,
      }
      %scan3A_306 = arith.constant 32 : i32
      %scan3A_307 = arith.constant 0 : i32
      %scan3A_308 = arith.constant 0 : i32
      %scan3A_309 = arith.constant 32 : i32
      %scan3A_310 = arith.addi %scan3A_308, %scan3A_309 : i32
      %scan3A_311 = arith.constant 1 : i32
      scf.for %scan3A_391 = %scan3A_308 to %scan3A_310 step %scan3A_311  : i32 {
        %mul3A_392 = arith.constant 2 : i32
        %mul3A_393 = arith.muli %mul3A_392, %scan3A_391 : i32
        %add3A_394 = arith.constant 0 : i32
        %add3A_395 = arith.addi %mul3A_393, %add3A_394 : i32
        %mul3A_396 = arith.constant 16 : i32
        %mul3A_397 = arith.muli %add3A_395, %mul3A_396 : i32
        %get3A = arith.constant 2 : i32
        %get3A_398 = arith.index_cast %get3A : i32 to index
        %get3A_399 = arith.index_cast %mul3A_397 : i32 to index
        %get3A_400 = tpu.vector_load %arg6[%get3A_398, %get3A_399] {strides = array<i32>} : memref<16x1024xf32, #tpu.memory_space<vmem>>, vector<1x16xf32>,
        %get3A_401 = vector.shape_cast %get3A_400 : vector<1x16xf32> to vector<16xf32>
        %swap3A = arith.constant 2 : i32
        %swap3A_402 = arith.index_cast %swap3A : i32 to index
        %swap3A_403 = arith.index_cast %scan3A_391 : i32 to index
        %swap3A_404 = arith.constant 0 : index
        %swap3A_405 = tpu.vector_load %arg7[%swap3A_402, %swap3A_403, %swap3A_404] {strides = array<i32>} : memref<16x32x128xf32, #tpu.memory_space<vmem>>, vector<1x1x16xf32>,
        %swap3A_406 = vector.shape_cast %swap3A_405 : vector<1x1x16xf32> to vector<16xf32>
        %swap3A_407 = vector.shape_cast %get3A_401 : vector<16xf32> to vector<1x1x16xf32>
        tpu.vector_store %arg7[%swap3A_402, %swap3A_403, %swap3A_404], %swap3A_407 {strides = array<i32>} : memref<16x32x128xf32, #tpu.memory_space<vmem>>, vector<1x1x16xf32>,
        %swap3A_408 = arith.constant 2 : i32
        %swap3A_409 = arith.index_cast %swap3A_408 : i32 to index
        %swap3A_410 = arith.index_cast %scan3A_391 : i32 to index
        %swap3A_411 = arith.constant 16 : index
        %swap3A_412 = tpu.vector_load %arg7[%swap3A_409, %swap3A_410, %swap3A_411] {strides = array<i32>} : memref<16x32x128xf32, #tpu.memory_space<vmem>>, vector<1x1x16xf32>,
        %swap3A_413 = vector.shape_cast %swap3A_412 : vector<1x1x16xf32> to vector<16xf32>
        %swap3A_414 = vector.shape_cast %get3A_401 : vector<16xf32> to vector<1x1x16xf32>
        tpu.vector_store %arg7[%swap3A_409, %swap3A_410, %swap3A_411], %swap3A_414 {strides = array<i32>} : memref<16x32x128xf32, #tpu.memory_space<vmem>>, vector<1x1x16xf32>,
        %swap3A_415 = arith.constant 2 : i32
        %swap3A_416 = arith.index_cast %swap3A_415 : i32 to index
        %swap3A_417 = arith.index_cast %scan3A_391 : i32 to index
        %swap3A_418 = arith.constant 32 : index
        %swap3A_419 = tpu.vector_load %arg7[%swap3A_416, %swap3A_417, %swap3A_418] {strides = array<i32>} : memref<16x32x128xf32, #tpu.memory_space<vmem>>, vector<1x1x16xf32>,
        %swap3A_420 = vector.shape_cast %swap3A_419 : vector<1x1x16xf32> to vector<16xf32>
        %swap3A_421 = vector.shape_cast %get3A_401 : vector<16xf32> to vector<1x1x16xf32>
        tpu.vector_store %arg7[%swap3A_416, %swap3A_417, %swap3A_418], %swap3A_421 {strides = array<i32>} : memref<16x32x128xf32, #tpu.memory_space<vmem>>, vector<1x1x16xf32>,
        %swap3A_422 = arith.constant 2 : i32
        %swap3A_423 = arith.index_cast %swap3A_422 : i32 to index
        %swap3A_424 = arith.index_cast %scan3A_391 : i32 to index
        %swap3A_425 = arith.constant 48 : index
        %swap3A_426 = tpu.vector_load %arg7[%swap3A_423, %swap3A_424, %swap3A_425] {strides = array<i32>} : memref<16x32x128xf32, #tpu.memory_space<vmem>>, vector<1x1x16xf32>,
        %swap3A_427 = vector.shape_cast %swap3A_426 : vector<1x1x16xf32> to vector<16xf32>
        %swap3A_428 = vector.shape_cast %get3A_401 : vector<16xf32> to vector<1x1x16xf32>
        tpu.vector_store %arg7[%swap3A_423, %swap3A_424, %swap3A_425], %swap3A_428 {strides = array<i32>} : memref<16x32x128xf32, #tpu.memory_space<vmem>>, vector<1x1x16xf32>,
        %mul3A_429 = arith.constant 2 : i32
        %mul3A_430 = arith.muli %mul3A_429, %scan3A_391 : i32
        %add3A_431 = arith.constant 1 : i32
        %add3A_432 = arith.addi %mul3A_430, %add3A_431 : i32
        %mul3A_433 = arith.constant 16 : i32
        %mul3A_434 = arith.muli %add3A_432, %mul3A_433 : i32
        %get3A_435 = arith.constant 2 : i32
        %get3A_436 = arith.index_cast %get3A_435 : i32 to index
        %get3A_437 = arith.index_cast %mul3A_434 : i32 to index
        %get3A_438 = tpu.vector_load %arg6[%get3A_436, %get3A_437] {strides = array<i32>} : memref<16x1024xf32, #tpu.memory_space<vmem>>, vector<1x16xf32>,
        %get3A_439 = vector.shape_cast %get3A_438 : vector<1x16xf32> to vector<16xf32>
        %swap3A_440 = arith.constant 2 : i32
        %swap3A_441 = arith.index_cast %swap3A_440 : i32 to index
        %swap3A_442 = arith.index_cast %scan3A_391 : i32 to index
        %swap3A_443 = arith.constant 64 : index
        %swap3A_444 = tpu.vector_load %arg7[%swap3A_441, %swap3A_442, %swap3A_443] {strides = array<i32>} : memref<16x32x128xf32, #tpu.memory_space<vmem>>, vector<1x1x16xf32>,
        %swap3A_445 = vector.shape_cast %swap3A_444 : vector<1x1x16xf32> to vector<16xf32>
        %swap3A_446 = vector.shape_cast %get3A_439 : vector<16xf32> to vector<1x1x16xf32>
        tpu.vector_store %arg7[%swap3A_441, %swap3A_442, %swap3A_443], %swap3A_446 {strides = array<i32>} : memref<16x32x128xf32, #tpu.memory_space<vmem>>, vector<1x1x16xf32>,
        %swap3A_447 = arith.constant 2 : i32
        %swap3A_448 = arith.index_cast %swap3A_447 : i32 to index
        %swap3A_449 = arith.index_cast %scan3A_391 : i32 to index
        %swap3A_450 = arith.constant 80 : index
        %swap3A_451 = tpu.vector_load %arg7[%swap3A_448, %swap3A_449, %swap3A_450] {strides = array<i32>} : memref<16x32x128xf32, #tpu.memory_space<vmem>>, vector<1x1x16xf32>,
        %swap3A_452 = vector.shape_cast %swap3A_451 : vector<1x1x16xf32> to vector<16xf32>
        %swap3A_453 = vector.shape_cast %get3A_439 : vector<16xf32> to vector<1x1x16xf32>
        tpu.vector_store %arg7[%swap3A_448, %swap3A_449, %swap3A_450], %swap3A_453 {strides = array<i32>} : memref<16x32x128xf32, #tpu.memory_space<vmem>>, vector<1x1x16xf32>,
        %swap3A_454 = arith.constant 2 : i32
        %swap3A_455 = arith.index_cast %swap3A_454 : i32 to index
        %swap3A_456 = arith.index_cast %scan3A_391 : i32 to index
        %swap3A_457 = arith.constant 96 : index
        %swap3A_458 = tpu.vector_load %arg7[%swap3A_455, %swap3A_456, %swap3A_457] {strides = array<i32>} : memref<16x32x128xf32, #tpu.memory_space<vmem>>, vector<1x1x16xf32>,
        %swap3A_459 = vector.shape_cast %swap3A_458 : vector<1x1x16xf32> to vector<16xf32>
        %swap3A_460 = vector.shape_cast %get3A_439 : vector<16xf32> to vector<1x1x16xf32>
        tpu.vector_store %arg7[%swap3A_455, %swap3A_456, %swap3A_457], %swap3A_460 {strides = array<i32>} : memref<16x32x128xf32, #tpu.memory_space<vmem>>, vector<1x1x16xf32>,
        %swap3A_461 = arith.constant 2 : i32
        %swap3A_462 = arith.index_cast %swap3A_461 : i32 to index
        %swap3A_463 = arith.index_cast %scan3A_391 : i32 to index
        %swap3A_464 = arith.constant 112 : index
        %swap3A_465 = tpu.vector_load %arg7[%swap3A_462, %swap3A_463, %swap3A_464] {strides = array<i32>} : memref<16x32x128xf32, #tpu.memory_space<vmem>>, vector<1x1x16xf32>,
        %swap3A_466 = vector.shape_cast %swap3A_465 : vector<1x1x16xf32> to vector<16xf32>
        %swap3A_467 = vector.shape_cast %get3A_439 : vector<16xf32> to vector<1x1x16xf32>
        tpu.vector_store %arg7[%swap3A_462, %swap3A_463, %swap3A_464], %swap3A_467 {strides = array<i32>} : memref<16x32x128xf32, #tpu.memory_space<vmem>>, vector<1x1x16xf32>,
      }
      %scan3A_312 = arith.constant 32 : i32
      %scan3A_313 = arith.constant 0 : i32
      %scan3A_314 = arith.constant 0 : i32
      %scan3A_315 = arith.constant 32 : i32
      %scan3A_316 = arith.addi %scan3A_314, %scan3A_315 : i32
      %scan3A_317 = arith.constant 1 : i32
      scf.for %scan3A_391 = %scan3A_314 to %scan3A_316 step %scan3A_317  : i32 {
        %mul3A_392 = arith.constant 2 : i32
        %mul3A_393 = arith.muli %mul3A_392, %scan3A_391 : i32
        %add3A_394 = arith.constant 0 : i32
        %add3A_395 = arith.addi %mul3A_393, %add3A_394 : i32
        %mul3A_396 = arith.constant 16 : i32
        %mul3A_397 = arith.muli %add3A_395, %mul3A_396 : i32
        %get3A = arith.constant 3 : i32
        %get3A_398 = arith.index_cast %get3A : i32 to index
        %get3A_399 = arith.index_cast %mul3A_397 : i32 to index
        %get3A_400 = tpu.vector_load %arg6[%get3A_398, %get3A_399] {strides = array<i32>} : memref<16x1024xf32, #tpu.memory_space<vmem>>, vector<1x16xf32>,
        %get3A_401 = vector.shape_cast %get3A_400 : vector<1x16xf32> to vector<16xf32>
        %swap3A = arith.constant 3 : i32
        %swap3A_402 = arith.index_cast %swap3A : i32 to index
        %swap3A_403 = arith.index_cast %scan3A_391 : i32 to index
        %swap3A_404 = arith.constant 0 : index
        %swap3A_405 = tpu.vector_load %arg7[%swap3A_402, %swap3A_403, %swap3A_404] {strides = array<i32>} : memref<16x32x128xf32, #tpu.memory_space<vmem>>, vector<1x1x16xf32>,
        %swap3A_406 = vector.shape_cast %swap3A_405 : vector<1x1x16xf32> to vector<16xf32>
        %swap3A_407 = vector.shape_cast %get3A_401 : vector<16xf32> to vector<1x1x16xf32>
        tpu.vector_store %arg7[%swap3A_402, %swap3A_403, %swap3A_404], %swap3A_407 {strides = array<i32>} : memref<16x32x128xf32, #tpu.memory_space<vmem>>, vector<1x1x16xf32>,
        %swap3A_408 = arith.constant 3 : i32
        %swap3A_409 = arith.index_cast %swap3A_408 : i32 to index
        %swap3A_410 = arith.index_cast %scan3A_391 : i32 to index
        %swap3A_411 = arith.constant 16 : index
        %swap3A_412 = tpu.vector_load %arg7[%swap3A_409, %swap3A_410, %swap3A_411] {strides = array<i32>} : memref<16x32x128xf32, #tpu.memory_space<vmem>>, vector<1x1x16xf32>,
        %swap3A_413 = vector.shape_cast %swap3A_412 : vector<1x1x16xf32> to vector<16xf32>
        %swap3A_414 = vector.shape_cast %get3A_401 : vector<16xf32> to vector<1x1x16xf32>
        tpu.vector_store %arg7[%swap3A_409, %swap3A_410, %swap3A_411], %swap3A_414 {strides = array<i32>} : memref<16x32x128xf32, #tpu.memory_space<vmem>>, vector<1x1x16xf32>,
        %swap3A_415 = arith.constant 3 : i32
        %swap3A_416 = arith.index_cast %swap3A_415 : i32 to index
        %swap3A_417 = arith.index_cast %scan3A_391 : i32 to index
        %swap3A_418 = arith.constant 32 : index
        %swap3A_419 = tpu.vector_load %arg7[%swap3A_416, %swap3A_417, %swap3A_418] {strides = array<i32>} : memref<16x32x128xf32, #tpu.memory_space<vmem>>, vector<1x1x16xf32>,
        %swap3A_420 = vector.shape_cast %swap3A_419 : vector<1x1x16xf32> to vector<16xf32>
        %swap3A_421 = vector.shape_cast %get3A_401 : vector<16xf32> to vector<1x1x16xf32>
        tpu.vector_store %arg7[%swap3A_416, %swap3A_417, %swap3A_418], %swap3A_421 {strides = array<i32>} : memref<16x32x128xf32, #tpu.memory_space<vmem>>, vector<1x1x16xf32>,
        %swap3A_422 = arith.constant 3 : i32
        %swap3A_423 = arith.index_cast %swap3A_422 : i32 to index
        %swap3A_424 = arith.index_cast %scan3A_391 : i32 to index
        %swap3A_425 = arith.constant 48 : index
        %swap3A_426 = tpu.vector_load %arg7[%swap3A_423, %swap3A_424, %swap3A_425] {strides = array<i32>} : memref<16x32x128xf32, #tpu.memory_space<vmem>>, vector<1x1x16xf32>,
        %swap3A_427 = vector.shape_cast %swap3A_426 : vector<1x1x16xf32> to vector<16xf32>
        %swap3A_428 = vector.shape_cast %get3A_401 : vector<16xf32> to vector<1x1x16xf32>
        tpu.vector_store %arg7[%swap3A_423, %swap3A_424, %swap3A_425], %swap3A_428 {strides = array<i32>} : memref<16x32x128xf32, #tpu.memory_space<vmem>>, vector<1x1x16xf32>,
        %mul3A_429 = arith.constant 2 : i32
        %mul3A_430 = arith.muli %mul3A_429, %scan3A_391 : i32
        %add3A_431 = arith.constant 1 : i32
        %add3A_432 = arith.addi %mul3A_430, %add3A_431 : i32
        %mul3A_433 = arith.constant 16 : i32
        %mul3A_434 = arith.muli %add3A_432, %mul3A_433 : i32
        %get3A_435 = arith.constant 3 : i32
        %get3A_436 = arith.index_cast %get3A_435 : i32 to index
        %get3A_437 = arith.index_cast %mul3A_434 : i32 to index
        %get3A_438 = tpu.vector_load %arg6[%get3A_436, %get3A_437] {strides = array<i32>} : memref<16x1024xf32, #tpu.memory_space<vmem>>, vector<1x16xf32>,
        %get3A_439 = vector.shape_cast %get3A_438 : vector<1x16xf32> to vector<16xf32>
        %swap3A_440 = arith.constant 3 : i32
        %swap3A_441 = arith.index_cast %swap3A_440 : i32 to index
        %swap3A_442 = arith.index_cast %scan3A_391 : i32 to index
        %swap3A_443 = arith.constant 64 : index
        %swap3A_444 = tpu.vector_load %arg7[%swap3A_441, %swap3A_442, %swap3A_443] {strides = array<i32>} : memref<16x32x128xf32, #tpu.memory_space<vmem>>, vector<1x1x16xf32>,
        %swap3A_445 = vector.shape_cast %swap3A_444 : vector<1x1x16xf32> to vector<16xf32>
        %swap3A_446 = vector.shape_cast %get3A_439 : vector<16xf32> to vector<1x1x16xf32>
        tpu.vector_store %arg7[%swap3A_441, %swap3A_442, %swap3A_443], %swap3A_446 {strides = array<i32>} : memref<16x32x128xf32, #tpu.memory_space<vmem>>, vector<1x1x16xf32>,
        %swap3A_447 = arith.constant 3 : i32
        %swap3A_448 = arith.index_cast %swap3A_447 : i32 to index
        %swap3A_449 = arith.index_cast %scan3A_391 : i32 to index
        %swap3A_450 = arith.constant 80 : index
        %swap3A_451 = tpu.vector_load %arg7[%swap3A_448, %swap3A_449, %swap3A_450] {strides = array<i32>} : memref<16x32x128xf32, #tpu.memory_space<vmem>>, vector<1x1x16xf32>,
        %swap3A_452 = vector.shape_cast %swap3A_451 : vector<1x1x16xf32> to vector<16xf32>
        %swap3A_453 = vector.shape_cast %get3A_439 : vector<16xf32> to vector<1x1x16xf32>
        tpu.vector_store %arg7[%swap3A_448, %swap3A_449, %swap3A_450], %swap3A_453 {strides = array<i32>} : memref<16x32x128xf32, #tpu.memory_space<vmem>>, vector<1x1x16xf32>,
        %swap3A_454 = arith.constant 3 : i32
        %swap3A_455 = arith.index_cast %swap3A_454 : i32 to index
        %swap3A_456 = arith.index_cast %scan3A_391 : i32 to index
        %swap3A_457 = arith.constant 96 : index
        %swap3A_458 = tpu.vector_load %arg7[%swap3A_455, %swap3A_456, %swap3A_457] {strides = array<i32>} : memref<16x32x128xf32, #tpu.memory_space<vmem>>, vector<1x1x16xf32>,
        %swap3A_459 = vector.shape_cast %swap3A_458 : vector<1x1x16xf32> to vector<16xf32>
        %swap3A_460 = vector.shape_cast %get3A_439 : vector<16xf32> to vector<1x1x16xf32>
        tpu.vector_store %arg7[%swap3A_455, %swap3A_456, %swap3A_457], %swap3A_460 {strides = array<i32>} : memref<16x32x128xf32, #tpu.memory_space<vmem>>, vector<1x1x16xf32>,
        %swap3A_461 = arith.constant 3 : i32
        %swap3A_462 = arith.index_cast %swap3A_461 : i32 to index
        %swap3A_463 = arith.index_cast %scan3A_391 : i32 to index
        %swap3A_464 = arith.constant 112 : index
        %swap3A_465 = tpu.vector_load %arg7[%swap3A_462, %swap3A_463, %swap3A_464] {strides = array<i32>} : memref<16x32x128xf32, #tpu.memory_space<vmem>>, vector<1x1x16xf32>,
        %swap3A_466 = vector.shape_cast %swap3A_465 : vector<1x1x16xf32> to vector<16xf32>
        %swap3A_467 = vector.shape_cast %get3A_439 : vector<16xf32> to vector<1x1x16xf32>
        tpu.vector_store %arg7[%swap3A_462, %swap3A_463, %swap3A_464], %swap3A_467 {strides = array<i32>} : memref<16x32x128xf32, #tpu.memory_space<vmem>>, vector<1x1x16xf32>,
      }
      %scan3A_318 = arith.constant 32 : i32
      %scan3A_319 = arith.constant 0 : i32
      %scan3A_320 = arith.constant 0 : i32
      %scan3A_321 = arith.constant 32 : i32
      %scan3A_322 = arith.addi %scan3A_320, %scan3A_321 : i32
      %scan3A_323 = arith.constant 1 : i32
      scf.for %scan3A_391 = %scan3A_320 to %scan3A_322 step %scan3A_323  : i32 {
        %mul3A_392 = arith.constant 2 : i32
        %mul3A_393 = arith.muli %mul3A_392, %scan3A_391 : i32
        %add3A_394 = arith.constant 0 : i32
        %add3A_395 = arith.addi %mul3A_393, %add3A_394 : i32
        %mul3A_396 = arith.constant 16 : i32
        %mul3A_397 = arith.muli %add3A_395, %mul3A_396 : i32
        %get3A = arith.constant 4 : i32
        %get3A_398 = arith.index_cast %get3A : i32 to index
        %get3A_399 = arith.index_cast %mul3A_397 : i32 to index
        %get3A_400 = tpu.vector_load %arg6[%get3A_398, %get3A_399] {strides = array<i32>} : memref<16x1024xf32, #tpu.memory_space<vmem>>, vector<1x16xf32>,
        %get3A_401 = vector.shape_cast %get3A_400 : vector<1x16xf32> to vector<16xf32>
        %swap3A = arith.constant 4 : i32
        %swap3A_402 = arith.index_cast %swap3A : i32 to index
        %swap3A_403 = arith.index_cast %scan3A_391 : i32 to index
        %swap3A_404 = arith.constant 0 : index
        %swap3A_405 = tpu.vector_load %arg7[%swap3A_402, %swap3A_403, %swap3A_404] {strides = array<i32>} : memref<16x32x128xf32, #tpu.memory_space<vmem>>, vector<1x1x16xf32>,
        %swap3A_406 = vector.shape_cast %swap3A_405 : vector<1x1x16xf32> to vector<16xf32>
        %swap3A_407 = vector.shape_cast %get3A_401 : vector<16xf32> to vector<1x1x16xf32>
        tpu.vector_store %arg7[%swap3A_402, %swap3A_403, %swap3A_404], %swap3A_407 {strides = array<i32>} : memref<16x32x128xf32, #tpu.memory_space<vmem>>, vector<1x1x16xf32>,
        %swap3A_408 = arith.constant 4 : i32
        %swap3A_409 = arith.index_cast %swap3A_408 : i32 to index
        %swap3A_410 = arith.index_cast %scan3A_391 : i32 to index
        %swap3A_411 = arith.constant 16 : index
        %swap3A_412 = tpu.vector_load %arg7[%swap3A_409, %swap3A_410, %swap3A_411] {strides = array<i32>} : memref<16x32x128xf32, #tpu.memory_space<vmem>>, vector<1x1x16xf32>,
        %swap3A_413 = vector.shape_cast %swap3A_412 : vector<1x1x16xf32> to vector<16xf32>
        %swap3A_414 = vector.shape_cast %get3A_401 : vector<16xf32> to vector<1x1x16xf32>
        tpu.vector_store %arg7[%swap3A_409, %swap3A_410, %swap3A_411], %swap3A_414 {strides = array<i32>} : memref<16x32x128xf32, #tpu.memory_space<vmem>>, vector<1x1x16xf32>,
        %swap3A_415 = arith.constant 4 : i32
        %swap3A_416 = arith.index_cast %swap3A_415 : i32 to index
        %swap3A_417 = arith.index_cast %scan3A_391 : i32 to index
        %swap3A_418 = arith.constant 32 : index
        %swap3A_419 = tpu.vector_load %arg7[%swap3A_416, %swap3A_417, %swap3A_418] {strides = array<i32>} : memref<16x32x128xf32, #tpu.memory_space<vmem>>, vector<1x1x16xf32>,
        %swap3A_420 = vector.shape_cast %swap3A_419 : vector<1x1x16xf32> to vector<16xf32>
        %swap3A_421 = vector.shape_cast %get3A_401 : vector<16xf32> to vector<1x1x16xf32>
        tpu.vector_store %arg7[%swap3A_416, %swap3A_417, %swap3A_418], %swap3A_421 {strides = array<i32>} : memref<16x32x128xf32, #tpu.memory_space<vmem>>, vector<1x1x16xf32>,
        %swap3A_422 = arith.constant 4 : i32
        %swap3A_423 = arith.index_cast %swap3A_422 : i32 to index
        %swap3A_424 = arith.index_cast %scan3A_391 : i32 to index
        %swap3A_425 = arith.constant 48 : index
        %swap3A_426 = tpu.vector_load %arg7[%swap3A_423, %swap3A_424, %swap3A_425] {strides = array<i32>} : memref<16x32x128xf32, #tpu.memory_space<vmem>>, vector<1x1x16xf32>,
        %swap3A_427 = vector.shape_cast %swap3A_426 : vector<1x1x16xf32> to vector<16xf32>
        %swap3A_428 = vector.shape_cast %get3A_401 : vector<16xf32> to vector<1x1x16xf32>
        tpu.vector_store %arg7[%swap3A_423, %swap3A_424, %swap3A_425], %swap3A_428 {strides = array<i32>} : memref<16x32x128xf32, #tpu.memory_space<vmem>>, vector<1x1x16xf32>,
        %mul3A_429 = arith.constant 2 : i32
        %mul3A_430 = arith.muli %mul3A_429, %scan3A_391 : i32
        %add3A_431 = arith.constant 1 : i32
        %add3A_432 = arith.addi %mul3A_430, %add3A_431 : i32
        %mul3A_433 = arith.constant 16 : i32
        %mul3A_434 = arith.muli %add3A_432, %mul3A_433 : i32
        %get3A_435 = arith.constant 4 : i32
        %get3A_436 = arith.index_cast %get3A_435 : i32 to index
        %get3A_437 = arith.index_cast %mul3A_434 : i32 to index
        %get3A_438 = tpu.vector_load %arg6[%get3A_436, %get3A_437] {strides = array<i32>} : memref<16x1024xf32, #tpu.memory_space<vmem>>, vector<1x16xf32>,
        %get3A_439 = vector.shape_cast %get3A_438 : vector<1x16xf32> to vector<16xf32>
        %swap3A_440 = arith.constant 4 : i32
        %swap3A_441 = arith.index_cast %swap3A_440 : i32 to index
        %swap3A_442 = arith.index_cast %scan3A_391 : i32 to index
        %swap3A_443 = arith.constant 64 : index
        %swap3A_444 = tpu.vector_load %arg7[%swap3A_441, %swap3A_442, %swap3A_443] {strides = array<i32>} : memref<16x32x128xf32, #tpu.memory_space<vmem>>, vector<1x1x16xf32>,
        %swap3A_445 = vector.shape_cast %swap3A_444 : vector<1x1x16xf32> to vector<16xf32>
        %swap3A_446 = vector.shape_cast %get3A_439 : vector<16xf32> to vector<1x1x16xf32>
        tpu.vector_store %arg7[%swap3A_441, %swap3A_442, %swap3A_443], %swap3A_446 {strides = array<i32>} : memref<16x32x128xf32, #tpu.memory_space<vmem>>, vector<1x1x16xf32>,
        %swap3A_447 = arith.constant 4 : i32
        %swap3A_448 = arith.index_cast %swap3A_447 : i32 to index
        %swap3A_449 = arith.index_cast %scan3A_391 : i32 to index
        %swap3A_450 = arith.constant 80 : index
        %swap3A_451 = tpu.vector_load %arg7[%swap3A_448, %swap3A_449, %swap3A_450] {strides = array<i32>} : memref<16x32x128xf32, #tpu.memory_space<vmem>>, vector<1x1x16xf32>,
        %swap3A_452 = vector.shape_cast %swap3A_451 : vector<1x1x16xf32> to vector<16xf32>
        %swap3A_453 = vector.shape_cast %get3A_439 : vector<16xf32> to vector<1x1x16xf32>
        tpu.vector_store %arg7[%swap3A_448, %swap3A_449, %swap3A_450], %swap3A_453 {strides = array<i32>} : memref<16x32x128xf32, #tpu.memory_space<vmem>>, vector<1x1x16xf32>,
        %swap3A_454 = arith.constant 4 : i32
        %swap3A_455 = arith.index_cast %swap3A_454 : i32 to index
        %swap3A_456 = arith.index_cast %scan3A_391 : i32 to index
        %swap3A_457 = arith.constant 96 : index
        %swap3A_458 = tpu.vector_load %arg7[%swap3A_455, %swap3A_456, %swap3A_457] {strides = array<i32>} : memref<16x32x128xf32, #tpu.memory_space<vmem>>, vector<1x1x16xf32>,
        %swap3A_459 = vector.shape_cast %swap3A_458 : vector<1x1x16xf32> to vector<16xf32>
        %swap3A_460 = vector.shape_cast %get3A_439 : vector<16xf32> to vector<1x1x16xf32>
        tpu.vector_store %arg7[%swap3A_455, %swap3A_456, %swap3A_457], %swap3A_460 {strides = array<i32>} : memref<16x32x128xf32, #tpu.memory_space<vmem>>, vector<1x1x16xf32>,
        %swap3A_461 = arith.constant 4 : i32
        %swap3A_462 = arith.index_cast %swap3A_461 : i32 to index
        %swap3A_463 = arith.index_cast %scan3A_391 : i32 to index
        %swap3A_464 = arith.constant 112 : index
        %swap3A_465 = tpu.vector_load %arg7[%swap3A_462, %swap3A_463, %swap3A_464] {strides = array<i32>} : memref<16x32x128xf32, #tpu.memory_space<vmem>>, vector<1x1x16xf32>,
        %swap3A_466 = vector.shape_cast %swap3A_465 : vector<1x1x16xf32> to vector<16xf32>
        %swap3A_467 = vector.shape_cast %get3A_439 : vector<16xf32> to vector<1x1x16xf32>
        tpu.vector_store %arg7[%swap3A_462, %swap3A_463, %swap3A_464], %swap3A_467 {strides = array<i32>} : memref<16x32x128xf32, #tpu.memory_space<vmem>>, vector<1x1x16xf32>,
      }
      %scan3A_324 = arith.constant 32 : i32
      %scan3A_325 = arith.constant 0 : i32
      %scan3A_326 = arith.constant 0 : i32
      %scan3A_327 = arith.constant 32 : i32
      %scan3A_328 = arith.addi %scan3A_326, %scan3A_327 : i32
      %scan3A_329 = arith.constant 1 : i32
      scf.for %scan3A_391 = %scan3A_326 to %scan3A_328 step %scan3A_329  : i32 {
        %mul3A_392 = arith.constant 2 : i32
        %mul3A_393 = arith.muli %mul3A_392, %scan3A_391 : i32
        %add3A_394 = arith.constant 0 : i32
        %add3A_395 = arith.addi %mul3A_393, %add3A_394 : i32
        %mul3A_396 = arith.constant 16 : i32
        %mul3A_397 = arith.muli %add3A_395, %mul3A_396 : i32
        %get3A = arith.constant 5 : i32
        %get3A_398 = arith.index_cast %get3A : i32 to index
        %get3A_399 = arith.index_cast %mul3A_397 : i32 to index
        %get3A_400 = tpu.vector_load %arg6[%get3A_398, %get3A_399] {strides = array<i32>} : memref<16x1024xf32, #tpu.memory_space<vmem>>, vector<1x16xf32>,
        %get3A_401 = vector.shape_cast %get3A_400 : vector<1x16xf32> to vector<16xf32>
        %swap3A = arith.constant 5 : i32
        %swap3A_402 = arith.index_cast %swap3A : i32 to index
        %swap3A_403 = arith.index_cast %scan3A_391 : i32 to index
        %swap3A_404 = arith.constant 0 : index
        %swap3A_405 = tpu.vector_load %arg7[%swap3A_402, %swap3A_403, %swap3A_404] {strides = array<i32>} : memref<16x32x128xf32, #tpu.memory_space<vmem>>, vector<1x1x16xf32>,
        %swap3A_406 = vector.shape_cast %swap3A_405 : vector<1x1x16xf32> to vector<16xf32>
        %swap3A_407 = vector.shape_cast %get3A_401 : vector<16xf32> to vector<1x1x16xf32>
        tpu.vector_store %arg7[%swap3A_402, %swap3A_403, %swap3A_404], %swap3A_407 {strides = array<i32>} : memref<16x32x128xf32, #tpu.memory_space<vmem>>, vector<1x1x16xf32>,
        %swap3A_408 = arith.constant 5 : i32
        %swap3A_409 = arith.index_cast %swap3A_408 : i32 to index
        %swap3A_410 = arith.index_cast %scan3A_391 : i32 to index
        %swap3A_411 = arith.constant 16 : index
        %swap3A_412 = tpu.vector_load %arg7[%swap3A_409, %swap3A_410, %swap3A_411] {strides = array<i32>} : memref<16x32x128xf32, #tpu.memory_space<vmem>>, vector<1x1x16xf32>,
        %swap3A_413 = vector.shape_cast %swap3A_412 : vector<1x1x16xf32> to vector<16xf32>
        %swap3A_414 = vector.shape_cast %get3A_401 : vector<16xf32> to vector<1x1x16xf32>
        tpu.vector_store %arg7[%swap3A_409, %swap3A_410, %swap3A_411], %swap3A_414 {strides = array<i32>} : memref<16x32x128xf32, #tpu.memory_space<vmem>>, vector<1x1x16xf32>,
        %swap3A_415 = arith.constant 5 : i32
        %swap3A_416 = arith.index_cast %swap3A_415 : i32 to index
        %swap3A_417 = arith.index_cast %scan3A_391 : i32 to index
        %swap3A_418 = arith.constant 32 : index
        %swap3A_419 = tpu.vector_load %arg7[%swap3A_416, %swap3A_417, %swap3A_418] {strides = array<i32>} : memref<16x32x128xf32, #tpu.memory_space<vmem>>, vector<1x1x16xf32>,
        %swap3A_420 = vector.shape_cast %swap3A_419 : vector<1x1x16xf32> to vector<16xf32>
        %swap3A_421 = vector.shape_cast %get3A_401 : vector<16xf32> to vector<1x1x16xf32>
        tpu.vector_store %arg7[%swap3A_416, %swap3A_417, %swap3A_418], %swap3A_421 {strides = array<i32>} : memref<16x32x128xf32, #tpu.memory_space<vmem>>, vector<1x1x16xf32>,
        %swap3A_422 = arith.constant 5 : i32
        %swap3A_423 = arith.index_cast %swap3A_422 : i32 to index
        %swap3A_424 = arith.index_cast %scan3A_391 : i32 to index
        %swap3A_425 = arith.constant 48 : index
        %swap3A_426 = tpu.vector_load %arg7[%swap3A_423, %swap3A_424, %swap3A_425] {strides = array<i32>} : memref<16x32x128xf32, #tpu.memory_space<vmem>>, vector<1x1x16xf32>,
        %swap3A_427 = vector.shape_cast %swap3A_426 : vector<1x1x16xf32> to vector<16xf32>
        %swap3A_428 = vector.shape_cast %get3A_401 : vector<16xf32> to vector<1x1x16xf32>
        tpu.vector_store %arg7[%swap3A_423, %swap3A_424, %swap3A_425], %swap3A_428 {strides = array<i32>} : memref<16x32x128xf32, #tpu.memory_space<vmem>>, vector<1x1x16xf32>,
        %mul3A_429 = arith.constant 2 : i32
        %mul3A_430 = arith.muli %mul3A_429, %scan3A_391 : i32
        %add3A_431 = arith.constant 1 : i32
        %add3A_432 = arith.addi %mul3A_430, %add3A_431 : i32
        %mul3A_433 = arith.constant 16 : i32
        %mul3A_434 = arith.muli %add3A_432, %mul3A_433 : i32
        %get3A_435 = arith.constant 5 : i32
        %get3A_436 = arith.index_cast %get3A_435 : i32 to index
        %get3A_437 = arith.index_cast %mul3A_434 : i32 to index
        %get3A_438 = tpu.vector_load %arg6[%get3A_436, %get3A_437] {strides = array<i32>} : memref<16x1024xf32, #tpu.memory_space<vmem>>, vector<1x16xf32>,
        %get3A_439 = vector.shape_cast %get3A_438 : vector<1x16xf32> to vector<16xf32>
        %swap3A_440 = arith.constant 5 : i32
        %swap3A_441 = arith.index_cast %swap3A_440 : i32 to index
        %swap3A_442 = arith.index_cast %scan3A_391 : i32 to index
        %swap3A_443 = arith.constant 64 : index
        %swap3A_444 = tpu.vector_load %arg7[%swap3A_441, %swap3A_442, %swap3A_443] {strides = array<i32>} : memref<16x32x128xf32, #tpu.memory_space<vmem>>, vector<1x1x16xf32>,
        %swap3A_445 = vector.shape_cast %swap3A_444 : vector<1x1x16xf32> to vector<16xf32>
        %swap3A_446 = vector.shape_cast %get3A_439 : vector<16xf32> to vector<1x1x16xf32>
        tpu.vector_store %arg7[%swap3A_441, %swap3A_442, %swap3A_443], %swap3A_446 {strides = array<i32>} : memref<16x32x128xf32, #tpu.memory_space<vmem>>, vector<1x1x16xf32>,
        %swap3A_447 = arith.constant 5 : i32
        %swap3A_448 = arith.index_cast %swap3A_447 : i32 to index
        %swap3A_449 = arith.index_cast %scan3A_391 : i32 to index
        %swap3A_450 = arith.constant 80 : index
        %swap3A_451 = tpu.vector_load %arg7[%swap3A_448, %swap3A_449, %swap3A_450] {strides = array<i32>} : memref<16x32x128xf32, #tpu.memory_space<vmem>>, vector<1x1x16xf32>,
        %swap3A_452 = vector.shape_cast %swap3A_451 : vector<1x1x16xf32> to vector<16xf32>
        %swap3A_453 = vector.shape_cast %get3A_439 : vector<16xf32> to vector<1x1x16xf32>
        tpu.vector_store %arg7[%swap3A_448, %swap3A_449, %swap3A_450], %swap3A_453 {strides = array<i32>} : memref<16x32x128xf32, #tpu.memory_space<vmem>>, vector<1x1x16xf32>,
        %swap3A_454 = arith.constant 5 : i32
        %swap3A_455 = arith.index_cast %swap3A_454 : i32 to index
        %swap3A_456 = arith.index_cast %scan3A_391 : i32 to index
        %swap3A_457 = arith.constant 96 : index
        %swap3A_458 = tpu.vector_load %arg7[%swap3A_455, %swap3A_456, %swap3A_457] {strides = array<i32>} : memref<16x32x128xf32, #tpu.memory_space<vmem>>, vector<1x1x16xf32>,
        %swap3A_459 = vector.shape_cast %swap3A_458 : vector<1x1x16xf32> to vector<16xf32>
        %swap3A_460 = vector.shape_cast %get3A_439 : vector<16xf32> to vector<1x1x16xf32>
        tpu.vector_store %arg7[%swap3A_455, %swap3A_456, %swap3A_457], %swap3A_460 {strides = array<i32>} : memref<16x32x128xf32, #tpu.memory_space<vmem>>, vector<1x1x16xf32>,
        %swap3A_461 = arith.constant 5 : i32
        %swap3A_462 = arith.index_cast %swap3A_461 : i32 to index
        %swap3A_463 = arith.index_cast %scan3A_391 : i32 to index
        %swap3A_464 = arith.constant 112 : index
        %swap3A_465 = tpu.vector_load %arg7[%swap3A_462, %swap3A_463, %swap3A_464] {strides = array<i32>} : memref<16x32x128xf32, #tpu.memory_space<vmem>>, vector<1x1x16xf32>,
        %swap3A_466 = vector.shape_cast %swap3A_465 : vector<1x1x16xf32> to vector<16xf32>
        %swap3A_467 = vector.shape_cast %get3A_439 : vector<16xf32> to vector<1x1x16xf32>
        tpu.vector_store %arg7[%swap3A_462, %swap3A_463, %swap3A_464], %swap3A_467 {strides = array<i32>} : memref<16x32x128xf32, #tpu.memory_space<vmem>>, vector<1x1x16xf32>,
      }
      %scan3A_330 = arith.constant 32 : i32
      %scan3A_331 = arith.constant 0 : i32
      %scan3A_332 = arith.constant 0 : i32
      %scan3A_333 = arith.constant 32 : i32
      %scan3A_334 = arith.addi %scan3A_332, %scan3A_333 : i32
      %scan3A_335 = arith.constant 1 : i32
      scf.for %scan3A_391 = %scan3A_332 to %scan3A_334 step %scan3A_335  : i32 {
        %mul3A_392 = arith.constant 2 : i32
        %mul3A_393 = arith.muli %mul3A_392, %scan3A_391 : i32
        %add3A_394 = arith.constant 0 : i32
        %add3A_395 = arith.addi %mul3A_393, %add3A_394 : i32
        %mul3A_396 = arith.constant 16 : i32
        %mul3A_397 = arith.muli %add3A_395, %mul3A_396 : i32
        %get3A = arith.constant 6 : i32
        %get3A_398 = arith.index_cast %get3A : i32 to index
        %get3A_399 = arith.index_cast %mul3A_397 : i32 to index
        %get3A_400 = tpu.vector_load %arg6[%get3A_398, %get3A_399] {strides = array<i32>} : memref<16x1024xf32, #tpu.memory_space<vmem>>, vector<1x16xf32>,
        %get3A_401 = vector.shape_cast %get3A_400 : vector<1x16xf32> to vector<16xf32>
        %swap3A = arith.constant 6 : i32
        %swap3A_402 = arith.index_cast %swap3A : i32 to index
        %swap3A_403 = arith.index_cast %scan3A_391 : i32 to index
        %swap3A_404 = arith.constant 0 : index
        %swap3A_405 = tpu.vector_load %arg7[%swap3A_402, %swap3A_403, %swap3A_404] {strides = array<i32>} : memref<16x32x128xf32, #tpu.memory_space<vmem>>, vector<1x1x16xf32>,
        %swap3A_406 = vector.shape_cast %swap3A_405 : vector<1x1x16xf32> to vector<16xf32>
        %swap3A_407 = vector.shape_cast %get3A_401 : vector<16xf32> to vector<1x1x16xf32>
        tpu.vector_store %arg7[%swap3A_402, %swap3A_403, %swap3A_404], %swap3A_407 {strides = array<i32>} : memref<16x32x128xf32, #tpu.memory_space<vmem>>, vector<1x1x16xf32>,
        %swap3A_408 = arith.constant 6 : i32
        %swap3A_409 = arith.index_cast %swap3A_408 : i32 to index
        %swap3A_410 = arith.index_cast %scan3A_391 : i32 to index
        %swap3A_411 = arith.constant 16 : index
        %swap3A_412 = tpu.vector_load %arg7[%swap3A_409, %swap3A_410, %swap3A_411] {strides = array<i32>} : memref<16x32x128xf32, #tpu.memory_space<vmem>>, vector<1x1x16xf32>,
        %swap3A_413 = vector.shape_cast %swap3A_412 : vector<1x1x16xf32> to vector<16xf32>
        %swap3A_414 = vector.shape_cast %get3A_401 : vector<16xf32> to vector<1x1x16xf32>
        tpu.vector_store %arg7[%swap3A_409, %swap3A_410, %swap3A_411], %swap3A_414 {strides = array<i32>} : memref<16x32x128xf32, #tpu.memory_space<vmem>>, vector<1x1x16xf32>,
        %swap3A_415 = arith.constant 6 : i32
        %swap3A_416 = arith.index_cast %swap3A_415 : i32 to index
        %swap3A_417 = arith.index_cast %scan3A_391 : i32 to index
        %swap3A_418 = arith.constant 32 : index
        %swap3A_419 = tpu.vector_load %arg7[%swap3A_416, %swap3A_417, %swap3A_418] {strides = array<i32>} : memref<16x32x128xf32, #tpu.memory_space<vmem>>, vector<1x1x16xf32>,
        %swap3A_420 = vector.shape_cast %swap3A_419 : vector<1x1x16xf32> to vector<16xf32>
        %swap3A_421 = vector.shape_cast %get3A_401 : vector<16xf32> to vector<1x1x16xf32>
        tpu.vector_store %arg7[%swap3A_416, %swap3A_417, %swap3A_418], %swap3A_421 {strides = array<i32>} : memref<16x32x128xf32, #tpu.memory_space<vmem>>, vector<1x1x16xf32>,
        %swap3A_422 = arith.constant 6 : i32
        %swap3A_423 = arith.index_cast %swap3A_422 : i32 to index
        %swap3A_424 = arith.index_cast %scan3A_391 : i32 to index
        %swap3A_425 = arith.constant 48 : index
        %swap3A_426 = tpu.vector_load %arg7[%swap3A_423, %swap3A_424, %swap3A_425] {strides = array<i32>} : memref<16x32x128xf32, #tpu.memory_space<vmem>>, vector<1x1x16xf32>,
        %swap3A_427 = vector.shape_cast %swap3A_426 : vector<1x1x16xf32> to vector<16xf32>
        %swap3A_428 = vector.shape_cast %get3A_401 : vector<16xf32> to vector<1x1x16xf32>
        tpu.vector_store %arg7[%swap3A_423, %swap3A_424, %swap3A_425], %swap3A_428 {strides = array<i32>} : memref<16x32x128xf32, #tpu.memory_space<vmem>>, vector<1x1x16xf32>,
        %mul3A_429 = arith.constant 2 : i32
        %mul3A_430 = arith.muli %mul3A_429, %scan3A_391 : i32
        %add3A_431 = arith.constant 1 : i32
        %add3A_432 = arith.addi %mul3A_430, %add3A_431 : i32
        %mul3A_433 = arith.constant 16 : i32
        %mul3A_434 = arith.muli %add3A_432, %mul3A_433 : i32
        %get3A_435 = arith.constant 6 : i32
        %get3A_436 = arith.index_cast %get3A_435 : i32 to index
        %get3A_437 = arith.index_cast %mul3A_434 : i32 to index
        %get3A_438 = tpu.vector_load %arg6[%get3A_436, %get3A_437] {strides = array<i32>} : memref<16x1024xf32, #tpu.memory_space<vmem>>, vector<1x16xf32>,
        %get3A_439 = vector.shape_cast %get3A_438 : vector<1x16xf32> to vector<16xf32>
        %swap3A_440 = arith.constant 6 : i32
        %swap3A_441 = arith.index_cast %swap3A_440 : i32 to index
        %swap3A_442 = arith.index_cast %scan3A_391 : i32 to index
        %swap3A_443 = arith.constant 64 : index
        %swap3A_444 = tpu.vector_load %arg7[%swap3A_441, %swap3A_442, %swap3A_443] {strides = array<i32>} : memref<16x32x128xf32, #tpu.memory_space<vmem>>, vector<1x1x16xf32>,
        %swap3A_445 = vector.shape_cast %swap3A_444 : vector<1x1x16xf32> to vector<16xf32>
        %swap3A_446 = vector.shape_cast %get3A_439 : vector<16xf32> to vector<1x1x16xf32>
        tpu.vector_store %arg7[%swap3A_441, %swap3A_442, %swap3A_443], %swap3A_446 {strides = array<i32>} : memref<16x32x128xf32, #tpu.memory_space<vmem>>, vector<1x1x16xf32>,
        %swap3A_447 = arith.constant 6 : i32
        %swap3A_448 = arith.index_cast %swap3A_447 : i32 to index
        %swap3A_449 = arith.index_cast %scan3A_391 : i32 to index
        %swap3A_450 = arith.constant 80 : index
        %swap3A_451 = tpu.vector_load %arg7[%swap3A_448, %swap3A_449, %swap3A_450] {strides = array<i32>} : memref<16x32x128xf32, #tpu.memory_space<vmem>>, vector<1x1x16xf32>,
        %swap3A_452 = vector.shape_cast %swap3A_451 : vector<1x1x16xf32> to vector<16xf32>
        %swap3A_453 = vector.shape_cast %get3A_439 : vector<16xf32> to vector<1x1x16xf32>
        tpu.vector_store %arg7[%swap3A_448, %swap3A_449, %swap3A_450], %swap3A_453 {strides = array<i32>} : memref<16x32x128xf32, #tpu.memory_space<vmem>>, vector<1x1x16xf32>,
        %swap3A_454 = arith.constant 6 : i32
        %swap3A_455 = arith.index_cast %swap3A_454 : i32 to index
        %swap3A_456 = arith.index_cast %scan3A_391 : i32 to index
        %swap3A_457 = arith.constant 96 : index
        %swap3A_458 = tpu.vector_load %arg7[%swap3A_455, %swap3A_456, %swap3A_457] {strides = array<i32>} : memref<16x32x128xf32, #tpu.memory_space<vmem>>, vector<1x1x16xf32>,
        %swap3A_459 = vector.shape_cast %swap3A_458 : vector<1x1x16xf32> to vector<16xf32>
        %swap3A_460 = vector.shape_cast %get3A_439 : vector<16xf32> to vector<1x1x16xf32>
        tpu.vector_store %arg7[%swap3A_455, %swap3A_456, %swap3A_457], %swap3A_460 {strides = array<i32>} : memref<16x32x128xf32, #tpu.memory_space<vmem>>, vector<1x1x16xf32>,
        %swap3A_461 = arith.constant 6 : i32
        %swap3A_462 = arith.index_cast %swap3A_461 : i32 to index
        %swap3A_463 = arith.index_cast %scan3A_391 : i32 to index
        %swap3A_464 = arith.constant 112 : index
        %swap3A_465 = tpu.vector_load %arg7[%swap3A_462, %swap3A_463, %swap3A_464] {strides = array<i32>} : memref<16x32x128xf32, #tpu.memory_space<vmem>>, vector<1x1x16xf32>,
        %swap3A_466 = vector.shape_cast %swap3A_465 : vector<1x1x16xf32> to vector<16xf32>
        %swap3A_467 = vector.shape_cast %get3A_439 : vector<16xf32> to vector<1x1x16xf32>
        tpu.vector_store %arg7[%swap3A_462, %swap3A_463, %swap3A_464], %swap3A_467 {strides = array<i32>} : memref<16x32x128xf32, #tpu.memory_space<vmem>>, vector<1x1x16xf32>,
      }
      %scan3A_336 = arith.constant 32 : i32
      %scan3A_337 = arith.constant 0 : i32
      %scan3A_338 = arith.constant 0 : i32
      %scan3A_339 = arith.constant 32 : i32
      %scan3A_340 = arith.addi %scan3A_338, %scan3A_339 : i32
      %scan3A_341 = arith.constant 1 : i32
      scf.for %scan3A_391 = %scan3A_338 to %scan3A_340 step %scan3A_341  : i32 {
        %mul3A_392 = arith.constant 2 : i32
        %mul3A_393 = arith.muli %mul3A_392, %scan3A_391 : i32
        %add3A_394 = arith.constant 0 : i32
        %add3A_395 = arith.addi %mul3A_393, %add3A_394 : i32
        %mul3A_396 = arith.constant 16 : i32
        %mul3A_397 = arith.muli %add3A_395, %mul3A_396 : i32
        %get3A = arith.constant 7 : i32
        %get3A_398 = arith.index_cast %get3A : i32 to index
        %get3A_399 = arith.index_cast %mul3A_397 : i32 to index
        %get3A_400 = tpu.vector_load %arg6[%get3A_398, %get3A_399] {strides = array<i32>} : memref<16x1024xf32, #tpu.memory_space<vmem>>, vector<1x16xf32>,
        %get3A_401 = vector.shape_cast %get3A_400 : vector<1x16xf32> to vector<16xf32>
        %swap3A = arith.constant 7 : i32
        %swap3A_402 = arith.index_cast %swap3A : i32 to index
        %swap3A_403 = arith.index_cast %scan3A_391 : i32 to index
        %swap3A_404 = arith.constant 0 : index
        %swap3A_405 = tpu.vector_load %arg7[%swap3A_402, %swap3A_403, %swap3A_404] {strides = array<i32>} : memref<16x32x128xf32, #tpu.memory_space<vmem>>, vector<1x1x16xf32>,
        %swap3A_406 = vector.shape_cast %swap3A_405 : vector<1x1x16xf32> to vector<16xf32>
        %swap3A_407 = vector.shape_cast %get3A_401 : vector<16xf32> to vector<1x1x16xf32>
        tpu.vector_store %arg7[%swap3A_402, %swap3A_403, %swap3A_404], %swap3A_407 {strides = array<i32>} : memref<16x32x128xf32, #tpu.memory_space<vmem>>, vector<1x1x16xf32>,
        %swap3A_408 = arith.constant 7 : i32
        %swap3A_409 = arith.index_cast %swap3A_408 : i32 to index
        %swap3A_410 = arith.index_cast %scan3A_391 : i32 to index
        %swap3A_411 = arith.constant 16 : index
        %swap3A_412 = tpu.vector_load %arg7[%swap3A_409, %swap3A_410, %swap3A_411] {strides = array<i32>} : memref<16x32x128xf32, #tpu.memory_space<vmem>>, vector<1x1x16xf32>,
        %swap3A_413 = vector.shape_cast %swap3A_412 : vector<1x1x16xf32> to vector<16xf32>
        %swap3A_414 = vector.shape_cast %get3A_401 : vector<16xf32> to vector<1x1x16xf32>
        tpu.vector_store %arg7[%swap3A_409, %swap3A_410, %swap3A_411], %swap3A_414 {strides = array<i32>} : memref<16x32x128xf32, #tpu.memory_space<vmem>>, vector<1x1x16xf32>,
        %swap3A_415 = arith.constant 7 : i32
        %swap3A_416 = arith.index_cast %swap3A_415 : i32 to index
        %swap3A_417 = arith.index_cast %scan3A_391 : i32 to index
        %swap3A_418 = arith.constant 32 : index
        %swap3A_419 = tpu.vector_load %arg7[%swap3A_416, %swap3A_417, %swap3A_418] {strides = array<i32>} : memref<16x32x128xf32, #tpu.memory_space<vmem>>, vector<1x1x16xf32>,
        %swap3A_420 = vector.shape_cast %swap3A_419 : vector<1x1x16xf32> to vector<16xf32>
        %swap3A_421 = vector.shape_cast %get3A_401 : vector<16xf32> to vector<1x1x16xf32>
        tpu.vector_store %arg7[%swap3A_416, %swap3A_417, %swap3A_418], %swap3A_421 {strides = array<i32>} : memref<16x32x128xf32, #tpu.memory_space<vmem>>, vector<1x1x16xf32>,
        %swap3A_422 = arith.constant 7 : i32
        %swap3A_423 = arith.index_cast %swap3A_422 : i32 to index
        %swap3A_424 = arith.index_cast %scan3A_391 : i32 to index
        %swap3A_425 = arith.constant 48 : index
        %swap3A_426 = tpu.vector_load %arg7[%swap3A_423, %swap3A_424, %swap3A_425] {strides = array<i32>} : memref<16x32x128xf32, #tpu.memory_space<vmem>>, vector<1x1x16xf32>,
        %swap3A_427 = vector.shape_cast %swap3A_426 : vector<1x1x16xf32> to vector<16xf32>
        %swap3A_428 = vector.shape_cast %get3A_401 : vector<16xf32> to vector<1x1x16xf32>
        tpu.vector_store %arg7[%swap3A_423, %swap3A_424, %swap3A_425], %swap3A_428 {strides = array<i32>} : memref<16x32x128xf32, #tpu.memory_space<vmem>>, vector<1x1x16xf32>,
        %mul3A_429 = arith.constant 2 : i32
        %mul3A_430 = arith.muli %mul3A_429, %scan3A_391 : i32
        %add3A_431 = arith.constant 1 : i32
        %add3A_432 = arith.addi %mul3A_430, %add3A_431 : i32
        %mul3A_433 = arith.constant 16 : i32
        %mul3A_434 = arith.muli %add3A_432, %mul3A_433 : i32
        %get3A_435 = arith.constant 7 : i32
        %get3A_436 = arith.index_cast %get3A_435 : i32 to index
        %get3A_437 = arith.index_cast %mul3A_434 : i32 to index
        %get3A_438 = tpu.vector_load %arg6[%get3A_436, %get3A_437] {strides = array<i32>} : memref<16x1024xf32, #tpu.memory_space<vmem>>, vector<1x16xf32>,
        %get3A_439 = vector.shape_cast %get3A_438 : vector<1x16xf32> to vector<16xf32>
        %swap3A_440 = arith.constant 7 : i32
        %swap3A_441 = arith.index_cast %swap3A_440 : i32 to index
        %swap3A_442 = arith.index_cast %scan3A_391 : i32 to index
        %swap3A_443 = arith.constant 64 : index
        %swap3A_444 = tpu.vector_load %arg7[%swap3A_441, %swap3A_442, %swap3A_443] {strides = array<i32>} : memref<16x32x128xf32, #tpu.memory_space<vmem>>, vector<1x1x16xf32>,
        %swap3A_445 = vector.shape_cast %swap3A_444 : vector<1x1x16xf32> to vector<16xf32>
        %swap3A_446 = vector.shape_cast %get3A_439 : vector<16xf32> to vector<1x1x16xf32>
        tpu.vector_store %arg7[%swap3A_441, %swap3A_442, %swap3A_443], %swap3A_446 {strides = array<i32>} : memref<16x32x128xf32, #tpu.memory_space<vmem>>, vector<1x1x16xf32>,
        %swap3A_447 = arith.constant 7 : i32
        %swap3A_448 = arith.index_cast %swap3A_447 : i32 to index
        %swap3A_449 = arith.index_cast %scan3A_391 : i32 to index
        %swap3A_450 = arith.constant 80 : index
        %swap3A_451 = tpu.vector_load %arg7[%swap3A_448, %swap3A_449, %swap3A_450] {strides = array<i32>} : memref<16x32x128xf32, #tpu.memory_space<vmem>>, vector<1x1x16xf32>,
        %swap3A_452 = vector.shape_cast %swap3A_451 : vector<1x1x16xf32> to vector<16xf32>
        %swap3A_453 = vector.shape_cast %get3A_439 : vector<16xf32> to vector<1x1x16xf32>
        tpu.vector_store %arg7[%swap3A_448, %swap3A_449, %swap3A_450], %swap3A_453 {strides = array<i32>} : memref<16x32x128xf32, #tpu.memory_space<vmem>>, vector<1x1x16xf32>,
        %swap3A_454 = arith.constant 7 : i32
        %swap3A_455 = arith.index_cast %swap3A_454 : i32 to index
        %swap3A_456 = arith.index_cast %scan3A_391 : i32 to index
        %swap3A_457 = arith.constant 96 : index
        %swap3A_458 = tpu.vector_load %arg7[%swap3A_455, %swap3A_456, %swap3A_457] {strides = array<i32>} : memref<16x32x128xf32, #tpu.memory_space<vmem>>, vector<1x1x16xf32>,
        %swap3A_459 = vector.shape_cast %swap3A_458 : vector<1x1x16xf32> to vector<16xf32>
        %swap3A_460 = vector.shape_cast %get3A_439 : vector<16xf32> to vector<1x1x16xf32>
        tpu.vector_store %arg7[%swap3A_455, %swap3A_456, %swap3A_457], %swap3A_460 {strides = array<i32>} : memref<16x32x128xf32, #tpu.memory_space<vmem>>, vector<1x1x16xf32>,
        %swap3A_461 = arith.constant 7 : i32
        %swap3A_462 = arith.index_cast %swap3A_461 : i32 to index
        %swap3A_463 = arith.index_cast %scan3A_391 : i32 to index
        %swap3A_464 = arith.constant 112 : index
        %swap3A_465 = tpu.vector_load %arg7[%swap3A_462, %swap3A_463, %swap3A_464] {strides = array<i32>} : memref<16x32x128xf32, #tpu.memory_space<vmem>>, vector<1x1x16xf32>,
        %swap3A_466 = vector.shape_cast %swap3A_465 : vector<1x1x16xf32> to vector<16xf32>
        %swap3A_467 = vector.shape_cast %get3A_439 : vector<16xf32> to vector<1x1x16xf32>
        tpu.vector_store %arg7[%swap3A_462, %swap3A_463, %swap3A_464], %swap3A_467 {strides = array<i32>} : memref<16x32x128xf32, #tpu.memory_space<vmem>>, vector<1x1x16xf32>,
      }
      %scan3A_342 = arith.constant 32 : i32
      %scan3A_343 = arith.constant 0 : i32
      %scan3A_344 = arith.constant 0 : i32
      %scan3A_345 = arith.constant 32 : i32
      %scan3A_346 = arith.addi %scan3A_344, %scan3A_345 : i32
      %scan3A_347 = arith.constant 1 : i32
      scf.for %scan3A_391 = %scan3A_344 to %scan3A_346 step %scan3A_347  : i32 {
        %mul3A_392 = arith.constant 2 : i32
        %mul3A_393 = arith.muli %mul3A_392, %scan3A_391 : i32
        %add3A_394 = arith.constant 0 : i32
        %add3A_395 = arith.addi %mul3A_393, %add3A_394 : i32
        %mul3A_396 = arith.constant 16 : i32
        %mul3A_397 = arith.muli %add3A_395, %mul3A_396 : i32
        %get3A = arith.constant 8 : i32
        %get3A_398 = arith.index_cast %get3A : i32 to index
        %get3A_399 = arith.index_cast %mul3A_397 : i32 to index
        %get3A_400 = tpu.vector_load %arg6[%get3A_398, %get3A_399] {strides = array<i32>} : memref<16x1024xf32, #tpu.memory_space<vmem>>, vector<1x16xf32>,
        %get3A_401 = vector.shape_cast %get3A_400 : vector<1x16xf32> to vector<16xf32>
        %swap3A = arith.constant 8 : i32
        %swap3A_402 = arith.index_cast %swap3A : i32 to index
        %swap3A_403 = arith.index_cast %scan3A_391 : i32 to index
        %swap3A_404 = arith.constant 0 : index
        %swap3A_405 = tpu.vector_load %arg7[%swap3A_402, %swap3A_403, %swap3A_404] {strides = array<i32>} : memref<16x32x128xf32, #tpu.memory_space<vmem>>, vector<1x1x16xf32>,
        %swap3A_406 = vector.shape_cast %swap3A_405 : vector<1x1x16xf32> to vector<16xf32>
        %swap3A_407 = vector.shape_cast %get3A_401 : vector<16xf32> to vector<1x1x16xf32>
        tpu.vector_store %arg7[%swap3A_402, %swap3A_403, %swap3A_404], %swap3A_407 {strides = array<i32>} : memref<16x32x128xf32, #tpu.memory_space<vmem>>, vector<1x1x16xf32>,
        %swap3A_408 = arith.constant 8 : i32
        %swap3A_409 = arith.index_cast %swap3A_408 : i32 to index
        %swap3A_410 = arith.index_cast %scan3A_391 : i32 to index
        %swap3A_411 = arith.constant 16 : index
        %swap3A_412 = tpu.vector_load %arg7[%swap3A_409, %swap3A_410, %swap3A_411] {strides = array<i32>} : memref<16x32x128xf32, #tpu.memory_space<vmem>>, vector<1x1x16xf32>,
        %swap3A_413 = vector.shape_cast %swap3A_412 : vector<1x1x16xf32> to vector<16xf32>
        %swap3A_414 = vector.shape_cast %get3A_401 : vector<16xf32> to vector<1x1x16xf32>
        tpu.vector_store %arg7[%swap3A_409, %swap3A_410, %swap3A_411], %swap3A_414 {strides = array<i32>} : memref<16x32x128xf32, #tpu.memory_space<vmem>>, vector<1x1x16xf32>,
        %swap3A_415 = arith.constant 8 : i32
        %swap3A_416 = arith.index_cast %swap3A_415 : i32 to index
        %swap3A_417 = arith.index_cast %scan3A_391 : i32 to index
        %swap3A_418 = arith.constant 32 : index
        %swap3A_419 = tpu.vector_load %arg7[%swap3A_416, %swap3A_417, %swap3A_418] {strides = array<i32>} : memref<16x32x128xf32, #tpu.memory_space<vmem>>, vector<1x1x16xf32>,
        %swap3A_420 = vector.shape_cast %swap3A_419 : vector<1x1x16xf32> to vector<16xf32>
        %swap3A_421 = vector.shape_cast %get3A_401 : vector<16xf32> to vector<1x1x16xf32>
        tpu.vector_store %arg7[%swap3A_416, %swap3A_417, %swap3A_418], %swap3A_421 {strides = array<i32>} : memref<16x32x128xf32, #tpu.memory_space<vmem>>, vector<1x1x16xf32>,
        %swap3A_422 = arith.constant 8 : i32
        %swap3A_423 = arith.index_cast %swap3A_422 : i32 to index
        %swap3A_424 = arith.index_cast %scan3A_391 : i32 to index
        %swap3A_425 = arith.constant 48 : index
        %swap3A_426 = tpu.vector_load %arg7[%swap3A_423, %swap3A_424, %swap3A_425] {strides = array<i32>} : memref<16x32x128xf32, #tpu.memory_space<vmem>>, vector<1x1x16xf32>,
        %swap3A_427 = vector.shape_cast %swap3A_426 : vector<1x1x16xf32> to vector<16xf32>
        %swap3A_428 = vector.shape_cast %get3A_401 : vector<16xf32> to vector<1x1x16xf32>
        tpu.vector_store %arg7[%swap3A_423, %swap3A_424, %swap3A_425], %swap3A_428 {strides = array<i32>} : memref<16x32x128xf32, #tpu.memory_space<vmem>>, vector<1x1x16xf32>,
        %mul3A_429 = arith.constant 2 : i32
        %mul3A_430 = arith.muli %mul3A_429, %scan3A_391 : i32
        %add3A_431 = arith.constant 1 : i32
        %add3A_432 = arith.addi %mul3A_430, %add3A_431 : i32
        %mul3A_433 = arith.constant 16 : i32
        %mul3A_434 = arith.muli %add3A_432, %mul3A_433 : i32
        %get3A_435 = arith.constant 8 : i32
        %get3A_436 = arith.index_cast %get3A_435 : i32 to index
        %get3A_437 = arith.index_cast %mul3A_434 : i32 to index
        %get3A_438 = tpu.vector_load %arg6[%get3A_436, %get3A_437] {strides = array<i32>} : memref<16x1024xf32, #tpu.memory_space<vmem>>, vector<1x16xf32>,
        %get3A_439 = vector.shape_cast %get3A_438 : vector<1x16xf32> to vector<16xf32>
        %swap3A_440 = arith.constant 8 : i32
        %swap3A_441 = arith.index_cast %swap3A_440 : i32 to index
        %swap3A_442 = arith.index_cast %scan3A_391 : i32 to index
        %swap3A_443 = arith.constant 64 : index
        %swap3A_444 = tpu.vector_load %arg7[%swap3A_441, %swap3A_442, %swap3A_443] {strides = array<i32>} : memref<16x32x128xf32, #tpu.memory_space<vmem>>, vector<1x1x16xf32>,
        %swap3A_445 = vector.shape_cast %swap3A_444 : vector<1x1x16xf32> to vector<16xf32>
        %swap3A_446 = vector.shape_cast %get3A_439 : vector<16xf32> to vector<1x1x16xf32>
        tpu.vector_store %arg7[%swap3A_441, %swap3A_442, %swap3A_443], %swap3A_446 {strides = array<i32>} : memref<16x32x128xf32, #tpu.memory_space<vmem>>, vector<1x1x16xf32>,
        %swap3A_447 = arith.constant 8 : i32
        %swap3A_448 = arith.index_cast %swap3A_447 : i32 to index
        %swap3A_449 = arith.index_cast %scan3A_391 : i32 to index
        %swap3A_450 = arith.constant 80 : index
        %swap3A_451 = tpu.vector_load %arg7[%swap3A_448, %swap3A_449, %swap3A_450] {strides = array<i32>} : memref<16x32x128xf32, #tpu.memory_space<vmem>>, vector<1x1x16xf32>,
        %swap3A_452 = vector.shape_cast %swap3A_451 : vector<1x1x16xf32> to vector<16xf32>
        %swap3A_453 = vector.shape_cast %get3A_439 : vector<16xf32> to vector<1x1x16xf32>
        tpu.vector_store %arg7[%swap3A_448, %swap3A_449, %swap3A_450], %swap3A_453 {strides = array<i32>} : memref<16x32x128xf32, #tpu.memory_space<vmem>>, vector<1x1x16xf32>,
        %swap3A_454 = arith.constant 8 : i32
        %swap3A_455 = arith.index_cast %swap3A_454 : i32 to index
        %swap3A_456 = arith.index_cast %scan3A_391 : i32 to index
        %swap3A_457 = arith.constant 96 : index
        %swap3A_458 = tpu.vector_load %arg7[%swap3A_455, %swap3A_456, %swap3A_457] {strides = array<i32>} : memref<16x32x128xf32, #tpu.memory_space<vmem>>, vector<1x1x16xf32>,
        %swap3A_459 = vector.shape_cast %swap3A_458 : vector<1x1x16xf32> to vector<16xf32>
        %swap3A_460 = vector.shape_cast %get3A_439 : vector<16xf32> to vector<1x1x16xf32>
        tpu.vector_store %arg7[%swap3A_455, %swap3A_456, %swap3A_457], %swap3A_460 {strides = array<i32>} : memref<16x32x128xf32, #tpu.memory_space<vmem>>, vector<1x1x16xf32>,
        %swap3A_461 = arith.constant 8 : i32
        %swap3A_462 = arith.index_cast %swap3A_461 : i32 to index
        %swap3A_463 = arith.index_cast %scan3A_391 : i32 to index
        %swap3A_464 = arith.constant 112 : index
        %swap3A_465 = tpu.vector_load %arg7[%swap3A_462, %swap3A_463, %swap3A_464] {strides = array<i32>} : memref<16x32x128xf32, #tpu.memory_space<vmem>>, vector<1x1x16xf32>,
        %swap3A_466 = vector.shape_cast %swap3A_465 : vector<1x1x16xf32> to vector<16xf32>
        %swap3A_467 = vector.shape_cast %get3A_439 : vector<16xf32> to vector<1x1x16xf32>
        tpu.vector_store %arg7[%swap3A_462, %swap3A_463, %swap3A_464], %swap3A_467 {strides = array<i32>} : memref<16x32x128xf32, #tpu.memory_space<vmem>>, vector<1x1x16xf32>,
      }
      %scan3A_348 = arith.constant 32 : i32
      %scan3A_349 = arith.constant 0 : i32
      %scan3A_350 = arith.constant 0 : i32
      %scan3A_351 = arith.constant 32 : i32
      %scan3A_352 = arith.addi %scan3A_350, %scan3A_351 : i32
      %scan3A_353 = arith.constant 1 : i32
      scf.for %scan3A_391 = %scan3A_350 to %scan3A_352 step %scan3A_353  : i32 {
        %mul3A_392 = arith.constant 2 : i32
        %mul3A_393 = arith.muli %mul3A_392, %scan3A_391 : i32
        %add3A_394 = arith.constant 0 : i32
        %add3A_395 = arith.addi %mul3A_393, %add3A_394 : i32
        %mul3A_396 = arith.constant 16 : i32
        %mul3A_397 = arith.muli %add3A_395, %mul3A_396 : i32
        %get3A = arith.constant 9 : i32
        %get3A_398 = arith.index_cast %get3A : i32 to index
        %get3A_399 = arith.index_cast %mul3A_397 : i32 to index
        %get3A_400 = tpu.vector_load %arg6[%get3A_398, %get3A_399] {strides = array<i32>} : memref<16x1024xf32, #tpu.memory_space<vmem>>, vector<1x16xf32>,
        %get3A_401 = vector.shape_cast %get3A_400 : vector<1x16xf32> to vector<16xf32>
        %swap3A = arith.constant 9 : i32
        %swap3A_402 = arith.index_cast %swap3A : i32 to index
        %swap3A_403 = arith.index_cast %scan3A_391 : i32 to index
        %swap3A_404 = arith.constant 0 : index
        %swap3A_405 = tpu.vector_load %arg7[%swap3A_402, %swap3A_403, %swap3A_404] {strides = array<i32>} : memref<16x32x128xf32, #tpu.memory_space<vmem>>, vector<1x1x16xf32>,
        %swap3A_406 = vector.shape_cast %swap3A_405 : vector<1x1x16xf32> to vector<16xf32>
        %swap3A_407 = vector.shape_cast %get3A_401 : vector<16xf32> to vector<1x1x16xf32>
        tpu.vector_store %arg7[%swap3A_402, %swap3A_403, %swap3A_404], %swap3A_407 {strides = array<i32>} : memref<16x32x128xf32, #tpu.memory_space<vmem>>, vector<1x1x16xf32>,
        %swap3A_408 = arith.constant 9 : i32
        %swap3A_409 = arith.index_cast %swap3A_408 : i32 to index
        %swap3A_410 = arith.index_cast %scan3A_391 : i32 to index
        %swap3A_411 = arith.constant 16 : index
        %swap3A_412 = tpu.vector_load %arg7[%swap3A_409, %swap3A_410, %swap3A_411] {strides = array<i32>} : memref<16x32x128xf32, #tpu.memory_space<vmem>>, vector<1x1x16xf32>,
        %swap3A_413 = vector.shape_cast %swap3A_412 : vector<1x1x16xf32> to vector<16xf32>
        %swap3A_414 = vector.shape_cast %get3A_401 : vector<16xf32> to vector<1x1x16xf32>
        tpu.vector_store %arg7[%swap3A_409, %swap3A_410, %swap3A_411], %swap3A_414 {strides = array<i32>} : memref<16x32x128xf32, #tpu.memory_space<vmem>>, vector<1x1x16xf32>,
        %swap3A_415 = arith.constant 9 : i32
        %swap3A_416 = arith.index_cast %swap3A_415 : i32 to index
        %swap3A_417 = arith.index_cast %scan3A_391 : i32 to index
        %swap3A_418 = arith.constant 32 : index
        %swap3A_419 = tpu.vector_load %arg7[%swap3A_416, %swap3A_417, %swap3A_418] {strides = array<i32>} : memref<16x32x128xf32, #tpu.memory_space<vmem>>, vector<1x1x16xf32>,
        %swap3A_420 = vector.shape_cast %swap3A_419 : vector<1x1x16xf32> to vector<16xf32>
        %swap3A_421 = vector.shape_cast %get3A_401 : vector<16xf32> to vector<1x1x16xf32>
        tpu.vector_store %arg7[%swap3A_416, %swap3A_417, %swap3A_418], %swap3A_421 {strides = array<i32>} : memref<16x32x128xf32, #tpu.memory_space<vmem>>, vector<1x1x16xf32>,
        %swap3A_422 = arith.constant 9 : i32
        %swap3A_423 = arith.index_cast %swap3A_422 : i32 to index
        %swap3A_424 = arith.index_cast %scan3A_391 : i32 to index
        %swap3A_425 = arith.constant 48 : index
        %swap3A_426 = tpu.vector_load %arg7[%swap3A_423, %swap3A_424, %swap3A_425] {strides = array<i32>} : memref<16x32x128xf32, #tpu.memory_space<vmem>>, vector<1x1x16xf32>,
        %swap3A_427 = vector.shape_cast %swap3A_426 : vector<1x1x16xf32> to vector<16xf32>
        %swap3A_428 = vector.shape_cast %get3A_401 : vector<16xf32> to vector<1x1x16xf32>
        tpu.vector_store %arg7[%swap3A_423, %swap3A_424, %swap3A_425], %swap3A_428 {strides = array<i32>} : memref<16x32x128xf32, #tpu.memory_space<vmem>>, vector<1x1x16xf32>,
        %mul3A_429 = arith.constant 2 : i32
        %mul3A_430 = arith.muli %mul3A_429, %scan3A_391 : i32
        %add3A_431 = arith.constant 1 : i32
        %add3A_432 = arith.addi %mul3A_430, %add3A_431 : i32
        %mul3A_433 = arith.constant 16 : i32
        %mul3A_434 = arith.muli %add3A_432, %mul3A_433 : i32
        %get3A_435 = arith.constant 9 : i32
        %get3A_436 = arith.index_cast %get3A_435 : i32 to index
        %get3A_437 = arith.index_cast %mul3A_434 : i32 to index
        %get3A_438 = tpu.vector_load %arg6[%get3A_436, %get3A_437] {strides = array<i32>} : memref<16x1024xf32, #tpu.memory_space<vmem>>, vector<1x16xf32>,
        %get3A_439 = vector.shape_cast %get3A_438 : vector<1x16xf32> to vector<16xf32>
        %swap3A_440 = arith.constant 9 : i32
        %swap3A_441 = arith.index_cast %swap3A_440 : i32 to index
        %swap3A_442 = arith.index_cast %scan3A_391 : i32 to index
        %swap3A_443 = arith.constant 64 : index
        %swap3A_444 = tpu.vector_load %arg7[%swap3A_441, %swap3A_442, %swap3A_443] {strides = array<i32>} : memref<16x32x128xf32, #tpu.memory_space<vmem>>, vector<1x1x16xf32>,
        %swap3A_445 = vector.shape_cast %swap3A_444 : vector<1x1x16xf32> to vector<16xf32>
        %swap3A_446 = vector.shape_cast %get3A_439 : vector<16xf32> to vector<1x1x16xf32>
        tpu.vector_store %arg7[%swap3A_441, %swap3A_442, %swap3A_443], %swap3A_446 {strides = array<i32>} : memref<16x32x128xf32, #tpu.memory_space<vmem>>, vector<1x1x16xf32>,
        %swap3A_447 = arith.constant 9 : i32
        %swap3A_448 = arith.index_cast %swap3A_447 : i32 to index
        %swap3A_449 = arith.index_cast %scan3A_391 : i32 to index
        %swap3A_450 = arith.constant 80 : index
        %swap3A_451 = tpu.vector_load %arg7[%swap3A_448, %swap3A_449, %swap3A_450] {strides = array<i32>} : memref<16x32x128xf32, #tpu.memory_space<vmem>>, vector<1x1x16xf32>,
        %swap3A_452 = vector.shape_cast %swap3A_451 : vector<1x1x16xf32> to vector<16xf32>
        %swap3A_453 = vector.shape_cast %get3A_439 : vector<16xf32> to vector<1x1x16xf32>
        tpu.vector_store %arg7[%swap3A_448, %swap3A_449, %swap3A_450], %swap3A_453 {strides = array<i32>} : memref<16x32x128xf32, #tpu.memory_space<vmem>>, vector<1x1x16xf32>,
        %swap3A_454 = arith.constant 9 : i32
        %swap3A_455 = arith.index_cast %swap3A_454 : i32 to index
        %swap3A_456 = arith.index_cast %scan3A_391 : i32 to index
        %swap3A_457 = arith.constant 96 : index
        %swap3A_458 = tpu.vector_load %arg7[%swap3A_455, %swap3A_456, %swap3A_457] {strides = array<i32>} : memref<16x32x128xf32, #tpu.memory_space<vmem>>, vector<1x1x16xf32>,
        %swap3A_459 = vector.shape_cast %swap3A_458 : vector<1x1x16xf32> to vector<16xf32>
        %swap3A_460 = vector.shape_cast %get3A_439 : vector<16xf32> to vector<1x1x16xf32>
        tpu.vector_store %arg7[%swap3A_455, %swap3A_456, %swap3A_457], %swap3A_460 {strides = array<i32>} : memref<16x32x128xf32, #tpu.memory_space<vmem>>, vector<1x1x16xf32>,
        %swap3A_461 = arith.constant 9 : i32
        %swap3A_462 = arith.index_cast %swap3A_461 : i32 to index
        %swap3A_463 = arith.index_cast %scan3A_391 : i32 to index
        %swap3A_464 = arith.constant 112 : index
        %swap3A_465 = tpu.vector_load %arg7[%swap3A_462, %swap3A_463, %swap3A_464] {strides = array<i32>} : memref<16x32x128xf32, #tpu.memory_space<vmem>>, vector<1x1x16xf32>,
        %swap3A_466 = vector.shape_cast %swap3A_465 : vector<1x1x16xf32> to vector<16xf32>
        %swap3A_467 = vector.shape_cast %get3A_439 : vector<16xf32> to vector<1x1x16xf32>
        tpu.vector_store %arg7[%swap3A_462, %swap3A_463, %swap3A_464], %swap3A_467 {strides = array<i32>} : memref<16x32x128xf32, #tpu.memory_space<vmem>>, vector<1x1x16xf32>,
      }
      %scan3A_354 = arith.constant 32 : i32
      %scan3A_355 = arith.constant 0 : i32
      %scan3A_356 = arith.constant 0 : i32
      %scan3A_357 = arith.constant 32 : i32
      %scan3A_358 = arith.addi %scan3A_356, %scan3A_357 : i32
      %scan3A_359 = arith.constant 1 : i32
      scf.for %scan3A_391 = %scan3A_356 to %scan3A_358 step %scan3A_359  : i32 {
        %mul3A_392 = arith.constant 2 : i32
        %mul3A_393 = arith.muli %mul3A_392, %scan3A_391 : i32
        %add3A_394 = arith.constant 0 : i32
        %add3A_395 = arith.addi %mul3A_393, %add3A_394 : i32
        %mul3A_396 = arith.constant 16 : i32
        %mul3A_397 = arith.muli %add3A_395, %mul3A_396 : i32
        %get3A = arith.constant 10 : i32
        %get3A_398 = arith.index_cast %get3A : i32 to index
        %get3A_399 = arith.index_cast %mul3A_397 : i32 to index
        %get3A_400 = tpu.vector_load %arg6[%get3A_398, %get3A_399] {strides = array<i32>} : memref<16x1024xf32, #tpu.memory_space<vmem>>, vector<1x16xf32>,
        %get3A_401 = vector.shape_cast %get3A_400 : vector<1x16xf32> to vector<16xf32>
        %swap3A = arith.constant 10 : i32
        %swap3A_402 = arith.index_cast %swap3A : i32 to index
        %swap3A_403 = arith.index_cast %scan3A_391 : i32 to index
        %swap3A_404 = arith.constant 0 : index
        %swap3A_405 = tpu.vector_load %arg7[%swap3A_402, %swap3A_403, %swap3A_404] {strides = array<i32>} : memref<16x32x128xf32, #tpu.memory_space<vmem>>, vector<1x1x16xf32>,
        %swap3A_406 = vector.shape_cast %swap3A_405 : vector<1x1x16xf32> to vector<16xf32>
        %swap3A_407 = vector.shape_cast %get3A_401 : vector<16xf32> to vector<1x1x16xf32>
        tpu.vector_store %arg7[%swap3A_402, %swap3A_403, %swap3A_404], %swap3A_407 {strides = array<i32>} : memref<16x32x128xf32, #tpu.memory_space<vmem>>, vector<1x1x16xf32>,
        %swap3A_408 = arith.constant 10 : i32
        %swap3A_409 = arith.index_cast %swap3A_408 : i32 to index
        %swap3A_410 = arith.index_cast %scan3A_391 : i32 to index
        %swap3A_411 = arith.constant 16 : index
        %swap3A_412 = tpu.vector_load %arg7[%swap3A_409, %swap3A_410, %swap3A_411] {strides = array<i32>} : memref<16x32x128xf32, #tpu.memory_space<vmem>>, vector<1x1x16xf32>,
        %swap3A_413 = vector.shape_cast %swap3A_412 : vector<1x1x16xf32> to vector<16xf32>
        %swap3A_414 = vector.shape_cast %get3A_401 : vector<16xf32> to vector<1x1x16xf32>
        tpu.vector_store %arg7[%swap3A_409, %swap3A_410, %swap3A_411], %swap3A_414 {strides = array<i32>} : memref<16x32x128xf32, #tpu.memory_space<vmem>>, vector<1x1x16xf32>,
        %swap3A_415 = arith.constant 10 : i32
        %swap3A_416 = arith.index_cast %swap3A_415 : i32 to index
        %swap3A_417 = arith.index_cast %scan3A_391 : i32 to index
        %swap3A_418 = arith.constant 32 : index
        %swap3A_419 = tpu.vector_load %arg7[%swap3A_416, %swap3A_417, %swap3A_418] {strides = array<i32>} : memref<16x32x128xf32, #tpu.memory_space<vmem>>, vector<1x1x16xf32>,
        %swap3A_420 = vector.shape_cast %swap3A_419 : vector<1x1x16xf32> to vector<16xf32>
        %swap3A_421 = vector.shape_cast %get3A_401 : vector<16xf32> to vector<1x1x16xf32>
        tpu.vector_store %arg7[%swap3A_416, %swap3A_417, %swap3A_418], %swap3A_421 {strides = array<i32>} : memref<16x32x128xf32, #tpu.memory_space<vmem>>, vector<1x1x16xf32>,
        %swap3A_422 = arith.constant 10 : i32
        %swap3A_423 = arith.index_cast %swap3A_422 : i32 to index
        %swap3A_424 = arith.index_cast %scan3A_391 : i32 to index
        %swap3A_425 = arith.constant 48 : index
        %swap3A_426 = tpu.vector_load %arg7[%swap3A_423, %swap3A_424, %swap3A_425] {strides = array<i32>} : memref<16x32x128xf32, #tpu.memory_space<vmem>>, vector<1x1x16xf32>,
        %swap3A_427 = vector.shape_cast %swap3A_426 : vector<1x1x16xf32> to vector<16xf32>
        %swap3A_428 = vector.shape_cast %get3A_401 : vector<16xf32> to vector<1x1x16xf32>
        tpu.vector_store %arg7[%swap3A_423, %swap3A_424, %swap3A_425], %swap3A_428 {strides = array<i32>} : memref<16x32x128xf32, #tpu.memory_space<vmem>>, vector<1x1x16xf32>,
        %mul3A_429 = arith.constant 2 : i32
        %mul3A_430 = arith.muli %mul3A_429, %scan3A_391 : i32
        %add3A_431 = arith.constant 1 : i32
        %add3A_432 = arith.addi %mul3A_430, %add3A_431 : i32
        %mul3A_433 = arith.constant 16 : i32
        %mul3A_434 = arith.muli %add3A_432, %mul3A_433 : i32
        %get3A_435 = arith.constant 10 : i32
        %get3A_436 = arith.index_cast %get3A_435 : i32 to index
        %get3A_437 = arith.index_cast %mul3A_434 : i32 to index
        %get3A_438 = tpu.vector_load %arg6[%get3A_436, %get3A_437] {strides = array<i32>} : memref<16x1024xf32, #tpu.memory_space<vmem>>, vector<1x16xf32>,
        %get3A_439 = vector.shape_cast %get3A_438 : vector<1x16xf32> to vector<16xf32>
        %swap3A_440 = arith.constant 10 : i32
        %swap3A_441 = arith.index_cast %swap3A_440 : i32 to index
        %swap3A_442 = arith.index_cast %scan3A_391 : i32 to index
        %swap3A_443 = arith.constant 64 : index
        %swap3A_444 = tpu.vector_load %arg7[%swap3A_441, %swap3A_442, %swap3A_443] {strides = array<i32>} : memref<16x32x128xf32, #tpu.memory_space<vmem>>, vector<1x1x16xf32>,
        %swap3A_445 = vector.shape_cast %swap3A_444 : vector<1x1x16xf32> to vector<16xf32>
        %swap3A_446 = vector.shape_cast %get3A_439 : vector<16xf32> to vector<1x1x16xf32>
        tpu.vector_store %arg7[%swap3A_441, %swap3A_442, %swap3A_443], %swap3A_446 {strides = array<i32>} : memref<16x32x128xf32, #tpu.memory_space<vmem>>, vector<1x1x16xf32>,
        %swap3A_447 = arith.constant 10 : i32
        %swap3A_448 = arith.index_cast %swap3A_447 : i32 to index
        %swap3A_449 = arith.index_cast %scan3A_391 : i32 to index
        %swap3A_450 = arith.constant 80 : index
        %swap3A_451 = tpu.vector_load %arg7[%swap3A_448, %swap3A_449, %swap3A_450] {strides = array<i32>} : memref<16x32x128xf32, #tpu.memory_space<vmem>>, vector<1x1x16xf32>,
        %swap3A_452 = vector.shape_cast %swap3A_451 : vector<1x1x16xf32> to vector<16xf32>
        %swap3A_453 = vector.shape_cast %get3A_439 : vector<16xf32> to vector<1x1x16xf32>
        tpu.vector_store %arg7[%swap3A_448, %swap3A_449, %swap3A_450], %swap3A_453 {strides = array<i32>} : memref<16x32x128xf32, #tpu.memory_space<vmem>>, vector<1x1x16xf32>,
        %swap3A_454 = arith.constant 10 : i32
        %swap3A_455 = arith.index_cast %swap3A_454 : i32 to index
        %swap3A_456 = arith.index_cast %scan3A_391 : i32 to index
        %swap3A_457 = arith.constant 96 : index
        %swap3A_458 = tpu.vector_load %arg7[%swap3A_455, %swap3A_456, %swap3A_457] {strides = array<i32>} : memref<16x32x128xf32, #tpu.memory_space<vmem>>, vector<1x1x16xf32>,
        %swap3A_459 = vector.shape_cast %swap3A_458 : vector<1x1x16xf32> to vector<16xf32>
        %swap3A_460 = vector.shape_cast %get3A_439 : vector<16xf32> to vector<1x1x16xf32>
        tpu.vector_store %arg7[%swap3A_455, %swap3A_456, %swap3A_457], %swap3A_460 {strides = array<i32>} : memref<16x32x128xf32, #tpu.memory_space<vmem>>, vector<1x1x16xf32>,
        %swap3A_461 = arith.constant 10 : i32
        %swap3A_462 = arith.index_cast %swap3A_461 : i32 to index
        %swap3A_463 = arith.index_cast %scan3A_391 : i32 to index
        %swap3A_464 = arith.constant 112 : index
        %swap3A_465 = tpu.vector_load %arg7[%swap3A_462, %swap3A_463, %swap3A_464] {strides = array<i32>} : memref<16x32x128xf32, #tpu.memory_space<vmem>>, vector<1x1x16xf32>,
        %swap3A_466 = vector.shape_cast %swap3A_465 : vector<1x1x16xf32> to vector<16xf32>
        %swap3A_467 = vector.shape_cast %get3A_439 : vector<16xf32> to vector<1x1x16xf32>
        tpu.vector_store %arg7[%swap3A_462, %swap3A_463, %swap3A_464], %swap3A_467 {strides = array<i32>} : memref<16x32x128xf32, #tpu.memory_space<vmem>>, vector<1x1x16xf32>,
      }
      %scan3A_360 = arith.constant 32 : i32
      %scan3A_361 = arith.constant 0 : i32
      %scan3A_362 = arith.constant 0 : i32
      %scan3A_363 = arith.constant 32 : i32
      %scan3A_364 = arith.addi %scan3A_362, %scan3A_363 : i32
      %scan3A_365 = arith.constant 1 : i32
      scf.for %scan3A_391 = %scan3A_362 to %scan3A_364 step %scan3A_365  : i32 {
        %mul3A_392 = arith.constant 2 : i32
        %mul3A_393 = arith.muli %mul3A_392, %scan3A_391 : i32
        %add3A_394 = arith.constant 0 : i32
        %add3A_395 = arith.addi %mul3A_393, %add3A_394 : i32
        %mul3A_396 = arith.constant 16 : i32
        %mul3A_397 = arith.muli %add3A_395, %mul3A_396 : i32
        %get3A = arith.constant 11 : i32
        %get3A_398 = arith.index_cast %get3A : i32 to index
        %get3A_399 = arith.index_cast %mul3A_397 : i32 to index
        %get3A_400 = tpu.vector_load %arg6[%get3A_398, %get3A_399] {strides = array<i32>} : memref<16x1024xf32, #tpu.memory_space<vmem>>, vector<1x16xf32>,
        %get3A_401 = vector.shape_cast %get3A_400 : vector<1x16xf32> to vector<16xf32>
        %swap3A = arith.constant 11 : i32
        %swap3A_402 = arith.index_cast %swap3A : i32 to index
        %swap3A_403 = arith.index_cast %scan3A_391 : i32 to index
        %swap3A_404 = arith.constant 0 : index
        %swap3A_405 = tpu.vector_load %arg7[%swap3A_402, %swap3A_403, %swap3A_404] {strides = array<i32>} : memref<16x32x128xf32, #tpu.memory_space<vmem>>, vector<1x1x16xf32>,
        %swap3A_406 = vector.shape_cast %swap3A_405 : vector<1x1x16xf32> to vector<16xf32>
        %swap3A_407 = vector.shape_cast %get3A_401 : vector<16xf32> to vector<1x1x16xf32>
        tpu.vector_store %arg7[%swap3A_402, %swap3A_403, %swap3A_404], %swap3A_407 {strides = array<i32>} : memref<16x32x128xf32, #tpu.memory_space<vmem>>, vector<1x1x16xf32>,
        %swap3A_408 = arith.constant 11 : i32
        %swap3A_409 = arith.index_cast %swap3A_408 : i32 to index
        %swap3A_410 = arith.index_cast %scan3A_391 : i32 to index
        %swap3A_411 = arith.constant 16 : index
        %swap3A_412 = tpu.vector_load %arg7[%swap3A_409, %swap3A_410, %swap3A_411] {strides = array<i32>} : memref<16x32x128xf32, #tpu.memory_space<vmem>>, vector<1x1x16xf32>,
        %swap3A_413 = vector.shape_cast %swap3A_412 : vector<1x1x16xf32> to vector<16xf32>
        %swap3A_414 = vector.shape_cast %get3A_401 : vector<16xf32> to vector<1x1x16xf32>
        tpu.vector_store %arg7[%swap3A_409, %swap3A_410, %swap3A_411], %swap3A_414 {strides = array<i32>} : memref<16x32x128xf32, #tpu.memory_space<vmem>>, vector<1x1x16xf32>,
        %swap3A_415 = arith.constant 11 : i32
        %swap3A_416 = arith.index_cast %swap3A_415 : i32 to index
        %swap3A_417 = arith.index_cast %scan3A_391 : i32 to index
        %swap3A_418 = arith.constant 32 : index
        %swap3A_419 = tpu.vector_load %arg7[%swap3A_416, %swap3A_417, %swap3A_418] {strides = array<i32>} : memref<16x32x128xf32, #tpu.memory_space<vmem>>, vector<1x1x16xf32>,
        %swap3A_420 = vector.shape_cast %swap3A_419 : vector<1x1x16xf32> to vector<16xf32>
        %swap3A_421 = vector.shape_cast %get3A_401 : vector<16xf32> to vector<1x1x16xf32>
        tpu.vector_store %arg7[%swap3A_416, %swap3A_417, %swap3A_418], %swap3A_421 {strides = array<i32>} : memref<16x32x128xf32, #tpu.memory_space<vmem>>, vector<1x1x16xf32>,
        %swap3A_422 = arith.constant 11 : i32
        %swap3A_423 = arith.index_cast %swap3A_422 : i32 to index
        %swap3A_424 = arith.index_cast %scan3A_391 : i32 to index
        %swap3A_425 = arith.constant 48 : index
        %swap3A_426 = tpu.vector_load %arg7[%swap3A_423, %swap3A_424, %swap3A_425] {strides = array<i32>} : memref<16x32x128xf32, #tpu.memory_space<vmem>>, vector<1x1x16xf32>,
        %swap3A_427 = vector.shape_cast %swap3A_426 : vector<1x1x16xf32> to vector<16xf32>
        %swap3A_428 = vector.shape_cast %get3A_401 : vector<16xf32> to vector<1x1x16xf32>
        tpu.vector_store %arg7[%swap3A_423, %swap3A_424, %swap3A_425], %swap3A_428 {strides = array<i32>} : memref<16x32x128xf32, #tpu.memory_space<vmem>>, vector<1x1x16xf32>,
        %mul3A_429 = arith.constant 2 : i32
        %mul3A_430 = arith.muli %mul3A_429, %scan3A_391 : i32
        %add3A_431 = arith.constant 1 : i32
        %add3A_432 = arith.addi %mul3A_430, %add3A_431 : i32
        %mul3A_433 = arith.constant 16 : i32
        %mul3A_434 = arith.muli %add3A_432, %mul3A_433 : i32
        %get3A_435 = arith.constant 11 : i32
        %get3A_436 = arith.index_cast %get3A_435 : i32 to index
        %get3A_437 = arith.index_cast %mul3A_434 : i32 to index
        %get3A_438 = tpu.vector_load %arg6[%get3A_436, %get3A_437] {strides = array<i32>} : memref<16x1024xf32, #tpu.memory_space<vmem>>, vector<1x16xf32>,
        %get3A_439 = vector.shape_cast %get3A_438 : vector<1x16xf32> to vector<16xf32>
        %swap3A_440 = arith.constant 11 : i32
        %swap3A_441 = arith.index_cast %swap3A_440 : i32 to index
        %swap3A_442 = arith.index_cast %scan3A_391 : i32 to index
        %swap3A_443 = arith.constant 64 : index
        %swap3A_444 = tpu.vector_load %arg7[%swap3A_441, %swap3A_442, %swap3A_443] {strides = array<i32>} : memref<16x32x128xf32, #tpu.memory_space<vmem>>, vector<1x1x16xf32>,
        %swap3A_445 = vector.shape_cast %swap3A_444 : vector<1x1x16xf32> to vector<16xf32>
        %swap3A_446 = vector.shape_cast %get3A_439 : vector<16xf32> to vector<1x1x16xf32>
        tpu.vector_store %arg7[%swap3A_441, %swap3A_442, %swap3A_443], %swap3A_446 {strides = array<i32>} : memref<16x32x128xf32, #tpu.memory_space<vmem>>, vector<1x1x16xf32>,
        %swap3A_447 = arith.constant 11 : i32
        %swap3A_448 = arith.index_cast %swap3A_447 : i32 to index
        %swap3A_449 = arith.index_cast %scan3A_391 : i32 to index
        %swap3A_450 = arith.constant 80 : index
        %swap3A_451 = tpu.vector_load %arg7[%swap3A_448, %swap3A_449, %swap3A_450] {strides = array<i32>} : memref<16x32x128xf32, #tpu.memory_space<vmem>>, vector<1x1x16xf32>,
        %swap3A_452 = vector.shape_cast %swap3A_451 : vector<1x1x16xf32> to vector<16xf32>
        %swap3A_453 = vector.shape_cast %get3A_439 : vector<16xf32> to vector<1x1x16xf32>
        tpu.vector_store %arg7[%swap3A_448, %swap3A_449, %swap3A_450], %swap3A_453 {strides = array<i32>} : memref<16x32x128xf32, #tpu.memory_space<vmem>>, vector<1x1x16xf32>,
        %swap3A_454 = arith.constant 11 : i32
        %swap3A_455 = arith.index_cast %swap3A_454 : i32 to index
        %swap3A_456 = arith.index_cast %scan3A_391 : i32 to index
        %swap3A_457 = arith.constant 96 : index
        %swap3A_458 = tpu.vector_load %arg7[%swap3A_455, %swap3A_456, %swap3A_457] {strides = array<i32>} : memref<16x32x128xf32, #tpu.memory_space<vmem>>, vector<1x1x16xf32>,
        %swap3A_459 = vector.shape_cast %swap3A_458 : vector<1x1x16xf32> to vector<16xf32>
        %swap3A_460 = vector.shape_cast %get3A_439 : vector<16xf32> to vector<1x1x16xf32>
        tpu.vector_store %arg7[%swap3A_455, %swap3A_456, %swap3A_457], %swap3A_460 {strides = array<i32>} : memref<16x32x128xf32, #tpu.memory_space<vmem>>, vector<1x1x16xf32>,
        %swap3A_461 = arith.constant 11 : i32
        %swap3A_462 = arith.index_cast %swap3A_461 : i32 to index
        %swap3A_463 = arith.index_cast %scan3A_391 : i32 to index
        %swap3A_464 = arith.constant 112 : index
        %swap3A_465 = tpu.vector_load %arg7[%swap3A_462, %swap3A_463, %swap3A_464] {strides = array<i32>} : memref<16x32x128xf32, #tpu.memory_space<vmem>>, vector<1x1x16xf32>,
        %swap3A_466 = vector.shape_cast %swap3A_465 : vector<1x1x16xf32> to vector<16xf32>
        %swap3A_467 = vector.shape_cast %get3A_439 : vector<16xf32> to vector<1x1x16xf32>
        tpu.vector_store %arg7[%swap3A_462, %swap3A_463, %swap3A_464], %swap3A_467 {strides = array<i32>} : memref<16x32x128xf32, #tpu.memory_space<vmem>>, vector<1x1x16xf32>,
      }
      %scan3A_366 = arith.constant 32 : i32
      %scan3A_367 = arith.constant 0 : i32
      %scan3A_368 = arith.constant 0 : i32
      %scan3A_369 = arith.constant 32 : i32
      %scan3A_370 = arith.addi %scan3A_368, %scan3A_369 : i32
      %scan3A_371 = arith.constant 1 : i32
      scf.for %scan3A_391 = %scan3A_368 to %scan3A_370 step %scan3A_371  : i32 {
        %mul3A_392 = arith.constant 2 : i32
        %mul3A_393 = arith.muli %mul3A_392, %scan3A_391 : i32
        %add3A_394 = arith.constant 0 : i32
        %add3A_395 = arith.addi %mul3A_393, %add3A_394 : i32
        %mul3A_396 = arith.constant 16 : i32
        %mul3A_397 = arith.muli %add3A_395, %mul3A_396 : i32
        %get3A = arith.constant 12 : i32
        %get3A_398 = arith.index_cast %get3A : i32 to index
        %get3A_399 = arith.index_cast %mul3A_397 : i32 to index
        %get3A_400 = tpu.vector_load %arg6[%get3A_398, %get3A_399] {strides = array<i32>} : memref<16x1024xf32, #tpu.memory_space<vmem>>, vector<1x16xf32>,
        %get3A_401 = vector.shape_cast %get3A_400 : vector<1x16xf32> to vector<16xf32>
        %swap3A = arith.constant 12 : i32
        %swap3A_402 = arith.index_cast %swap3A : i32 to index
        %swap3A_403 = arith.index_cast %scan3A_391 : i32 to index
        %swap3A_404 = arith.constant 0 : index
        %swap3A_405 = tpu.vector_load %arg7[%swap3A_402, %swap3A_403, %swap3A_404] {strides = array<i32>} : memref<16x32x128xf32, #tpu.memory_space<vmem>>, vector<1x1x16xf32>,
        %swap3A_406 = vector.shape_cast %swap3A_405 : vector<1x1x16xf32> to vector<16xf32>
        %swap3A_407 = vector.shape_cast %get3A_401 : vector<16xf32> to vector<1x1x16xf32>
        tpu.vector_store %arg7[%swap3A_402, %swap3A_403, %swap3A_404], %swap3A_407 {strides = array<i32>} : memref<16x32x128xf32, #tpu.memory_space<vmem>>, vector<1x1x16xf32>,
        %swap3A_408 = arith.constant 12 : i32
        %swap3A_409 = arith.index_cast %swap3A_408 : i32 to index
        %swap3A_410 = arith.index_cast %scan3A_391 : i32 to index
        %swap3A_411 = arith.constant 16 : index
        %swap3A_412 = tpu.vector_load %arg7[%swap3A_409, %swap3A_410, %swap3A_411] {strides = array<i32>} : memref<16x32x128xf32, #tpu.memory_space<vmem>>, vector<1x1x16xf32>,
        %swap3A_413 = vector.shape_cast %swap3A_412 : vector<1x1x16xf32> to vector<16xf32>
        %swap3A_414 = vector.shape_cast %get3A_401 : vector<16xf32> to vector<1x1x16xf32>
        tpu.vector_store %arg7[%swap3A_409, %swap3A_410, %swap3A_411], %swap3A_414 {strides = array<i32>} : memref<16x32x128xf32, #tpu.memory_space<vmem>>, vector<1x1x16xf32>,
        %swap3A_415 = arith.constant 12 : i32
        %swap3A_416 = arith.index_cast %swap3A_415 : i32 to index
        %swap3A_417 = arith.index_cast %scan3A_391 : i32 to index
        %swap3A_418 = arith.constant 32 : index
        %swap3A_419 = tpu.vector_load %arg7[%swap3A_416, %swap3A_417, %swap3A_418] {strides = array<i32>} : memref<16x32x128xf32, #tpu.memory_space<vmem>>, vector<1x1x16xf32>,
        %swap3A_420 = vector.shape_cast %swap3A_419 : vector<1x1x16xf32> to vector<16xf32>
        %swap3A_421 = vector.shape_cast %get3A_401 : vector<16xf32> to vector<1x1x16xf32>
        tpu.vector_store %arg7[%swap3A_416, %swap3A_417, %swap3A_418], %swap3A_421 {strides = array<i32>} : memref<16x32x128xf32, #tpu.memory_space<vmem>>, vector<1x1x16xf32>,
        %swap3A_422 = arith.constant 12 : i32
        %swap3A_423 = arith.index_cast %swap3A_422 : i32 to index
        %swap3A_424 = arith.index_cast %scan3A_391 : i32 to index
        %swap3A_425 = arith.constant 48 : index
        %swap3A_426 = tpu.vector_load %arg7[%swap3A_423, %swap3A_424, %swap3A_425] {strides = array<i32>} : memref<16x32x128xf32, #tpu.memory_space<vmem>>, vector<1x1x16xf32>,
        %swap3A_427 = vector.shape_cast %swap3A_426 : vector<1x1x16xf32> to vector<16xf32>
        %swap3A_428 = vector.shape_cast %get3A_401 : vector<16xf32> to vector<1x1x16xf32>
        tpu.vector_store %arg7[%swap3A_423, %swap3A_424, %swap3A_425], %swap3A_428 {strides = array<i32>} : memref<16x32x128xf32, #tpu.memory_space<vmem>>, vector<1x1x16xf32>,
        %mul3A_429 = arith.constant 2 : i32
        %mul3A_430 = arith.muli %mul3A_429, %scan3A_391 : i32
        %add3A_431 = arith.constant 1 : i32
        %add3A_432 = arith.addi %mul3A_430, %add3A_431 : i32
        %mul3A_433 = arith.constant 16 : i32
        %mul3A_434 = arith.muli %add3A_432, %mul3A_433 : i32
        %get3A_435 = arith.constant 12 : i32
        %get3A_436 = arith.index_cast %get3A_435 : i32 to index
        %get3A_437 = arith.index_cast %mul3A_434 : i32 to index
        %get3A_438 = tpu.vector_load %arg6[%get3A_436, %get3A_437] {strides = array<i32>} : memref<16x1024xf32, #tpu.memory_space<vmem>>, vector<1x16xf32>,
        %get3A_439 = vector.shape_cast %get3A_438 : vector<1x16xf32> to vector<16xf32>
        %swap3A_440 = arith.constant 12 : i32
        %swap3A_441 = arith.index_cast %swap3A_440 : i32 to index
        %swap3A_442 = arith.index_cast %scan3A_391 : i32 to index
        %swap3A_443 = arith.constant 64 : index
        %swap3A_444 = tpu.vector_load %arg7[%swap3A_441, %swap3A_442, %swap3A_443] {strides = array<i32>} : memref<16x32x128xf32, #tpu.memory_space<vmem>>, vector<1x1x16xf32>,
        %swap3A_445 = vector.shape_cast %swap3A_444 : vector<1x1x16xf32> to vector<16xf32>
        %swap3A_446 = vector.shape_cast %get3A_439 : vector<16xf32> to vector<1x1x16xf32>
        tpu.vector_store %arg7[%swap3A_441, %swap3A_442, %swap3A_443], %swap3A_446 {strides = array<i32>} : memref<16x32x128xf32, #tpu.memory_space<vmem>>, vector<1x1x16xf32>,
        %swap3A_447 = arith.constant 12 : i32
        %swap3A_448 = arith.index_cast %swap3A_447 : i32 to index
        %swap3A_449 = arith.index_cast %scan3A_391 : i32 to index
        %swap3A_450 = arith.constant 80 : index
        %swap3A_451 = tpu.vector_load %arg7[%swap3A_448, %swap3A_449, %swap3A_450] {strides = array<i32>} : memref<16x32x128xf32, #tpu.memory_space<vmem>>, vector<1x1x16xf32>,
        %swap3A_452 = vector.shape_cast %swap3A_451 : vector<1x1x16xf32> to vector<16xf32>
        %swap3A_453 = vector.shape_cast %get3A_439 : vector<16xf32> to vector<1x1x16xf32>
        tpu.vector_store %arg7[%swap3A_448, %swap3A_449, %swap3A_450], %swap3A_453 {strides = array<i32>} : memref<16x32x128xf32, #tpu.memory_space<vmem>>, vector<1x1x16xf32>,
        %swap3A_454 = arith.constant 12 : i32
        %swap3A_455 = arith.index_cast %swap3A_454 : i32 to index
        %swap3A_456 = arith.index_cast %scan3A_391 : i32 to index
        %swap3A_457 = arith.constant 96 : index
        %swap3A_458 = tpu.vector_load %arg7[%swap3A_455, %swap3A_456, %swap3A_457] {strides = array<i32>} : memref<16x32x128xf32, #tpu.memory_space<vmem>>, vector<1x1x16xf32>,
        %swap3A_459 = vector.shape_cast %swap3A_458 : vector<1x1x16xf32> to vector<16xf32>
        %swap3A_460 = vector.shape_cast %get3A_439 : vector<16xf32> to vector<1x1x16xf32>
        tpu.vector_store %arg7[%swap3A_455, %swap3A_456, %swap3A_457], %swap3A_460 {strides = array<i32>} : memref<16x32x128xf32, #tpu.memory_space<vmem>>, vector<1x1x16xf32>,
        %swap3A_461 = arith.constant 12 : i32
        %swap3A_462 = arith.index_cast %swap3A_461 : i32 to index
        %swap3A_463 = arith.index_cast %scan3A_391 : i32 to index
        %swap3A_464 = arith.constant 112 : index
        %swap3A_465 = tpu.vector_load %arg7[%swap3A_462, %swap3A_463, %swap3A_464] {strides = array<i32>} : memref<16x32x128xf32, #tpu.memory_space<vmem>>, vector<1x1x16xf32>,
        %swap3A_466 = vector.shape_cast %swap3A_465 : vector<1x1x16xf32> to vector<16xf32>
        %swap3A_467 = vector.shape_cast %get3A_439 : vector<16xf32> to vector<1x1x16xf32>
        tpu.vector_store %arg7[%swap3A_462, %swap3A_463, %swap3A_464], %swap3A_467 {strides = array<i32>} : memref<16x32x128xf32, #tpu.memory_space<vmem>>, vector<1x1x16xf32>,
      }
      %scan3A_372 = arith.constant 32 : i32
      %scan3A_373 = arith.constant 0 : i32
      %scan3A_374 = arith.constant 0 : i32
      %scan3A_375 = arith.constant 32 : i32
      %scan3A_376 = arith.addi %scan3A_374, %scan3A_375 : i32
      %scan3A_377 = arith.constant 1 : i32
      scf.for %scan3A_391 = %scan3A_374 to %scan3A_376 step %scan3A_377  : i32 {
        %mul3A_392 = arith.constant 2 : i32
        %mul3A_393 = arith.muli %mul3A_392, %scan3A_391 : i32
        %add3A_394 = arith.constant 0 : i32
        %add3A_395 = arith.addi %mul3A_393, %add3A_394 : i32
        %mul3A_396 = arith.constant 16 : i32
        %mul3A_397 = arith.muli %add3A_395, %mul3A_396 : i32
        %get3A = arith.constant 13 : i32
        %get3A_398 = arith.index_cast %get3A : i32 to index
        %get3A_399 = arith.index_cast %mul3A_397 : i32 to index
        %get3A_400 = tpu.vector_load %arg6[%get3A_398, %get3A_399] {strides = array<i32>} : memref<16x1024xf32, #tpu.memory_space<vmem>>, vector<1x16xf32>,
        %get3A_401 = vector.shape_cast %get3A_400 : vector<1x16xf32> to vector<16xf32>
        %swap3A = arith.constant 13 : i32
        %swap3A_402 = arith.index_cast %swap3A : i32 to index
        %swap3A_403 = arith.index_cast %scan3A_391 : i32 to index
        %swap3A_404 = arith.constant 0 : index
        %swap3A_405 = tpu.vector_load %arg7[%swap3A_402, %swap3A_403, %swap3A_404] {strides = array<i32>} : memref<16x32x128xf32, #tpu.memory_space<vmem>>, vector<1x1x16xf32>,
        %swap3A_406 = vector.shape_cast %swap3A_405 : vector<1x1x16xf32> to vector<16xf32>
        %swap3A_407 = vector.shape_cast %get3A_401 : vector<16xf32> to vector<1x1x16xf32>
        tpu.vector_store %arg7[%swap3A_402, %swap3A_403, %swap3A_404], %swap3A_407 {strides = array<i32>} : memref<16x32x128xf32, #tpu.memory_space<vmem>>, vector<1x1x16xf32>,
        %swap3A_408 = arith.constant 13 : i32
        %swap3A_409 = arith.index_cast %swap3A_408 : i32 to index
        %swap3A_410 = arith.index_cast %scan3A_391 : i32 to index
        %swap3A_411 = arith.constant 16 : index
        %swap3A_412 = tpu.vector_load %arg7[%swap3A_409, %swap3A_410, %swap3A_411] {strides = array<i32>} : memref<16x32x128xf32, #tpu.memory_space<vmem>>, vector<1x1x16xf32>,
        %swap3A_413 = vector.shape_cast %swap3A_412 : vector<1x1x16xf32> to vector<16xf32>
        %swap3A_414 = vector.shape_cast %get3A_401 : vector<16xf32> to vector<1x1x16xf32>
        tpu.vector_store %arg7[%swap3A_409, %swap3A_410, %swap3A_411], %swap3A_414 {strides = array<i32>} : memref<16x32x128xf32, #tpu.memory_space<vmem>>, vector<1x1x16xf32>,
        %swap3A_415 = arith.constant 13 : i32
        %swap3A_416 = arith.index_cast %swap3A_415 : i32 to index
        %swap3A_417 = arith.index_cast %scan3A_391 : i32 to index
        %swap3A_418 = arith.constant 32 : index
        %swap3A_419 = tpu.vector_load %arg7[%swap3A_416, %swap3A_417, %swap3A_418] {strides = array<i32>} : memref<16x32x128xf32, #tpu.memory_space<vmem>>, vector<1x1x16xf32>,
        %swap3A_420 = vector.shape_cast %swap3A_419 : vector<1x1x16xf32> to vector<16xf32>
        %swap3A_421 = vector.shape_cast %get3A_401 : vector<16xf32> to vector<1x1x16xf32>
        tpu.vector_store %arg7[%swap3A_416, %swap3A_417, %swap3A_418], %swap3A_421 {strides = array<i32>} : memref<16x32x128xf32, #tpu.memory_space<vmem>>, vector<1x1x16xf32>,
        %swap3A_422 = arith.constant 13 : i32
        %swap3A_423 = arith.index_cast %swap3A_422 : i32 to index
        %swap3A_424 = arith.index_cast %scan3A_391 : i32 to index
        %swap3A_425 = arith.constant 48 : index
        %swap3A_426 = tpu.vector_load %arg7[%swap3A_423, %swap3A_424, %swap3A_425] {strides = array<i32>} : memref<16x32x128xf32, #tpu.memory_space<vmem>>, vector<1x1x16xf32>,
        %swap3A_427 = vector.shape_cast %swap3A_426 : vector<1x1x16xf32> to vector<16xf32>
        %swap3A_428 = vector.shape_cast %get3A_401 : vector<16xf32> to vector<1x1x16xf32>
        tpu.vector_store %arg7[%swap3A_423, %swap3A_424, %swap3A_425], %swap3A_428 {strides = array<i32>} : memref<16x32x128xf32, #tpu.memory_space<vmem>>, vector<1x1x16xf32>,
        %mul3A_429 = arith.constant 2 : i32
        %mul3A_430 = arith.muli %mul3A_429, %scan3A_391 : i32
        %add3A_431 = arith.constant 1 : i32
        %add3A_432 = arith.addi %mul3A_430, %add3A_431 : i32
        %mul3A_433 = arith.constant 16 : i32
        %mul3A_434 = arith.muli %add3A_432, %mul3A_433 : i32
        %get3A_435 = arith.constant 13 : i32
        %get3A_436 = arith.index_cast %get3A_435 : i32 to index
        %get3A_437 = arith.index_cast %mul3A_434 : i32 to index
        %get3A_438 = tpu.vector_load %arg6[%get3A_436, %get3A_437] {strides = array<i32>} : memref<16x1024xf32, #tpu.memory_space<vmem>>, vector<1x16xf32>,
        %get3A_439 = vector.shape_cast %get3A_438 : vector<1x16xf32> to vector<16xf32>
        %swap3A_440 = arith.constant 13 : i32
        %swap3A_441 = arith.index_cast %swap3A_440 : i32 to index
        %swap3A_442 = arith.index_cast %scan3A_391 : i32 to index
        %swap3A_443 = arith.constant 64 : index
        %swap3A_444 = tpu.vector_load %arg7[%swap3A_441, %swap3A_442, %swap3A_443] {strides = array<i32>} : memref<16x32x128xf32, #tpu.memory_space<vmem>>, vector<1x1x16xf32>,
        %swap3A_445 = vector.shape_cast %swap3A_444 : vector<1x1x16xf32> to vector<16xf32>
        %swap3A_446 = vector.shape_cast %get3A_439 : vector<16xf32> to vector<1x1x16xf32>
        tpu.vector_store %arg7[%swap3A_441, %swap3A_442, %swap3A_443], %swap3A_446 {strides = array<i32>} : memref<16x32x128xf32, #tpu.memory_space<vmem>>, vector<1x1x16xf32>,
        %swap3A_447 = arith.constant 13 : i32
        %swap3A_448 = arith.index_cast %swap3A_447 : i32 to index
        %swap3A_449 = arith.index_cast %scan3A_391 : i32 to index
        %swap3A_450 = arith.constant 80 : index
        %swap3A_451 = tpu.vector_load %arg7[%swap3A_448, %swap3A_449, %swap3A_450] {strides = array<i32>} : memref<16x32x128xf32, #tpu.memory_space<vmem>>, vector<1x1x16xf32>,
        %swap3A_452 = vector.shape_cast %swap3A_451 : vector<1x1x16xf32> to vector<16xf32>
        %swap3A_453 = vector.shape_cast %get3A_439 : vector<16xf32> to vector<1x1x16xf32>
        tpu.vector_store %arg7[%swap3A_448, %swap3A_449, %swap3A_450], %swap3A_453 {strides = array<i32>} : memref<16x32x128xf32, #tpu.memory_space<vmem>>, vector<1x1x16xf32>,
        %swap3A_454 = arith.constant 13 : i32
        %swap3A_455 = arith.index_cast %swap3A_454 : i32 to index
        %swap3A_456 = arith.index_cast %scan3A_391 : i32 to index
        %swap3A_457 = arith.constant 96 : index
        %swap3A_458 = tpu.vector_load %arg7[%swap3A_455, %swap3A_456, %swap3A_457] {strides = array<i32>} : memref<16x32x128xf32, #tpu.memory_space<vmem>>, vector<1x1x16xf32>,
        %swap3A_459 = vector.shape_cast %swap3A_458 : vector<1x1x16xf32> to vector<16xf32>
        %swap3A_460 = vector.shape_cast %get3A_439 : vector<16xf32> to vector<1x1x16xf32>
        tpu.vector_store %arg7[%swap3A_455, %swap3A_456, %swap3A_457], %swap3A_460 {strides = array<i32>} : memref<16x32x128xf32, #tpu.memory_space<vmem>>, vector<1x1x16xf32>,
        %swap3A_461 = arith.constant 13 : i32
        %swap3A_462 = arith.index_cast %swap3A_461 : i32 to index
        %swap3A_463 = arith.index_cast %scan3A_391 : i32 to index
        %swap3A_464 = arith.constant 112 : index
        %swap3A_465 = tpu.vector_load %arg7[%swap3A_462, %swap3A_463, %swap3A_464] {strides = array<i32>} : memref<16x32x128xf32, #tpu.memory_space<vmem>>, vector<1x1x16xf32>,
        %swap3A_466 = vector.shape_cast %swap3A_465 : vector<1x1x16xf32> to vector<16xf32>
        %swap3A_467 = vector.shape_cast %get3A_439 : vector<16xf32> to vector<1x1x16xf32>
        tpu.vector_store %arg7[%swap3A_462, %swap3A_463, %swap3A_464], %swap3A_467 {strides = array<i32>} : memref<16x32x128xf32, #tpu.memory_space<vmem>>, vector<1x1x16xf32>,
      }
      %scan3A_378 = arith.constant 32 : i32
      %scan3A_379 = arith.constant 0 : i32
      %scan3A_380 = arith.constant 0 : i32
      %scan3A_381 = arith.constant 32 : i32
      %scan3A_382 = arith.addi %scan3A_380, %scan3A_381 : i32
      %scan3A_383 = arith.constant 1 : i32
      scf.for %scan3A_391 = %scan3A_380 to %scan3A_382 step %scan3A_383  : i32 {
        %mul3A_392 = arith.constant 2 : i32
        %mul3A_393 = arith.muli %mul3A_392, %scan3A_391 : i32
        %add3A_394 = arith.constant 0 : i32
        %add3A_395 = arith.addi %mul3A_393, %add3A_394 : i32
        %mul3A_396 = arith.constant 16 : i32
        %mul3A_397 = arith.muli %add3A_395, %mul3A_396 : i32
        %get3A = arith.constant 14 : i32
        %get3A_398 = arith.index_cast %get3A : i32 to index
        %get3A_399 = arith.index_cast %mul3A_397 : i32 to index
        %get3A_400 = tpu.vector_load %arg6[%get3A_398, %get3A_399] {strides = array<i32>} : memref<16x1024xf32, #tpu.memory_space<vmem>>, vector<1x16xf32>,
        %get3A_401 = vector.shape_cast %get3A_400 : vector<1x16xf32> to vector<16xf32>
        %swap3A = arith.constant 14 : i32
        %swap3A_402 = arith.index_cast %swap3A : i32 to index
        %swap3A_403 = arith.index_cast %scan3A_391 : i32 to index
        %swap3A_404 = arith.constant 0 : index
        %swap3A_405 = tpu.vector_load %arg7[%swap3A_402, %swap3A_403, %swap3A_404] {strides = array<i32>} : memref<16x32x128xf32, #tpu.memory_space<vmem>>, vector<1x1x16xf32>,
        %swap3A_406 = vector.shape_cast %swap3A_405 : vector<1x1x16xf32> to vector<16xf32>
        %swap3A_407 = vector.shape_cast %get3A_401 : vector<16xf32> to vector<1x1x16xf32>
        tpu.vector_store %arg7[%swap3A_402, %swap3A_403, %swap3A_404], %swap3A_407 {strides = array<i32>} : memref<16x32x128xf32, #tpu.memory_space<vmem>>, vector<1x1x16xf32>,
        %swap3A_408 = arith.constant 14 : i32
        %swap3A_409 = arith.index_cast %swap3A_408 : i32 to index
        %swap3A_410 = arith.index_cast %scan3A_391 : i32 to index
        %swap3A_411 = arith.constant 16 : index
        %swap3A_412 = tpu.vector_load %arg7[%swap3A_409, %swap3A_410, %swap3A_411] {strides = array<i32>} : memref<16x32x128xf32, #tpu.memory_space<vmem>>, vector<1x1x16xf32>,
        %swap3A_413 = vector.shape_cast %swap3A_412 : vector<1x1x16xf32> to vector<16xf32>
        %swap3A_414 = vector.shape_cast %get3A_401 : vector<16xf32> to vector<1x1x16xf32>
        tpu.vector_store %arg7[%swap3A_409, %swap3A_410, %swap3A_411], %swap3A_414 {strides = array<i32>} : memref<16x32x128xf32, #tpu.memory_space<vmem>>, vector<1x1x16xf32>,
        %swap3A_415 = arith.constant 14 : i32
        %swap3A_416 = arith.index_cast %swap3A_415 : i32 to index
        %swap3A_417 = arith.index_cast %scan3A_391 : i32 to index
        %swap3A_418 = arith.constant 32 : index
        %swap3A_419 = tpu.vector_load %arg7[%swap3A_416, %swap3A_417, %swap3A_418] {strides = array<i32>} : memref<16x32x128xf32, #tpu.memory_space<vmem>>, vector<1x1x16xf32>,
        %swap3A_420 = vector.shape_cast %swap3A_419 : vector<1x1x16xf32> to vector<16xf32>
        %swap3A_421 = vector.shape_cast %get3A_401 : vector<16xf32> to vector<1x1x16xf32>
        tpu.vector_store %arg7[%swap3A_416, %swap3A_417, %swap3A_418], %swap3A_421 {strides = array<i32>} : memref<16x32x128xf32, #tpu.memory_space<vmem>>, vector<1x1x16xf32>,
        %swap3A_422 = arith.constant 14 : i32
        %swap3A_423 = arith.index_cast %swap3A_422 : i32 to index
        %swap3A_424 = arith.index_cast %scan3A_391 : i32 to index
        %swap3A_425 = arith.constant 48 : index
        %swap3A_426 = tpu.vector_load %arg7[%swap3A_423, %swap3A_424, %swap3A_425] {strides = array<i32>} : memref<16x32x128xf32, #tpu.memory_space<vmem>>, vector<1x1x16xf32>,
        %swap3A_427 = vector.shape_cast %swap3A_426 : vector<1x1x16xf32> to vector<16xf32>
        %swap3A_428 = vector.shape_cast %get3A_401 : vector<16xf32> to vector<1x1x16xf32>
        tpu.vector_store %arg7[%swap3A_423, %swap3A_424, %swap3A_425], %swap3A_428 {strides = array<i32>} : memref<16x32x128xf32, #tpu.memory_space<vmem>>, vector<1x1x16xf32>,
        %mul3A_429 = arith.constant 2 : i32
        %mul3A_430 = arith.muli %mul3A_429, %scan3A_391 : i32
        %add3A_431 = arith.constant 1 : i32
        %add3A_432 = arith.addi %mul3A_430, %add3A_431 : i32
        %mul3A_433 = arith.constant 16 : i32
        %mul3A_434 = arith.muli %add3A_432, %mul3A_433 : i32
        %get3A_435 = arith.constant 14 : i32
        %get3A_436 = arith.index_cast %get3A_435 : i32 to index
        %get3A_437 = arith.index_cast %mul3A_434 : i32 to index
        %get3A_438 = tpu.vector_load %arg6[%get3A_436, %get3A_437] {strides = array<i32>} : memref<16x1024xf32, #tpu.memory_space<vmem>>, vector<1x16xf32>,
        %get3A_439 = vector.shape_cast %get3A_438 : vector<1x16xf32> to vector<16xf32>
        %swap3A_440 = arith.constant 14 : i32
        %swap3A_441 = arith.index_cast %swap3A_440 : i32 to index
        %swap3A_442 = arith.index_cast %scan3A_391 : i32 to index
        %swap3A_443 = arith.constant 64 : index
        %swap3A_444 = tpu.vector_load %arg7[%swap3A_441, %swap3A_442, %swap3A_443] {strides = array<i32>} : memref<16x32x128xf32, #tpu.memory_space<vmem>>, vector<1x1x16xf32>,
        %swap3A_445 = vector.shape_cast %swap3A_444 : vector<1x1x16xf32> to vector<16xf32>
        %swap3A_446 = vector.shape_cast %get3A_439 : vector<16xf32> to vector<1x1x16xf32>
        tpu.vector_store %arg7[%swap3A_441, %swap3A_442, %swap3A_443], %swap3A_446 {strides = array<i32>} : memref<16x32x128xf32, #tpu.memory_space<vmem>>, vector<1x1x16xf32>,
        %swap3A_447 = arith.constant 14 : i32
        %swap3A_448 = arith.index_cast %swap3A_447 : i32 to index
        %swap3A_449 = arith.index_cast %scan3A_391 : i32 to index
        %swap3A_450 = arith.constant 80 : index
        %swap3A_451 = tpu.vector_load %arg7[%swap3A_448, %swap3A_449, %swap3A_450] {strides = array<i32>} : memref<16x32x128xf32, #tpu.memory_space<vmem>>, vector<1x1x16xf32>,
        %swap3A_452 = vector.shape_cast %swap3A_451 : vector<1x1x16xf32> to vector<16xf32>
        %swap3A_453 = vector.shape_cast %get3A_439 : vector<16xf32> to vector<1x1x16xf32>
        tpu.vector_store %arg7[%swap3A_448, %swap3A_449, %swap3A_450], %swap3A_453 {strides = array<i32>} : memref<16x32x128xf32, #tpu.memory_space<vmem>>, vector<1x1x16xf32>,
        %swap3A_454 = arith.constant 14 : i32
        %swap3A_455 = arith.index_cast %swap3A_454 : i32 to index
        %swap3A_456 = arith.index_cast %scan3A_391 : i32 to index
        %swap3A_457 = arith.constant 96 : index
        %swap3A_458 = tpu.vector_load %arg7[%swap3A_455, %swap3A_456, %swap3A_457] {strides = array<i32>} : memref<16x32x128xf32, #tpu.memory_space<vmem>>, vector<1x1x16xf32>,
        %swap3A_459 = vector.shape_cast %swap3A_458 : vector<1x1x16xf32> to vector<16xf32>
        %swap3A_460 = vector.shape_cast %get3A_439 : vector<16xf32> to vector<1x1x16xf32>
        tpu.vector_store %arg7[%swap3A_455, %swap3A_456, %swap3A_457], %swap3A_460 {strides = array<i32>} : memref<16x32x128xf32, #tpu.memory_space<vmem>>, vector<1x1x16xf32>,
        %swap3A_461 = arith.constant 14 : i32
        %swap3A_462 = arith.index_cast %swap3A_461 : i32 to index
        %swap3A_463 = arith.index_cast %scan3A_391 : i32 to index
        %swap3A_464 = arith.constant 112 : index
        %swap3A_465 = tpu.vector_load %arg7[%swap3A_462, %swap3A_463, %swap3A_464] {strides = array<i32>} : memref<16x32x128xf32, #tpu.memory_space<vmem>>, vector<1x1x16xf32>,
        %swap3A_466 = vector.shape_cast %swap3A_465 : vector<1x1x16xf32> to vector<16xf32>
        %swap3A_467 = vector.shape_cast %get3A_439 : vector<16xf32> to vector<1x1x16xf32>
        tpu.vector_store %arg7[%swap3A_462, %swap3A_463, %swap3A_464], %swap3A_467 {strides = array<i32>} : memref<16x32x128xf32, #tpu.memory_space<vmem>>, vector<1x1x16xf32>,
      }
      %scan3A_384 = arith.constant 32 : i32
      %scan3A_385 = arith.constant 0 : i32
      %scan3A_386 = arith.constant 0 : i32
      %scan3A_387 = arith.constant 32 : i32
      %scan3A_388 = arith.addi %scan3A_386, %scan3A_387 : i32
      %scan3A_389 = arith.constant 1 : i32
      scf.for %scan3A_391 = %scan3A_386 to %scan3A_388 step %scan3A_389  : i32 {
        %mul3A_392 = arith.constant 2 : i32
        %mul3A_393 = arith.muli %mul3A_392, %scan3A_391 : i32
        %add3A_394 = arith.constant 0 : i32
        %add3A_395 = arith.addi %mul3A_393, %add3A_394 : i32
        %mul3A_396 = arith.constant 16 : i32
        %mul3A_397 = arith.muli %add3A_395, %mul3A_396 : i32
        %get3A = arith.constant 15 : i32
        %get3A_398 = arith.index_cast %get3A : i32 to index
        %get3A_399 = arith.index_cast %mul3A_397 : i32 to index
        %get3A_400 = tpu.vector_load %arg6[%get3A_398, %get3A_399] {strides = array<i32>} : memref<16x1024xf32, #tpu.memory_space<vmem>>, vector<1x16xf32>,
        %get3A_401 = vector.shape_cast %get3A_400 : vector<1x16xf32> to vector<16xf32>
        %swap3A = arith.constant 15 : i32
        %swap3A_402 = arith.index_cast %swap3A : i32 to index
        %swap3A_403 = arith.index_cast %scan3A_391 : i32 to index
        %swap3A_404 = arith.constant 0 : index
        %swap3A_405 = tpu.vector_load %arg7[%swap3A_402, %swap3A_403, %swap3A_404] {strides = array<i32>} : memref<16x32x128xf32, #tpu.memory_space<vmem>>, vector<1x1x16xf32>,
        %swap3A_406 = vector.shape_cast %swap3A_405 : vector<1x1x16xf32> to vector<16xf32>
        %swap3A_407 = vector.shape_cast %get3A_401 : vector<16xf32> to vector<1x1x16xf32>
        tpu.vector_store %arg7[%swap3A_402, %swap3A_403, %swap3A_404], %swap3A_407 {strides = array<i32>} : memref<16x32x128xf32, #tpu.memory_space<vmem>>, vector<1x1x16xf32>,
        %swap3A_408 = arith.constant 15 : i32
        %swap3A_409 = arith.index_cast %swap3A_408 : i32 to index
        %swap3A_410 = arith.index_cast %scan3A_391 : i32 to index
        %swap3A_411 = arith.constant 16 : index
        %swap3A_412 = tpu.vector_load %arg7[%swap3A_409, %swap3A_410, %swap3A_411] {strides = array<i32>} : memref<16x32x128xf32, #tpu.memory_space<vmem>>, vector<1x1x16xf32>,
        %swap3A_413 = vector.shape_cast %swap3A_412 : vector<1x1x16xf32> to vector<16xf32>
        %swap3A_414 = vector.shape_cast %get3A_401 : vector<16xf32> to vector<1x1x16xf32>
        tpu.vector_store %arg7[%swap3A_409, %swap3A_410, %swap3A_411], %swap3A_414 {strides = array<i32>} : memref<16x32x128xf32, #tpu.memory_space<vmem>>, vector<1x1x16xf32>,
        %swap3A_415 = arith.constant 15 : i32
        %swap3A_416 = arith.index_cast %swap3A_415 : i32 to index
        %swap3A_417 = arith.index_cast %scan3A_391 : i32 to index
        %swap3A_418 = arith.constant 32 : index
        %swap3A_419 = tpu.vector_load %arg7[%swap3A_416, %swap3A_417, %swap3A_418] {strides = array<i32>} : memref<16x32x128xf32, #tpu.memory_space<vmem>>, vector<1x1x16xf32>,
        %swap3A_420 = vector.shape_cast %swap3A_419 : vector<1x1x16xf32> to vector<16xf32>
        %swap3A_421 = vector.shape_cast %get3A_401 : vector<16xf32> to vector<1x1x16xf32>
        tpu.vector_store %arg7[%swap3A_416, %swap3A_417, %swap3A_418], %swap3A_421 {strides = array<i32>} : memref<16x32x128xf32, #tpu.memory_space<vmem>>, vector<1x1x16xf32>,
        %swap3A_422 = arith.constant 15 : i32
        %swap3A_423 = arith.index_cast %swap3A_422 : i32 to index
        %swap3A_424 = arith.index_cast %scan3A_391 : i32 to index
        %swap3A_425 = arith.constant 48 : index
        %swap3A_426 = tpu.vector_load %arg7[%swap3A_423, %swap3A_424, %swap3A_425] {strides = array<i32>} : memref<16x32x128xf32, #tpu.memory_space<vmem>>, vector<1x1x16xf32>,
        %swap3A_427 = vector.shape_cast %swap3A_426 : vector<1x1x16xf32> to vector<16xf32>
        %swap3A_428 = vector.shape_cast %get3A_401 : vector<16xf32> to vector<1x1x16xf32>
        tpu.vector_store %arg7[%swap3A_423, %swap3A_424, %swap3A_425], %swap3A_428 {strides = array<i32>} : memref<16x32x128xf32, #tpu.memory_space<vmem>>, vector<1x1x16xf32>,
        %mul3A_429 = arith.constant 2 : i32
        %mul3A_430 = arith.muli %mul3A_429, %scan3A_391 : i32
        %add3A_431 = arith.constant 1 : i32
        %add3A_432 = arith.addi %mul3A_430, %add3A_431 : i32
        %mul3A_433 = arith.constant 16 : i32
        %mul3A_434 = arith.muli %add3A_432, %mul3A_433 : i32
        %get3A_435 = arith.constant 15 : i32
        %get3A_436 = arith.index_cast %get3A_435 : i32 to index
        %get3A_437 = arith.index_cast %mul3A_434 : i32 to index
        %get3A_438 = tpu.vector_load %arg6[%get3A_436, %get3A_437] {strides = array<i32>} : memref<16x1024xf32, #tpu.memory_space<vmem>>, vector<1x16xf32>,
        %get3A_439 = vector.shape_cast %get3A_438 : vector<1x16xf32> to vector<16xf32>
        %swap3A_440 = arith.constant 15 : i32
        %swap3A_441 = arith.index_cast %swap3A_440 : i32 to index
        %swap3A_442 = arith.index_cast %scan3A_391 : i32 to index
        %swap3A_443 = arith.constant 64 : index
        %swap3A_444 = tpu.vector_load %arg7[%swap3A_441, %swap3A_442, %swap3A_443] {strides = array<i32>} : memref<16x32x128xf32, #tpu.memory_space<vmem>>, vector<1x1x16xf32>,
        %swap3A_445 = vector.shape_cast %swap3A_444 : vector<1x1x16xf32> to vector<16xf32>
        %swap3A_446 = vector.shape_cast %get3A_439 : vector<16xf32> to vector<1x1x16xf32>
        tpu.vector_store %arg7[%swap3A_441, %swap3A_442, %swap3A_443], %swap3A_446 {strides = array<i32>} : memref<16x32x128xf32, #tpu.memory_space<vmem>>, vector<1x1x16xf32>,
        %swap3A_447 = arith.constant 15 : i32
        %swap3A_448 = arith.index_cast %swap3A_447 : i32 to index
        %swap3A_449 = arith.index_cast %scan3A_391 : i32 to index
        %swap3A_450 = arith.constant 80 : index
        %swap3A_451 = tpu.vector_load %arg7[%swap3A_448, %swap3A_449, %swap3A_450] {strides = array<i32>} : memref<16x32x128xf32, #tpu.memory_space<vmem>>, vector<1x1x16xf32>,
        %swap3A_452 = vector.shape_cast %swap3A_451 : vector<1x1x16xf32> to vector<16xf32>
        %swap3A_453 = vector.shape_cast %get3A_439 : vector<16xf32> to vector<1x1x16xf32>
        tpu.vector_store %arg7[%swap3A_448, %swap3A_449, %swap3A_450], %swap3A_453 {strides = array<i32>} : memref<16x32x128xf32, #tpu.memory_space<vmem>>, vector<1x1x16xf32>,
        %swap3A_454 = arith.constant 15 : i32
        %swap3A_455 = arith.index_cast %swap3A_454 : i32 to index
        %swap3A_456 = arith.index_cast %scan3A_391 : i32 to index
        %swap3A_457 = arith.constant 96 : index
        %swap3A_458 = tpu.vector_load %arg7[%swap3A_455, %swap3A_456, %swap3A_457] {strides = array<i32>} : memref<16x32x128xf32, #tpu.memory_space<vmem>>, vector<1x1x16xf32>,
        %swap3A_459 = vector.shape_cast %swap3A_458 : vector<1x1x16xf32> to vector<16xf32>
        %swap3A_460 = vector.shape_cast %get3A_439 : vector<16xf32> to vector<1x1x16xf32>
        tpu.vector_store %arg7[%swap3A_455, %swap3A_456, %swap3A_457], %swap3A_460 {strides = array<i32>} : memref<16x32x128xf32, #tpu.memory_space<vmem>>, vector<1x1x16xf32>,
        %swap3A_461 = arith.constant 15 : i32
        %swap3A_462 = arith.index_cast %swap3A_461 : i32 to index
        %swap3A_463 = arith.index_cast %scan3A_391 : i32 to index
        %swap3A_464 = arith.constant 112 : index
        %swap3A_465 = tpu.vector_load %arg7[%swap3A_462, %swap3A_463, %swap3A_464] {strides = array<i32>} : memref<16x32x128xf32, #tpu.memory_space<vmem>>, vector<1x1x16xf32>,
        %swap3A_466 = vector.shape_cast %swap3A_465 : vector<1x1x16xf32> to vector<16xf32>
        %swap3A_467 = vector.shape_cast %get3A_439 : vector<16xf32> to vector<1x1x16xf32>
        tpu.vector_store %arg7[%swap3A_462, %swap3A_463, %swap3A_464], %swap3A_467 {strides = array<i32>} : memref<16x32x128xf32, #tpu.memory_space<vmem>>, vector<1x1x16xf32>,
      }
      %scan3A_390 = arith.constant 32 : i32
    } else {
    }
    %dma_start3A = arith.constant 0 : i32
    %dma_start3A_9 = arith.constant 0 : i32
    %dma_start3A_10 = arith.constant 0 : i32
    %dma_start3A_11 = tpu.memref_slice %arg4[%dma_start3A, %mul3A_2, %dma_start3A_9, %dma_start3A_10] : memref<16x512x32x128xf32, #tpu.memory_space<hbm>> -> memref<1x16x32x128xf32, #tpu.memory_space<hbm>>
    %dma_start3A_12 = tpu.memref_squeeze %dma_start3A_11 : memref<1x16x32x128xf32, #tpu.memory_space<hbm>> -> memref<16x32x128xf32, #tpu.memory_space<hbm>>
    %dma_start3A_13 = arith.constant 0 : i32
    %dma_start3A_14 = arith.constant 0 : i32
    %dma_start3A_15 = tpu.memref_slice %arg4[%dma_start3A, %mul3A_2, %dma_start3A_13, %dma_start3A_14] : memref<16x512x32x128xf32, #tpu.memory_space<hbm>> -> memref<1x16x32x128xf32, #tpu.memory_space<hbm>>
    %dma_start3A_16 = tpu.memref_squeeze %dma_start3A_15 : memref<1x16x32x128xf32, #tpu.memory_space<hbm>> -> memref<16x32x128xf32, #tpu.memory_space<hbm>>
    tpu.enqueue_dma source(%arg7 : memref<16x32x128xf32, #tpu.memory_space<vmem>>) target(%dma_start3A_16 : memref<16x32x128xf32, #tpu.memory_space<hbm>>) target_semaphore(%arg8 : memref<!tpu.dma_semaphore, #tpu.memory_space<semaphore_mem>>)
    %dma_start3A_17 = arith.constant 1 : i32
    %dma_start3A_18 = arith.constant 0 : i32
    %dma_start3A_19 = arith.constant 0 : i32
    %dma_start3A_20 = tpu.memref_slice %arg4[%dma_start3A_17, %mul3A_2, %dma_start3A_18, %dma_start3A_19] : memref<16x512x32x128xf32, #tpu.memory_space<hbm>> -> memref<1x16x32x128xf32, #tpu.memory_space<hbm>>
    %dma_start3A_21 = tpu.memref_squeeze %dma_start3A_20 : memref<1x16x32x128xf32, #tpu.memory_space<hbm>> -> memref<16x32x128xf32, #tpu.memory_space<hbm>>
    %dma_start3A_22 = arith.constant 0 : i32
    %dma_start3A_23 = arith.constant 0 : i32
    %dma_start3A_24 = tpu.memref_slice %arg4[%dma_start3A_17, %mul3A_2, %dma_start3A_22, %dma_start3A_23] : memref<16x512x32x128xf32, #tpu.memory_space<hbm>> -> memref<1x16x32x128xf32, #tpu.memory_space<hbm>>
    %dma_start3A_25 = tpu.memref_squeeze %dma_start3A_24 : memref<1x16x32x128xf32, #tpu.memory_space<hbm>> -> memref<16x32x128xf32, #tpu.memory_space<hbm>>
    tpu.enqueue_dma source(%arg7 : memref<16x32x128xf32, #tpu.memory_space<vmem>>) target(%dma_start3A_25 : memref<16x32x128xf32, #tpu.memory_space<hbm>>) target_semaphore(%arg8 : memref<!tpu.dma_semaphore, #tpu.memory_space<semaphore_mem>>)
    %dma_start3A_26 = arith.constant 2 : i32
    %dma_start3A_27 = arith.constant 0 : i32
    %dma_start3A_28 = arith.constant 0 : i32
    %dma_start3A_29 = tpu.memref_slice %arg4[%dma_start3A_26, %mul3A_2, %dma_start3A_27, %dma_start3A_28] : memref<16x512x32x128xf32, #tpu.memory_space<hbm>> -> memref<1x16x32x128xf32, #tpu.memory_space<hbm>>
    %dma_start3A_30 = tpu.memref_squeeze %dma_start3A_29 : memref<1x16x32x128xf32, #tpu.memory_space<hbm>> -> memref<16x32x128xf32, #tpu.memory_space<hbm>>
    %dma_start3A_31 = arith.constant 0 : i32
    %dma_start3A_32 = arith.constant 0 : i32
    %dma_start3A_33 = tpu.memref_slice %arg4[%dma_start3A_26, %mul3A_2, %dma_start3A_31, %dma_start3A_32] : memref<16x512x32x128xf32, #tpu.memory_space<hbm>> -> memref<1x16x32x128xf32, #tpu.memory_space<hbm>>
    %dma_start3A_34 = tpu.memref_squeeze %dma_start3A_33 : memref<1x16x32x128xf32, #tpu.memory_space<hbm>> -> memref<16x32x128xf32, #tpu.memory_space<hbm>>
    tpu.enqueue_dma source(%arg7 : memref<16x32x128xf32, #tpu.memory_space<vmem>>) target(%dma_start3A_34 : memref<16x32x128xf32, #tpu.memory_space<hbm>>) target_semaphore(%arg8 : memref<!tpu.dma_semaphore, #tpu.memory_space<semaphore_mem>>)
    %dma_start3A_35 = arith.constant 3 : i32
    %dma_start3A_36 = arith.constant 0 : i32
    %dma_start3A_37 = arith.constant 0 : i32
    %dma_start3A_38 = tpu.memref_slice %arg4[%dma_start3A_35, %mul3A_2, %dma_start3A_36, %dma_start3A_37] : memref<16x512x32x128xf32, #tpu.memory_space<hbm>> -> memref<1x16x32x128xf32, #tpu.memory_space<hbm>>
    %dma_start3A_39 = tpu.memref_squeeze %dma_start3A_38 : memref<1x16x32x128xf32, #tpu.memory_space<hbm>> -> memref<16x32x128xf32, #tpu.memory_space<hbm>>
    %dma_start3A_40 = arith.constant 0 : i32
    %dma_start3A_41 = arith.constant 0 : i32
    %dma_start3A_42 = tpu.memref_slice %arg4[%dma_start3A_35, %mul3A_2, %dma_start3A_40, %dma_start3A_41] : memref<16x512x32x128xf32, #tpu.memory_space<hbm>> -> memref<1x16x32x128xf32, #tpu.memory_space<hbm>>
    %dma_start3A_43 = tpu.memref_squeeze %dma_start3A_42 : memref<1x16x32x128xf32, #tpu.memory_space<hbm>> -> memref<16x32x128xf32, #tpu.memory_space<hbm>>
    tpu.enqueue_dma source(%arg7 : memref<16x32x128xf32, #tpu.memory_space<vmem>>) target(%dma_start3A_43 : memref<16x32x128xf32, #tpu.memory_space<hbm>>) target_semaphore(%arg8 : memref<!tpu.dma_semaphore, #tpu.memory_space<semaphore_mem>>)
    %dma_start3A_44 = arith.constant 4 : i32
    %dma_start3A_45 = arith.constant 0 : i32
    %dma_start3A_46 = arith.constant 0 : i32
    %dma_start3A_47 = tpu.memref_slice %arg4[%dma_start3A_44, %mul3A_2, %dma_start3A_45, %dma_start3A_46] : memref<16x512x32x128xf32, #tpu.memory_space<hbm>> -> memref<1x16x32x128xf32, #tpu.memory_space<hbm>>
    %dma_start3A_48 = tpu.memref_squeeze %dma_start3A_47 : memref<1x16x32x128xf32, #tpu.memory_space<hbm>> -> memref<16x32x128xf32, #tpu.memory_space<hbm>>
    %dma_start3A_49 = arith.constant 0 : i32
    %dma_start3A_50 = arith.constant 0 : i32
    %dma_start3A_51 = tpu.memref_slice %arg4[%dma_start3A_44, %mul3A_2, %dma_start3A_49, %dma_start3A_50] : memref<16x512x32x128xf32, #tpu.memory_space<hbm>> -> memref<1x16x32x128xf32, #tpu.memory_space<hbm>>
    %dma_start3A_52 = tpu.memref_squeeze %dma_start3A_51 : memref<1x16x32x128xf32, #tpu.memory_space<hbm>> -> memref<16x32x128xf32, #tpu.memory_space<hbm>>
    tpu.enqueue_dma source(%arg7 : memref<16x32x128xf32, #tpu.memory_space<vmem>>) target(%dma_start3A_52 : memref<16x32x128xf32, #tpu.memory_space<hbm>>) target_semaphore(%arg8 : memref<!tpu.dma_semaphore, #tpu.memory_space<semaphore_mem>>)
    %dma_start3A_53 = arith.constant 5 : i32
    %dma_start3A_54 = arith.constant 0 : i32
    %dma_start3A_55 = arith.constant 0 : i32
    %dma_start3A_56 = tpu.memref_slice %arg4[%dma_start3A_53, %mul3A_2, %dma_start3A_54, %dma_start3A_55] : memref<16x512x32x128xf32, #tpu.memory_space<hbm>> -> memref<1x16x32x128xf32, #tpu.memory_space<hbm>>
    %dma_start3A_57 = tpu.memref_squeeze %dma_start3A_56 : memref<1x16x32x128xf32, #tpu.memory_space<hbm>> -> memref<16x32x128xf32, #tpu.memory_space<hbm>>
    %dma_start3A_58 = arith.constant 0 : i32
    %dma_start3A_59 = arith.constant 0 : i32
    %dma_start3A_60 = tpu.memref_slice %arg4[%dma_start3A_53, %mul3A_2, %dma_start3A_58, %dma_start3A_59] : memref<16x512x32x128xf32, #tpu.memory_space<hbm>> -> memref<1x16x32x128xf32, #tpu.memory_space<hbm>>
    %dma_start3A_61 = tpu.memref_squeeze %dma_start3A_60 : memref<1x16x32x128xf32, #tpu.memory_space<hbm>> -> memref<16x32x128xf32, #tpu.memory_space<hbm>>
    tpu.enqueue_dma source(%arg7 : memref<16x32x128xf32, #tpu.memory_space<vmem>>) target(%dma_start3A_61 : memref<16x32x128xf32, #tpu.memory_space<hbm>>) target_semaphore(%arg8 : memref<!tpu.dma_semaphore, #tpu.memory_space<semaphore_mem>>)
    %dma_start3A_62 = arith.constant 6 : i32
    %dma_start3A_63 = arith.constant 0 : i32
    %dma_start3A_64 = arith.constant 0 : i32
    %dma_start3A_65 = tpu.memref_slice %arg4[%dma_start3A_62, %mul3A_2, %dma_start3A_63, %dma_start3A_64] : memref<16x512x32x128xf32, #tpu.memory_space<hbm>> -> memref<1x16x32x128xf32, #tpu.memory_space<hbm>>
    %dma_start3A_66 = tpu.memref_squeeze %dma_start3A_65 : memref<1x16x32x128xf32, #tpu.memory_space<hbm>> -> memref<16x32x128xf32, #tpu.memory_space<hbm>>
    %dma_start3A_67 = arith.constant 0 : i32
    %dma_start3A_68 = arith.constant 0 : i32
    %dma_start3A_69 = tpu.memref_slice %arg4[%dma_start3A_62, %mul3A_2, %dma_start3A_67, %dma_start3A_68] : memref<16x512x32x128xf32, #tpu.memory_space<hbm>> -> memref<1x16x32x128xf32, #tpu.memory_space<hbm>>
    %dma_start3A_70 = tpu.memref_squeeze %dma_start3A_69 : memref<1x16x32x128xf32, #tpu.memory_space<hbm>> -> memref<16x32x128xf32, #tpu.memory_space<hbm>>
    tpu.enqueue_dma source(%arg7 : memref<16x32x128xf32, #tpu.memory_space<vmem>>) target(%dma_start3A_70 : memref<16x32x128xf32, #tpu.memory_space<hbm>>) target_semaphore(%arg8 : memref<!tpu.dma_semaphore, #tpu.memory_space<semaphore_mem>>)
    %dma_start3A_71 = arith.constant 7 : i32
    %dma_start3A_72 = arith.constant 0 : i32
    %dma_start3A_73 = arith.constant 0 : i32
    %dma_start3A_74 = tpu.memref_slice %arg4[%dma_start3A_71, %mul3A_2, %dma_start3A_72, %dma_start3A_73] : memref<16x512x32x128xf32, #tpu.memory_space<hbm>> -> memref<1x16x32x128xf32, #tpu.memory_space<hbm>>
    %dma_start3A_75 = tpu.memref_squeeze %dma_start3A_74 : memref<1x16x32x128xf32, #tpu.memory_space<hbm>> -> memref<16x32x128xf32, #tpu.memory_space<hbm>>
    %dma_start3A_76 = arith.constant 0 : i32
    %dma_start3A_77 = arith.constant 0 : i32
    %dma_start3A_78 = tpu.memref_slice %arg4[%dma_start3A_71, %mul3A_2, %dma_start3A_76, %dma_start3A_77] : memref<16x512x32x128xf32, #tpu.memory_space<hbm>> -> memref<1x16x32x128xf32, #tpu.memory_space<hbm>>
    %dma_start3A_79 = tpu.memref_squeeze %dma_start3A_78 : memref<1x16x32x128xf32, #tpu.memory_space<hbm>> -> memref<16x32x128xf32, #tpu.memory_space<hbm>>
    tpu.enqueue_dma source(%arg7 : memref<16x32x128xf32, #tpu.memory_space<vmem>>) target(%dma_start3A_79 : memref<16x32x128xf32, #tpu.memory_space<hbm>>) target_semaphore(%arg8 : memref<!tpu.dma_semaphore, #tpu.memory_space<semaphore_mem>>)
    %dma_start3A_80 = arith.constant 8 : i32
    %dma_start3A_81 = arith.constant 0 : i32
    %dma_start3A_82 = arith.constant 0 : i32
    %dma_start3A_83 = tpu.memref_slice %arg4[%dma_start3A_80, %mul3A_2, %dma_start3A_81, %dma_start3A_82] : memref<16x512x32x128xf32, #tpu.memory_space<hbm>> -> memref<1x16x32x128xf32, #tpu.memory_space<hbm>>
    %dma_start3A_84 = tpu.memref_squeeze %dma_start3A_83 : memref<1x16x32x128xf32, #tpu.memory_space<hbm>> -> memref<16x32x128xf32, #tpu.memory_space<hbm>>
    %dma_start3A_85 = arith.constant 0 : i32
    %dma_start3A_86 = arith.constant 0 : i32
    %dma_start3A_87 = tpu.memref_slice %arg4[%dma_start3A_80, %mul3A_2, %dma_start3A_85, %dma_start3A_86] : memref<16x512x32x128xf32, #tpu.memory_space<hbm>> -> memref<1x16x32x128xf32, #tpu.memory_space<hbm>>
    %dma_start3A_88 = tpu.memref_squeeze %dma_start3A_87 : memref<1x16x32x128xf32, #tpu.memory_space<hbm>> -> memref<16x32x128xf32, #tpu.memory_space<hbm>>
    tpu.enqueue_dma source(%arg7 : memref<16x32x128xf32, #tpu.memory_space<vmem>>) target(%dma_start3A_88 : memref<16x32x128xf32, #tpu.memory_space<hbm>>) target_semaphore(%arg8 : memref<!tpu.dma_semaphore, #tpu.memory_space<semaphore_mem>>)
    %dma_start3A_89 = arith.constant 9 : i32
    %dma_start3A_90 = arith.constant 0 : i32
    %dma_start3A_91 = arith.constant 0 : i32
    %dma_start3A_92 = tpu.memref_slice %arg4[%dma_start3A_89, %mul3A_2, %dma_start3A_90, %dma_start3A_91] : memref<16x512x32x128xf32, #tpu.memory_space<hbm>> -> memref<1x16x32x128xf32, #tpu.memory_space<hbm>>
    %dma_start3A_93 = tpu.memref_squeeze %dma_start3A_92 : memref<1x16x32x128xf32, #tpu.memory_space<hbm>> -> memref<16x32x128xf32, #tpu.memory_space<hbm>>
    %dma_start3A_94 = arith.constant 0 : i32
    %dma_start3A_95 = arith.constant 0 : i32
    %dma_start3A_96 = tpu.memref_slice %arg4[%dma_start3A_89, %mul3A_2, %dma_start3A_94, %dma_start3A_95] : memref<16x512x32x128xf32, #tpu.memory_space<hbm>> -> memref<1x16x32x128xf32, #tpu.memory_space<hbm>>
    %dma_start3A_97 = tpu.memref_squeeze %dma_start3A_96 : memref<1x16x32x128xf32, #tpu.memory_space<hbm>> -> memref<16x32x128xf32, #tpu.memory_space<hbm>>
    tpu.enqueue_dma source(%arg7 : memref<16x32x128xf32, #tpu.memory_space<vmem>>) target(%dma_start3A_97 : memref<16x32x128xf32, #tpu.memory_space<hbm>>) target_semaphore(%arg8 : memref<!tpu.dma_semaphore, #tpu.memory_space<semaphore_mem>>)
    %dma_start3A_98 = arith.constant 10 : i32
    %dma_start3A_99 = arith.constant 0 : i32
    %dma_start3A_100 = arith.constant 0 : i32
    %dma_start3A_101 = tpu.memref_slice %arg4[%dma_start3A_98, %mul3A_2, %dma_start3A_99, %dma_start3A_100] : memref<16x512x32x128xf32, #tpu.memory_space<hbm>> -> memref<1x16x32x128xf32, #tpu.memory_space<hbm>>
    %dma_start3A_102 = tpu.memref_squeeze %dma_start3A_101 : memref<1x16x32x128xf32, #tpu.memory_space<hbm>> -> memref<16x32x128xf32, #tpu.memory_space<hbm>>
    %dma_start3A_103 = arith.constant 0 : i32
    %dma_start3A_104 = arith.constant 0 : i32
    %dma_start3A_105 = tpu.memref_slice %arg4[%dma_start3A_98, %mul3A_2, %dma_start3A_103, %dma_start3A_104] : memref<16x512x32x128xf32, #tpu.memory_space<hbm>> -> memref<1x16x32x128xf32, #tpu.memory_space<hbm>>
    %dma_start3A_106 = tpu.memref_squeeze %dma_start3A_105 : memref<1x16x32x128xf32, #tpu.memory_space<hbm>> -> memref<16x32x128xf32, #tpu.memory_space<hbm>>
    tpu.enqueue_dma source(%arg7 : memref<16x32x128xf32, #tpu.memory_space<vmem>>) target(%dma_start3A_106 : memref<16x32x128xf32, #tpu.memory_space<hbm>>) target_semaphore(%arg8 : memref<!tpu.dma_semaphore, #tpu.memory_space<semaphore_mem>>)
    %dma_start3A_107 = arith.constant 11 : i32
    %dma_start3A_108 = arith.constant 0 : i32
    %dma_start3A_109 = arith.constant 0 : i32
    %dma_start3A_110 = tpu.memref_slice %arg4[%dma_start3A_107, %mul3A_2, %dma_start3A_108, %dma_start3A_109] : memref<16x512x32x128xf32, #tpu.memory_space<hbm>> -> memref<1x16x32x128xf32, #tpu.memory_space<hbm>>
    %dma_start3A_111 = tpu.memref_squeeze %dma_start3A_110 : memref<1x16x32x128xf32, #tpu.memory_space<hbm>> -> memref<16x32x128xf32, #tpu.memory_space<hbm>>
    %dma_start3A_112 = arith.constant 0 : i32
    %dma_start3A_113 = arith.constant 0 : i32
    %dma_start3A_114 = tpu.memref_slice %arg4[%dma_start3A_107, %mul3A_2, %dma_start3A_112, %dma_start3A_113] : memref<16x512x32x128xf32, #tpu.memory_space<hbm>> -> memref<1x16x32x128xf32, #tpu.memory_space<hbm>>
    %dma_start3A_115 = tpu.memref_squeeze %dma_start3A_114 : memref<1x16x32x128xf32, #tpu.memory_space<hbm>> -> memref<16x32x128xf32, #tpu.memory_space<hbm>>
    tpu.enqueue_dma source(%arg7 : memref<16x32x128xf32, #tpu.memory_space<vmem>>) target(%dma_start3A_115 : memref<16x32x128xf32, #tpu.memory_space<hbm>>) target_semaphore(%arg8 : memref<!tpu.dma_semaphore, #tpu.memory_space<semaphore_mem>>)
    %dma_start3A_116 = arith.constant 12 : i32
    %dma_start3A_117 = arith.constant 0 : i32
    %dma_start3A_118 = arith.constant 0 : i32
    %dma_start3A_119 = tpu.memref_slice %arg4[%dma_start3A_116, %mul3A_2, %dma_start3A_117, %dma_start3A_118] : memref<16x512x32x128xf32, #tpu.memory_space<hbm>> -> memref<1x16x32x128xf32, #tpu.memory_space<hbm>>
    %dma_start3A_120 = tpu.memref_squeeze %dma_start3A_119 : memref<1x16x32x128xf32, #tpu.memory_space<hbm>> -> memref<16x32x128xf32, #tpu.memory_space<hbm>>
    %dma_start3A_121 = arith.constant 0 : i32
    %dma_start3A_122 = arith.constant 0 : i32
    %dma_start3A_123 = tpu.memref_slice %arg4[%dma_start3A_116, %mul3A_2, %dma_start3A_121, %dma_start3A_122] : memref<16x512x32x128xf32, #tpu.memory_space<hbm>> -> memref<1x16x32x128xf32, #tpu.memory_space<hbm>>
    %dma_start3A_124 = tpu.memref_squeeze %dma_start3A_123 : memref<1x16x32x128xf32, #tpu.memory_space<hbm>> -> memref<16x32x128xf32, #tpu.memory_space<hbm>>
    tpu.enqueue_dma source(%arg7 : memref<16x32x128xf32, #tpu.memory_space<vmem>>) target(%dma_start3A_124 : memref<16x32x128xf32, #tpu.memory_space<hbm>>) target_semaphore(%arg8 : memref<!tpu.dma_semaphore, #tpu.memory_space<semaphore_mem>>)
    %dma_start3A_125 = arith.constant 13 : i32
    %dma_start3A_126 = arith.constant 0 : i32
    %dma_start3A_127 = arith.constant 0 : i32
    %dma_start3A_128 = tpu.memref_slice %arg4[%dma_start3A_125, %mul3A_2, %dma_start3A_126, %dma_start3A_127] : memref<16x512x32x128xf32, #tpu.memory_space<hbm>> -> memref<1x16x32x128xf32, #tpu.memory_space<hbm>>
    %dma_start3A_129 = tpu.memref_squeeze %dma_start3A_128 : memref<1x16x32x128xf32, #tpu.memory_space<hbm>> -> memref<16x32x128xf32, #tpu.memory_space<hbm>>
    %dma_start3A_130 = arith.constant 0 : i32
    %dma_start3A_131 = arith.constant 0 : i32
    %dma_start3A_132 = tpu.memref_slice %arg4[%dma_start3A_125, %mul3A_2, %dma_start3A_130, %dma_start3A_131] : memref<16x512x32x128xf32, #tpu.memory_space<hbm>> -> memref<1x16x32x128xf32, #tpu.memory_space<hbm>>
    %dma_start3A_133 = tpu.memref_squeeze %dma_start3A_132 : memref<1x16x32x128xf32, #tpu.memory_space<hbm>> -> memref<16x32x128xf32, #tpu.memory_space<hbm>>
    tpu.enqueue_dma source(%arg7 : memref<16x32x128xf32, #tpu.memory_space<vmem>>) target(%dma_start3A_133 : memref<16x32x128xf32, #tpu.memory_space<hbm>>) target_semaphore(%arg8 : memref<!tpu.dma_semaphore, #tpu.memory_space<semaphore_mem>>)
    %dma_start3A_134 = arith.constant 14 : i32
    %dma_start3A_135 = arith.constant 0 : i32
    %dma_start3A_136 = arith.constant 0 : i32
    %dma_start3A_137 = tpu.memref_slice %arg4[%dma_start3A_134, %mul3A_2, %dma_start3A_135, %dma_start3A_136] : memref<16x512x32x128xf32, #tpu.memory_space<hbm>> -> memref<1x16x32x128xf32, #tpu.memory_space<hbm>>
    %dma_start3A_138 = tpu.memref_squeeze %dma_start3A_137 : memref<1x16x32x128xf32, #tpu.memory_space<hbm>> -> memref<16x32x128xf32, #tpu.memory_space<hbm>>
    %dma_start3A_139 = arith.constant 0 : i32
    %dma_start3A_140 = arith.constant 0 : i32
    %dma_start3A_141 = tpu.memref_slice %arg4[%dma_start3A_134, %mul3A_2, %dma_start3A_139, %dma_start3A_140] : memref<16x512x32x128xf32, #tpu.memory_space<hbm>> -> memref<1x16x32x128xf32, #tpu.memory_space<hbm>>
    %dma_start3A_142 = tpu.memref_squeeze %dma_start3A_141 : memref<1x16x32x128xf32, #tpu.memory_space<hbm>> -> memref<16x32x128xf32, #tpu.memory_space<hbm>>
    tpu.enqueue_dma source(%arg7 : memref<16x32x128xf32, #tpu.memory_space<vmem>>) target(%dma_start3A_142 : memref<16x32x128xf32, #tpu.memory_space<hbm>>) target_semaphore(%arg8 : memref<!tpu.dma_semaphore, #tpu.memory_space<semaphore_mem>>)
    %dma_start3A_143 = arith.constant 15 : i32
    %dma_start3A_144 = arith.constant 0 : i32
    %dma_start3A_145 = arith.constant 0 : i32
    %dma_start3A_146 = tpu.memref_slice %arg4[%dma_start3A_143, %mul3A_2, %dma_start3A_144, %dma_start3A_145] : memref<16x512x32x128xf32, #tpu.memory_space<hbm>> -> memref<1x16x32x128xf32, #tpu.memory_space<hbm>>
    %dma_start3A_147 = tpu.memref_squeeze %dma_start3A_146 : memref<1x16x32x128xf32, #tpu.memory_space<hbm>> -> memref<16x32x128xf32, #tpu.memory_space<hbm>>
    %dma_start3A_148 = arith.constant 0 : i32
    %dma_start3A_149 = arith.constant 0 : i32
    %dma_start3A_150 = tpu.memref_slice %arg4[%dma_start3A_143, %mul3A_2, %dma_start3A_148, %dma_start3A_149] : memref<16x512x32x128xf32, #tpu.memory_space<hbm>> -> memref<1x16x32x128xf32, #tpu.memory_space<hbm>>
    %dma_start3A_151 = tpu.memref_squeeze %dma_start3A_150 : memref<1x16x32x128xf32, #tpu.memory_space<hbm>> -> memref<16x32x128xf32, #tpu.memory_space<hbm>>
    tpu.enqueue_dma source(%arg7 : memref<16x32x128xf32, #tpu.memory_space<vmem>>) target(%dma_start3A_151 : memref<16x32x128xf32, #tpu.memory_space<hbm>>) target_semaphore(%arg8 : memref<!tpu.dma_semaphore, #tpu.memory_space<semaphore_mem>>)
    %dma_wait3A = arith.constant 0 : i32
    %dma_wait3A_152 = arith.constant 0 : i32
    %dma_wait3A_153 = arith.constant 0 : i32
    %dma_wait3A_154 = tpu.memref_slice %arg4[%dma_wait3A, %mul3A_2, %dma_wait3A_152, %dma_wait3A_153] : memref<16x512x32x128xf32, #tpu.memory_space<hbm>> -> memref<1x16x32x128xf32, #tpu.memory_space<hbm>>
    %dma_wait3A_155 = tpu.memref_squeeze %dma_wait3A_154 : memref<1x16x32x128xf32, #tpu.memory_space<hbm>> -> memref<16x32x128xf32, #tpu.memory_space<hbm>>
    %dma_wait3A_156 = arith.constant 0 : i32
    %dma_wait3A_157 = arith.constant 0 : i32
    %dma_wait3A_158 = tpu.memref_slice %arg4[%dma_wait3A, %mul3A_2, %dma_wait3A_156, %dma_wait3A_157] : memref<16x512x32x128xf32, #tpu.memory_space<hbm>> -> memref<1x16x32x128xf32, #tpu.memory_space<hbm>>
    %dma_wait3A_159 = tpu.memref_squeeze %dma_wait3A_158 : memref<1x16x32x128xf32, #tpu.memory_space<hbm>> -> memref<16x32x128xf32, #tpu.memory_space<hbm>>
    tpu.wait_dma2 semaphore(%arg8 : memref<!tpu.dma_semaphore, #tpu.memory_space<semaphore_mem>>) src(%arg7 : memref<16x32x128xf32, #tpu.memory_space<vmem>>) dst(%dma_wait3A_159 : memref<16x32x128xf32, #tpu.memory_space<hbm>>)
    %dma_wait3A_160 = arith.constant 1 : i32
    %dma_wait3A_161 = arith.constant 0 : i32
    %dma_wait3A_162 = arith.constant 0 : i32
    %dma_wait3A_163 = tpu.memref_slice %arg4[%dma_wait3A_160, %mul3A_2, %dma_wait3A_161, %dma_wait3A_162] : memref<16x512x32x128xf32, #tpu.memory_space<hbm>> -> memref<1x16x32x128xf32, #tpu.memory_space<hbm>>
    %dma_wait3A_164 = tpu.memref_squeeze %dma_wait3A_163 : memref<1x16x32x128xf32, #tpu.memory_space<hbm>> -> memref<16x32x128xf32, #tpu.memory_space<hbm>>
    %dma_wait3A_165 = arith.constant 0 : i32
    %dma_wait3A_166 = arith.constant 0 : i32
    %dma_wait3A_167 = tpu.memref_slice %arg4[%dma_wait3A_160, %mul3A_2, %dma_wait3A_165, %dma_wait3A_166] : memref<16x512x32x128xf32, #tpu.memory_space<hbm>> -> memref<1x16x32x128xf32, #tpu.memory_space<hbm>>
    %dma_wait3A_168 = tpu.memref_squeeze %dma_wait3A_167 : memref<1x16x32x128xf32, #tpu.memory_space<hbm>> -> memref<16x32x128xf32, #tpu.memory_space<hbm>>
    tpu.wait_dma2 semaphore(%arg8 : memref<!tpu.dma_semaphore, #tpu.memory_space<semaphore_mem>>) src(%arg7 : memref<16x32x128xf32, #tpu.memory_space<vmem>>) dst(%dma_wait3A_168 : memref<16x32x128xf32, #tpu.memory_space<hbm>>)
    %dma_wait3A_169 = arith.constant 2 : i32
    %dma_wait3A_170 = arith.constant 0 : i32
    %dma_wait3A_171 = arith.constant 0 : i32
    %dma_wait3A_172 = tpu.memref_slice %arg4[%dma_wait3A_169, %mul3A_2, %dma_wait3A_170, %dma_wait3A_171] : memref<16x512x32x128xf32, #tpu.memory_space<hbm>> -> memref<1x16x32x128xf32, #tpu.memory_space<hbm>>
    %dma_wait3A_173 = tpu.memref_squeeze %dma_wait3A_172 : memref<1x16x32x128xf32, #tpu.memory_space<hbm>> -> memref<16x32x128xf32, #tpu.memory_space<hbm>>
    %dma_wait3A_174 = arith.constant 0 : i32
    %dma_wait3A_175 = arith.constant 0 : i32
    %dma_wait3A_176 = tpu.memref_slice %arg4[%dma_wait3A_169, %mul3A_2, %dma_wait3A_174, %dma_wait3A_175] : memref<16x512x32x128xf32, #tpu.memory_space<hbm>> -> memref<1x16x32x128xf32, #tpu.memory_space<hbm>>
    %dma_wait3A_177 = tpu.memref_squeeze %dma_wait3A_176 : memref<1x16x32x128xf32, #tpu.memory_space<hbm>> -> memref<16x32x128xf32, #tpu.memory_space<hbm>>
    tpu.wait_dma2 semaphore(%arg8 : memref<!tpu.dma_semaphore, #tpu.memory_space<semaphore_mem>>) src(%arg7 : memref<16x32x128xf32, #tpu.memory_space<vmem>>) dst(%dma_wait3A_177 : memref<16x32x128xf32, #tpu.memory_space<hbm>>)
    %dma_wait3A_178 = arith.constant 3 : i32
    %dma_wait3A_179 = arith.constant 0 : i32
    %dma_wait3A_180 = arith.constant 0 : i32
    %dma_wait3A_181 = tpu.memref_slice %arg4[%dma_wait3A_178, %mul3A_2, %dma_wait3A_179, %dma_wait3A_180] : memref<16x512x32x128xf32, #tpu.memory_space<hbm>> -> memref<1x16x32x128xf32, #tpu.memory_space<hbm>>
    %dma_wait3A_182 = tpu.memref_squeeze %dma_wait3A_181 : memref<1x16x32x128xf32, #tpu.memory_space<hbm>> -> memref<16x32x128xf32, #tpu.memory_space<hbm>>
    %dma_wait3A_183 = arith.constant 0 : i32
    %dma_wait3A_184 = arith.constant 0 : i32
    %dma_wait3A_185 = tpu.memref_slice %arg4[%dma_wait3A_178, %mul3A_2, %dma_wait3A_183, %dma_wait3A_184] : memref<16x512x32x128xf32, #tpu.memory_space<hbm>> -> memref<1x16x32x128xf32, #tpu.memory_space<hbm>>
    %dma_wait3A_186 = tpu.memref_squeeze %dma_wait3A_185 : memref<1x16x32x128xf32, #tpu.memory_space<hbm>> -> memref<16x32x128xf32, #tpu.memory_space<hbm>>
    tpu.wait_dma2 semaphore(%arg8 : memref<!tpu.dma_semaphore, #tpu.memory_space<semaphore_mem>>) src(%arg7 : memref<16x32x128xf32, #tpu.memory_space<vmem>>) dst(%dma_wait3A_186 : memref<16x32x128xf32, #tpu.memory_space<hbm>>)
    %dma_wait3A_187 = arith.constant 4 : i32
    %dma_wait3A_188 = arith.constant 0 : i32
    %dma_wait3A_189 = arith.constant 0 : i32
    %dma_wait3A_190 = tpu.memref_slice %arg4[%dma_wait3A_187, %mul3A_2, %dma_wait3A_188, %dma_wait3A_189] : memref<16x512x32x128xf32, #tpu.memory_space<hbm>> -> memref<1x16x32x128xf32, #tpu.memory_space<hbm>>
    %dma_wait3A_191 = tpu.memref_squeeze %dma_wait3A_190 : memref<1x16x32x128xf32, #tpu.memory_space<hbm>> -> memref<16x32x128xf32, #tpu.memory_space<hbm>>
    %dma_wait3A_192 = arith.constant 0 : i32
    %dma_wait3A_193 = arith.constant 0 : i32
    %dma_wait3A_194 = tpu.memref_slice %arg4[%dma_wait3A_187, %mul3A_2, %dma_wait3A_192, %dma_wait3A_193] : memref<16x512x32x128xf32, #tpu.memory_space<hbm>> -> memref<1x16x32x128xf32, #tpu.memory_space<hbm>>
    %dma_wait3A_195 = tpu.memref_squeeze %dma_wait3A_194 : memref<1x16x32x128xf32, #tpu.memory_space<hbm>> -> memref<16x32x128xf32, #tpu.memory_space<hbm>>
    tpu.wait_dma2 semaphore(%arg8 : memref<!tpu.dma_semaphore, #tpu.memory_space<semaphore_mem>>) src(%arg7 : memref<16x32x128xf32, #tpu.memory_space<vmem>>) dst(%dma_wait3A_195 : memref<16x32x128xf32, #tpu.memory_space<hbm>>)
    %dma_wait3A_196 = arith.constant 5 : i32
    %dma_wait3A_197 = arith.constant 0 : i32
    %dma_wait3A_198 = arith.constant 0 : i32
    %dma_wait3A_199 = tpu.memref_slice %arg4[%dma_wait3A_196, %mul3A_2, %dma_wait3A_197, %dma_wait3A_198] : memref<16x512x32x128xf32, #tpu.memory_space<hbm>> -> memref<1x16x32x128xf32, #tpu.memory_space<hbm>>
    %dma_wait3A_200 = tpu.memref_squeeze %dma_wait3A_199 : memref<1x16x32x128xf32, #tpu.memory_space<hbm>> -> memref<16x32x128xf32, #tpu.memory_space<hbm>>
    %dma_wait3A_201 = arith.constant 0 : i32
    %dma_wait3A_202 = arith.constant 0 : i32
    %dma_wait3A_203 = tpu.memref_slice %arg4[%dma_wait3A_196, %mul3A_2, %dma_wait3A_201, %dma_wait3A_202] : memref<16x512x32x128xf32, #tpu.memory_space<hbm>> -> memref<1x16x32x128xf32, #tpu.memory_space<hbm>>
    %dma_wait3A_204 = tpu.memref_squeeze %dma_wait3A_203 : memref<1x16x32x128xf32, #tpu.memory_space<hbm>> -> memref<16x32x128xf32, #tpu.memory_space<hbm>>
    tpu.wait_dma2 semaphore(%arg8 : memref<!tpu.dma_semaphore, #tpu.memory_space<semaphore_mem>>) src(%arg7 : memref<16x32x128xf32, #tpu.memory_space<vmem>>) dst(%dma_wait3A_204 : memref<16x32x128xf32, #tpu.memory_space<hbm>>)
    %dma_wait3A_205 = arith.constant 6 : i32
    %dma_wait3A_206 = arith.constant 0 : i32
    %dma_wait3A_207 = arith.constant 0 : i32
    %dma_wait3A_208 = tpu.memref_slice %arg4[%dma_wait3A_205, %mul3A_2, %dma_wait3A_206, %dma_wait3A_207] : memref<16x512x32x128xf32, #tpu.memory_space<hbm>> -> memref<1x16x32x128xf32, #tpu.memory_space<hbm>>
    %dma_wait3A_209 = tpu.memref_squeeze %dma_wait3A_208 : memref<1x16x32x128xf32, #tpu.memory_space<hbm>> -> memref<16x32x128xf32, #tpu.memory_space<hbm>>
    %dma_wait3A_210 = arith.constant 0 : i32
    %dma_wait3A_211 = arith.constant 0 : i32
    %dma_wait3A_212 = tpu.memref_slice %arg4[%dma_wait3A_205, %mul3A_2, %dma_wait3A_210, %dma_wait3A_211] : memref<16x512x32x128xf32, #tpu.memory_space<hbm>> -> memref<1x16x32x128xf32, #tpu.memory_space<hbm>>
    %dma_wait3A_213 = tpu.memref_squeeze %dma_wait3A_212 : memref<1x16x32x128xf32, #tpu.memory_space<hbm>> -> memref<16x32x128xf32, #tpu.memory_space<hbm>>
    tpu.wait_dma2 semaphore(%arg8 : memref<!tpu.dma_semaphore, #tpu.memory_space<semaphore_mem>>) src(%arg7 : memref<16x32x128xf32, #tpu.memory_space<vmem>>) dst(%dma_wait3A_213 : memref<16x32x128xf32, #tpu.memory_space<hbm>>)
    %dma_wait3A_214 = arith.constant 7 : i32
    %dma_wait3A_215 = arith.constant 0 : i32
    %dma_wait3A_216 = arith.constant 0 : i32
    %dma_wait3A_217 = tpu.memref_slice %arg4[%dma_wait3A_214, %mul3A_2, %dma_wait3A_215, %dma_wait3A_216] : memref<16x512x32x128xf32, #tpu.memory_space<hbm>> -> memref<1x16x32x128xf32, #tpu.memory_space<hbm>>
    %dma_wait3A_218 = tpu.memref_squeeze %dma_wait3A_217 : memref<1x16x32x128xf32, #tpu.memory_space<hbm>> -> memref<16x32x128xf32, #tpu.memory_space<hbm>>
    %dma_wait3A_219 = arith.constant 0 : i32
    %dma_wait3A_220 = arith.constant 0 : i32
    %dma_wait3A_221 = tpu.memref_slice %arg4[%dma_wait3A_214, %mul3A_2, %dma_wait3A_219, %dma_wait3A_220] : memref<16x512x32x128xf32, #tpu.memory_space<hbm>> -> memref<1x16x32x128xf32, #tpu.memory_space<hbm>>
    %dma_wait3A_222 = tpu.memref_squeeze %dma_wait3A_221 : memref<1x16x32x128xf32, #tpu.memory_space<hbm>> -> memref<16x32x128xf32, #tpu.memory_space<hbm>>
    tpu.wait_dma2 semaphore(%arg8 : memref<!tpu.dma_semaphore, #tpu.memory_space<semaphore_mem>>) src(%arg7 : memref<16x32x128xf32, #tpu.memory_space<vmem>>) dst(%dma_wait3A_222 : memref<16x32x128xf32, #tpu.memory_space<hbm>>)
    %dma_wait3A_223 = arith.constant 8 : i32
    %dma_wait3A_224 = arith.constant 0 : i32
    %dma_wait3A_225 = arith.constant 0 : i32
    %dma_wait3A_226 = tpu.memref_slice %arg4[%dma_wait3A_223, %mul3A_2, %dma_wait3A_224, %dma_wait3A_225] : memref<16x512x32x128xf32, #tpu.memory_space<hbm>> -> memref<1x16x32x128xf32, #tpu.memory_space<hbm>>
    %dma_wait3A_227 = tpu.memref_squeeze %dma_wait3A_226 : memref<1x16x32x128xf32, #tpu.memory_space<hbm>> -> memref<16x32x128xf32, #tpu.memory_space<hbm>>
    %dma_wait3A_228 = arith.constant 0 : i32
    %dma_wait3A_229 = arith.constant 0 : i32
    %dma_wait3A_230 = tpu.memref_slice %arg4[%dma_wait3A_223, %mul3A_2, %dma_wait3A_228, %dma_wait3A_229] : memref<16x512x32x128xf32, #tpu.memory_space<hbm>> -> memref<1x16x32x128xf32, #tpu.memory_space<hbm>>
    %dma_wait3A_231 = tpu.memref_squeeze %dma_wait3A_230 : memref<1x16x32x128xf32, #tpu.memory_space<hbm>> -> memref<16x32x128xf32, #tpu.memory_space<hbm>>
    tpu.wait_dma2 semaphore(%arg8 : memref<!tpu.dma_semaphore, #tpu.memory_space<semaphore_mem>>) src(%arg7 : memref<16x32x128xf32, #tpu.memory_space<vmem>>) dst(%dma_wait3A_231 : memref<16x32x128xf32, #tpu.memory_space<hbm>>)
    %dma_wait3A_232 = arith.constant 9 : i32
    %dma_wait3A_233 = arith.constant 0 : i32
    %dma_wait3A_234 = arith.constant 0 : i32
    %dma_wait3A_235 = tpu.memref_slice %arg4[%dma_wait3A_232, %mul3A_2, %dma_wait3A_233, %dma_wait3A_234] : memref<16x512x32x128xf32, #tpu.memory_space<hbm>> -> memref<1x16x32x128xf32, #tpu.memory_space<hbm>>
    %dma_wait3A_236 = tpu.memref_squeeze %dma_wait3A_235 : memref<1x16x32x128xf32, #tpu.memory_space<hbm>> -> memref<16x32x128xf32, #tpu.memory_space<hbm>>
    %dma_wait3A_237 = arith.constant 0 : i32
    %dma_wait3A_238 = arith.constant 0 : i32
    %dma_wait3A_239 = tpu.memref_slice %arg4[%dma_wait3A_232, %mul3A_2, %dma_wait3A_237, %dma_wait3A_238] : memref<16x512x32x128xf32, #tpu.memory_space<hbm>> -> memref<1x16x32x128xf32, #tpu.memory_space<hbm>>
    %dma_wait3A_240 = tpu.memref_squeeze %dma_wait3A_239 : memref<1x16x32x128xf32, #tpu.memory_space<hbm>> -> memref<16x32x128xf32, #tpu.memory_space<hbm>>
    tpu.wait_dma2 semaphore(%arg8 : memref<!tpu.dma_semaphore, #tpu.memory_space<semaphore_mem>>) src(%arg7 : memref<16x32x128xf32, #tpu.memory_space<vmem>>) dst(%dma_wait3A_240 : memref<16x32x128xf32, #tpu.memory_space<hbm>>)
    %dma_wait3A_241 = arith.constant 10 : i32
    %dma_wait3A_242 = arith.constant 0 : i32
    %dma_wait3A_243 = arith.constant 0 : i32
    %dma_wait3A_244 = tpu.memref_slice %arg4[%dma_wait3A_241, %mul3A_2, %dma_wait3A_242, %dma_wait3A_243] : memref<16x512x32x128xf32, #tpu.memory_space<hbm>> -> memref<1x16x32x128xf32, #tpu.memory_space<hbm>>
    %dma_wait3A_245 = tpu.memref_squeeze %dma_wait3A_244 : memref<1x16x32x128xf32, #tpu.memory_space<hbm>> -> memref<16x32x128xf32, #tpu.memory_space<hbm>>
    %dma_wait3A_246 = arith.constant 0 : i32
    %dma_wait3A_247 = arith.constant 0 : i32
    %dma_wait3A_248 = tpu.memref_slice %arg4[%dma_wait3A_241, %mul3A_2, %dma_wait3A_246, %dma_wait3A_247] : memref<16x512x32x128xf32, #tpu.memory_space<hbm>> -> memref<1x16x32x128xf32, #tpu.memory_space<hbm>>
    %dma_wait3A_249 = tpu.memref_squeeze %dma_wait3A_248 : memref<1x16x32x128xf32, #tpu.memory_space<hbm>> -> memref<16x32x128xf32, #tpu.memory_space<hbm>>
    tpu.wait_dma2 semaphore(%arg8 : memref<!tpu.dma_semaphore, #tpu.memory_space<semaphore_mem>>) src(%arg7 : memref<16x32x128xf32, #tpu.memory_space<vmem>>) dst(%dma_wait3A_249 : memref<16x32x128xf32, #tpu.memory_space<hbm>>)
    %dma_wait3A_250 = arith.constant 11 : i32
    %dma_wait3A_251 = arith.constant 0 : i32
    %dma_wait3A_252 = arith.constant 0 : i32
    %dma_wait3A_253 = tpu.memref_slice %arg4[%dma_wait3A_250, %mul3A_2, %dma_wait3A_251, %dma_wait3A_252] : memref<16x512x32x128xf32, #tpu.memory_space<hbm>> -> memref<1x16x32x128xf32, #tpu.memory_space<hbm>>
    %dma_wait3A_254 = tpu.memref_squeeze %dma_wait3A_253 : memref<1x16x32x128xf32, #tpu.memory_space<hbm>> -> memref<16x32x128xf32, #tpu.memory_space<hbm>>
    %dma_wait3A_255 = arith.constant 0 : i32
    %dma_wait3A_256 = arith.constant 0 : i32
    %dma_wait3A_257 = tpu.memref_slice %arg4[%dma_wait3A_250, %mul3A_2, %dma_wait3A_255, %dma_wait3A_256] : memref<16x512x32x128xf32, #tpu.memory_space<hbm>> -> memref<1x16x32x128xf32, #tpu.memory_space<hbm>>
    %dma_wait3A_258 = tpu.memref_squeeze %dma_wait3A_257 : memref<1x16x32x128xf32, #tpu.memory_space<hbm>> -> memref<16x32x128xf32, #tpu.memory_space<hbm>>
    tpu.wait_dma2 semaphore(%arg8 : memref<!tpu.dma_semaphore, #tpu.memory_space<semaphore_mem>>) src(%arg7 : memref<16x32x128xf32, #tpu.memory_space<vmem>>) dst(%dma_wait3A_258 : memref<16x32x128xf32, #tpu.memory_space<hbm>>)
    %dma_wait3A_259 = arith.constant 12 : i32
    %dma_wait3A_260 = arith.constant 0 : i32
    %dma_wait3A_261 = arith.constant 0 : i32
    %dma_wait3A_262 = tpu.memref_slice %arg4[%dma_wait3A_259, %mul3A_2, %dma_wait3A_260, %dma_wait3A_261] : memref<16x512x32x128xf32, #tpu.memory_space<hbm>> -> memref<1x16x32x128xf32, #tpu.memory_space<hbm>>
    %dma_wait3A_263 = tpu.memref_squeeze %dma_wait3A_262 : memref<1x16x32x128xf32, #tpu.memory_space<hbm>> -> memref<16x32x128xf32, #tpu.memory_space<hbm>>
    %dma_wait3A_264 = arith.constant 0 : i32
    %dma_wait3A_265 = arith.constant 0 : i32
    %dma_wait3A_266 = tpu.memref_slice %arg4[%dma_wait3A_259, %mul3A_2, %dma_wait3A_264, %dma_wait3A_265] : memref<16x512x32x128xf32, #tpu.memory_space<hbm>> -> memref<1x16x32x128xf32, #tpu.memory_space<hbm>>
    %dma_wait3A_267 = tpu.memref_squeeze %dma_wait3A_266 : memref<1x16x32x128xf32, #tpu.memory_space<hbm>> -> memref<16x32x128xf32, #tpu.memory_space<hbm>>
    tpu.wait_dma2 semaphore(%arg8 : memref<!tpu.dma_semaphore, #tpu.memory_space<semaphore_mem>>) src(%arg7 : memref<16x32x128xf32, #tpu.memory_space<vmem>>) dst(%dma_wait3A_267 : memref<16x32x128xf32, #tpu.memory_space<hbm>>)
    %dma_wait3A_268 = arith.constant 13 : i32
    %dma_wait3A_269 = arith.constant 0 : i32
    %dma_wait3A_270 = arith.constant 0 : i32
    %dma_wait3A_271 = tpu.memref_slice %arg4[%dma_wait3A_268, %mul3A_2, %dma_wait3A_269, %dma_wait3A_270] : memref<16x512x32x128xf32, #tpu.memory_space<hbm>> -> memref<1x16x32x128xf32, #tpu.memory_space<hbm>>
    %dma_wait3A_272 = tpu.memref_squeeze %dma_wait3A_271 : memref<1x16x32x128xf32, #tpu.memory_space<hbm>> -> memref<16x32x128xf32, #tpu.memory_space<hbm>>
    %dma_wait3A_273 = arith.constant 0 : i32
    %dma_wait3A_274 = arith.constant 0 : i32
    %dma_wait3A_275 = tpu.memref_slice %arg4[%dma_wait3A_268, %mul3A_2, %dma_wait3A_273, %dma_wait3A_274] : memref<16x512x32x128xf32, #tpu.memory_space<hbm>> -> memref<1x16x32x128xf32, #tpu.memory_space<hbm>>
    %dma_wait3A_276 = tpu.memref_squeeze %dma_wait3A_275 : memref<1x16x32x128xf32, #tpu.memory_space<hbm>> -> memref<16x32x128xf32, #tpu.memory_space<hbm>>
    tpu.wait_dma2 semaphore(%arg8 : memref<!tpu.dma_semaphore, #tpu.memory_space<semaphore_mem>>) src(%arg7 : memref<16x32x128xf32, #tpu.memory_space<vmem>>) dst(%dma_wait3A_276 : memref<16x32x128xf32, #tpu.memory_space<hbm>>)
    %dma_wait3A_277 = arith.constant 14 : i32
    %dma_wait3A_278 = arith.constant 0 : i32
    %dma_wait3A_279 = arith.constant 0 : i32
    %dma_wait3A_280 = tpu.memref_slice %arg4[%dma_wait3A_277, %mul3A_2, %dma_wait3A_278, %dma_wait3A_279] : memref<16x512x32x128xf32, #tpu.memory_space<hbm>> -> memref<1x16x32x128xf32, #tpu.memory_space<hbm>>
    %dma_wait3A_281 = tpu.memref_squeeze %dma_wait3A_280 : memref<1x16x32x128xf32, #tpu.memory_space<hbm>> -> memref<16x32x128xf32, #tpu.memory_space<hbm>>
    %dma_wait3A_282 = arith.constant 0 : i32
    %dma_wait3A_283 = arith.constant 0 : i32
    %dma_wait3A_284 = tpu.memref_slice %arg4[%dma_wait3A_277, %mul3A_2, %dma_wait3A_282, %dma_wait3A_283] : memref<16x512x32x128xf32, #tpu.memory_space<hbm>> -> memref<1x16x32x128xf32, #tpu.memory_space<hbm>>
    %dma_wait3A_285 = tpu.memref_squeeze %dma_wait3A_284 : memref<1x16x32x128xf32, #tpu.memory_space<hbm>> -> memref<16x32x128xf32, #tpu.memory_space<hbm>>
    tpu.wait_dma2 semaphore(%arg8 : memref<!tpu.dma_semaphore, #tpu.memory_space<semaphore_mem>>) src(%arg7 : memref<16x32x128xf32, #tpu.memory_space<vmem>>) dst(%dma_wait3A_285 : memref<16x32x128xf32, #tpu.memory_space<hbm>>)
    %dma_wait3A_286 = arith.constant 15 : i32
    %dma_wait3A_287 = arith.constant 0 : i32
    %dma_wait3A_288 = arith.constant 0 : i32
    %dma_wait3A_289 = tpu.memref_slice %arg4[%dma_wait3A_286, %mul3A_2, %dma_wait3A_287, %dma_wait3A_288] : memref<16x512x32x128xf32, #tpu.memory_space<hbm>> -> memref<1x16x32x128xf32, #tpu.memory_space<hbm>>
    %dma_wait3A_290 = tpu.memref_squeeze %dma_wait3A_289 : memref<1x16x32x128xf32, #tpu.memory_space<hbm>> -> memref<16x32x128xf32, #tpu.memory_space<hbm>>
    %dma_wait3A_291 = arith.constant 0 : i32
    %dma_wait3A_292 = arith.constant 0 : i32
    %dma_wait3A_293 = tpu.memref_slice %arg4[%dma_wait3A_286, %mul3A_2, %dma_wait3A_291, %dma_wait3A_292] : memref<16x512x32x128xf32, #tpu.memory_space<hbm>> -> memref<1x16x32x128xf32, #tpu.memory_space<hbm>>
    %dma_wait3A_294 = tpu.memref_squeeze %dma_wait3A_293 : memref<1x16x32x128xf32, #tpu.memory_space<hbm>> -> memref<16x32x128xf32, #tpu.memory_space<hbm>>
    tpu.wait_dma2 semaphore(%arg8 : memref<!tpu.dma_semaphore, #tpu.memory_space<semaphore_mem>>) src(%arg7 : memref<16x32x128xf32, #tpu.memory_space<vmem>>) dst(%dma_wait3A_294 : memref<16x32x128xf32, #tpu.memory_space<hbm>>)
    return
  }
}

</mosaic_0001>

<sc_bundles>
// kernel: kernel.3.cloned.1.call-start
scs
__scs_entry_jumppad:
0x0: {  	(pc) =	sbr.rel $0x88, $3  }
0x1: {  	(tag) =	ssettag $0x0;
	lr =	simm.s32 $0x1  }
0x2: {  	[smem:$0x3F9F] =	sst lr;
	_ =	strace $0xD0000000  }
0x3: {  	_ = 	snop  }
0x4: {  	_ = 	snop  }
0x5: {  	_ = 	snop  }
0x6: {  	_ = 	snop  }
0x7: {  	_ = 	snop  }
__scs_overlays_trampoline_lowered:
0x8: {  	[smem:$0x3FAE] =	sst s0  }
0x9: {  	[smem:$0x3FAF] =	sst s1  }
0xa: {  	[smem:$0x3FB0] =	sst s2  }
0xb: {  	[smem:$0x3FB1] =	sst s3  }
0xc: {  	[smem:$0x3FB2] =	sst s4  }
0xd: {  	[smem:$0x3FB3] =	sst s5  }
0xe: {  	[smem:$0x3FB4] =	sst s6  }
0xf: {  	[smem:$0x3FB5] =	sst s7  }
0x10: {  	[smem:$0x3FB6] =	sst s8  }
0x11: {  	[smem:$0x3FB7] =	sst s9;
	s0 =	simm.s32 @!p0 $0x0  }
0x12: {  	s1 =	sld [smem:$0x3F9D];
	s0 =	simm.s32 @p0 $0x1  }
0x13: {  	[smem:$0x3FB8] =	sst s0;
	s0 =	simm.s32 @!p1 $0x0  }
0x14: {  	s2 =	sld [smem:$0x3F9C];
	s0 =	simm.s32 @p1 $0x1  }
0x15: {  	[smem:$0x3FB9] =	sst s0;
	s0 =	simm.s32 @!p2 $0x0  }
0x16: {  	s3 =	sld [smem:$0x3FDB];
	s0 =	simm.s32 @p2 $0x1  }
0x17: {  	s4 =	simm.s32 $0x1BF5;
	[smem:$0x3FBB] =	sst s0  }
0x18: {  	s0 =	sld [smem:$0x3F9E];
	_ =	swait.ge [sflag:s4], $0x0  }
0x19: {  	s7 =	sld [smem:$0x3F9F]  }
0x1a: {  	s8 =	sadd.s32 $0xFFFFE003, lr  }
0x1b: {  	s9 =	sadd.s32 $0xFFFFFEF7, lr;
	s5 =	simm.s32 $0xFFFFFFFF;
	p2 =	slt.u32 s8, $0xFFFFF086  }
0x1c: {  	p1 =	slt.u32 s9, $0xF7A;
	s5 =	simm.s32 @!p2 $0x0  }
0x1d: {  	s5 =	simm.s32 @p1 $0x1;
	p0 =	seq.s32 s7, s2  }
0x1e: {  	s7 =	smul.u32 @!p0 $0xF7A, s2;
	p2 =	seq.s32 @!p0 s5, $0x0  }
0x1f: {  	s9 =	smul.u32 $0xF7A, s1;
	s8 =	simm.s32 @!p0 $0x1BF5;
	p2 =	por !p2, p0  }
0x20: {  	[sflag:s8] =	ssyncset.s32 @!p0 $0xFFFFF086;
	s6 =	sadd.s32 @!p0 s3, s7;
	s7 =	simm.s32 @!p0 $0x108  }
0x21: {  	s3 =	sadd.s32 s3, s9;
	s6 =	sadd.s32 @!p0 $0x88, s6;
	s7 =	simm.s32 @p2 $0x1082  }
0x22: {  	[simem:s7], [sflag:s8] =	dma.local @!p0 [hbm:s6], $0xF7A  }
0x23: {  	s9 =	sor.u32 $0xD0000000, s2;
	s6 =	simm.s32 $0x108;
	_ =	swait.ge @!p0 [sflag:s8], $0x0  }
0x24: {  	s3 =	sadd.s32 $0x88, s3;
	s6 =	simm.s32 @!p1 $0x1082;
	[sflag:s4] =	ssyncset.s32 $0xFFFFF086  }
0x25: {  	[simem:s6], [sflag:s4] =	dma.local [hbm:s3], $0xF7A  }
0x26: {  	[smem:$0x3F9F] =	sst s1;
	(tag) =	ssettag s2;
	_ =	strace s9  }
0x27: {  	s1 =	sld [smem:$0x3FAF]  }
0x28: {  	s2 =	sld [smem:$0x3FB0]  }
0x29: {  	s4 =	sld [smem:$0x3FB2]  }
0x2a: {  	p0 =	seq.s32 s5, $0x0;
	s5 =	sld [smem:$0x3FB3]  }
0x2b: {  	s6 =	sld [smem:$0x3FB4]  }
0x2c: {  	s7 =	sld [smem:$0x3FB5]  }
0x2d: {  	s3 =	simm.s32 $0x108;
	s8 =	sld [smem:$0x3FB6]  }
0x2e: {  	s3 =	simm.s32 @!p0 $0x1082;
	s9 =	sld [smem:$0x3FB7]  }
0x2f: {  	lr =	sadd.s32 s0, s3;
	s0 =	sld [smem:$0x3FAE]  }
0x30: {  	s3 =	sld [smem:$0x3FB1]  }
0x31: {  	[smem:$0x3FBA] =	sst s10  }
0x32: {  	s10 =	sld [smem:$0x3FB8];
	_ =	sdelay $0x3  }
0x33: {  	p0 =	seq.s32 s10, $0x1;
	s10 =	sld [smem:$0x3FBA];
	_ =	sdelay $0x3  }
0x34: {  	[smem:$0x3FBA] =	sst s10  }
0x35: {  	s10 =	sld [smem:$0x3FB9];
	_ =	sdelay $0x3  }
0x36: {  	p1 =	seq.s32 s10, $0x1;
	s10 =	sld [smem:$0x3FBA];
	_ =	sdelay $0x3  }
0x37: {  	[smem:$0x3FBA] =	sst s10  }
0x38: {  	s10 =	sld [smem:$0x3FBB]  }
0x39: {  	_ = 	snop;
	(pc) =	sbr.ind lr, $3  }
0x3a: {  	_ = 	snop  }
0x3b: {  	_ = 	snop  }
0x3c: {  	p2 =	seq.s32 s10, $0x1;
	s10 =	sld [smem:$0x3FBA]  }
0x3d: {  	_ =	shalt  }
0x3e: {  	_ =	shalt  }
0x3f: {  	_ =	shalt  }
0x40: {  	_ =	shalt  }
0x41: {  	_ =	shalt  }
0x42: {  	_ =	shalt  }
0x43: {  	_ =	shalt  }
0x44: {  	_ =	shalt  }
0x45: {  	_ =	shalt  }
0x46: {  	_ =	shalt  }
0x47: {  	_ =	shalt  }
0x48: {  	_ =	shalt  }
0x49: {  	_ =	shalt  }
0x4a: {  	_ =	shalt  }
0x4b: {  	_ =	shalt  }
0x4c: {  	_ =	shalt  }
0x4d: {  	_ =	shalt  }
0x4e: {  	_ =	shalt  }
0x4f: {  	_ =	shalt  }
0x50: {  	_ =	shalt  }
0x51: {  	_ =	shalt  }
0x52: {  	_ =	shalt  }
0x53: {  	_ =	shalt  }
0x54: {  	_ =	shalt  }
0x55: {  	_ =	shalt  }
0x56: {  	_ =	shalt  }
0x57: {  	_ =	shalt  }
0x58: {  	_ =	shalt  }
0x59: {  	_ =	shalt  }
0x5a: {  	_ =	shalt  }
0x5b: {  	_ =	shalt  }
0x5c: {  	_ =	shalt  }
0x5d: {  	_ =	shalt  }
0x5e: {  	_ =	shalt  }
0x5f: {  	_ =	shalt  }
0x60: {  	_ =	shalt  }
0x61: {  	_ =	shalt  }
0x62: {  	_ =	shalt  }
0x63: {  	_ =	shalt  }
0x64: {  	_ =	shalt  }
0x65: {  	_ =	shalt  }
0x66: {  	_ =	shalt  }
0x67: {  	_ =	shalt  }
0x68: {  	_ =	shalt  }
0x69: {  	_ =	shalt  }
0x6a: {  	_ =	shalt  }
0x6b: {  	_ =	shalt  }
0x6c: {  	_ =	shalt  }
0x6d: {  	_ =	shalt  }
0x6e: {  	_ =	shalt  }
0x6f: {  	_ =	shalt  }
0x70: {  	_ =	shalt  }
0x71: {  	_ =	shalt  }
0x72: {  	_ =	shalt  }
0x73: {  	_ =	shalt  }
0x74: {  	_ =	shalt  }
0x75: {  	_ =	shalt  }
0x76: {  	_ =	shalt  }
0x77: {  	_ =	shalt  }
0x78: {  	_ =	shalt  }
0x79: {  	_ =	shalt  }
0x7a: {  	_ =	shalt  }
0x7b: {  	_ =	shalt  }
0x7c: {  	_ =	shalt  }
0x7d: {  	_ =	shalt  }
0x7e: {  	_ =	shalt  }
0x7f: {  	_ =	shalt  }
0x80: {  	_ =	shalt  }
0x81: {  	_ =	shalt  }
0x82: {  	_ =	shalt  }
0x83: {  	_ =	shalt  }
0x84: {  	_ =	shalt  }
0x85: {  	_ =	shalt  }
0x86: {  	_ =	shalt  }
0x87: {  	_ =	shalt  }
.Lfunc_end0:
.L_simem_size_0:
called_computation_lowered:
.L_overlay_start_0:
0x88: {  	s2 =	sld [smem:$0x3FD9]  }
0x89: {  	s3 =	sld [smem:$0x3FFE];
	_ =	sdelay $0x1  }
0x8a: {  	s1 =	srdreg.scid  }
0x8b: {  	s0 =	sand.u32 $0x1, s1  }
0x8c: {  	s17 =	sshll.u32 s0, $0xA;
	s2 =	sadd.s32 s3, s2  }
0x8d: {  	s2 =	sadd.s32 s2, s17  }
0x8e: {  	[smem:$0x3FC6] =	sst s2  }
0x8f: {  	_ = 	snop  }
0x90: {  	s2 =	sld [smem:$0x3FD0];
	(tm) =	ssettm $0x1  }
0x91: {  	s18 =	sld [smem:$0x3FFB];
	_ =	sdelay $0x3  }
0x92: {  	_ =	strace s18  }
0x93: {  	s3 =	sld [smem:$0x3FFC];
	_ =	sdelay $0x3  }
0x94: {  	_ =	strace s3  }
0x95: {  	s3 =	sld [smem:$0x3FFD];
	_ =	sdelay $0x3  }
0x96: {  	_ =	strace s3  }
0x97: {  	_ =	strace $0x8FFFFFFF  }
0x98: {  	s19 =	sld [smem:$0x3FDB];
	_ =	sdelay $0x1  }
0x99: {  	s4 =	simm.s32 $_scs_section_size  }
0x9a: {  	s5 =	simm.s32 $_size__tile_overlayer_lowered;
	s6 =	simm.s32 $_tile_overlayer_lowered  }
0x9b: {  	s22 =	simm.s32 $0x1BFF;
	s21 =	sshll.u32 s6, $0x1;
	s3 =	sadd.s32 s4, s19  }
0x9c: {  	s7 =	simm.s32 $0x0;
	s20 =	sshll.u32 s5, $0x1;
	s5 =	sadd.s32 s21, s3  }
0x9d: {  	[timem:s7], [sflag:s22] =	dma.local [hbm:s5], s20  }
0x9e: {  	_ =	swait.ge [sflag:s22], s20  }
0x9f: {  	s4 =	ssub.s32 $0x0, s20;
	[sflag:s22] =	ssyncset.done $0x0  }
0xa0: {  	[sflag:s22] =	ssyncadd.s32 s4;
	_ =	sdelay $0x1  }
0xa1: {  	s23 =	simm.s32 $0x1B8B  }
0xa2: {  	_ =	swait.ge [sflag:s23], $0x1  }
0xa3: {  	[sflag:s23] =	ssyncset.done $0x0  }
0xa4: {  	s25 =	simm.s32 $0x1B8E;
	s24 =	sld [smem:$0x3FFE];
	[sflag:s23] =	ssyncadd.s32 $0xFFFFFFFF  }
0xa5: {  	s26 =	simm.s32 $execute0_lowered;
	[smem:$0x3FD2] =	sst s25  }
0xa6: {  	s5 =	sshll.u32 s26, $0x1;
	_ =	strace $0x80000046;
	[dreg:$0x1] =	wrdreg $0xFFFFFFFF  }
0xa7: {  	s28 =	simm.s32 $_size_execute0_lowered;
	s3 =	sadd.s32 s3, s5;
	[dreg:$0x0] =	wrdreg $0x0  }
0xa8: {  	s5 =	sshll.u32 s28, $0x1;
	[dreg:$0x2] =	wrdreg s3  }
0xa9: {  	[dreg:$0x3] =	wrdreg s5  }
0xaa: {  	[dreg:$0x4] =	wrdreg $0xC0  }
0xab: {  	_ =	task [dreg:s7], $0x5FFFF  }
0xac: {  	[dreg:$0x1] =	wrdreg $0xFFFFFFFF  }
0xad: {  	[dreg:$0x0] =	wrdreg $0x60  }
0xae: {  	[dreg:$0x2] =	wrdreg s24  }
0xaf: {  	[dreg:$0x3] =	wrdreg s2  }
0xb0: {  	[dreg:$0x4] =	wrdreg $0x9  }
0xb1: {  	_ =	task.clear_ibuf [dreg:s7], $0x5FFFF;
	_ =	strace $0x90000046  }
0xb2: {  	s29 =	simm.s32 $0x9;
	_ =	strace $0x80000048  }
0xb3: {  	_ =	swait.ge [sflag:s29], $0x1  }
0xb4: {  	[sflag:s29] =	ssyncadd.s32 $0xFFFFFFFF  }
0xb5: {  	_ =	strace $0x90000048  }
0xb6: {  	_ =	sfence  }
0xb7: {  	s30 =	sld [smem:$0x0];
	_ =	sdelay $0x2  }
0xb8: {  	s31 =	sshll.u32 s1, $0xD;
	s1 =	sshrl.u32 s1, $0x2  }
0xb9: {  	s3 =	sand.u32 $0x4000, s31;
	s1 =	sadd.s32 s1, s30  }
0xba: {  	s0 =	sor.u32 s3, s0;
	s1 =	sshll.u32 s1, $0x11  }
0xbb: {  	s0 =	sor.u32 s1, s0  }
0xbc: {  	s0 =	sadd.s32 $0x8F2B, s0  }
0xbd: {  	[sflag:s0] =	ssyncadd.remote.s32 $0x1  }
0xbe: {  	_ =	sfence.sel $0xFFFF  }
0xbf: {  	[dreg:$0x0] =	wrdreg $0xFFFFFFFF;
	(pc) =	sbr.abs _section_cstart, $3  }
0xc0: {  	[dreg:$0x1] =	wrdreg $0xFFFFFFFF  }
0xc1: {  	_ =	task.clear_ibuf [dreg:s7], $0x2FFFF;
	_ =	strace $0x9FFFFFFF  }
0xc2: {  	(tm) =	ssettm $0x7FFFFFFF  }
0xc3: {  	_ =	shalt  }
tec
execute0_lowered:
.L_overlay_start_1:
0x0: {  	(tag) =	ssettag $0x1  }
0x1: {  	s0 =	rddreg [dreg:$0x0]  }
0x2: {  	s1 =	rddreg [dreg:$0x1];
	s2 =	srdreg.scid  }
0x3: {  	s22 =	stileid.u32;
	s23 =	simm.s32 $0x4800;
	s24 =	simm.s32 $0x1  }
0x4: {  	s26 =	simm.s32 $0x0;
	s3 =	sand.u32 $0x1, s2;
	s2 =	simm.s32 $0x0  }
0x5: {  	s4 =	sshll.u32 s22, $0x5;
	p0 =	sgt.u32 s22, $0x7;
	s5 =	sshll.u32 s3, $0x4  }
0x6: {  	s22 =	simm.s32 $0x2;
	[smem:$0x7FF] =	sst s2;
	s4 =	sor.u32 s5, s4  }
0x7: {  	s9 =	ssub.s32 $0x2, s3;
	_ =	strace $0x80000047;
	s5 =	sshll.u32 s4, $0x4  }
0x8: {  	s6 =	sshll.u32 s4, $0x9;
	s4 =	sshll.u32 s4, $0xA;
	s5 =	sadd.s32 s5, s0  }
0x9: {  	s0 =	sadd.s32 s6, s0;
	s11 =	sadd.s32 $0xFFFC0000, s4;
	s31 =	sadd.s32 $0x400, s5  }
0xa: {  	s4 =	sadd.s32 $0x41400, s0;
	s5 =	sadd.s32 $0x81400, s0;
	s6 =	sadd.s32 $0xC1400, s0  }
0xb: {  	s10 =	sshrl.u32 s9, $0x1;
	s7 =	sadd.s32 $0x101400, s0;
	s8 =	sadd.s32 $0x141400, s0  }
0xc: {  	s21 =	ssub.s32 s9, s10;
	s9 =	sadd.s32 $0x181400, s0;
	s10 =	sadd.s32 $0x1C1400, s0  }
.Ltmp0:
0xd: {  	s13 =	sshrl.u32 s11, $0x3;
	s11 =	sadd.s32 $0x201400, s0;
	(pc) =	sbr.rel .LBB2_1-.Ltmp0, $4  }
0xe: {  	s21 =	smax.u32 s21, $0x1;
	s12 =	sadd.s32 $0x241400, s0;
	s14 =	sadd.s32 $0x281400, s0  }
0xf: {  	s15 =	sadd.s32 $0x2C1400, s0;
	s16 =	sadd.s32 $0x1400, s0;
	s17 =	sadd.s32 $0x301400, s0  }
0x10: {  	s18 =	sadd.s32 $0x341400, s0;
	[dreg:$0x3] =	wrdreg s31;
	s1 =	sadd.s32 s1, s13  }
0x11: {  	s19 =	sadd.s32 $0x381400, s0;
	s20 =	sadd.s32 $0x3C1400, s0;
	[dreg:$0x4] =	wrdreg s1  }
.LBB2_67:
0x12: {  	[tilespmem:s30+$0x13840] =	vst v0  }
0x13: {  	[tilespmem:s30+$0x13870] =	vst v0  }
0x14: {  	[tilespmem:s30+$0x13860] =	vst v0  }
0x15: {  	[tilespmem:s30+$0x13850] =	vst v0  }
.LBB2_68:
0x16: {  	[hbm4b:s16+s2] =	stream.linear.scatter [tilespmem:s23], [sflag:$0x1], $0x10000, $0x38;
	[tilespmem:$0x14800] =	vst v63  }
0x17: {  	_ = 	snop  }
0x18: {  	[hbm4b:s4+s2] =	stream.linear.scatter [tilespmem:s23], [sflag:$0x1], $0x10000, $0x38;
	[tilespmem:$0x14800] =	vst v63  }
0x19: {  	_ = 	snop  }
0x1a: {  	[hbm4b:s5+s2] =	stream.linear.scatter [tilespmem:s23], [sflag:$0x1], $0x10000, $0x38;
	[tilespmem:$0x14800] =	vst v63  }
0x1b: {  	_ = 	snop  }
0x1c: {  	[hbm4b:s6+s2] =	stream.linear.scatter [tilespmem:s23], [sflag:$0x1], $0x10000, $0x38;
	[tilespmem:$0x14800] =	vst v63  }
0x1d: {  	_ = 	snop  }
0x1e: {  	[hbm4b:s7+s2] =	stream.linear.scatter [tilespmem:s23], [sflag:$0x1], $0x10000, $0x38;
	[tilespmem:$0x14800] =	vst v63  }
0x1f: {  	_ = 	snop  }
0x20: {  	[hbm4b:s8+s2] =	stream.linear.scatter [tilespmem:s23], [sflag:$0x1], $0x10000, $0x38;
	[tilespmem:$0x14800] =	vst v63  }
0x21: {  	_ = 	snop  }
0x22: {  	[hbm4b:s9+s2] =	stream.linear.scatter [tilespmem:s23], [sflag:$0x1], $0x10000, $0x38;
	[tilespmem:$0x14800] =	vst v63  }
0x23: {  	_ = 	snop  }
0x24: {  	[hbm4b:s10+s2] =	stream.linear.scatter [tilespmem:s23], [sflag:$0x1], $0x10000, $0x38;
	[tilespmem:$0x14800] =	vst v63  }
0x25: {  	_ = 	snop  }
0x26: {  	[hbm4b:s11+s2] =	stream.linear.scatter [tilespmem:s23], [sflag:$0x1], $0x10000, $0x38;
	[tilespmem:$0x14800] =	vst v63  }
0x27: {  	_ = 	snop  }
0x28: {  	[hbm4b:s12+s2] =	stream.linear.scatter [tilespmem:s23], [sflag:$0x1], $0x10000, $0x38;
	[tilespmem:$0x14800] =	vst v63  }
0x29: {  	_ = 	snop  }
0x2a: {  	[hbm4b:s14+s2] =	stream.linear.scatter [tilespmem:s23], [sflag:$0x1], $0x10000, $0x38;
	[tilespmem:$0x14800] =	vst v63  }
0x2b: {  	_ = 	snop  }
0x2c: {  	[hbm4b:s15+s2] =	stream.linear.scatter [tilespmem:s23], [sflag:$0x1], $0x10000, $0x38;
	[tilespmem:$0x14800] =	vst v63  }
0x2d: {  	_ = 	snop  }
0x2e: {  	[hbm4b:s17+s2] =	stream.linear.scatter [tilespmem:s23], [sflag:$0x1], $0x10000, $0x38;
	[tilespmem:$0x14800] =	vst v63  }
0x2f: {  	_ = 	snop  }
0x30: {  	[hbm4b:s18+s2] =	stream.linear.scatter [tilespmem:s23], [sflag:$0x1], $0x10000, $0x38;
	[tilespmem:$0x14800] =	vst v63  }
0x31: {  	_ = 	snop  }
0x32: {  	[hbm4b:s19+s2] =	stream.linear.scatter [tilespmem:s23], [sflag:$0x1], $0x10000, $0x38;
	[tilespmem:$0x14800] =	vst v63  }
0x33: {  	_ = 	snop  }
0x34: {  	[hbm4b:s20+s2] =	stream.linear.scatter [tilespmem:s23], [sflag:$0x1], $0x10000, $0x38;
	[tilespmem:$0x14800] =	vst v63  }
0x35: {  	_ =	swait.ge [sflag:s24], $0x10000  }
0x36: {  	[sflag:s24] =	ssyncset.done $0x0  }
0x37: {  	[sflag:s24] =	ssyncadd.s32 $0xFFFF0000  }
0x38: {  	_ =	swait.ge [sflag:s24], $0x10000  }
0x39: {  	[sflag:s24] =	ssyncset.done $0x0  }
0x3a: {  	[sflag:s24] =	ssyncadd.s32 $0xFFFF0000  }
0x3b: {  	_ =	swait.ge [sflag:s24], $0x10000  }
0x3c: {  	[sflag:s24] =	ssyncset.done $0x0  }
0x3d: {  	[sflag:s24] =	ssyncadd.s32 $0xFFFF0000  }
0x3e: {  	_ =	swait.ge [sflag:s24], $0x10000  }
0x3f: {  	[sflag:s24] =	ssyncset.done $0x0  }
0x40: {  	[sflag:s24] =	ssyncadd.s32 $0xFFFF0000  }
0x41: {  	_ =	swait.ge [sflag:s24], $0x10000  }
0x42: {  	[sflag:s24] =	ssyncset.done $0x0  }
0x43: {  	[sflag:s24] =	ssyncadd.s32 $0xFFFF0000  }
0x44: {  	_ =	swait.ge [sflag:s24], $0x10000  }
0x45: {  	[sflag:s24] =	ssyncset.done $0x0  }
0x46: {  	[sflag:s24] =	ssyncadd.s32 $0xFFFF0000  }
0x47: {  	_ =	swait.ge [sflag:s24], $0x10000  }
0x48: {  	[sflag:s24] =	ssyncset.done $0x0  }
0x49: {  	[sflag:s24] =	ssyncadd.s32 $0xFFFF0000  }
0x4a: {  	_ =	swait.ge [sflag:s24], $0x10000  }
0x4b: {  	[sflag:s24] =	ssyncset.done $0x0  }
0x4c: {  	[sflag:s24] =	ssyncadd.s32 $0xFFFF0000  }
0x4d: {  	_ =	swait.ge [sflag:s24], $0x10000  }
0x4e: {  	[sflag:s24] =	ssyncset.done $0x0  }
0x4f: {  	[sflag:s24] =	ssyncadd.s32 $0xFFFF0000  }
0x50: {  	_ =	swait.ge [sflag:s24], $0x10000  }
0x51: {  	[sflag:s24] =	ssyncset.done $0x0  }
0x52: {  	[sflag:s24] =	ssyncadd.s32 $0xFFFF0000  }
0x53: {  	_ =	swait.ge [sflag:s24], $0x10000  }
0x54: {  	[sflag:s24] =	ssyncset.done $0x0  }
0x55: {  	[sflag:s24] =	ssyncadd.s32 $0xFFFF0000  }
0x56: {  	_ =	swait.ge [sflag:s24], $0x10000  }
0x57: {  	[sflag:s24] =	ssyncset.done $0x0  }
0x58: {  	[sflag:s24] =	ssyncadd.s32 $0xFFFF0000  }
0x59: {  	_ =	swait.ge [sflag:s24], $0x10000  }
0x5a: {  	[sflag:s24] =	ssyncset.done $0x0  }
0x5b: {  	[sflag:s24] =	ssyncadd.s32 $0xFFFF0000  }
0x5c: {  	_ =	swait.ge [sflag:s24], $0x10000  }
0x5d: {  	[sflag:s24] =	ssyncset.done $0x0  }
0x5e: {  	s26 =	sadd.s32 $0x1, s26;
	[sflag:s24] =	ssyncadd.s32 $0xFFFF0000  }
0x5f: {  	p1 =	sne.s32 s26, s21;
	_ =	swait.ge [sflag:s24], $0x10000  }
.Ltmp1:
0x60: {  	[sflag:s24] =	ssyncset.done $0x0;
	(pc) =	sbr.rel @!p1 .LBB2_69-.Ltmp1, $4  }
0x61: {  	[sflag:s24] =	ssyncadd.s32 $0xFFFF0000  }
0x62: {  	_ =	swait.ge [sflag:s24], $0x10000  }
0x63: {  	[sflag:s24] =	ssyncset.done $0x0  }
0x64: {  	[sflag:s24] =	ssyncadd.s32 $0xFFFF0000  }
.LBB2_1:
.Ltmp2:
0x65: {  	(pc) =	sbr.rel @p0 .LBB2_35-.Ltmp2, $1  }
0x66: {  	_ =	sdelay $0x3  }
0x67: {  	s0 =	simm.s32 $0x0;
	s1 =	rddreg [dreg:$0x3]  }
0x68: {  	[tilespmem:s0], [sflag:$0x2] =	stream.linear.gather [hbm4b:s1+s0], $0x800, $0x38;
	[tilespmem:$0x14800] =	vst v63  }
0x69: {  	_ =	swait.ge [sflag:s22], $0x800  }
0x6a: {  	[sflag:s22] =	ssyncset.done $0x0  }
0x6b: {  	[sflag:s22] =	ssyncadd.s32 $0xFFFFF800  }
0x6c: {  	v0 =	vld [tilespmem:$0x0]  }
0x6d: {  	v1 =	vld [tilespmem:$0x10]  }
0x6e: {  	v2 =	vld [tilespmem:$0x20]  }
0x6f: {  	v7 =	vld [tilespmem:$0x70]  }
0x70: {  	v3 =	vld [tilespmem:$0x30]  }
0x71: {  	v4 =	vld [tilespmem:$0x40]  }
0x72: {  	v5 =	vld [tilespmem:$0x50]  }
0x73: {  	s0 =	simm.s32 $0x0;
	s1 =	simm.s32 $0x200;
	v6 =	vld [tilespmem:$0x60]  }
.LBB2_3:
0x74: {  	p1 =	sne.s32 s1, $0x3E00;
	[tilespmem:s0+$0x4870] =	vst v7  }
0x75: {  	[tilespmem:s0+$0x4800] =	vst v0  }
0x76: {  	[tilespmem:s0+$0x4810] =	vst v1  }
.Ltmp3:
0x77: {  	[tilespmem:s0+$0x4820] =	vst v2;
	(pc) =	sbr.rel @p1 .LBB2_3-.Ltmp3, $4  }
0x78: {  	[tilespmem:s0+$0x4830] =	vst v3  }
0x79: {  	[tilespmem:s0+$0x4840] =	vst v4  }
0x7a: {  	[tilespmem:s0+$0x4850] =	vst v5  }
0x7b: {  	[tilespmem:s0+$0x4860] =	vst v6;
	s0 =	sshra.s32 s1, $0x2;
	s1 =	sadd.s32 $0x200, s1  }
0x7c: {  	[tilespmem:s0+$0x4870] =	vst v7  }
0x7d: {  	[tilespmem:s0+$0x4800] =	vst v0  }
0x7e: {  	[tilespmem:s0+$0x4810] =	vst v1  }
0x7f: {  	[tilespmem:s0+$0x4820] =	vst v2  }
0x80: {  	[tilespmem:s0+$0x4830] =	vst v3  }
0x81: {  	[tilespmem:s0+$0x4840] =	vst v4  }
0x82: {  	[tilespmem:s0+$0x4850] =	vst v5  }
0x83: {  	[tilespmem:s0+$0x4860] =	vst v6  }
0x84: {  	v0 =	vld [tilespmem:$0x80]  }
0x85: {  	v1 =	vld [tilespmem:$0x90]  }
0x86: {  	v2 =	vld [tilespmem:$0xA0]  }
0x87: {  	v7 =	vld [tilespmem:$0xF0]  }
0x88: {  	v3 =	vld [tilespmem:$0xB0]  }
0x89: {  	v4 =	vld [tilespmem:$0xC0]  }
0x8a: {  	v5 =	vld [tilespmem:$0xD0]  }
0x8b: {  	s0 =	simm.s32 $0x0;
	s1 =	simm.s32 $0x200;
	v6 =	vld [tilespmem:$0xE0]  }
.LBB2_5:
0x8c: {  	p1 =	sne.s32 s1, $0x3E00;
	[tilespmem:s0+$0x5870] =	vst v7  }
0x8d: {  	[tilespmem:s0+$0x5800] =	vst v0  }
0x8e: {  	[tilespmem:s0+$0x5810] =	vst v1  }
.Ltmp4:
0x8f: {  	[tilespmem:s0+$0x5820] =	vst v2;
	(pc) =	sbr.rel @p1 .LBB2_5-.Ltmp4, $4  }
0x90: {  	[tilespmem:s0+$0x5830] =	vst v3  }
0x91: {  	[tilespmem:s0+$0x5840] =	vst v4  }
0x92: {  	[tilespmem:s0+$0x5850] =	vst v5  }
0x93: {  	[tilespmem:s0+$0x5860] =	vst v6;
	s0 =	sshra.s32 s1, $0x2;
	s1 =	sadd.s32 $0x200, s1  }
0x94: {  	[tilespmem:s0+$0x5870] =	vst v7  }
0x95: {  	[tilespmem:s0+$0x5800] =	vst v0  }
0x96: {  	[tilespmem:s0+$0x5810] =	vst v1  }
0x97: {  	[tilespmem:s0+$0x5820] =	vst v2  }
0x98: {  	[tilespmem:s0+$0x5830] =	vst v3  }
0x99: {  	[tilespmem:s0+$0x5840] =	vst v4  }
0x9a: {  	[tilespmem:s0+$0x5850] =	vst v5  }
0x9b: {  	[tilespmem:s0+$0x5860] =	vst v6  }
0x9c: {  	v0 =	vld [tilespmem:$0x100]  }
0x9d: {  	v1 =	vld [tilespmem:$0x110]  }
0x9e: {  	v2 =	vld [tilespmem:$0x120]  }
0x9f: {  	v7 =	vld [tilespmem:$0x170]  }
0xa0: {  	v3 =	vld [tilespmem:$0x130]  }
0xa1: {  	v4 =	vld [tilespmem:$0x140]  }
0xa2: {  	v5 =	vld [tilespmem:$0x150]  }
0xa3: {  	s0 =	simm.s32 $0x0;
	s1 =	simm.s32 $0x200;
	v6 =	vld [tilespmem:$0x160]  }
.LBB2_7:
0xa4: {  	p1 =	sne.s32 s1, $0x3E00;
	[tilespmem:s0+$0x6870] =	vst v7  }
0xa5: {  	[tilespmem:s0+$0x6800] =	vst v0  }
0xa6: {  	[tilespmem:s0+$0x6810] =	vst v1  }
.Ltmp5:
0xa7: {  	[tilespmem:s0+$0x6820] =	vst v2;
	(pc) =	sbr.rel @p1 .LBB2_7-.Ltmp5, $4  }
0xa8: {  	[tilespmem:s0+$0x6830] =	vst v3  }
0xa9: {  	[tilespmem:s0+$0x6840] =	vst v4  }
0xaa: {  	[tilespmem:s0+$0x6850] =	vst v5  }
0xab: {  	[tilespmem:s0+$0x6860] =	vst v6;
	s0 =	sshra.s32 s1, $0x2;
	s1 =	sadd.s32 $0x200, s1  }
0xac: {  	[tilespmem:s0+$0x6870] =	vst v7  }
0xad: {  	[tilespmem:s0+$0x6800] =	vst v0  }
0xae: {  	[tilespmem:s0+$0x6810] =	vst v1  }
0xaf: {  	[tilespmem:s0+$0x6820] =	vst v2  }
0xb0: {  	[tilespmem:s0+$0x6830] =	vst v3  }
0xb1: {  	[tilespmem:s0+$0x6840] =	vst v4  }
0xb2: {  	[tilespmem:s0+$0x6850] =	vst v5  }
0xb3: {  	[tilespmem:s0+$0x6860] =	vst v6  }
0xb4: {  	v0 =	vld [tilespmem:$0x180]  }
0xb5: {  	v1 =	vld [tilespmem:$0x190]  }
0xb6: {  	v2 =	vld [tilespmem:$0x1A0]  }
0xb7: {  	v7 =	vld [tilespmem:$0x1F0]  }
0xb8: {  	v3 =	vld [tilespmem:$0x1B0]  }
0xb9: {  	v4 =	vld [tilespmem:$0x1C0]  }
0xba: {  	v5 =	vld [tilespmem:$0x1D0]  }
0xbb: {  	s0 =	simm.s32 $0x0;
	s1 =	simm.s32 $0x200;
	v6 =	vld [tilespmem:$0x1E0]  }
.LBB2_9:
0xbc: {  	p1 =	sne.s32 s1, $0x3E00;
	[tilespmem:s0+$0x7870] =	vst v7  }
0xbd: {  	[tilespmem:s0+$0x7800] =	vst v0  }
0xbe: {  	[tilespmem:s0+$0x7810] =	vst v1  }
.Ltmp6:
0xbf: {  	[tilespmem:s0+$0x7820] =	vst v2;
	(pc) =	sbr.rel @p1 .LBB2_9-.Ltmp6, $4  }
0xc0: {  	[tilespmem:s0+$0x7830] =	vst v3  }
0xc1: {  	[tilespmem:s0+$0x7840] =	vst v4  }
0xc2: {  	[tilespmem:s0+$0x7850] =	vst v5  }
0xc3: {  	[tilespmem:s0+$0x7860] =	vst v6;
	s0 =	sshra.s32 s1, $0x2;
	s1 =	sadd.s32 $0x200, s1  }
0xc4: {  	[tilespmem:s0+$0x7870] =	vst v7  }
0xc5: {  	[tilespmem:s0+$0x7800] =	vst v0  }
0xc6: {  	[tilespmem:s0+$0x7810] =	vst v1  }
0xc7: {  	[tilespmem:s0+$0x7820] =	vst v2  }
0xc8: {  	[tilespmem:s0+$0x7830] =	vst v3  }
0xc9: {  	[tilespmem:s0+$0x7840] =	vst v4  }
0xca: {  	[tilespmem:s0+$0x7850] =	vst v5  }
0xcb: {  	[tilespmem:s0+$0x7860] =	vst v6  }
0xcc: {  	v0 =	vld [tilespmem:$0x200]  }
0xcd: {  	v1 =	vld [tilespmem:$0x210]  }
0xce: {  	v2 =	vld [tilespmem:$0x220]  }
0xcf: {  	v7 =	vld [tilespmem:$0x270]  }
0xd0: {  	v3 =	vld [tilespmem:$0x230]  }
0xd1: {  	v4 =	vld [tilespmem:$0x240]  }
0xd2: {  	v5 =	vld [tilespmem:$0x250]  }
0xd3: {  	s0 =	simm.s32 $0x0;
	s1 =	simm.s32 $0x200;
	v6 =	vld [tilespmem:$0x260]  }
.LBB2_11:
0xd4: {  	p1 =	sne.s32 s1, $0x3E00;
	[tilespmem:s0+$0x8870] =	vst v7  }
0xd5: {  	[tilespmem:s0+$0x8800] =	vst v0  }
0xd6: {  	[tilespmem:s0+$0x8810] =	vst v1  }
.Ltmp7:
0xd7: {  	[tilespmem:s0+$0x8820] =	vst v2;
	(pc) =	sbr.rel @p1 .LBB2_11-.Ltmp7, $4  }
0xd8: {  	[tilespmem:s0+$0x8830] =	vst v3  }
0xd9: {  	[tilespmem:s0+$0x8840] =	vst v4  }
0xda: {  	[tilespmem:s0+$0x8850] =	vst v5  }
0xdb: {  	[tilespmem:s0+$0x8860] =	vst v6;
	s0 =	sshra.s32 s1, $0x2;
	s1 =	sadd.s32 $0x200, s1  }
0xdc: {  	[tilespmem:s0+$0x8870] =	vst v7  }
0xdd: {  	[tilespmem:s0+$0x8800] =	vst v0  }
0xde: {  	[tilespmem:s0+$0x8810] =	vst v1  }
0xdf: {  	[tilespmem:s0+$0x8820] =	vst v2  }
0xe0: {  	[tilespmem:s0+$0x8830] =	vst v3  }
0xe1: {  	[tilespmem:s0+$0x8840] =	vst v4  }
0xe2: {  	[tilespmem:s0+$0x8850] =	vst v5  }
0xe3: {  	[tilespmem:s0+$0x8860] =	vst v6  }
0xe4: {  	v0 =	vld [tilespmem:$0x280]  }
0xe5: {  	v1 =	vld [tilespmem:$0x290]  }
0xe6: {  	v2 =	vld [tilespmem:$0x2A0]  }
0xe7: {  	v7 =	vld [tilespmem:$0x2F0]  }
0xe8: {  	v3 =	vld [tilespmem:$0x2B0]  }
0xe9: {  	v4 =	vld [tilespmem:$0x2C0]  }
0xea: {  	v5 =	vld [tilespmem:$0x2D0]  }
0xeb: {  	s0 =	simm.s32 $0x0;
	s1 =	simm.s32 $0x200;
	v6 =	vld [tilespmem:$0x2E0]  }
.LBB2_13:
0xec: {  	p1 =	sne.s32 s1, $0x3E00;
	[tilespmem:s0+$0x9870] =	vst v7  }
0xed: {  	[tilespmem:s0+$0x9800] =	vst v0  }
0xee: {  	[tilespmem:s0+$0x9810] =	vst v1  }
.Ltmp8:
0xef: {  	[tilespmem:s0+$0x9820] =	vst v2;
	(pc) =	sbr.rel @p1 .LBB2_13-.Ltmp8, $4  }
0xf0: {  	[tilespmem:s0+$0x9830] =	vst v3  }
0xf1: {  	[tilespmem:s0+$0x9840] =	vst v4  }
0xf2: {  	[tilespmem:s0+$0x9850] =	vst v5  }
0xf3: {  	[tilespmem:s0+$0x9860] =	vst v6;
	s0 =	sshra.s32 s1, $0x2;
	s1 =	sadd.s32 $0x200, s1  }
0xf4: {  	[tilespmem:s0+$0x9870] =	vst v7  }
0xf5: {  	[tilespmem:s0+$0x9800] =	vst v0  }
0xf6: {  	[tilespmem:s0+$0x9810] =	vst v1  }
0xf7: {  	[tilespmem:s0+$0x9820] =	vst v2  }
0xf8: {  	[tilespmem:s0+$0x9830] =	vst v3  }
0xf9: {  	[tilespmem:s0+$0x9840] =	vst v4  }
0xfa: {  	[tilespmem:s0+$0x9850] =	vst v5  }
0xfb: {  	[tilespmem:s0+$0x9860] =	vst v6  }
0xfc: {  	v0 =	vld [tilespmem:$0x300]  }
0xfd: {  	v1 =	vld [tilespmem:$0x310]  }
0xfe: {  	v2 =	vld [tilespmem:$0x320]  }
0xff: {  	v7 =	vld [tilespmem:$0x370]  }
0x100: {  	v3 =	vld [tilespmem:$0x330]  }
0x101: {  	v4 =	vld [tilespmem:$0x340]  }
0x102: {  	v5 =	vld [tilespmem:$0x350]  }
0x103: {  	s0 =	simm.s32 $0x0;
	s1 =	simm.s32 $0x200;
	v6 =	vld [tilespmem:$0x360]  }
.LBB2_15:
0x104: {  	p1 =	sne.s32 s1, $0x3E00;
	[tilespmem:s0+$0xA870] =	vst v7  }
0x105: {  	[tilespmem:s0+$0xA800] =	vst v0  }
0x106: {  	[tilespmem:s0+$0xA810] =	vst v1  }
.Ltmp9:
0x107: {  	[tilespmem:s0+$0xA820] =	vst v2;
	(pc) =	sbr.rel @p1 .LBB2_15-.Ltmp9, $4  }
0x108: {  	[tilespmem:s0+$0xA830] =	vst v3  }
0x109: {  	[tilespmem:s0+$0xA840] =	vst v4  }
0x10a: {  	[tilespmem:s0+$0xA850] =	vst v5  }
0x10b: {  	[tilespmem:s0+$0xA860] =	vst v6;
	s0 =	sshra.s32 s1, $0x2;
	s1 =	sadd.s32 $0x200, s1  }
0x10c: {  	[tilespmem:s0+$0xA870] =	vst v7  }
0x10d: {  	[tilespmem:s0+$0xA800] =	vst v0  }
0x10e: {  	[tilespmem:s0+$0xA810] =	vst v1  }
0x10f: {  	[tilespmem:s0+$0xA820] =	vst v2  }
0x110: {  	[tilespmem:s0+$0xA830] =	vst v3  }
0x111: {  	[tilespmem:s0+$0xA840] =	vst v4  }
0x112: {  	[tilespmem:s0+$0xA850] =	vst v5  }
0x113: {  	[tilespmem:s0+$0xA860] =	vst v6  }
0x114: {  	v0 =	vld [tilespmem:$0x380]  }
0x115: {  	v1 =	vld [tilespmem:$0x390]  }
0x116: {  	v2 =	vld [tilespmem:$0x3A0]  }
0x117: {  	v7 =	vld [tilespmem:$0x3F0]  }
0x118: {  	v3 =	vld [tilespmem:$0x3B0]  }
0x119: {  	v4 =	vld [tilespmem:$0x3C0]  }
0x11a: {  	v5 =	vld [tilespmem:$0x3D0]  }
0x11b: {  	s0 =	simm.s32 $0x0;
	s1 =	simm.s32 $0x200;
	v6 =	vld [tilespmem:$0x3E0]  }
.LBB2_17:
0x11c: {  	p1 =	sne.s32 s1, $0x3E00;
	[tilespmem:s0+$0xB870] =	vst v7  }
0x11d: {  	[tilespmem:s0+$0xB800] =	vst v0  }
0x11e: {  	[tilespmem:s0+$0xB810] =	vst v1  }
.Ltmp10:
0x11f: {  	[tilespmem:s0+$0xB820] =	vst v2;
	(pc) =	sbr.rel @p1 .LBB2_17-.Ltmp10, $4  }
0x120: {  	[tilespmem:s0+$0xB830] =	vst v3  }
0x121: {  	[tilespmem:s0+$0xB840] =	vst v4  }
0x122: {  	[tilespmem:s0+$0xB850] =	vst v5  }
0x123: {  	[tilespmem:s0+$0xB860] =	vst v6;
	s0 =	sshra.s32 s1, $0x2;
	s1 =	sadd.s32 $0x200, s1  }
0x124: {  	[tilespmem:s0+$0xB870] =	vst v7  }
0x125: {  	[tilespmem:s0+$0xB800] =	vst v0  }
0x126: {  	[tilespmem:s0+$0xB810] =	vst v1  }
0x127: {  	[tilespmem:s0+$0xB820] =	vst v2  }
0x128: {  	[tilespmem:s0+$0xB830] =	vst v3  }
0x129: {  	[tilespmem:s0+$0xB840] =	vst v4  }
0x12a: {  	[tilespmem:s0+$0xB850] =	vst v5  }
0x12b: {  	[tilespmem:s0+$0xB860] =	vst v6  }
0x12c: {  	v0 =	vld [tilespmem:$0x400]  }
0x12d: {  	v1 =	vld [tilespmem:$0x410]  }
0x12e: {  	v2 =	vld [tilespmem:$0x420]  }
0x12f: {  	v7 =	vld [tilespmem:$0x470]  }
0x130: {  	v3 =	vld [tilespmem:$0x430]  }
0x131: {  	v4 =	vld [tilespmem:$0x440]  }
0x132: {  	v5 =	vld [tilespmem:$0x450]  }
0x133: {  	s0 =	simm.s32 $0x0;
	s1 =	simm.s32 $0x200;
	v6 =	vld [tilespmem:$0x460]  }
.LBB2_19:
0x134: {  	p1 =	sne.s32 s1, $0x3E00;
	[tilespmem:s0+$0xC870] =	vst v7  }
0x135: {  	[tilespmem:s0+$0xC800] =	vst v0  }
0x136: {  	[tilespmem:s0+$0xC810] =	vst v1  }
.Ltmp11:
0x137: {  	[tilespmem:s0+$0xC820] =	vst v2;
	(pc) =	sbr.rel @p1 .LBB2_19-.Ltmp11, $4  }
0x138: {  	[tilespmem:s0+$0xC830] =	vst v3  }
0x139: {  	[tilespmem:s0+$0xC840] =	vst v4  }
0x13a: {  	[tilespmem:s0+$0xC850] =	vst v5  }
0x13b: {  	[tilespmem:s0+$0xC860] =	vst v6;
	s0 =	sshra.s32 s1, $0x2;
	s1 =	sadd.s32 $0x200, s1  }
0x13c: {  	[tilespmem:s0+$0xC870] =	vst v7  }
0x13d: {  	[tilespmem:s0+$0xC800] =	vst v0  }
0x13e: {  	[tilespmem:s0+$0xC810] =	vst v1  }
0x13f: {  	[tilespmem:s0+$0xC820] =	vst v2  }
0x140: {  	[tilespmem:s0+$0xC830] =	vst v3  }
0x141: {  	[tilespmem:s0+$0xC840] =	vst v4  }
0x142: {  	[tilespmem:s0+$0xC850] =	vst v5  }
0x143: {  	[tilespmem:s0+$0xC860] =	vst v6  }
0x144: {  	v0 =	vld [tilespmem:$0x480]  }
0x145: {  	v1 =	vld [tilespmem:$0x490]  }
0x146: {  	v2 =	vld [tilespmem:$0x4A0]  }
0x147: {  	v7 =	vld [tilespmem:$0x4F0]  }
0x148: {  	v3 =	vld [tilespmem:$0x4B0]  }
0x149: {  	v4 =	vld [tilespmem:$0x4C0]  }
0x14a: {  	v5 =	vld [tilespmem:$0x4D0]  }
0x14b: {  	s0 =	simm.s32 $0x0;
	s1 =	simm.s32 $0x200;
	v6 =	vld [tilespmem:$0x4E0]  }
.LBB2_21:
0x14c: {  	p1 =	sne.s32 s1, $0x3E00;
	[tilespmem:s0+$0xD870] =	vst v7  }
0x14d: {  	[tilespmem:s0+$0xD800] =	vst v0  }
0x14e: {  	[tilespmem:s0+$0xD810] =	vst v1  }
.Ltmp12:
0x14f: {  	[tilespmem:s0+$0xD820] =	vst v2;
	(pc) =	sbr.rel @p1 .LBB2_21-.Ltmp12, $4  }
0x150: {  	[tilespmem:s0+$0xD830] =	vst v3  }
0x151: {  	[tilespmem:s0+$0xD840] =	vst v4  }
0x152: {  	[tilespmem:s0+$0xD850] =	vst v5  }
0x153: {  	[tilespmem:s0+$0xD860] =	vst v6;
	s0 =	sshra.s32 s1, $0x2;
	s1 =	sadd.s32 $0x200, s1  }
0x154: {  	[tilespmem:s0+$0xD870] =	vst v7  }
0x155: {  	[tilespmem:s0+$0xD800] =	vst v0  }
0x156: {  	[tilespmem:s0+$0xD810] =	vst v1  }
0x157: {  	[tilespmem:s0+$0xD820] =	vst v2  }
0x158: {  	[tilespmem:s0+$0xD830] =	vst v3  }
0x159: {  	[tilespmem:s0+$0xD840] =	vst v4  }
0x15a: {  	[tilespmem:s0+$0xD850] =	vst v5  }
0x15b: {  	[tilespmem:s0+$0xD860] =	vst v6  }
0x15c: {  	v0 =	vld [tilespmem:$0x500]  }
0x15d: {  	v1 =	vld [tilespmem:$0x510]  }
0x15e: {  	v2 =	vld [tilespmem:$0x520]  }
0x15f: {  	v7 =	vld [tilespmem:$0x570]  }
0x160: {  	v3 =	vld [tilespmem:$0x530]  }
0x161: {  	v4 =	vld [tilespmem:$0x540]  }
0x162: {  	v5 =	vld [tilespmem:$0x550]  }
0x163: {  	s0 =	simm.s32 $0x0;
	s1 =	simm.s32 $0x200;
	v6 =	vld [tilespmem:$0x560]  }
.LBB2_23:
0x164: {  	p1 =	sne.s32 s1, $0x3E00;
	[tilespmem:s0+$0xE870] =	vst v7  }
0x165: {  	[tilespmem:s0+$0xE800] =	vst v0  }
0x166: {  	[tilespmem:s0+$0xE810] =	vst v1  }
.Ltmp13:
0x167: {  	[tilespmem:s0+$0xE820] =	vst v2;
	(pc) =	sbr.rel @p1 .LBB2_23-.Ltmp13, $4  }
0x168: {  	[tilespmem:s0+$0xE830] =	vst v3  }
0x169: {  	[tilespmem:s0+$0xE840] =	vst v4  }
0x16a: {  	[tilespmem:s0+$0xE850] =	vst v5  }
0x16b: {  	[tilespmem:s0+$0xE860] =	vst v6;
	s0 =	sshra.s32 s1, $0x2;
	s1 =	sadd.s32 $0x200, s1  }
0x16c: {  	[tilespmem:s0+$0xE870] =	vst v7  }
0x16d: {  	[tilespmem:s0+$0xE800] =	vst v0  }
0x16e: {  	[tilespmem:s0+$0xE810] =	vst v1  }
0x16f: {  	[tilespmem:s0+$0xE820] =	vst v2  }
0x170: {  	[tilespmem:s0+$0xE830] =	vst v3  }
0x171: {  	[tilespmem:s0+$0xE840] =	vst v4  }
0x172: {  	[tilespmem:s0+$0xE850] =	vst v5  }
0x173: {  	[tilespmem:s0+$0xE860] =	vst v6  }
0x174: {  	v0 =	vld [tilespmem:$0x580]  }
0x175: {  	v1 =	vld [tilespmem:$0x590]  }
0x176: {  	v2 =	vld [tilespmem:$0x5A0]  }
0x177: {  	v7 =	vld [tilespmem:$0x5F0]  }
0x178: {  	v3 =	vld [tilespmem:$0x5B0]  }
0x179: {  	v4 =	vld [tilespmem:$0x5C0]  }
0x17a: {  	v5 =	vld [tilespmem:$0x5D0]  }
0x17b: {  	s0 =	simm.s32 $0x0;
	s1 =	simm.s32 $0x200;
	v6 =	vld [tilespmem:$0x5E0]  }
.LBB2_25:
0x17c: {  	p1 =	sne.s32 s1, $0x3E00;
	[tilespmem:s0+$0xF870] =	vst v7  }
0x17d: {  	[tilespmem:s0+$0xF800] =	vst v0  }
0x17e: {  	[tilespmem:s0+$0xF810] =	vst v1  }
.Ltmp14:
0x17f: {  	[tilespmem:s0+$0xF820] =	vst v2;
	(pc) =	sbr.rel @p1 .LBB2_25-.Ltmp14, $4  }
0x180: {  	[tilespmem:s0+$0xF830] =	vst v3  }
0x181: {  	[tilespmem:s0+$0xF840] =	vst v4  }
0x182: {  	[tilespmem:s0+$0xF850] =	vst v5  }
0x183: {  	[tilespmem:s0+$0xF860] =	vst v6;
	s0 =	sshra.s32 s1, $0x2;
	s1 =	sadd.s32 $0x200, s1  }
0x184: {  	[tilespmem:s0+$0xF870] =	vst v7  }
0x185: {  	[tilespmem:s0+$0xF800] =	vst v0  }
0x186: {  	[tilespmem:s0+$0xF810] =	vst v1  }
0x187: {  	[tilespmem:s0+$0xF820] =	vst v2  }
0x188: {  	[tilespmem:s0+$0xF830] =	vst v3  }
0x189: {  	[tilespmem:s0+$0xF840] =	vst v4  }
0x18a: {  	[tilespmem:s0+$0xF850] =	vst v5  }
0x18b: {  	[tilespmem:s0+$0xF860] =	vst v6  }
0x18c: {  	v0 =	vld [tilespmem:$0x600]  }
0x18d: {  	v1 =	vld [tilespmem:$0x610]  }
0x18e: {  	v2 =	vld [tilespmem:$0x620]  }
0x18f: {  	v7 =	vld [tilespmem:$0x670]  }
0x190: {  	v3 =	vld [tilespmem:$0x630]  }
0x191: {  	v4 =	vld [tilespmem:$0x640]  }
0x192: {  	v5 =	vld [tilespmem:$0x650]  }
0x193: {  	s0 =	simm.s32 $0x0;
	s1 =	simm.s32 $0x200;
	v6 =	vld [tilespmem:$0x660]  }
.LBB2_27:
0x194: {  	p1 =	sne.s32 s1, $0x3E00;
	[tilespmem:s0+$0x10870] =	vst v7  }
0x195: {  	[tilespmem:s0+$0x10800] =	vst v0  }
0x196: {  	[tilespmem:s0+$0x10810] =	vst v1  }
.Ltmp15:
0x197: {  	[tilespmem:s0+$0x10820] =	vst v2;
	(pc) =	sbr.rel @p1 .LBB2_27-.Ltmp15, $4  }
0x198: {  	[tilespmem:s0+$0x10830] =	vst v3  }
0x199: {  	[tilespmem:s0+$0x10840] =	vst v4  }
0x19a: {  	[tilespmem:s0+$0x10850] =	vst v5  }
0x19b: {  	[tilespmem:s0+$0x10860] =	vst v6;
	s0 =	sshra.s32 s1, $0x2;
	s1 =	sadd.s32 $0x200, s1  }
0x19c: {  	[tilespmem:s0+$0x10870] =	vst v7  }
0x19d: {  	[tilespmem:s0+$0x10800] =	vst v0  }
0x19e: {  	[tilespmem:s0+$0x10810] =	vst v1  }
0x19f: {  	[tilespmem:s0+$0x10820] =	vst v2  }
0x1a0: {  	[tilespmem:s0+$0x10830] =	vst v3  }
0x1a1: {  	[tilespmem:s0+$0x10840] =	vst v4  }
0x1a2: {  	[tilespmem:s0+$0x10850] =	vst v5  }
0x1a3: {  	[tilespmem:s0+$0x10860] =	vst v6  }
0x1a4: {  	v0 =	vld [tilespmem:$0x680]  }
0x1a5: {  	v1 =	vld [tilespmem:$0x690]  }
0x1a6: {  	v2 =	vld [tilespmem:$0x6A0]  }
0x1a7: {  	v7 =	vld [tilespmem:$0x6F0]  }
0x1a8: {  	v3 =	vld [tilespmem:$0x6B0]  }
0x1a9: {  	v4 =	vld [tilespmem:$0x6C0]  }
0x1aa: {  	v5 =	vld [tilespmem:$0x6D0]  }
0x1ab: {  	s0 =	simm.s32 $0x0;
	s1 =	simm.s32 $0x200;
	v6 =	vld [tilespmem:$0x6E0]  }
.LBB2_29:
0x1ac: {  	p1 =	sne.s32 s1, $0x3E00;
	[tilespmem:s0+$0x11870] =	vst v7  }
0x1ad: {  	[tilespmem:s0+$0x11800] =	vst v0  }
0x1ae: {  	[tilespmem:s0+$0x11810] =	vst v1  }
.Ltmp16:
0x1af: {  	[tilespmem:s0+$0x11820] =	vst v2;
	(pc) =	sbr.rel @p1 .LBB2_29-.Ltmp16, $4  }
0x1b0: {  	[tilespmem:s0+$0x11830] =	vst v3  }
0x1b1: {  	[tilespmem:s0+$0x11840] =	vst v4  }
0x1b2: {  	[tilespmem:s0+$0x11850] =	vst v5  }
0x1b3: {  	[tilespmem:s0+$0x11860] =	vst v6;
	s0 =	sshra.s32 s1, $0x2;
	s1 =	sadd.s32 $0x200, s1  }
0x1b4: {  	[tilespmem:s0+$0x11870] =	vst v7  }
0x1b5: {  	[tilespmem:s0+$0x11800] =	vst v0  }
0x1b6: {  	[tilespmem:s0+$0x11810] =	vst v1  }
0x1b7: {  	[tilespmem:s0+$0x11820] =	vst v2  }
0x1b8: {  	[tilespmem:s0+$0x11830] =	vst v3  }
0x1b9: {  	[tilespmem:s0+$0x11840] =	vst v4  }
0x1ba: {  	[tilespmem:s0+$0x11850] =	vst v5  }
0x1bb: {  	[tilespmem:s0+$0x11860] =	vst v6  }
0x1bc: {  	v0 =	vld [tilespmem:$0x700]  }
0x1bd: {  	v1 =	vld [tilespmem:$0x710]  }
0x1be: {  	v2 =	vld [tilespmem:$0x720]  }
0x1bf: {  	v7 =	vld [tilespmem:$0x770]  }
0x1c0: {  	v3 =	vld [tilespmem:$0x730]  }
0x1c1: {  	v4 =	vld [tilespmem:$0x740]  }
0x1c2: {  	v5 =	vld [tilespmem:$0x750]  }
0x1c3: {  	s0 =	simm.s32 $0x0;
	s1 =	simm.s32 $0x200;
	v6 =	vld [tilespmem:$0x760]  }
.LBB2_31:
0x1c4: {  	p1 =	sne.s32 s1, $0x3E00;
	[tilespmem:s0+$0x12870] =	vst v7  }
0x1c5: {  	[tilespmem:s0+$0x12800] =	vst v0  }
0x1c6: {  	[tilespmem:s0+$0x12810] =	vst v1  }
.Ltmp17:
0x1c7: {  	[tilespmem:s0+$0x12820] =	vst v2;
	(pc) =	sbr.rel @p1 .LBB2_31-.Ltmp17, $4  }
0x1c8: {  	[tilespmem:s0+$0x12830] =	vst v3  }
0x1c9: {  	[tilespmem:s0+$0x12840] =	vst v4  }
0x1ca: {  	[tilespmem:s0+$0x12850] =	vst v5  }
0x1cb: {  	[tilespmem:s0+$0x12860] =	vst v6;
	s0 =	sshra.s32 s1, $0x2;
	s1 =	sadd.s32 $0x200, s1  }
0x1cc: {  	[tilespmem:s0+$0x12870] =	vst v7  }
0x1cd: {  	[tilespmem:s0+$0x12800] =	vst v0  }
0x1ce: {  	[tilespmem:s0+$0x12810] =	vst v1  }
0x1cf: {  	[tilespmem:s0+$0x12820] =	vst v2  }
0x1d0: {  	[tilespmem:s0+$0x12830] =	vst v3  }
0x1d1: {  	[tilespmem:s0+$0x12840] =	vst v4  }
0x1d2: {  	[tilespmem:s0+$0x12850] =	vst v5  }
0x1d3: {  	[tilespmem:s0+$0x12860] =	vst v6  }
0x1d4: {  	v0 =	vld [tilespmem:$0x780]  }
0x1d5: {  	v1 =	vld [tilespmem:$0x790]  }
0x1d6: {  	v2 =	vld [tilespmem:$0x7A0]  }
0x1d7: {  	v7 =	vld [tilespmem:$0x7F0]  }
0x1d8: {  	v3 =	vld [tilespmem:$0x7B0]  }
0x1d9: {  	v4 =	vld [tilespmem:$0x7C0]  }
0x1da: {  	v5 =	vld [tilespmem:$0x7D0]  }
0x1db: {  	s0 =	simm.s32 $0x0;
	s1 =	simm.s32 $0x200;
	v6 =	vld [tilespmem:$0x7E0]  }
.LBB2_33:
0x1dc: {  	p1 =	seq.s32 s1, $0x3E00;
	[tilespmem:s0+$0x13870] =	vst v7  }
0x1dd: {  	[tilespmem:s0+$0x13800] =	vst v0  }
0x1de: {  	[tilespmem:s0+$0x13810] =	vst v1  }
.Ltmp18:
0x1df: {  	[tilespmem:s0+$0x13820] =	vst v2;
	(pc) =	sbr.rel @!p1 .LBB2_33-.Ltmp18, $4  }
0x1e0: {  	[tilespmem:s0+$0x13830] =	vst v3  }
0x1e1: {  	[tilespmem:s0+$0x13840] =	vst v4  }
0x1e2: {  	[tilespmem:s0+$0x13850] =	vst v5  }
0x1e3: {  	[tilespmem:s0+$0x13860] =	vst v6;
	s0 =	sshra.s32 s1, $0x2;
	s1 =	sadd.s32 $0x200, s1  }
0x1e4: {  	[tilespmem:s0+$0x13870] =	vst v7  }
0x1e5: {  	[tilespmem:s0+$0x13800] =	vst v0  }
0x1e6: {  	[tilespmem:s0+$0x13810] =	vst v1  }
.Ltmp19:
0x1e7: {  	[tilespmem:s0+$0x13820] =	vst v2;
	(pc) =	sbr.rel .LBB2_68-.Ltmp19, $4  }
0x1e8: {  	[tilespmem:s0+$0x13830] =	vst v3  }
0x1e9: {  	[tilespmem:s0+$0x13840] =	vst v4  }
0x1ea: {  	[tilespmem:s0+$0x13850] =	vst v5  }
0x1eb: {  	[tilespmem:s0+$0x13860] =	vst v6  }
.LBB2_35:
0x1ec: {  	s28 =	simm.s32 $0x0;
	s0 =	rddreg [dreg:$0x4];
	s1 =	simm.s32 $0x800  }
0x1ed: {  	[tilespmem:s1], [sflag:$0x2] =	stream.linear.gather [hbm4b:s0+s28], $0x4000, $0x38;
	[tilespmem:$0x14800] =	vst v63  }
0x1ee: {  	_ =	swait.ge [sflag:s22], $0x4000  }
0x1ef: {  	s13 =	sand.u32 $0x60, s28;
	s25 =	sand.u32 $0x1C00, s28;
	[sflag:s22] =	ssyncset.done $0x0  }
0x1f0: {  	s29 =	sor.u32 s13, s25;
	[sflag:s22] =	ssyncadd.s32 $0xFFFFC000  }
0x1f1: {  	v0 =	vld [tilespmem:s29+$0x800];
	_ =	sdelay $0x3  }
0x1f2: {  	s30 =	simm.s32 $0x4840  }
0x1f3: {  	[tilespmem:s30+$0xFFFFFFF0] =	vst v0  }
0x1f4: {  	[tilespmem:s30+$0xFFFFFFD0] =	vst v0  }
0x1f5: {  	[tilespmem:s30+$0xFFFFFFE0] =	vst v0  }
0x1f6: {  	[tilespmem:s30+$0xFFFFFFC0] =	vst v0  }
0x1f7: {  	s31 =	simm.s32 $0x20;
	s1 =	simm.s32 $0x0;
	s0 =	simm.s32 $0x4840;
	v0 =	vld [tilespmem:s29+$0x810]  }
.LBB2_36:
0x1f8: {  	_ = 	snop  }
0x1f9: {  	p1 =	sne.s32 s31, $0x3E0;
	s1 =	sadd.s32 $0x100, s1;
	s30 =	sadd.s32 $0x80, s30  }
0x1fa: {  	s25 =	smov.u32 s31;
	s31 =	sadd.s32 $0x20, s31;
	_ =	sdelay $0x1  }
0x1fb: {  	[tilespmem:s0+$0x0] =	vst v0  }
0x1fc: {  	[tilespmem:s0+$0x30] =	vst v0  }
0x1fd: {  	s25 =	sand.u32 $0x60, s25;
	s3 =	sand.u32 $0x1C00, s1;
	[tilespmem:s0+$0x20] =	vst v0  }
0x1fe: {  	s3 =	sor.u32 s25, s3;
	[tilespmem:s0+$0x10] =	vst v0;
	s0 =	smov.u32 s30  }
0x1ff: {  	v0 =	vld [tilespmem:s3+$0x800];
	_ =	sdelay $0x4  }
.Ltmp20:
0x200: {  	[tilespmem:s30+$0xFFFFFFF0] =	vst v0;
	(pc) =	sbr.rel @p1 .LBB2_36-.Ltmp20, $4  }
0x201: {  	[tilespmem:s30+$0xFFFFFFD0] =	vst v0  }
0x202: {  	[tilespmem:s30+$0xFFFFFFE0] =	vst v0  }
0x203: {  	[tilespmem:s30+$0xFFFFFFC0] =	vst v0  }
0x204: {  	v0 =	vld [tilespmem:s3+$0x810]  }
0x205: {  	_ =	sdelay $0x3  }
0x206: {  	[tilespmem:s0+$0x0] =	vst v0  }
0x207: {  	[tilespmem:s0+$0x30] =	vst v0  }
0x208: {  	[tilespmem:s0+$0x20] =	vst v0  }
0x209: {  	[tilespmem:s0+$0x10] =	vst v0  }
0x20a: {  	v0 =	vld [tilespmem:s29+$0x880];
	_ =	sdelay $0x3  }
0x20b: {  	s30 =	simm.s32 $0x5870  }
0x20c: {  	[tilespmem:s30+$0xFFFFFFC0] =	vst v0  }
0x20d: {  	[tilespmem:s30+$0xFFFFFFA0] =	vst v0  }
0x20e: {  	[tilespmem:s30+$0xFFFFFFB0] =	vst v0  }
0x20f: {  	[tilespmem:s30+$0xFFFFFF90] =	vst v0  }
0x210: {  	s0 =	simm.s32 $0x20;
	v0 =	vld [tilespmem:s29+$0x890];
	s29 =	simm.s32 $0x5870  }
.LBB2_38:
0x211: {  	_ = 	snop  }
0x212: {  	p1 =	sne.s32 s0, $0x3E0;
	s28 =	sadd.s32 $0x100, s28;
	s30 =	sadd.s32 $0x80, s30  }
0x213: {  	s1 =	smov.u32 s0;
	s0 =	sadd.s32 $0x20, s0;
	_ =	sdelay $0x1  }
0x214: {  	[tilespmem:s29+$0xFFFFFFD0] =	vst v0  }
0x215: {  	[tilespmem:s29+$0x0] =	vst v0  }
0x216: {  	s1 =	sand.u32 $0x60, s1;
	s3 =	sand.u32 $0x1C00, s28;
	[tilespmem:s29+$0xFFFFFFF0] =	vst v0  }
0x217: {  	s1 =	sor.u32 s1, s3;
	[tilespmem:s29+$0xFFFFFFE0] =	vst v0;
	s29 =	smov.u32 s30  }
0x218: {  	v0 =	vld [tilespmem:s1+$0x880];
	_ =	sdelay $0x4  }
.Ltmp21:
0x219: {  	[tilespmem:s30+$0xFFFFFFC0] =	vst v0;
	(pc) =	sbr.rel @p1 .LBB2_38-.Ltmp21, $4  }
0x21a: {  	[tilespmem:s30+$0xFFFFFFA0] =	vst v0  }
0x21b: {  	[tilespmem:s30+$0xFFFFFFB0] =	vst v0  }
0x21c: {  	[tilespmem:s30+$0xFFFFFF90] =	vst v0  }
0x21d: {  	v0 =	vld [tilespmem:s1+$0x890]  }
0x21e: {  	_ =	sdelay $0x3  }
0x21f: {  	[tilespmem:s29+$0xFFFFFFD0] =	vst v0  }
0x220: {  	s28 =	simm.s32 $0x0;
	[tilespmem:s29+$0x0] =	vst v0  }
0x221: {  	s0 =	sand.u32 $0x60, s28;
	s1 =	sand.u32 $0x1C00, s28;
	[tilespmem:s29+$0xFFFFFFF0] =	vst v0  }
0x222: {  	[tilespmem:s29+$0xFFFFFFE0] =	vst v0;
	s29 =	sor.u32 s0, s1  }
0x223: {  	v0 =	vld [tilespmem:s29+$0x900];
	_ =	sdelay $0x3  }
0x224: {  	s30 =	simm.s32 $0x6870  }
0x225: {  	[tilespmem:s30+$0xFFFFFFC0] =	vst v0  }
0x226: {  	[tilespmem:s30+$0xFFFFFFA0] =	vst v0  }
0x227: {  	[tilespmem:s30+$0xFFFFFFB0] =	vst v0  }
0x228: {  	[tilespmem:s30+$0xFFFFFF90] =	vst v0  }
0x229: {  	s31 =	simm.s32 $0x20;
	s1 =	simm.s32 $0x0;
	s0 =	simm.s32 $0x6870;
	v0 =	vld [tilespmem:s29+$0x910]  }
.LBB2_40:
0x22a: {  	_ = 	snop  }
0x22b: {  	p1 =	sne.s32 s31, $0x3E0;
	s1 =	sadd.s32 $0x100, s1;
	s30 =	sadd.s32 $0x80, s30  }
0x22c: {  	s3 =	smov.u32 s31;
	s31 =	sadd.s32 $0x20, s31;
	_ =	sdelay $0x1  }
0x22d: {  	[tilespmem:s0+$0xFFFFFFD0] =	vst v0  }
0x22e: {  	[tilespmem:s0+$0x0] =	vst v0  }
0x22f: {  	s3 =	sand.u32 $0x60, s3;
	s25 =	sand.u32 $0x1C00, s1;
	[tilespmem:s0+$0xFFFFFFF0] =	vst v0  }
0x230: {  	s3 =	sor.u32 s3, s25;
	[tilespmem:s0+$0xFFFFFFE0] =	vst v0;
	s0 =	smov.u32 s30  }
0x231: {  	v0 =	vld [tilespmem:s3+$0x900];
	_ =	sdelay $0x4  }
.Ltmp22:
0x232: {  	[tilespmem:s30+$0xFFFFFFC0] =	vst v0;
	(pc) =	sbr.rel @p1 .LBB2_40-.Ltmp22, $4  }
0x233: {  	[tilespmem:s30+$0xFFFFFFA0] =	vst v0  }
0x234: {  	[tilespmem:s30+$0xFFFFFFB0] =	vst v0  }
0x235: {  	[tilespmem:s30+$0xFFFFFF90] =	vst v0  }
0x236: {  	v0 =	vld [tilespmem:s3+$0x910]  }
0x237: {  	_ =	sdelay $0x3  }
0x238: {  	[tilespmem:s0+$0xFFFFFFD0] =	vst v0  }
0x239: {  	[tilespmem:s0+$0x0] =	vst v0  }
0x23a: {  	[tilespmem:s0+$0xFFFFFFF0] =	vst v0  }
0x23b: {  	[tilespmem:s0+$0xFFFFFFE0] =	vst v0  }
0x23c: {  	v0 =	vld [tilespmem:s29+$0x980];
	_ =	sdelay $0x3  }
0x23d: {  	s30 =	simm.s32 $0x7870  }
0x23e: {  	[tilespmem:s30+$0xFFFFFFC0] =	vst v0  }
0x23f: {  	[tilespmem:s30+$0xFFFFFFA0] =	vst v0  }
0x240: {  	[tilespmem:s30+$0xFFFFFFB0] =	vst v0  }
0x241: {  	[tilespmem:s30+$0xFFFFFF90] =	vst v0  }
0x242: {  	v0 =	vld [tilespmem:s29+$0x990]  }
0x243: {  	s31 =	simm.s32 $0x7870;
	s0 =	simm.s32 $0x20  }
.LBB2_42:
0x244: {  	p1 =	sne.s32 s0, $0x3E0;
	s28 =	sadd.s32 $0x100, s28;
	s30 =	sadd.s32 $0x80, s30  }
0x245: {  	s1 =	smov.u32 s0;
	s0 =	sadd.s32 $0x20, s0;
	_ =	sdelay $0x1  }
0x246: {  	[tilespmem:s31+$0xFFFFFFD0] =	vst v0  }
0x247: {  	[tilespmem:s31+$0x0] =	vst v0  }
0x248: {  	s1 =	sand.u32 $0x60, s1;
	s3 =	sand.u32 $0x1C00, s28;
	[tilespmem:s31+$0xFFFFFFF0] =	vst v0  }
0x249: {  	s1 =	sor.u32 s1, s3;
	[tilespmem:s31+$0xFFFFFFE0] =	vst v0;
	s31 =	smov.u32 s30  }
0x24a: {  	v0 =	vld [tilespmem:s1+$0x980];
	_ =	sdelay $0x4  }
0x24b: {  	[tilespmem:s30+$0xFFFFFFC0] =	vst v0  }
.Ltmp23:
0x24c: {  	[tilespmem:s30+$0xFFFFFFA0] =	vst v0;
	(pc) =	sbr.rel @p1 .LBB2_42-.Ltmp23, $4  }
0x24d: {  	[tilespmem:s30+$0xFFFFFFB0] =	vst v0  }
0x24e: {  	[tilespmem:s30+$0xFFFFFF90] =	vst v0  }
0x24f: {  	v0 =	vld [tilespmem:s1+$0x990]  }
0x250: {  	s29 =	simm.s32 $0x0  }
0x251: {  	_ =	sdelay $0x2  }
0x252: {  	[tilespmem:s31+$0xFFFFFFD0] =	vst v0  }
0x253: {  	[tilespmem:s31+$0x0] =	vst v0  }
0x254: {  	s0 =	sand.u32 $0x60, s29;
	s1 =	sand.u32 $0x1C00, s29;
	[tilespmem:s31+$0xFFFFFFF0] =	vst v0  }
0x255: {  	s28 =	sor.u32 s0, s1;
	[tilespmem:s31+$0xFFFFFFE0] =	vst v0  }
0x256: {  	v0 =	vld [tilespmem:s28+$0xA00];
	_ =	sdelay $0x3  }
0x257: {  	s30 =	simm.s32 $0x0  }
0x258: {  	[tilespmem:s30+$0x8830] =	vst v0  }
0x259: {  	[tilespmem:s30+$0x8820] =	vst v0  }
0x25a: {  	[tilespmem:s30+$0x8800] =	vst v0  }
0x25b: {  	[tilespmem:s30+$0x8810] =	vst v0  }
0x25c: {  	s0 =	simm.s32 $0x200;
	s1 =	simm.s32 $0x0;
	s31 =	simm.s32 $0x0;
	v0 =	vld [tilespmem:s28+$0xA10]  }
.LBB2_44:
0x25d: {  	_ = 	snop  }
0x25e: {  	p1 =	sne.s32 s0, $0x3E00;
	s31 =	sadd.s32 $0x100, s31;
	s1 =	sadd.s32 $0x20, s1  }
0x25f: {  	s3 =	smov.u32 s0;
	s0 =	sadd.s32 $0x200, s0;
	_ =	sdelay $0x1  }
0x260: {  	[tilespmem:s30+$0x8840] =	vst v0  }
0x261: {  	[tilespmem:s30+$0x8870] =	vst v0  }
0x262: {  	s25 =	sand.u32 $0x60, s1;
	s13 =	sand.u32 $0x1C00, s31;
	[tilespmem:s30+$0x8860] =	vst v0  }
0x263: {  	s13 =	sor.u32 s25, s13;
	[tilespmem:s30+$0x8850] =	vst v0  }
0x264: {  	v0 =	vld [tilespmem:s13+$0xA00];
	_ =	sdelay $0x3  }
0x265: {  	s30 =	sshra.s32 s3, $0x2  }
.Ltmp24:
0x266: {  	[tilespmem:s30+$0x8830] =	vst v0;
	(pc) =	sbr.rel @p1 .LBB2_44-.Ltmp24, $4  }
0x267: {  	[tilespmem:s30+$0x8820] =	vst v0  }
0x268: {  	[tilespmem:s30+$0x8800] =	vst v0  }
0x269: {  	[tilespmem:s30+$0x8810] =	vst v0  }
0x26a: {  	v0 =	vld [tilespmem:s13+$0xA10]  }
0x26b: {  	_ =	sdelay $0x3  }
0x26c: {  	[tilespmem:s30+$0x8840] =	vst v0  }
0x26d: {  	[tilespmem:s30+$0x8870] =	vst v0  }
0x26e: {  	[tilespmem:s30+$0x8860] =	vst v0  }
0x26f: {  	[tilespmem:s30+$0x8850] =	vst v0  }
0x270: {  	v0 =	vld [tilespmem:s28+$0xA80];
	_ =	sdelay $0x3  }
0x271: {  	s30 =	simm.s32 $0x0  }
0x272: {  	[tilespmem:s30+$0x9830] =	vst v0  }
0x273: {  	[tilespmem:s30+$0x9820] =	vst v0  }
0x274: {  	[tilespmem:s30+$0x9800] =	vst v0  }
0x275: {  	[tilespmem:s30+$0x9810] =	vst v0  }
0x276: {  	v0 =	vld [tilespmem:s28+$0xA90]  }
0x277: {  	s0 =	simm.s32 $0x200;
	s31 =	simm.s32 $0x0  }
.LBB2_46:
0x278: {  	p1 =	sne.s32 s0, $0x3E00;
	s29 =	sadd.s32 $0x100, s29;
	s31 =	sadd.s32 $0x20, s31  }
0x279: {  	s1 =	smov.u32 s0;
	s0 =	sadd.s32 $0x200, s0;
	_ =	sdelay $0x1  }
0x27a: {  	[tilespmem:s30+$0x9840] =	vst v0  }
0x27b: {  	[tilespmem:s30+$0x9870] =	vst v0  }
0x27c: {  	s3 =	sand.u32 $0x60, s31;
	s13 =	sand.u32 $0x1C00, s29;
	[tilespmem:s30+$0x9860] =	vst v0  }
0x27d: {  	s3 =	sor.u32 s3, s13;
	[tilespmem:s30+$0x9850] =	vst v0  }
0x27e: {  	v0 =	vld [tilespmem:s3+$0xA80];
	_ =	sdelay $0x3  }
0x27f: {  	s30 =	sshra.s32 s1, $0x2  }
0x280: {  	[tilespmem:s30+$0x9830] =	vst v0  }
.Ltmp25:
0x281: {  	[tilespmem:s30+$0x9820] =	vst v0;
	(pc) =	sbr.rel @p1 .LBB2_46-.Ltmp25, $4  }
0x282: {  	[tilespmem:s30+$0x9800] =	vst v0  }
0x283: {  	[tilespmem:s30+$0x9810] =	vst v0  }
0x284: {  	v0 =	vld [tilespmem:s3+$0xA90]  }
0x285: {  	s28 =	simm.s32 $0x0  }
0x286: {  	_ =	sdelay $0x2  }
0x287: {  	s0 =	sand.u32 $0x3, s28;
	[tilespmem:s30+$0x9840] =	vst v0  }
0x288: {  	s0 =	sshll.u32 s0, $0x5;
	[tilespmem:s30+$0x9870] =	vst v0  }
0x289: {  	s0 =	sadd.s32 $0x0, s0;
	[tilespmem:s30+$0x9860] =	vst v0  }
0x28a: {  	[tilespmem:s30+$0x9850] =	vst v0;
	s1 =	sor.u32 $0x300, s0  }
0x28b: {  	v0 =	vld [tilespmem:s1+$0x800];
	_ =	sdelay $0x3  }
0x28c: {  	s29 =	simm.s32 $0x0  }
0x28d: {  	[tilespmem:s29+$0xA830] =	vst v0  }
0x28e: {  	[tilespmem:s29+$0xA820] =	vst v0  }
0x28f: {  	[tilespmem:s29+$0xA800] =	vst v0  }
0x290: {  	s0 =	sor.u32 $0x310, s0;
	[tilespmem:s29+$0xA810] =	vst v0  }
0x291: {  	s31 =	simm.s32 $0x0;
	s30 =	simm.s32 $0x200;
	v0 =	vld [tilespmem:s0+$0x800];
	s0 =	simm.s32 $0x0  }
.LBB2_48:
0x292: {  	_ = 	snop  }
0x293: {  	p1 =	sne.s32 s30, $0x3E00;
	s0 =	sadd.s32 $0x100, s0;
	s31 =	sadd.s32 $0x1, s31  }
0x294: {  	s1 =	smov.u32 s30;
	s30 =	sadd.s32 $0x200, s30;
	_ =	sdelay $0x1  }
0x295: {  	s3 =	sand.u32 $0x3, s31;
	[tilespmem:s29+$0xA840] =	vst v0  }
0x296: {  	s3 =	sshll.u32 s3, $0x5;
	[tilespmem:s29+$0xA870] =	vst v0  }
0x297: {  	s3 =	sadd.s32 s3, s0;
	[tilespmem:s29+$0xA860] =	vst v0  }
0x298: {  	s13 =	sor.u32 $0x300, s3;
	[tilespmem:s29+$0xA850] =	vst v0  }
0x299: {  	v0 =	vld [tilespmem:s13+$0x800];
	_ =	sdelay $0x3  }
0x29a: {  	s29 =	sshra.s32 s1, $0x2  }
.Ltmp26:
0x29b: {  	[tilespmem:s29+$0xA830] =	vst v0;
	(pc) =	sbr.rel @p1 .LBB2_48-.Ltmp26, $4  }
0x29c: {  	[tilespmem:s29+$0xA820] =	vst v0  }
0x29d: {  	[tilespmem:s29+$0xA800] =	vst v0  }
0x29e: {  	s1 =	sor.u32 $0x310, s3;
	[tilespmem:s29+$0xA810] =	vst v0  }
0x29f: {  	v0 =	vld [tilespmem:s1+$0x800]  }
0x2a0: {  	_ =	sdelay $0x3  }
0x2a1: {  	[tilespmem:s29+$0xA840] =	vst v0  }
0x2a2: {  	[tilespmem:s29+$0xA870] =	vst v0  }
0x2a3: {  	s0 =	sor.u32 s28, s28;
	[tilespmem:s29+$0xA860] =	vst v0  }
0x2a4: {  	s1 =	sor.u32 $0x380, s0;
	[tilespmem:s29+$0xA850] =	vst v0  }
0x2a5: {  	v0 =	vld [tilespmem:s1+$0x800];
	_ =	sdelay $0x3  }
0x2a6: {  	s30 =	simm.s32 $0x0  }
0x2a7: {  	[tilespmem:s30+$0xB830] =	vst v0  }
0x2a8: {  	[tilespmem:s30+$0xB820] =	vst v0  }
0x2a9: {  	[tilespmem:s30+$0xB800] =	vst v0  }
0x2aa: {  	s29 =	sor.u32 $0x390, s0;
	[tilespmem:s30+$0xB810] =	vst v0  }
0x2ab: {  	v0 =	vld [tilespmem:s29+$0x800]  }
0x2ac: {  	s31 =	simm.s32 $0x0;
	s0 =	simm.s32 $0x200  }
.LBB2_50:
0x2ad: {  	p1 =	sne.s32 s0, $0x3E00;
	s28 =	sadd.s32 $0x100, s28;
	s31 =	sadd.s32 $0x20, s31  }
0x2ae: {  	s1 =	smov.u32 s0;
	s0 =	sadd.s32 $0x200, s0;
	_ =	sdelay $0x1  }
0x2af: {  	[tilespmem:s30+$0xB840] =	vst v0  }
0x2b0: {  	[tilespmem:s30+$0xB870] =	vst v0  }
0x2b1: {  	s3 =	sor.u32 s31, s28;
	[tilespmem:s30+$0xB860] =	vst v0  }
0x2b2: {  	s13 =	sor.u32 $0x380, s3;
	[tilespmem:s30+$0xB850] =	vst v0  }
0x2b3: {  	v0 =	vld [tilespmem:s13+$0x800];
	_ =	sdelay $0x3  }
0x2b4: {  	s30 =	sshra.s32 s1, $0x2  }
0x2b5: {  	[tilespmem:s30+$0xB830] =	vst v0  }
.Ltmp27:
0x2b6: {  	[tilespmem:s30+$0xB820] =	vst v0;
	(pc) =	sbr.rel @p1 .LBB2_50-.Ltmp27, $4  }
0x2b7: {  	[tilespmem:s30+$0xB800] =	vst v0  }
0x2b8: {  	s1 =	sor.u32 $0x390, s3;
	[tilespmem:s30+$0xB810] =	vst v0  }
0x2b9: {  	v0 =	vld [tilespmem:s1+$0x800]  }
0x2ba: {  	s29 =	simm.s32 $0x0  }
0x2bb: {  	_ =	sdelay $0x2  }
0x2bc: {  	[tilespmem:s30+$0xB840] =	vst v0  }
0x2bd: {  	[tilespmem:s30+$0xB870] =	vst v0  }
0x2be: {  	s0 =	sand.u32 $0x60, s29;
	s1 =	sand.u32 $0x1C00, s29;
	[tilespmem:s30+$0xB860] =	vst v0  }
0x2bf: {  	s28 =	sor.u32 s0, s1;
	[tilespmem:s30+$0xB850] =	vst v0  }
0x2c0: {  	v0 =	vld [tilespmem:s28+$0x2800];
	_ =	sdelay $0x3  }
0x2c1: {  	s30 =	simm.s32 $0x0  }
0x2c2: {  	[tilespmem:s30+$0xC830] =	vst v0  }
0x2c3: {  	[tilespmem:s30+$0xC820] =	vst v0  }
0x2c4: {  	[tilespmem:s30+$0xC800] =	vst v0  }
0x2c5: {  	[tilespmem:s30+$0xC810] =	vst v0  }
0x2c6: {  	s31 =	simm.s32 $0x0;
	s0 =	simm.s32 $0x200;
	s1 =	simm.s32 $0x0;
	v0 =	vld [tilespmem:s28+$0x2810]  }
.LBB2_52:
0x2c7: {  	_ = 	snop  }
0x2c8: {  	p1 =	sne.s32 s0, $0x3E00;
	s31 =	sadd.s32 $0x100, s31;
	s1 =	sadd.s32 $0x20, s1  }
0x2c9: {  	s3 =	smov.u32 s0;
	s0 =	sadd.s32 $0x200, s0;
	_ =	sdelay $0x1  }
0x2ca: {  	[tilespmem:s30+$0xC840] =	vst v0  }
0x2cb: {  	[tilespmem:s30+$0xC870] =	vst v0  }
0x2cc: {  	s13 =	sand.u32 $0x60, s1;
	s25 =	sand.u32 $0x1C00, s31;
	[tilespmem:s30+$0xC860] =	vst v0  }
0x2cd: {  	s13 =	sor.u32 s13, s25;
	[tilespmem:s30+$0xC850] =	vst v0  }
0x2ce: {  	v0 =	vld [tilespmem:s13+$0x2800];
	_ =	sdelay $0x3  }
0x2cf: {  	s30 =	sshra.s32 s3, $0x2  }
.Ltmp28:
0x2d0: {  	[tilespmem:s30+$0xC830] =	vst v0;
	(pc) =	sbr.rel @p1 .LBB2_52-.Ltmp28, $4  }
0x2d1: {  	[tilespmem:s30+$0xC820] =	vst v0  }
0x2d2: {  	[tilespmem:s30+$0xC800] =	vst v0  }
0x2d3: {  	[tilespmem:s30+$0xC810] =	vst v0  }
0x2d4: {  	v0 =	vld [tilespmem:s13+$0x2810]  }
0x2d5: {  	_ =	sdelay $0x3  }
0x2d6: {  	[tilespmem:s30+$0xC840] =	vst v0  }
0x2d7: {  	[tilespmem:s30+$0xC870] =	vst v0  }
0x2d8: {  	[tilespmem:s30+$0xC860] =	vst v0  }
0x2d9: {  	[tilespmem:s30+$0xC850] =	vst v0  }
0x2da: {  	v0 =	vld [tilespmem:s28+$0x2880];
	_ =	sdelay $0x3  }
0x2db: {  	s30 =	simm.s32 $0x0  }
0x2dc: {  	[tilespmem:s30+$0xD830] =	vst v0  }
0x2dd: {  	[tilespmem:s30+$0xD820] =	vst v0  }
0x2de: {  	[tilespmem:s30+$0xD800] =	vst v0  }
0x2df: {  	[tilespmem:s30+$0xD810] =	vst v0  }
0x2e0: {  	v0 =	vld [tilespmem:s28+$0x2890]  }
0x2e1: {  	s0 =	simm.s32 $0x200;
	s31 =	simm.s32 $0x0  }
.LBB2_54:
0x2e2: {  	p1 =	sne.s32 s0, $0x3E00;
	s29 =	sadd.s32 $0x100, s29;
	s31 =	sadd.s32 $0x20, s31  }
0x2e3: {  	s1 =	smov.u32 s0;
	s0 =	sadd.s32 $0x200, s0;
	_ =	sdelay $0x1  }
0x2e4: {  	[tilespmem:s30+$0xD840] =	vst v0  }
0x2e5: {  	[tilespmem:s30+$0xD870] =	vst v0  }
0x2e6: {  	s3 =	sand.u32 $0x60, s31;
	s13 =	sand.u32 $0x1C00, s29;
	[tilespmem:s30+$0xD860] =	vst v0  }
0x2e7: {  	s3 =	sor.u32 s3, s13;
	[tilespmem:s30+$0xD850] =	vst v0  }
0x2e8: {  	v0 =	vld [tilespmem:s3+$0x2880];
	_ =	sdelay $0x3  }
0x2e9: {  	s30 =	sshra.s32 s1, $0x2  }
0x2ea: {  	[tilespmem:s30+$0xD830] =	vst v0  }
.Ltmp29:
0x2eb: {  	[tilespmem:s30+$0xD820] =	vst v0;
	(pc) =	sbr.rel @p1 .LBB2_54-.Ltmp29, $4  }
0x2ec: {  	[tilespmem:s30+$0xD800] =	vst v0  }
0x2ed: {  	[tilespmem:s30+$0xD810] =	vst v0  }
0x2ee: {  	v0 =	vld [tilespmem:s3+$0x2890]  }
0x2ef: {  	s28 =	simm.s32 $0x0  }
0x2f0: {  	_ =	sdelay $0x2  }
0x2f1: {  	[tilespmem:s30+$0xD840] =	vst v0  }
0x2f2: {  	[tilespmem:s30+$0xD870] =	vst v0  }
0x2f3: {  	s0 =	sand.u32 $0x60, s28;
	s1 =	sand.u32 $0x1C00, s28;
	[tilespmem:s30+$0xD860] =	vst v0  }
0x2f4: {  	s29 =	sor.u32 s0, s1;
	[tilespmem:s30+$0xD850] =	vst v0  }
0x2f5: {  	v0 =	vld [tilespmem:s29+$0x2900];
	_ =	sdelay $0x3  }
0x2f6: {  	s30 =	simm.s32 $0x0  }
0x2f7: {  	[tilespmem:s30+$0xE830] =	vst v0  }
0x2f8: {  	[tilespmem:s30+$0xE820] =	vst v0  }
0x2f9: {  	[tilespmem:s30+$0xE800] =	vst v0  }
0x2fa: {  	[tilespmem:s30+$0xE810] =	vst v0  }
0x2fb: {  	s31 =	simm.s32 $0x0;
	s0 =	simm.s32 $0x200;
	s1 =	simm.s32 $0x0;
	v0 =	vld [tilespmem:s29+$0x2910]  }
.LBB2_56:
0x2fc: {  	_ = 	snop  }
0x2fd: {  	p1 =	sne.s32 s0, $0x3E00;
	s31 =	sadd.s32 $0x100, s31;
	s1 =	sadd.s32 $0x20, s1  }
0x2fe: {  	s3 =	smov.u32 s0;
	s0 =	sadd.s32 $0x200, s0;
	_ =	sdelay $0x1  }
0x2ff: {  	[tilespmem:s30+$0xE840] =	vst v0  }
0x300: {  	[tilespmem:s30+$0xE870] =	vst v0  }
0x301: {  	s13 =	sand.u32 $0x60, s1;
	s25 =	sand.u32 $0x1C00, s31;
	[tilespmem:s30+$0xE860] =	vst v0  }
0x302: {  	s13 =	sor.u32 s13, s25;
	[tilespmem:s30+$0xE850] =	vst v0  }
0x303: {  	v0 =	vld [tilespmem:s13+$0x2900];
	_ =	sdelay $0x3  }
0x304: {  	s30 =	sshra.s32 s3, $0x2  }
.Ltmp30:
0x305: {  	[tilespmem:s30+$0xE830] =	vst v0;
	(pc) =	sbr.rel @p1 .LBB2_56-.Ltmp30, $4  }
0x306: {  	[tilespmem:s30+$0xE820] =	vst v0  }
0x307: {  	[tilespmem:s30+$0xE800] =	vst v0  }
0x308: {  	[tilespmem:s30+$0xE810] =	vst v0  }
0x309: {  	v0 =	vld [tilespmem:s13+$0x2910]  }
0x30a: {  	_ =	sdelay $0x3  }
0x30b: {  	[tilespmem:s30+$0xE840] =	vst v0  }
0x30c: {  	[tilespmem:s30+$0xE870] =	vst v0  }
0x30d: {  	[tilespmem:s30+$0xE860] =	vst v0  }
0x30e: {  	[tilespmem:s30+$0xE850] =	vst v0  }
0x30f: {  	v0 =	vld [tilespmem:s29+$0x2980];
	_ =	sdelay $0x3  }
0x310: {  	s30 =	simm.s32 $0x0  }
0x311: {  	[tilespmem:s30+$0xF830] =	vst v0  }
0x312: {  	[tilespmem:s30+$0xF820] =	vst v0  }
0x313: {  	[tilespmem:s30+$0xF800] =	vst v0  }
0x314: {  	[tilespmem:s30+$0xF810] =	vst v0  }
0x315: {  	v0 =	vld [tilespmem:s29+$0x2990]  }
0x316: {  	s0 =	simm.s32 $0x200;
	s31 =	simm.s32 $0x0  }
.LBB2_58:
0x317: {  	p1 =	sne.s32 s0, $0x3E00;
	s28 =	sadd.s32 $0x100, s28;
	s31 =	sadd.s32 $0x20, s31  }
0x318: {  	s1 =	smov.u32 s0;
	s0 =	sadd.s32 $0x200, s0;
	_ =	sdelay $0x1  }
0x319: {  	[tilespmem:s30+$0xF840] =	vst v0  }
0x31a: {  	[tilespmem:s30+$0xF870] =	vst v0  }
0x31b: {  	s3 =	sand.u32 $0x60, s31;
	s13 =	sand.u32 $0x1C00, s28;
	[tilespmem:s30+$0xF860] =	vst v0  }
0x31c: {  	s3 =	sor.u32 s3, s13;
	[tilespmem:s30+$0xF850] =	vst v0  }
0x31d: {  	v0 =	vld [tilespmem:s3+$0x2980];
	_ =	sdelay $0x3  }
0x31e: {  	s30 =	sshra.s32 s1, $0x2  }
0x31f: {  	[tilespmem:s30+$0xF830] =	vst v0  }
.Ltmp31:
0x320: {  	[tilespmem:s30+$0xF820] =	vst v0;
	(pc) =	sbr.rel @p1 .LBB2_58-.Ltmp31, $4  }
0x321: {  	[tilespmem:s30+$0xF800] =	vst v0  }
0x322: {  	[tilespmem:s30+$0xF810] =	vst v0  }
0x323: {  	v0 =	vld [tilespmem:s3+$0x2990]  }
0x324: {  	s29 =	simm.s32 $0x0  }
0x325: {  	_ =	sdelay $0x2  }
0x326: {  	[tilespmem:s30+$0xF840] =	vst v0  }
0x327: {  	[tilespmem:s30+$0xF870] =	vst v0  }
0x328: {  	s0 =	sand.u32 $0x60, s29;
	s1 =	sand.u32 $0x1C00, s29;
	[tilespmem:s30+$0xF860] =	vst v0  }
0x329: {  	s28 =	sor.u32 s0, s1;
	[tilespmem:s30+$0xF850] =	vst v0  }
0x32a: {  	v0 =	vld [tilespmem:s28+$0x2A00];
	_ =	sdelay $0x3  }
0x32b: {  	s30 =	simm.s32 $0x0  }
0x32c: {  	[tilespmem:s30+$0x10830] =	vst v0  }
0x32d: {  	[tilespmem:s30+$0x10820] =	vst v0  }
0x32e: {  	[tilespmem:s30+$0x10800] =	vst v0  }
0x32f: {  	[tilespmem:s30+$0x10810] =	vst v0  }
0x330: {  	s31 =	simm.s32 $0x0;
	s0 =	simm.s32 $0x200;
	s1 =	simm.s32 $0x0;
	v0 =	vld [tilespmem:s28+$0x2A10]  }
.LBB2_60:
0x331: {  	_ = 	snop  }
0x332: {  	p1 =	sne.s32 s0, $0x3E00;
	s31 =	sadd.s32 $0x100, s31;
	s1 =	sadd.s32 $0x20, s1  }
0x333: {  	s3 =	smov.u32 s0;
	s0 =	sadd.s32 $0x200, s0;
	_ =	sdelay $0x1  }
0x334: {  	[tilespmem:s30+$0x10840] =	vst v0  }
0x335: {  	[tilespmem:s30+$0x10870] =	vst v0  }
0x336: {  	s13 =	sand.u32 $0x60, s1;
	s25 =	sand.u32 $0x1C00, s31;
	[tilespmem:s30+$0x10860] =	vst v0  }
0x337: {  	s13 =	sor.u32 s13, s25;
	[tilespmem:s30+$0x10850] =	vst v0  }
0x338: {  	v0 =	vld [tilespmem:s13+$0x2A00];
	_ =	sdelay $0x3  }
0x339: {  	s30 =	sshra.s32 s3, $0x2  }
.Ltmp32:
0x33a: {  	[tilespmem:s30+$0x10830] =	vst v0;
	(pc) =	sbr.rel @p1 .LBB2_60-.Ltmp32, $4  }
0x33b: {  	[tilespmem:s30+$0x10820] =	vst v0  }
0x33c: {  	[tilespmem:s30+$0x10800] =	vst v0  }
0x33d: {  	[tilespmem:s30+$0x10810] =	vst v0  }
0x33e: {  	v0 =	vld [tilespmem:s13+$0x2A10]  }
0x33f: {  	_ =	sdelay $0x3  }
0x340: {  	[tilespmem:s30+$0x10840] =	vst v0  }
0x341: {  	[tilespmem:s30+$0x10870] =	vst v0  }
0x342: {  	[tilespmem:s30+$0x10860] =	vst v0  }
0x343: {  	[tilespmem:s30+$0x10850] =	vst v0  }
0x344: {  	v0 =	vld [tilespmem:s28+$0x2A80];
	_ =	sdelay $0x3  }
0x345: {  	s30 =	simm.s32 $0x0  }
0x346: {  	[tilespmem:s30+$0x11830] =	vst v0  }
0x347: {  	[tilespmem:s30+$0x11820] =	vst v0  }
0x348: {  	[tilespmem:s30+$0x11800] =	vst v0  }
0x349: {  	[tilespmem:s30+$0x11810] =	vst v0  }
0x34a: {  	v0 =	vld [tilespmem:s28+$0x2A90]  }
0x34b: {  	s0 =	simm.s32 $0x200;
	s31 =	simm.s32 $0x0  }
.LBB2_62:
0x34c: {  	p1 =	sne.s32 s0, $0x3E00;
	s29 =	sadd.s32 $0x100, s29;
	s31 =	sadd.s32 $0x20, s31  }
0x34d: {  	s1 =	smov.u32 s0;
	s0 =	sadd.s32 $0x200, s0;
	_ =	sdelay $0x1  }
0x34e: {  	[tilespmem:s30+$0x11840] =	vst v0  }
0x34f: {  	[tilespmem:s30+$0x11870] =	vst v0  }
0x350: {  	s3 =	sand.u32 $0x60, s31;
	s13 =	sand.u32 $0x1C00, s29;
	[tilespmem:s30+$0x11860] =	vst v0  }
0x351: {  	s3 =	sor.u32 s3, s13;
	[tilespmem:s30+$0x11850] =	vst v0  }
0x352: {  	v0 =	vld [tilespmem:s3+$0x2A80];
	_ =	sdelay $0x3  }
0x353: {  	s30 =	sshra.s32 s1, $0x2  }
0x354: {  	[tilespmem:s30+$0x11830] =	vst v0  }
.Ltmp33:
0x355: {  	[tilespmem:s30+$0x11820] =	vst v0;
	(pc) =	sbr.rel @p1 .LBB2_62-.Ltmp33, $4  }
0x356: {  	[tilespmem:s30+$0x11800] =	vst v0  }
0x357: {  	[tilespmem:s30+$0x11810] =	vst v0  }
0x358: {  	v0 =	vld [tilespmem:s3+$0x2A90]  }
0x359: {  	s28 =	simm.s32 $0x0  }
0x35a: {  	_ =	sdelay $0x2  }
0x35b: {  	[tilespmem:s30+$0x11840] =	vst v0  }
0x35c: {  	[tilespmem:s30+$0x11870] =	vst v0  }
0x35d: {  	s0 =	sand.u32 $0x60, s28;
	s1 =	sand.u32 $0x1C00, s28;
	[tilespmem:s30+$0x11860] =	vst v0  }
0x35e: {  	s29 =	sor.u32 s0, s1;
	[tilespmem:s30+$0x11850] =	vst v0  }
0x35f: {  	v0 =	vld [tilespmem:s29+$0x2B00];
	_ =	sdelay $0x3  }
0x360: {  	s30 =	simm.s32 $0x0  }
0x361: {  	[tilespmem:s30+$0x12830] =	vst v0  }
0x362: {  	[tilespmem:s30+$0x12820] =	vst v0  }
0x363: {  	[tilespmem:s30+$0x12800] =	vst v0  }
0x364: {  	[tilespmem:s30+$0x12810] =	vst v0  }
0x365: {  	s31 =	simm.s32 $0x0;
	s0 =	simm.s32 $0x200;
	s1 =	simm.s32 $0x0;
	v0 =	vld [tilespmem:s29+$0x2B10]  }
.LBB2_64:
0x366: {  	_ = 	snop  }
0x367: {  	p1 =	sne.s32 s0, $0x3E00;
	s31 =	sadd.s32 $0x100, s31;
	s1 =	sadd.s32 $0x20, s1  }
0x368: {  	s3 =	smov.u32 s0;
	s0 =	sadd.s32 $0x200, s0;
	_ =	sdelay $0x1  }
0x369: {  	[tilespmem:s30+$0x12840] =	vst v0  }
0x36a: {  	[tilespmem:s30+$0x12870] =	vst v0  }
0x36b: {  	s13 =	sand.u32 $0x60, s1;
	s25 =	sand.u32 $0x1C00, s31;
	[tilespmem:s30+$0x12860] =	vst v0  }
0x36c: {  	s13 =	sor.u32 s13, s25;
	[tilespmem:s30+$0x12850] =	vst v0  }
0x36d: {  	v0 =	vld [tilespmem:s13+$0x2B00];
	_ =	sdelay $0x3  }
0x36e: {  	s30 =	sshra.s32 s3, $0x2  }
.Ltmp34:
0x36f: {  	[tilespmem:s30+$0x12830] =	vst v0;
	(pc) =	sbr.rel @p1 .LBB2_64-.Ltmp34, $4  }
0x370: {  	[tilespmem:s30+$0x12820] =	vst v0  }
0x371: {  	[tilespmem:s30+$0x12800] =	vst v0  }
0x372: {  	[tilespmem:s30+$0x12810] =	vst v0  }
0x373: {  	v0 =	vld [tilespmem:s13+$0x2B10]  }
0x374: {  	_ =	sdelay $0x3  }
0x375: {  	[tilespmem:s30+$0x12840] =	vst v0  }
0x376: {  	[tilespmem:s30+$0x12870] =	vst v0  }
0x377: {  	[tilespmem:s30+$0x12860] =	vst v0  }
0x378: {  	[tilespmem:s30+$0x12850] =	vst v0  }
0x379: {  	v0 =	vld [tilespmem:s29+$0x2B80];
	_ =	sdelay $0x3  }
0x37a: {  	s30 =	simm.s32 $0x0  }
0x37b: {  	[tilespmem:s30+$0x13830] =	vst v0  }
0x37c: {  	[tilespmem:s30+$0x13820] =	vst v0  }
0x37d: {  	[tilespmem:s30+$0x13800] =	vst v0  }
0x37e: {  	[tilespmem:s30+$0x13810] =	vst v0  }
0x37f: {  	v0 =	vld [tilespmem:s29+$0x2B90]  }
0x380: {  	s0 =	simm.s32 $0x200;
	s1 =	simm.s32 $0x0  }
.LBB2_66:
0x381: {  	p1 =	sne.s32 s0, $0x3E00;
	s28 =	sadd.s32 $0x100, s28;
	s1 =	sadd.s32 $0x20, s1  }
0x382: {  	s3 =	smov.u32 s0;
	s0 =	sadd.s32 $0x200, s0;
	_ =	sdelay $0x1  }
0x383: {  	[tilespmem:s30+$0x13840] =	vst v0  }
0x384: {  	[tilespmem:s30+$0x13870] =	vst v0  }
0x385: {  	s13 =	sand.u32 $0x60, s1;
	s25 =	sand.u32 $0x1C00, s28;
	[tilespmem:s30+$0x13860] =	vst v0  }
0x386: {  	s13 =	sor.u32 s13, s25;
	[tilespmem:s30+$0x13850] =	vst v0  }
0x387: {  	v0 =	vld [tilespmem:s13+$0x2B80];
	_ =	sdelay $0x3  }
0x388: {  	s30 =	sshra.s32 s3, $0x2  }
.Ltmp35:
0x389: {  	[tilespmem:s30+$0x13830] =	vst v0;
	(pc) =	sbr.rel @p1 .LBB2_66-.Ltmp35, $4  }
0x38a: {  	[tilespmem:s30+$0x13820] =	vst v0  }
0x38b: {  	[tilespmem:s30+$0x13800] =	vst v0  }
0x38c: {  	[tilespmem:s30+$0x13810] =	vst v0  }
0x38d: {  	v0 =	vld [tilespmem:s13+$0x2B90]  }
.Ltmp36:
0x38e: {  	_ = 	snop;
	(pc) =	sbr.rel .LBB2_67-.Ltmp36, $1  }
0x38f: {  	_ =	sdelay $0x3  }
.LBB2_69:
0x390: {  	_ =	sfence.sel $0x180000  }
0x391: {  	[bflag:$0x0] =	sbarrier.arrive $0xFFFF  }
0x392: {  	_ =	strace $0x90000047  }
0x393: {  	s0 =	stileid.u32;
	[bflag:$0x2] =	sbarrier.arrive $0xFFFF  }
0x394: {  	p0 =	sne.s32 s0, $0x0;
	s0 =	rddreg [dreg:$0x2]  }
0x395: {  	s0 =	sadd.s32 @!p0 $0x100000, s0  }
0x396: {  	[sflag:s0] =	ssyncadd.tile.s32 @!p0 $0x1;
	_ =	shalt  }
.Lfunc_end2:
_tile_overlayer_lowered:
.L_overlay_start_2:
0x397: {  	(tag) =	ssettag $0x2  }
0x398: {  	s0 =	rddreg [dreg:$0x0];
	s2 =	stileid.u32  }
0x399: {  	s1 =	rddreg [dreg:$0x1];
	p0 =	sne.s32 s2, $0x0  }
0x39a: {  	s3 =	rddreg [dreg:$0x2];
	[bflag:$0x3] =	sbarrier.arrive $0xFFFF;
	s2 =	simm.s32 @!p0 $0x1C02  }
0x39b: {  	[timem:s3], [sflag:s2] =	dma.local @!p0 [hbm:s0], s1  }
0x39c: {  	s0 =	simm.s32 @!p0 $0x2  }
0x39d: {  	_ =	swait.ge @!p0 [sflag:s0], s1  }
0x39e: {  	s1 =	ssub.s32 @!p0 $0x0, s1;
	[sflag:s0] =	ssyncset.done @!p0 $0x0  }
0x39f: {  	[sflag:s0] =	ssyncadd.s32 @!p0 s1  }
0x3a0: {  	[bflag:$0x3] =	sbarrier.arrive $0xFFFF  }
0x3a1: {  	_ =	shalt  }

</sc_bundles>
